<compile_context>
chip_gen: v7x
topology: tpu7x:2x2x1
jax: 0.10.2.dev20260603
libtpu: 0.0.44.dev20260713+nightly
codegen_flags: <defaults>
</compile_context>

<pallas_src>
import jax
import jax.numpy as jnp
from jax import lax
from jax.experimental import pallas as pl
from jax.experimental.pallas import tpu as pltpu
from jax.experimental.pallas import tpu_sc as plsc

N_NODES = 10000
N_EDGES = 320000
D = 128

NC = 2
NS = 16
NW = NC * NS

NPT = 320
N_PAD = NW * NPT
C = 16000
NCHUNK = N_EDGES // C
G = 128
NEG_INF = float("-inf")


def _sc_body(
    values_hbm, idx_hbm, out_hbm, acc, dst_buf, hit_pack, gid_buf, rows, sem, sem_dst
):
    cid = lax.axis_index("c")
    sid = lax.axis_index("s")
    wid = sid * NC + cid
    lo = wid * NPT

    lanes = lax.iota(jnp.int32, 16)

    def init_body(i, carry):
        for k in range(D // 16):
            acc[i, pl.ds(k * 16, 16)] = jnp.full((16,), NEG_INF, jnp.float32)
        return carry

    lax.fori_loop(0, NPT + 1, init_body, jnp.int32(0))

    pltpu.async_copy(idx_hbm.at[pl.ds(0, C)], dst_buf.at[0], sem_dst)

    def chunk_body(c, carry):
        cb = c & 1
        base = c * C
        pltpu.make_async_copy(
            idx_hbm.at[pl.ds(0, C)], dst_buf.at[0], sem_dst
        ).wait()

        @pl.when(c + 1 < NCHUNK)
        def _():
            pltpu.async_copy(
                idx_hbm.at[pl.ds(base + C, C)], dst_buf.at[(c + 1) & 1], sem_dst
            )

        def filt(q, w):
            jb = q * 64
            packs, cnts = [], []
            for u in range(4):
                d = dst_buf[cb, pl.ds(jb + u * 16, 16)]
                dl = d - lo
                m = (dl >= 0) & (dl < NPT)
                key = jnp.where(m, jnp.int32(0), jnp.int32(1))
                gid = (base + jb + u * 16) + lanes
                pack = (gid << 9) | dl
                _, sp = plsc.sort_key_val(key, pack)
                packs.append(sp)
                cnts.append(plsc.all_reduce_population_count(m))
            c = cnts[0]
            for u in range(1, 4):
                c = jnp.where(lanes == u, cnts[u], c)
            hit_pack[pl.ds(w, 16)] = packs[0]
            w = w + c[0]
            hit_pack[pl.ds(w, 16)] = packs[1]
            w = w + c[1]
            hit_pack[pl.ds(w, 16)] = packs[2]
            w = w + c[2]
            hit_pack[pl.ds(w, 16)] = packs[3]
            return w + c[3]

        w = lax.fori_loop(0, C // 64, filt, jnp.int32(0))

        wpad = ((w + (G - 1)) // G) * G
        trash = jnp.full((16,), NPT, jnp.int32)
        for k in range(G // 16):
            hit_pack[pl.ds(w + k * 16, 16)] = trash

        ngroups = wpad // G

        def unpack_fire(g):
            b = g & 1
            gbase = g * G
            for t in range(G // 16):
                pk = hit_pack[pl.ds(gbase + t * 16, 16)]
                gid_buf[b, pl.ds(t * 16, 16)] = pk >> 9
            pltpu.async_copy(values_hbm.at[gid_buf.at[b]], rows.at[b], sem)

        @pl.when(ngroups > 0)
        def _():
            unpack_fire(jnp.int32(0))

        def group_body(g, carry2):
            b = g & 1
            gbase = g * G
            pltpu.make_async_copy(
                values_hbm.at[gid_buf.at[0]], rows.at[0], sem
            ).wait()

            @pl.when(g + 1 < ngroups)
            def _():
                unpack_fire(g + 1)

            def edge_body(t, carry3):
                pk = hit_pack[pl.ds(gbase + t * 16, 16)]
                dlv = pk & 511
                rbase = t * 16
                for e in range(16):
                    dl = dlv[e]
                    avs = [acc[dl, pl.ds(k * 16, 16)] for k in range(D // 16)]
                    rvs = [
                        rows[b, rbase + e, pl.ds(k * 16, 16)]
                        for k in range(D // 16)
                    ]
                    for k in range(D // 16):
                        acc[dl, pl.ds(k * 16, 16)] = jnp.maximum(avs[k], rvs[k])
                return carry3

            lax.fori_loop(0, G // 16, edge_body, jnp.int32(0))
            return carry2

        lax.fori_loop(0, ngroups, group_body, jnp.int32(0))
        return carry

    lax.fori_loop(0, NCHUNK, chunk_body, jnp.int32(0))

    def fin_body(i, carry):
        for k in range(D // 16):
            v = acc[i, pl.ds(k * 16, 16)]
            acc[i, pl.ds(k * 16, 16)] = jnp.where(v == NEG_INF, jnp.float32(0), v)
        return carry

    lax.fori_loop(0, NPT, fin_body, jnp.int32(0))

    pltpu.sync_copy(acc.at[pl.ds(0, NPT)], out_hbm.at[pl.ds(lo, NPT)])


def _make_agg():
    mesh = plsc.VectorSubcoreMesh(core_axis_name="c", subcore_axis_name="s")
    return pl.kernel(
        _sc_body,
        out_type=jax.ShapeDtypeStruct((N_PAD, D), jnp.float32),
        mesh=mesh,
        compiler_params=pltpu.CompilerParams(needs_layout_passes=False),
        scratch_types=[
            pltpu.VMEM((NPT + 1, D), jnp.float32),
            pltpu.VMEM((2, C), jnp.int32),
            pltpu.VMEM((C + G,), jnp.int32),
            pltpu.VMEM((2, G), jnp.int32),
            pltpu.VMEM((2, G, D), jnp.float32),
            pltpu.SemaphoreType.DMA,
            pltpu.SemaphoreType.DMA,
        ],
    )


_agg = _make_agg()


def kernel(source_node_representation_with_coefficient, edge_index):
    idx = edge_index[1]
    out = _agg(source_node_representation_with_coefficient, idx)
    return out[:N_NODES]

# --- scband reference (transcript-rebuilt; emitter-appended) ---
"""Pipeline reference for scband-aggregation-6081673691381 (READ-ONLY COPY).

The authoritative reference and input builder live on the scoring server;
editing this copy changes nothing except your own understanding.
"""

import jax, jax.numpy as jnp
import numpy as np

N_NODES = 10000
N_EDGES = 320000
D_FEAT = 128


def setup_inputs(seed: int = 0) -> dict:
    key = jax.random.key(seed)
    k1, k2 = jax.random.split(key)
    source_node_representation_with_coefficient = jax.random.normal(
        k1, (N_EDGES, D_FEAT), dtype=jnp.float32
    )
    edge_index = jax.random.randint(k2, (2, N_EDGES), 0, N_NODES, dtype=jnp.int32)
    return {
        "source_node_representation_with_coefficient": source_node_representation_with_coefficient,
        "edge_index": edge_index,
    }


def reference(source_node_representation_with_coefficient, edge_index):
    # scatter_max over dim 0 keyed by edge target (edge_index[1]).
    idx = edge_index[1]
    out = jax.ops.segment_max(
        source_node_representation_with_coefficient, idx, num_segments=N_NODES
    )
    # torch_scatter.scatter_max leaves empty segments at 0; segment_max gives -inf.
    out = jnp.where(jnp.isneginf(out), 0.0, out)
    return out

if __name__ == "__main__":
    import jax
    _d = setup_inputs()
    print(jax.jit(kernel)(*tuple(_d.values())))

</pallas_src>

<mosaic_0001>
#map = affine_map<(d0, d1) -> (0, 0)>
#map1 = affine_map<(d0, d1) -> (0)>
module attributes {stable_mosaic.version = 14 : i64} {
  func.func @_sc_body(%arg0: i32, %arg1: i32, %arg2: memref<320000x128xf32, #tpu.memory_space<hbm>>, %arg3: memref<320000xi32, #tpu.memory_space<hbm>>, %arg4: memref<10240x128xf32, #tpu.memory_space<hbm>>, %arg5: memref<321x128xf32, #tpu.memory_space<vmem>>, %arg6: memref<2x16000xi32, #tpu.memory_space<vmem>>, %arg7: memref<16128xi32, #tpu.memory_space<vmem>>, %arg8: memref<2x128xi32, #tpu.memory_space<vmem>>, %arg9: memref<2x128x128xf32, #tpu.memory_space<vmem>>, %arg10: memref<!tpu.dma_semaphore, #tpu.memory_space<semaphore_mem>>, %arg11: memref<!tpu.dma_semaphore, #tpu.memory_space<semaphore_mem>>) attributes {dimension_semantics = [#tpu.dimension_semantics<core_parallel>, #tpu.dimension_semantics<subcore_parallel>], iteration_bounds = array<i64: 2, 16>, scalar_prefetch = 0 : i64, scratch_operands = 7 : i64, tpu.core_type = #tpu.core_type<sc_vector_subcore>, window_params = [{transform_indices = #map}, {transform_indices = #map1}, {transform_indices = #map}]} {
    %mul3A = arith.constant 2 : i32
    %mul3A_0 = arith.muli %arg1, %mul3A : i32
    %add3A = arith.addi %mul3A_0, %arg0 : i32
    %mul3A_1 = arith.constant 320 : i32
    %mul3A_2 = arith.muli %add3A, %mul3A_1 : i32
    %iota3A = tpu.iota {dimensions = array<i32: 0>} : vector<16xi32>
    %scan3A = arith.constant 0 : i32
    %scan3A_3 = arith.constant 0 : i32
    %scan3A_4 = arith.constant 321 : i32
    %scan3A_5 = arith.addi %scan3A_3, %scan3A_4 : i32
    %scan3A_6 = arith.constant 1 : i32
    scf.for %scan3A_30 = %scan3A_3 to %scan3A_5 step %scan3A_6  : i32 {
      %broadcast_in_dim3A = arith.constant 0xFF800000 : f32
      %broadcast_in_dim3A_31 = vector.broadcast %broadcast_in_dim3A : f32 to vector<16xf32>
      %swap3A = arith.index_cast %scan3A_30 : i32 to index
      %swap3A_32 = arith.constant 0 : index
      %swap3A_33 = tpu.vector_load %arg5[%swap3A, %swap3A_32] {strides = array<i32>} : memref<321x128xf32, #tpu.memory_space<vmem>>, vector<16xf32>,
      tpu.vector_store %arg5[%swap3A, %swap3A_32], %broadcast_in_dim3A_31 {strides = array<i32>} : memref<321x128xf32, #tpu.memory_space<vmem>>, vector<16xf32>,
      %broadcast_in_dim3A_34 = arith.constant 0xFF800000 : f32
      %broadcast_in_dim3A_35 = vector.broadcast %broadcast_in_dim3A_34 : f32 to vector<16xf32>
      %swap3A_36 = arith.index_cast %scan3A_30 : i32 to index
      %swap3A_37 = arith.constant 16 : index
      %swap3A_38 = tpu.vector_load %arg5[%swap3A_36, %swap3A_37] {strides = array<i32>} : memref<321x128xf32, #tpu.memory_space<vmem>>, vector<16xf32>,
      tpu.vector_store %arg5[%swap3A_36, %swap3A_37], %broadcast_in_dim3A_35 {strides = array<i32>} : memref<321x128xf32, #tpu.memory_space<vmem>>, vector<16xf32>,
      %broadcast_in_dim3A_39 = arith.constant 0xFF800000 : f32
      %broadcast_in_dim3A_40 = vector.broadcast %broadcast_in_dim3A_39 : f32 to vector<16xf32>
      %swap3A_41 = arith.index_cast %scan3A_30 : i32 to index
      %swap3A_42 = arith.constant 32 : index
      %swap3A_43 = tpu.vector_load %arg5[%swap3A_41, %swap3A_42] {strides = array<i32>} : memref<321x128xf32, #tpu.memory_space<vmem>>, vector<16xf32>,
      tpu.vector_store %arg5[%swap3A_41, %swap3A_42], %broadcast_in_dim3A_40 {strides = array<i32>} : memref<321x128xf32, #tpu.memory_space<vmem>>, vector<16xf32>,
      %broadcast_in_dim3A_44 = arith.constant 0xFF800000 : f32
      %broadcast_in_dim3A_45 = vector.broadcast %broadcast_in_dim3A_44 : f32 to vector<16xf32>
      %swap3A_46 = arith.index_cast %scan3A_30 : i32 to index
      %swap3A_47 = arith.constant 48 : index
      %swap3A_48 = tpu.vector_load %arg5[%swap3A_46, %swap3A_47] {strides = array<i32>} : memref<321x128xf32, #tpu.memory_space<vmem>>, vector<16xf32>,
      tpu.vector_store %arg5[%swap3A_46, %swap3A_47], %broadcast_in_dim3A_45 {strides = array<i32>} : memref<321x128xf32, #tpu.memory_space<vmem>>, vector<16xf32>,
      %broadcast_in_dim3A_49 = arith.constant 0xFF800000 : f32
      %broadcast_in_dim3A_50 = vector.broadcast %broadcast_in_dim3A_49 : f32 to vector<16xf32>
      %swap3A_51 = arith.index_cast %scan3A_30 : i32 to index
      %swap3A_52 = arith.constant 64 : index
      %swap3A_53 = tpu.vector_load %arg5[%swap3A_51, %swap3A_52] {strides = array<i32>} : memref<321x128xf32, #tpu.memory_space<vmem>>, vector<16xf32>,
      tpu.vector_store %arg5[%swap3A_51, %swap3A_52], %broadcast_in_dim3A_50 {strides = array<i32>} : memref<321x128xf32, #tpu.memory_space<vmem>>, vector<16xf32>,
      %broadcast_in_dim3A_54 = arith.constant 0xFF800000 : f32
      %broadcast_in_dim3A_55 = vector.broadcast %broadcast_in_dim3A_54 : f32 to vector<16xf32>
      %swap3A_56 = arith.index_cast %scan3A_30 : i32 to index
      %swap3A_57 = arith.constant 80 : index
      %swap3A_58 = tpu.vector_load %arg5[%swap3A_56, %swap3A_57] {strides = array<i32>} : memref<321x128xf32, #tpu.memory_space<vmem>>, vector<16xf32>,
      tpu.vector_store %arg5[%swap3A_56, %swap3A_57], %broadcast_in_dim3A_55 {strides = array<i32>} : memref<321x128xf32, #tpu.memory_space<vmem>>, vector<16xf32>,
      %broadcast_in_dim3A_59 = arith.constant 0xFF800000 : f32
      %broadcast_in_dim3A_60 = vector.broadcast %broadcast_in_dim3A_59 : f32 to vector<16xf32>
      %swap3A_61 = arith.index_cast %scan3A_30 : i32 to index
      %swap3A_62 = arith.constant 96 : index
      %swap3A_63 = tpu.vector_load %arg5[%swap3A_61, %swap3A_62] {strides = array<i32>} : memref<321x128xf32, #tpu.memory_space<vmem>>, vector<16xf32>,
      tpu.vector_store %arg5[%swap3A_61, %swap3A_62], %broadcast_in_dim3A_60 {strides = array<i32>} : memref<321x128xf32, #tpu.memory_space<vmem>>, vector<16xf32>,
      %broadcast_in_dim3A_64 = arith.constant 0xFF800000 : f32
      %broadcast_in_dim3A_65 = vector.broadcast %broadcast_in_dim3A_64 : f32 to vector<16xf32>
      %swap3A_66 = arith.index_cast %scan3A_30 : i32 to index
      %swap3A_67 = arith.constant 112 : index
      %swap3A_68 = tpu.vector_load %arg5[%swap3A_66, %swap3A_67] {strides = array<i32>} : memref<321x128xf32, #tpu.memory_space<vmem>>, vector<16xf32>,
      tpu.vector_store %arg5[%swap3A_66, %swap3A_67], %broadcast_in_dim3A_65 {strides = array<i32>} : memref<321x128xf32, #tpu.memory_space<vmem>>, vector<16xf32>,
    }
    %scan3A_7 = arith.constant 321 : i32
    %dma_start3A = arith.constant 0 : i32
    %dma_start3A_8 = arith.constant 0 : i32
    %dma_start3A_9 = tpu.memref_slice %arg6[%dma_start3A, %dma_start3A_8] : memref<2x16000xi32, #tpu.memory_space<vmem>> -> memref<1x16000xi32, #tpu.memory_space<vmem>>
    %dma_start3A_10 = tpu.memref_squeeze %dma_start3A_9 : memref<1x16000xi32, #tpu.memory_space<vmem>> -> memref<16000xi32, #tpu.memory_space<vmem>>
    %dma_start3A_11 = arith.constant 0 : i32
    %dma_start3A_12 = tpu.memref_slice %arg3[%dma_start3A_11] : memref<320000xi32, #tpu.memory_space<hbm>> -> memref<16000xi32, #tpu.memory_space<hbm>>
    %dma_start3A_13 = arith.constant 0 : i32
    %dma_start3A_14 = tpu.memref_slice %arg6[%dma_start3A, %dma_start3A_13] : memref<2x16000xi32, #tpu.memory_space<vmem>> -> memref<1x16000xi32, #tpu.memory_space<vmem>>
    %dma_start3A_15 = tpu.memref_squeeze %dma_start3A_14 : memref<1x16000xi32, #tpu.memory_space<vmem>> -> memref<16000xi32, #tpu.memory_space<vmem>>
    %dma_start3A_16 = arith.constant 0 : i32
    %dma_start3A_17 = tpu.memref_slice %arg3[%dma_start3A_16] : memref<320000xi32, #tpu.memory_space<hbm>> -> memref<16000xi32, #tpu.memory_space<hbm>>
    tpu.enqueue_dma source(%dma_start3A_17 : memref<16000xi32, #tpu.memory_space<hbm>>) target(%dma_start3A_15 : memref<16000xi32, #tpu.memory_space<vmem>>) target_semaphore(%arg11 : memref<!tpu.dma_semaphore, #tpu.memory_space<semaphore_mem>>)
    %scan3A_18 = arith.constant 0 : i32
    %scan3A_19 = arith.constant 0 : i32
    %scan3A_20 = arith.constant 20 : i32
    %scan3A_21 = arith.addi %scan3A_19, %scan3A_20 : i32
    %scan3A_22 = arith.constant 1 : i32
    scf.for %scan3A_30 = %scan3A_19 to %scan3A_21 step %scan3A_22  : i32 {
      %and3A = arith.constant 1 : i32
      %and3A_31 = arith.andi %scan3A_30, %and3A : i32
      %mul3A_32 = arith.constant 16000 : i32
      %mul3A_33 = arith.muli %scan3A_30, %mul3A_32 : i32
      %dma_wait3A = arith.constant 0 : i32
      %dma_wait3A_34 = arith.constant 0 : i32
      %dma_wait3A_35 = tpu.memref_slice %arg6[%dma_wait3A, %dma_wait3A_34] : memref<2x16000xi32, #tpu.memory_space<vmem>> -> memref<1x16000xi32, #tpu.memory_space<vmem>>
      %dma_wait3A_36 = tpu.memref_squeeze %dma_wait3A_35 : memref<1x16000xi32, #tpu.memory_space<vmem>> -> memref<16000xi32, #tpu.memory_space<vmem>>
      %dma_wait3A_37 = arith.constant 0 : i32
      %dma_wait3A_38 = tpu.memref_slice %arg3[%dma_wait3A_37] : memref<320000xi32, #tpu.memory_space<hbm>> -> memref<16000xi32, #tpu.memory_space<hbm>>
      %dma_wait3A_39 = arith.constant 0 : i32
      %dma_wait3A_40 = tpu.memref_slice %arg6[%dma_wait3A, %dma_wait3A_39] : memref<2x16000xi32, #tpu.memory_space<vmem>> -> memref<1x16000xi32, #tpu.memory_space<vmem>>
      %dma_wait3A_41 = tpu.memref_squeeze %dma_wait3A_40 : memref<1x16000xi32, #tpu.memory_space<vmem>> -> memref<16000xi32, #tpu.memory_space<vmem>>
      %dma_wait3A_42 = arith.constant 0 : i32
      %dma_wait3A_43 = tpu.memref_slice %arg3[%dma_wait3A_42] : memref<320000xi32, #tpu.memory_space<hbm>> -> memref<16000xi32, #tpu.memory_space<hbm>>
      tpu.wait_dma2 semaphore(%arg11 : memref<!tpu.dma_semaphore, #tpu.memory_space<semaphore_mem>>) src(%dma_wait3A_43 : memref<16000xi32, #tpu.memory_space<hbm>>) dst(%dma_wait3A_41 : memref<16000xi32, #tpu.memory_space<vmem>>)
      %add3A_44 = arith.constant 1 : i32
      %add3A_45 = arith.addi %scan3A_30, %add3A_44 : i32
      %lt3A = arith.constant 20 : i32
      %lt3A_46 = arith.cmpi slt, %add3A_45, %lt3A : i32
      %convert_element_type3A = arith.extui %lt3A_46 : i1 to i32
      %cond3A = arith.constant 0 : i32
      %cond3A_47 = arith.cmpi ne, %convert_element_type3A, %cond3A : i32
      scf.if %cond3A_47 {
        %add3A_145 = arith.constant 16000 : i32
        %add3A_146 = arith.addi %mul3A_33, %add3A_145 : i32
        %add3A_147 = arith.constant 1 : i32
        %add3A_148 = arith.addi %scan3A_30, %add3A_147 : i32
        %and3A_149 = arith.constant 1 : i32
        %and3A_150 = arith.andi %add3A_148, %and3A_149 : i32
        %dma_start3A_151 = arith.constant 0 : i32
        %dma_start3A_152 = tpu.memref_slice %arg6[%and3A_150, %dma_start3A_151] : memref<2x16000xi32, #tpu.memory_space<vmem>> -> memref<1x16000xi32, #tpu.memory_space<vmem>>
        %dma_start3A_153 = tpu.memref_squeeze %dma_start3A_152 : memref<1x16000xi32, #tpu.memory_space<vmem>> -> memref<16000xi32, #tpu.memory_space<vmem>>
        %dma_start3A_154 = tpu.memref_slice %arg3[%add3A_146] : memref<320000xi32, #tpu.memory_space<hbm>> -> memref<16000xi32, #tpu.memory_space<hbm>>
        %dma_start3A_155 = arith.constant 0 : i32
        %dma_start3A_156 = tpu.memref_slice %arg6[%and3A_150, %dma_start3A_155] : memref<2x16000xi32, #tpu.memory_space<vmem>> -> memref<1x16000xi32, #tpu.memory_space<vmem>>
        %dma_start3A_157 = tpu.memref_squeeze %dma_start3A_156 : memref<1x16000xi32, #tpu.memory_space<vmem>> -> memref<16000xi32, #tpu.memory_space<vmem>>
        %dma_start3A_158 = tpu.memref_slice %arg3[%add3A_146] : memref<320000xi32, #tpu.memory_space<hbm>> -> memref<16000xi32, #tpu.memory_space<hbm>>
        tpu.enqueue_dma source(%dma_start3A_158 : memref<16000xi32, #tpu.memory_space<hbm>>) target(%dma_start3A_157 : memref<16000xi32, #tpu.memory_space<vmem>>) target_semaphore(%arg11 : memref<!tpu.dma_semaphore, #tpu.memory_space<semaphore_mem>>)
      } else {
      }
      %scan3A_48 = arith.constant 0 : i32
      %scan3A_49 = arith.constant 0 : i32
      %scan3A_50 = arith.constant 250 : i32
      %scan3A_51 = arith.addi %scan3A_49, %scan3A_50 : i32
      %scan3A_52 = arith.constant 1 : i32
      %scan3A_53 = scf.for %scan3A_145 = %scan3A_49 to %scan3A_51 step %scan3A_52 iter_args(%scan3A_146 = %scan3A_48) -> (i32)  : i32 {
        %mul3A_147 = arith.constant 64 : i32
        %mul3A_148 = arith.muli %scan3A_145, %mul3A_147 : i32
        %add3A_149 = arith.constant 0 : i32
        %add3A_150 = arith.addi %mul3A_148, %add3A_149 : i32
        %get3A = arith.index_cast %and3A_31 : i32 to index
        %get3A_151 = arith.index_cast %add3A_150 : i32 to index
        %get3A_152 = tpu.vector_load %arg6[%get3A, %get3A_151] {strides = array<i32>} : memref<2x16000xi32, #tpu.memory_space<vmem>>, vector<16xi32>,
        %sub3A_153 = vector.broadcast %mul3A_2 : i32 to vector<16xi32>
        %sub3A_154 = arith.subi %get3A_152, %sub3A_153 : vector<16xi32>
        %ge3A = arith.constant 0 : i32
        %ge3A_155 = vector.broadcast %ge3A : i32 to vector<16xi32>
        %ge3A_156 = arith.cmpi sge, %sub3A_154, %ge3A_155 : vector<16xi32>
        %lt3A_157 = arith.constant 320 : i32
        %lt3A_158 = vector.broadcast %lt3A_157 : i32 to vector<16xi32>
        %lt3A_159 = arith.cmpi slt, %sub3A_154, %lt3A_158 : vector<16xi32>
        %and3A_160 = arith.andi %ge3A_156, %lt3A_159 : vector<16xi1>
        %jit3A_161 = arith.constant 0 : i32
        %jit3A_162 = arith.constant 1 : i32
        %broadcast_in_dim3A_163 = vector.broadcast %jit3A_161 : i32 to vector<16xi32>
        %broadcast_in_dim3A_164 = vector.broadcast %jit3A_162 : i32 to vector<16xi32>
        %select_n3A_165 = arith.select %and3A_160, %broadcast_in_dim3A_163, %broadcast_in_dim3A_164 : vector<16xi1>, vector<16xi32>
        %add3A_166 = arith.addi %mul3A_33, %mul3A_148 : i32
        %add3A_167 = arith.constant 0 : i32
        %add3A_168 = arith.addi %add3A_166, %add3A_167 : i32
        %add3A_169 = vector.broadcast %add3A_168 : i32 to vector<16xi32>
        %add3A_170 = arith.addi %add3A_169, %iota3A : vector<16xi32>
        %shift_left3A = arith.constant 9 : i32
        %shift_left3A_171 = vector.broadcast %shift_left3A : i32 to vector<16xi32>
        %shift_left3A_172 = arith.shli %add3A_170, %shift_left3A_171 : vector<16xi32>
        %or3A = arith.ori %shift_left3A_172, %sub3A_154 : vector<16xi32>
        %masked_sort3A = arith.constant dense<true> : vector<16xi1>
        %masked_sort3A_173 = arith.constant -2147483648 : i32
        %masked_sort3A_174 = vector.broadcast %masked_sort3A_173 : i32 to vector<16xi32>
        %masked_sort3A_175 = arith.xori %select_n3A_165, %masked_sort3A_174 : vector<16xi32>
        %masked_sort3A_176, %masked_sort3A_177, %masked_sort3A_178 = tpu.sort %masked_sort3A_175, %or3A masked %masked_sort3A : (vector<16xi32>, vector<16xi32>, vector<16xi1>) -> (vector<16xi1>, vector<16xi32>, vector<16xi32>)
        %masked_sort3A_179 = arith.xori %masked_sort3A_177, %masked_sort3A_174 : vector<16xi32>
        %all_reduce_population_count3A = tpu.all_reduce %and3A_160 {dim = 0 : i64, kind = #tpu.reduction_kind<sum>} : vector<16xi1> -> vector<16xi32>
        %add3A_180 = arith.constant 16 : i32
        %add3A_181 = arith.addi %mul3A_148, %add3A_180 : i32
        %get3A_182 = arith.index_cast %and3A_31 : i32 to index
        %get3A_183 = arith.index_cast %add3A_181 : i32 to index
        %get3A_184 = tpu.vector_load %arg6[%get3A_182, %get3A_183] {strides = array<i32>} : memref<2x16000xi32, #tpu.memory_space<vmem>>, vector<16xi32>,
        %sub3A_185 = vector.broadcast %mul3A_2 : i32 to vector<16xi32>
        %sub3A_186 = arith.subi %get3A_184, %sub3A_185 : vector<16xi32>
        %ge3A_187 = arith.constant 0 : i32
        %ge3A_188 = vector.broadcast %ge3A_187 : i32 to vector<16xi32>
        %ge3A_189 = arith.cmpi sge, %sub3A_186, %ge3A_188 : vector<16xi32>
        %lt3A_190 = arith.constant 320 : i32
        %lt3A_191 = vector.broadcast %lt3A_190 : i32 to vector<16xi32>
        %lt3A_192 = arith.cmpi slt, %sub3A_186, %lt3A_191 : vector<16xi32>
        %and3A_193 = arith.andi %ge3A_189, %lt3A_192 : vector<16xi1>
        %jit3A_194 = arith.constant 0 : i32
        %jit3A_195 = arith.constant 1 : i32
        %broadcast_in_dim3A_196 = vector.broadcast %jit3A_194 : i32 to vector<16xi32>
        %broadcast_in_dim3A_197 = vector.broadcast %jit3A_195 : i32 to vector<16xi32>
        %select_n3A_198 = arith.select %and3A_193, %broadcast_in_dim3A_196, %broadcast_in_dim3A_197 : vector<16xi1>, vector<16xi32>
        %add3A_199 = arith.addi %mul3A_33, %mul3A_148 : i32
        %add3A_200 = arith.constant 16 : i32
        %add3A_201 = arith.addi %add3A_199, %add3A_200 : i32
        %add3A_202 = vector.broadcast %add3A_201 : i32 to vector<16xi32>
        %add3A_203 = arith.addi %add3A_202, %iota3A : vector<16xi32>
        %shift_left3A_204 = arith.constant 9 : i32
        %shift_left3A_205 = vector.broadcast %shift_left3A_204 : i32 to vector<16xi32>
        %shift_left3A_206 = arith.shli %add3A_203, %shift_left3A_205 : vector<16xi32>
        %or3A_207 = arith.ori %shift_left3A_206, %sub3A_186 : vector<16xi32>
        %masked_sort3A_208 = arith.constant dense<true> : vector<16xi1>
        %masked_sort3A_209 = arith.constant -2147483648 : i32
        %masked_sort3A_210 = vector.broadcast %masked_sort3A_209 : i32 to vector<16xi32>
        %masked_sort3A_211 = arith.xori %select_n3A_198, %masked_sort3A_210 : vector<16xi32>
        %masked_sort3A_212, %masked_sort3A_213, %masked_sort3A_214 = tpu.sort %masked_sort3A_211, %or3A_207 masked %masked_sort3A_208 : (vector<16xi32>, vector<16xi32>, vector<16xi1>) -> (vector<16xi1>, vector<16xi32>, vector<16xi32>)
        %masked_sort3A_215 = arith.xori %masked_sort3A_213, %masked_sort3A_210 : vector<16xi32>
        %all_reduce_population_count3A_216 = tpu.all_reduce %and3A_193 {dim = 0 : i64, kind = #tpu.reduction_kind<sum>} : vector<16xi1> -> vector<16xi32>
        %add3A_217 = arith.constant 32 : i32
        %add3A_218 = arith.addi %mul3A_148, %add3A_217 : i32
        %get3A_219 = arith.index_cast %and3A_31 : i32 to index
        %get3A_220 = arith.index_cast %add3A_218 : i32 to index
        %get3A_221 = tpu.vector_load %arg6[%get3A_219, %get3A_220] {strides = array<i32>} : memref<2x16000xi32, #tpu.memory_space<vmem>>, vector<16xi32>,
        %sub3A_222 = vector.broadcast %mul3A_2 : i32 to vector<16xi32>
        %sub3A_223 = arith.subi %get3A_221, %sub3A_222 : vector<16xi32>
        %ge3A_224 = arith.constant 0 : i32
        %ge3A_225 = vector.broadcast %ge3A_224 : i32 to vector<16xi32>
        %ge3A_226 = arith.cmpi sge, %sub3A_223, %ge3A_225 : vector<16xi32>
        %lt3A_227 = arith.constant 320 : i32
        %lt3A_228 = vector.broadcast %lt3A_227 : i32 to vector<16xi32>
        %lt3A_229 = arith.cmpi slt, %sub3A_223, %lt3A_228 : vector<16xi32>
        %and3A_230 = arith.andi %ge3A_226, %lt3A_229 : vector<16xi1>
        %jit3A_231 = arith.constant 0 : i32
        %jit3A_232 = arith.constant 1 : i32
        %broadcast_in_dim3A_233 = vector.broadcast %jit3A_231 : i32 to vector<16xi32>
        %broadcast_in_dim3A_234 = vector.broadcast %jit3A_232 : i32 to vector<16xi32>
        %select_n3A_235 = arith.select %and3A_230, %broadcast_in_dim3A_233, %broadcast_in_dim3A_234 : vector<16xi1>, vector<16xi32>
        %add3A_236 = arith.addi %mul3A_33, %mul3A_148 : i32
        %add3A_237 = arith.constant 32 : i32
        %add3A_238 = arith.addi %add3A_236, %add3A_237 : i32
        %add3A_239 = vector.broadcast %add3A_238 : i32 to vector<16xi32>
        %add3A_240 = arith.addi %add3A_239, %iota3A : vector<16xi32>
        %shift_left3A_241 = arith.constant 9 : i32
        %shift_left3A_242 = vector.broadcast %shift_left3A_241 : i32 to vector<16xi32>
        %shift_left3A_243 = arith.shli %add3A_240, %shift_left3A_242 : vector<16xi32>
        %or3A_244 = arith.ori %shift_left3A_243, %sub3A_223 : vector<16xi32>
        %masked_sort3A_245 = arith.constant dense<true> : vector<16xi1>
        %masked_sort3A_246 = arith.constant -2147483648 : i32
        %masked_sort3A_247 = vector.broadcast %masked_sort3A_246 : i32 to vector<16xi32>
        %masked_sort3A_248 = arith.xori %select_n3A_235, %masked_sort3A_247 : vector<16xi32>
        %masked_sort3A_249, %masked_sort3A_250, %masked_sort3A_251 = tpu.sort %masked_sort3A_248, %or3A_244 masked %masked_sort3A_245 : (vector<16xi32>, vector<16xi32>, vector<16xi1>) -> (vector<16xi1>, vector<16xi32>, vector<16xi32>)
        %masked_sort3A_252 = arith.xori %masked_sort3A_250, %masked_sort3A_247 : vector<16xi32>
        %all_reduce_population_count3A_253 = tpu.all_reduce %and3A_230 {dim = 0 : i64, kind = #tpu.reduction_kind<sum>} : vector<16xi1> -> vector<16xi32>
        %add3A_254 = arith.constant 48 : i32
        %add3A_255 = arith.addi %mul3A_148, %add3A_254 : i32
        %get3A_256 = arith.index_cast %and3A_31 : i32 to index
        %get3A_257 = arith.index_cast %add3A_255 : i32 to index
        %get3A_258 = tpu.vector_load %arg6[%get3A_256, %get3A_257] {strides = array<i32>} : memref<2x16000xi32, #tpu.memory_space<vmem>>, vector<16xi32>,
        %sub3A_259 = vector.broadcast %mul3A_2 : i32 to vector<16xi32>
        %sub3A_260 = arith.subi %get3A_258, %sub3A_259 : vector<16xi32>
        %ge3A_261 = arith.constant 0 : i32
        %ge3A_262 = vector.broadcast %ge3A_261 : i32 to vector<16xi32>
        %ge3A_263 = arith.cmpi sge, %sub3A_260, %ge3A_262 : vector<16xi32>
        %lt3A_264 = arith.constant 320 : i32
        %lt3A_265 = vector.broadcast %lt3A_264 : i32 to vector<16xi32>
        %lt3A_266 = arith.cmpi slt, %sub3A_260, %lt3A_265 : vector<16xi32>
        %and3A_267 = arith.andi %ge3A_263, %lt3A_266 : vector<16xi1>
        %jit3A_268 = arith.constant 0 : i32
        %jit3A_269 = arith.constant 1 : i32
        %broadcast_in_dim3A_270 = vector.broadcast %jit3A_268 : i32 to vector<16xi32>
        %broadcast_in_dim3A_271 = vector.broadcast %jit3A_269 : i32 to vector<16xi32>
        %select_n3A_272 = arith.select %and3A_267, %broadcast_in_dim3A_270, %broadcast_in_dim3A_271 : vector<16xi1>, vector<16xi32>
        %add3A_273 = arith.addi %mul3A_33, %mul3A_148 : i32
        %add3A_274 = arith.constant 48 : i32
        %add3A_275 = arith.addi %add3A_273, %add3A_274 : i32
        %add3A_276 = vector.broadcast %add3A_275 : i32 to vector<16xi32>
        %add3A_277 = arith.addi %add3A_276, %iota3A : vector<16xi32>
        %shift_left3A_278 = arith.constant 9 : i32
        %shift_left3A_279 = vector.broadcast %shift_left3A_278 : i32 to vector<16xi32>
        %shift_left3A_280 = arith.shli %add3A_277, %shift_left3A_279 : vector<16xi32>
        %or3A_281 = arith.ori %shift_left3A_280, %sub3A_260 : vector<16xi32>
        %masked_sort3A_282 = arith.constant dense<true> : vector<16xi1>
        %masked_sort3A_283 = arith.constant -2147483648 : i32
        %masked_sort3A_284 = vector.broadcast %masked_sort3A_283 : i32 to vector<16xi32>
        %masked_sort3A_285 = arith.xori %select_n3A_272, %masked_sort3A_284 : vector<16xi32>
        %masked_sort3A_286, %masked_sort3A_287, %masked_sort3A_288 = tpu.sort %masked_sort3A_285, %or3A_281 masked %masked_sort3A_282 : (vector<16xi32>, vector<16xi32>, vector<16xi1>) -> (vector<16xi1>, vector<16xi32>, vector<16xi32>)
        %masked_sort3A_289 = arith.xori %masked_sort3A_287, %masked_sort3A_284 : vector<16xi32>
        %all_reduce_population_count3A_290 = tpu.all_reduce %and3A_267 {dim = 0 : i64, kind = #tpu.reduction_kind<sum>} : vector<16xi1> -> vector<16xi32>
        %eq3A = arith.constant 1 : i32
        %eq3A_291 = vector.broadcast %eq3A : i32 to vector<16xi32>
        %eq3A_292 = arith.cmpi eq, %iota3A, %eq3A_291 : vector<16xi32>
        %select_n3A_293 = arith.select %eq3A_292, %all_reduce_population_count3A_216, %all_reduce_population_count3A : vector<16xi1>, vector<16xi32>
        %eq3A_294 = arith.constant 2 : i32
        %eq3A_295 = vector.broadcast %eq3A_294 : i32 to vector<16xi32>
        %eq3A_296 = arith.cmpi eq, %iota3A, %eq3A_295 : vector<16xi32>
        %select_n3A_297 = arith.select %eq3A_296, %all_reduce_population_count3A_253, %select_n3A_293 : vector<16xi1>, vector<16xi32>
        %eq3A_298 = arith.constant 3 : i32
        %eq3A_299 = vector.broadcast %eq3A_298 : i32 to vector<16xi32>
        %eq3A_300 = arith.cmpi eq, %iota3A, %eq3A_299 : vector<16xi32>
        %select_n3A_301 = arith.select %eq3A_300, %all_reduce_population_count3A_290, %select_n3A_297 : vector<16xi1>, vector<16xi32>
        %swap3A_302 = arith.index_cast %scan3A_146 : i32 to index
        %swap3A_303 = tpu.vector_load %arg7[%swap3A_302] {strides = array<i32>} : memref<16128xi32, #tpu.memory_space<vmem>>, vector<16xi32>,
        tpu.vector_store %arg7[%swap3A_302], %masked_sort3A_178 {strides = array<i32>} : memref<16128xi32, #tpu.memory_space<vmem>>, vector<16xi32>,
        %slice3A = vector.extract_strided_slice %select_n3A_301 {offsets = [0], sizes = [1], strides = [1]} : vector<16xi32> to vector<1xi32>
        %squeeze3A = vector.extract %slice3A[0] : i32 from vector<1xi32>
        %add3A_304 = arith.addi %scan3A_146, %squeeze3A : i32
        %swap3A_305 = arith.index_cast %add3A_304 : i32 to index
        %swap3A_306 = tpu.vector_load %arg7[%swap3A_305] {strides = array<i32>} : memref<16128xi32, #tpu.memory_space<vmem>>, vector<16xi32>,
        tpu.vector_store %arg7[%swap3A_305], %masked_sort3A_214 {strides = array<i32>} : memref<16128xi32, #tpu.memory_space<vmem>>, vector<16xi32>,
        %slice3A_307 = vector.extract_strided_slice %select_n3A_301 {offsets = [1], sizes = [1], strides = [1]} : vector<16xi32> to vector<1xi32>
        %squeeze3A_308 = vector.extract %slice3A_307[0] : i32 from vector<1xi32>
        %add3A_309 = arith.addi %add3A_304, %squeeze3A_308 : i32
        %swap3A_310 = arith.index_cast %add3A_309 : i32 to index
        %swap3A_311 = tpu.vector_load %arg7[%swap3A_310] {strides = array<i32>} : memref<16128xi32, #tpu.memory_space<vmem>>, vector<16xi32>,
        tpu.vector_store %arg7[%swap3A_310], %masked_sort3A_251 {strides = array<i32>} : memref<16128xi32, #tpu.memory_space<vmem>>, vector<16xi32>,
        %slice3A_312 = vector.extract_strided_slice %select_n3A_301 {offsets = [2], sizes = [1], strides = [1]} : vector<16xi32> to vector<1xi32>
        %squeeze3A_313 = vector.extract %slice3A_312[0] : i32 from vector<1xi32>
        %add3A_314 = arith.addi %add3A_309, %squeeze3A_313 : i32
        %swap3A_315 = arith.index_cast %add3A_314 : i32 to index
        %swap3A_316 = tpu.vector_load %arg7[%swap3A_315] {strides = array<i32>} : memref<16128xi32, #tpu.memory_space<vmem>>, vector<16xi32>,
        tpu.vector_store %arg7[%swap3A_315], %masked_sort3A_288 {strides = array<i32>} : memref<16128xi32, #tpu.memory_space<vmem>>, vector<16xi32>,
        %slice3A_317 = vector.extract_strided_slice %select_n3A_301 {offsets = [3], sizes = [1], strides = [1]} : vector<16xi32> to vector<1xi32>
        %squeeze3A_318 = vector.extract %slice3A_317[0] : i32 from vector<1xi32>
        %add3A_319 = arith.addi %add3A_314, %squeeze3A_318 : i32
        scf.yield %add3A_319 : i32
      }
      %scan3A_54 = arith.constant 250 : i32
      %add3A_55 = arith.constant 127 : i32
      %add3A_56 = arith.addi %scan3A_53, %add3A_55 : i32
      %jit3A = arith.constant 128 : i32
      %div3A = arith.divsi %add3A_56, %jit3A : i32
      %sign3A = arith.constant 0 : i32
      %sign3A_57 = arith.cmpi sgt, %add3A_56, %sign3A : i32
      %sign3A_58 = arith.extui %sign3A_57 : i1 to i32
      %sign3A_59 = arith.constant 0 : i32
      %sign3A_60 = arith.cmpi slt, %add3A_56, %sign3A_59 : i32
      %sign3A_61 = arith.extui %sign3A_60 : i1 to i32
      %sign3A_62 = arith.subi %sign3A_58, %sign3A_61 : i32
      %sign3A_63 = arith.constant 0 : i32
      %sign3A_64 = arith.cmpi sgt, %jit3A, %sign3A_63 : i32
      %sign3A_65 = arith.extui %sign3A_64 : i1 to i32
      %sign3A_66 = arith.constant 0 : i32
      %sign3A_67 = arith.cmpi slt, %jit3A, %sign3A_66 : i32
      %sign3A_68 = arith.extui %sign3A_67 : i1 to i32
      %sign3A_69 = arith.subi %sign3A_65, %sign3A_68 : i32
      %ne3A = arith.cmpi ne, %sign3A_62, %sign3A_69 : i32
      %rem3A = arith.remsi %add3A_56, %jit3A : i32
      %ne3A_70 = arith.constant 0 : i32
      %ne3A_71 = arith.cmpi ne, %rem3A, %ne3A_70 : i32
      %and3A_72 = arith.andi %ne3A, %ne3A_71 : i1
      %sub3A = arith.constant 1 : i32
      %sub3A_73 = arith.subi %div3A, %sub3A : i32
      %select_n3A = arith.select %and3A_72, %sub3A_73, %div3A : i32
      %mul3A_74 = arith.constant 128 : i32
      %mul3A_75 = arith.muli %select_n3A, %mul3A_74 : i32
      %broadcast_in_dim3A = arith.constant 320 : i32
      %broadcast_in_dim3A_76 = vector.broadcast %broadcast_in_dim3A : i32 to vector<16xi32>
      %add3A_77 = arith.constant 0 : i32
      %add3A_78 = arith.addi %scan3A_53, %add3A_77 : i32
      %swap3A = arith.index_cast %add3A_78 : i32 to index
      %swap3A_79 = tpu.vector_load %arg7[%swap3A] {strides = array<i32>} : memref<16128xi32, #tpu.memory_space<vmem>>, vector<16xi32>,
      tpu.vector_store %arg7[%swap3A], %broadcast_in_dim3A_76 {strides = array<i32>} : memref<16128xi32, #tpu.memory_space<vmem>>, vector<16xi32>,
      %add3A_80 = arith.constant 16 : i32
      %add3A_81 = arith.addi %scan3A_53, %add3A_80 : i32
      %swap3A_82 = arith.index_cast %add3A_81 : i32 to index
      %swap3A_83 = tpu.vector_load %arg7[%swap3A_82] {strides = array<i32>} : memref<16128xi32, #tpu.memory_space<vmem>>, vector<16xi32>,
      tpu.vector_store %arg7[%swap3A_82], %broadcast_in_dim3A_76 {strides = array<i32>} : memref<16128xi32, #tpu.memory_space<vmem>>, vector<16xi32>,
      %add3A_84 = arith.constant 32 : i32
      %add3A_85 = arith.addi %scan3A_53, %add3A_84 : i32
      %swap3A_86 = arith.index_cast %add3A_85 : i32 to index
      %swap3A_87 = tpu.vector_load %arg7[%swap3A_86] {strides = array<i32>} : memref<16128xi32, #tpu.memory_space<vmem>>, vector<16xi32>,
      tpu.vector_store %arg7[%swap3A_86], %broadcast_in_dim3A_76 {strides = array<i32>} : memref<16128xi32, #tpu.memory_space<vmem>>, vector<16xi32>,
      %add3A_88 = arith.constant 48 : i32
      %add3A_89 = arith.addi %scan3A_53, %add3A_88 : i32
      %swap3A_90 = arith.index_cast %add3A_89 : i32 to index
      %swap3A_91 = tpu.vector_load %arg7[%swap3A_90] {strides = array<i32>} : memref<16128xi32, #tpu.memory_space<vmem>>, vector<16xi32>,
      tpu.vector_store %arg7[%swap3A_90], %broadcast_in_dim3A_76 {strides = array<i32>} : memref<16128xi32, #tpu.memory_space<vmem>>, vector<16xi32>,
      %add3A_92 = arith.constant 64 : i32
      %add3A_93 = arith.addi %scan3A_53, %add3A_92 : i32
      %swap3A_94 = arith.index_cast %add3A_93 : i32 to index
      %swap3A_95 = tpu.vector_load %arg7[%swap3A_94] {strides = array<i32>} : memref<16128xi32, #tpu.memory_space<vmem>>, vector<16xi32>,
      tpu.vector_store %arg7[%swap3A_94], %broadcast_in_dim3A_76 {strides = array<i32>} : memref<16128xi32, #tpu.memory_space<vmem>>, vector<16xi32>,
      %add3A_96 = arith.constant 80 : i32
      %add3A_97 = arith.addi %scan3A_53, %add3A_96 : i32
      %swap3A_98 = arith.index_cast %add3A_97 : i32 to index
      %swap3A_99 = tpu.vector_load %arg7[%swap3A_98] {strides = array<i32>} : memref<16128xi32, #tpu.memory_space<vmem>>, vector<16xi32>,
      tpu.vector_store %arg7[%swap3A_98], %broadcast_in_dim3A_76 {strides = array<i32>} : memref<16128xi32, #tpu.memory_space<vmem>>, vector<16xi32>,
      %add3A_100 = arith.constant 96 : i32
      %add3A_101 = arith.addi %scan3A_53, %add3A_100 : i32
      %swap3A_102 = arith.index_cast %add3A_101 : i32 to index
      %swap3A_103 = tpu.vector_load %arg7[%swap3A_102] {strides = array<i32>} : memref<16128xi32, #tpu.memory_space<vmem>>, vector<16xi32>,
      tpu.vector_store %arg7[%swap3A_102], %broadcast_in_dim3A_76 {strides = array<i32>} : memref<16128xi32, #tpu.memory_space<vmem>>, vector<16xi32>,
      %add3A_104 = arith.constant 112 : i32
      %add3A_105 = arith.addi %scan3A_53, %add3A_104 : i32
      %swap3A_106 = arith.index_cast %add3A_105 : i32 to index
      %swap3A_107 = tpu.vector_load %arg7[%swap3A_106] {strides = array<i32>} : memref<16128xi32, #tpu.memory_space<vmem>>, vector<16xi32>,
      tpu.vector_store %arg7[%swap3A_106], %broadcast_in_dim3A_76 {strides = array<i32>} : memref<16128xi32, #tpu.memory_space<vmem>>, vector<16xi32>,
      %jit3A_108 = arith.constant 128 : i32
      %div3A_109 = arith.divsi %mul3A_75, %jit3A_108 : i32
      %sign3A_110 = arith.constant 0 : i32
      %sign3A_111 = arith.cmpi sgt, %mul3A_75, %sign3A_110 : i32
      %sign3A_112 = arith.extui %sign3A_111 : i1 to i32
      %sign3A_113 = arith.constant 0 : i32
      %sign3A_114 = arith.cmpi slt, %mul3A_75, %sign3A_113 : i32
      %sign3A_115 = arith.extui %sign3A_114 : i1 to i32
      %sign3A_116 = arith.subi %sign3A_112, %sign3A_115 : i32
      %sign3A_117 = arith.constant 0 : i32
      %sign3A_118 = arith.cmpi sgt, %jit3A_108, %sign3A_117 : i32
      %sign3A_119 = arith.extui %sign3A_118 : i1 to i32
      %sign3A_120 = arith.constant 0 : i32
      %sign3A_121 = arith.cmpi slt, %jit3A_108, %sign3A_120 : i32
      %sign3A_122 = arith.extui %sign3A_121 : i1 to i32
      %sign3A_123 = arith.subi %sign3A_119, %sign3A_122 : i32
      %ne3A_124 = arith.cmpi ne, %sign3A_116, %sign3A_123 : i32
      %rem3A_125 = arith.remsi %mul3A_75, %jit3A_108 : i32
      %ne3A_126 = arith.constant 0 : i32
      %ne3A_127 = arith.cmpi ne, %rem3A_125, %ne3A_126 : i32
      %and3A_128 = arith.andi %ne3A_124, %ne3A_127 : i1
      %sub3A_129 = arith.constant 1 : i32
      %sub3A_130 = arith.subi %div3A_109, %sub3A_129 : i32
      %select_n3A_131 = arith.select %and3A_128, %sub3A_130, %div3A_109 : i32
      %gt3A = arith.constant 0 : i32
      %gt3A_132 = arith.cmpi sgt, %select_n3A_131, %gt3A : i32
      %convert_element_type3A_133 = arith.extui %gt3A_132 : i1 to i32
      %cond3A_134 = arith.constant 0 : i32
      %cond3A_135 = arith.cmpi ne, %convert_element_type3A_133, %cond3A_134 : i32
      scf.if %cond3A_135 {
        %and3A_145 = arith.constant 0 : i32
        %and3A_146 = arith.constant 1 : i32
        %and3A_147 = arith.andi %and3A_145, %and3A_146 : i32
        %mul3A_148 = arith.constant 0 : i32
        %mul3A_149 = arith.constant 128 : i32
        %mul3A_150 = arith.muli %mul3A_148, %mul3A_149 : i32
        %add3A_151 = arith.constant 0 : i32
        %add3A_152 = arith.addi %mul3A_150, %add3A_151 : i32
        %get3A = arith.index_cast %add3A_152 : i32 to index
        %get3A_153 = tpu.vector_load %arg7[%get3A] {strides = array<i32>} : memref<16128xi32, #tpu.memory_space<vmem>>, vector<16xi32>,
        %shift_right_arithmetic3A = arith.constant 9 : i32
        %shift_right_arithmetic3A_154 = vector.broadcast %shift_right_arithmetic3A : i32 to vector<16xi32>
        %shift_right_arithmetic3A_155 = arith.shrsi %get3A_153, %shift_right_arithmetic3A_154 : vector<16xi32>
        %swap3A_156 = arith.index_cast %and3A_147 : i32 to index
        %swap3A_157 = arith.constant 0 : index
        %swap3A_158 = tpu.vector_load %arg8[%swap3A_156, %swap3A_157] {strides = array<i32>} : memref<2x128xi32, #tpu.memory_space<vmem>>, vector<16xi32>,
        tpu.vector_store %arg8[%swap3A_156, %swap3A_157], %shift_right_arithmetic3A_155 {strides = array<i32>} : memref<2x128xi32, #tpu.memory_space<vmem>>, vector<16xi32>,
        %add3A_159 = arith.constant 16 : i32
        %add3A_160 = arith.addi %mul3A_150, %add3A_159 : i32
        %get3A_161 = arith.index_cast %add3A_160 : i32 to index
        %get3A_162 = tpu.vector_load %arg7[%get3A_161] {strides = array<i32>} : memref<16128xi32, #tpu.memory_space<vmem>>, vector<16xi32>,
        %shift_right_arithmetic3A_163 = arith.constant 9 : i32
        %shift_right_arithmetic3A_164 = vector.broadcast %shift_right_arithmetic3A_163 : i32 to vector<16xi32>
        %shift_right_arithmetic3A_165 = arith.shrsi %get3A_162, %shift_right_arithmetic3A_164 : vector<16xi32>
        %swap3A_166 = arith.index_cast %and3A_147 : i32 to index
        %swap3A_167 = arith.constant 16 : index
        %swap3A_168 = tpu.vector_load %arg8[%swap3A_166, %swap3A_167] {strides = array<i32>} : memref<2x128xi32, #tpu.memory_space<vmem>>, vector<16xi32>,
        tpu.vector_store %arg8[%swap3A_166, %swap3A_167], %shift_right_arithmetic3A_165 {strides = array<i32>} : memref<2x128xi32, #tpu.memory_space<vmem>>, vector<16xi32>,
        %add3A_169 = arith.constant 32 : i32
        %add3A_170 = arith.addi %mul3A_150, %add3A_169 : i32
        %get3A_171 = arith.index_cast %add3A_170 : i32 to index
        %get3A_172 = tpu.vector_load %arg7[%get3A_171] {strides = array<i32>} : memref<16128xi32, #tpu.memory_space<vmem>>, vector<16xi32>,
        %shift_right_arithmetic3A_173 = arith.constant 9 : i32
        %shift_right_arithmetic3A_174 = vector.broadcast %shift_right_arithmetic3A_173 : i32 to vector<16xi32>
        %shift_right_arithmetic3A_175 = arith.shrsi %get3A_172, %shift_right_arithmetic3A_174 : vector<16xi32>
        %swap3A_176 = arith.index_cast %and3A_147 : i32 to index
        %swap3A_177 = arith.constant 32 : index
        %swap3A_178 = tpu.vector_load %arg8[%swap3A_176, %swap3A_177] {strides = array<i32>} : memref<2x128xi32, #tpu.memory_space<vmem>>, vector<16xi32>,
        tpu.vector_store %arg8[%swap3A_176, %swap3A_177], %shift_right_arithmetic3A_175 {strides = array<i32>} : memref<2x128xi32, #tpu.memory_space<vmem>>, vector<16xi32>,
        %add3A_179 = arith.constant 48 : i32
        %add3A_180 = arith.addi %mul3A_150, %add3A_179 : i32
        %get3A_181 = arith.index_cast %add3A_180 : i32 to index
        %get3A_182 = tpu.vector_load %arg7[%get3A_181] {strides = array<i32>} : memref<16128xi32, #tpu.memory_space<vmem>>, vector<16xi32>,
        %shift_right_arithmetic3A_183 = arith.constant 9 : i32
        %shift_right_arithmetic3A_184 = vector.broadcast %shift_right_arithmetic3A_183 : i32 to vector<16xi32>
        %shift_right_arithmetic3A_185 = arith.shrsi %get3A_182, %shift_right_arithmetic3A_184 : vector<16xi32>
        %swap3A_186 = arith.index_cast %and3A_147 : i32 to index
        %swap3A_187 = arith.constant 48 : index
        %swap3A_188 = tpu.vector_load %arg8[%swap3A_186, %swap3A_187] {strides = array<i32>} : memref<2x128xi32, #tpu.memory_space<vmem>>, vector<16xi32>,
        tpu.vector_store %arg8[%swap3A_186, %swap3A_187], %shift_right_arithmetic3A_185 {strides = array<i32>} : memref<2x128xi32, #tpu.memory_space<vmem>>, vector<16xi32>,
        %add3A_189 = arith.constant 64 : i32
        %add3A_190 = arith.addi %mul3A_150, %add3A_189 : i32
        %get3A_191 = arith.index_cast %add3A_190 : i32 to index
        %get3A_192 = tpu.vector_load %arg7[%get3A_191] {strides = array<i32>} : memref<16128xi32, #tpu.memory_space<vmem>>, vector<16xi32>,
        %shift_right_arithmetic3A_193 = arith.constant 9 : i32
        %shift_right_arithmetic3A_194 = vector.broadcast %shift_right_arithmetic3A_193 : i32 to vector<16xi32>
        %shift_right_arithmetic3A_195 = arith.shrsi %get3A_192, %shift_right_arithmetic3A_194 : vector<16xi32>
        %swap3A_196 = arith.index_cast %and3A_147 : i32 to index
        %swap3A_197 = arith.constant 64 : index
        %swap3A_198 = tpu.vector_load %arg8[%swap3A_196, %swap3A_197] {strides = array<i32>} : memref<2x128xi32, #tpu.memory_space<vmem>>, vector<16xi32>,
        tpu.vector_store %arg8[%swap3A_196, %swap3A_197], %shift_right_arithmetic3A_195 {strides = array<i32>} : memref<2x128xi32, #tpu.memory_space<vmem>>, vector<16xi32>,
        %add3A_199 = arith.constant 80 : i32
        %add3A_200 = arith.addi %mul3A_150, %add3A_199 : i32
        %get3A_201 = arith.index_cast %add3A_200 : i32 to index
        %get3A_202 = tpu.vector_load %arg7[%get3A_201] {strides = array<i32>} : memref<16128xi32, #tpu.memory_space<vmem>>, vector<16xi32>,
        %shift_right_arithmetic3A_203 = arith.constant 9 : i32
        %shift_right_arithmetic3A_204 = vector.broadcast %shift_right_arithmetic3A_203 : i32 to vector<16xi32>
        %shift_right_arithmetic3A_205 = arith.shrsi %get3A_202, %shift_right_arithmetic3A_204 : vector<16xi32>
        %swap3A_206 = arith.index_cast %and3A_147 : i32 to index
        %swap3A_207 = arith.constant 80 : index
        %swap3A_208 = tpu.vector_load %arg8[%swap3A_206, %swap3A_207] {strides = array<i32>} : memref<2x128xi32, #tpu.memory_space<vmem>>, vector<16xi32>,
        tpu.vector_store %arg8[%swap3A_206, %swap3A_207], %shift_right_arithmetic3A_205 {strides = array<i32>} : memref<2x128xi32, #tpu.memory_space<vmem>>, vector<16xi32>,
        %add3A_209 = arith.constant 96 : i32
        %add3A_210 = arith.addi %mul3A_150, %add3A_209 : i32
        %get3A_211 = arith.index_cast %add3A_210 : i32 to index
        %get3A_212 = tpu.vector_load %arg7[%get3A_211] {strides = array<i32>} : memref<16128xi32, #tpu.memory_space<vmem>>, vector<16xi32>,
        %shift_right_arithmetic3A_213 = arith.constant 9 : i32
        %shift_right_arithmetic3A_214 = vector.broadcast %shift_right_arithmetic3A_213 : i32 to vector<16xi32>
        %shift_right_arithmetic3A_215 = arith.shrsi %get3A_212, %shift_right_arithmetic3A_214 : vector<16xi32>
        %swap3A_216 = arith.index_cast %and3A_147 : i32 to index
        %swap3A_217 = arith.constant 96 : index
        %swap3A_218 = tpu.vector_load %arg8[%swap3A_216, %swap3A_217] {strides = array<i32>} : memref<2x128xi32, #tpu.memory_space<vmem>>, vector<16xi32>,
        tpu.vector_store %arg8[%swap3A_216, %swap3A_217], %shift_right_arithmetic3A_215 {strides = array<i32>} : memref<2x128xi32, #tpu.memory_space<vmem>>, vector<16xi32>,
        %add3A_219 = arith.constant 112 : i32
        %add3A_220 = arith.addi %mul3A_150, %add3A_219 : i32
        %get3A_221 = arith.index_cast %add3A_220 : i32 to index
        %get3A_222 = tpu.vector_load %arg7[%get3A_221] {strides = array<i32>} : memref<16128xi32, #tpu.memory_space<vmem>>, vector<16xi32>,
        %shift_right_arithmetic3A_223 = arith.constant 9 : i32
        %shift_right_arithmetic3A_224 = vector.broadcast %shift_right_arithmetic3A_223 : i32 to vector<16xi32>
        %shift_right_arithmetic3A_225 = arith.shrsi %get3A_222, %shift_right_arithmetic3A_224 : vector<16xi32>
        %swap3A_226 = arith.index_cast %and3A_147 : i32 to index
        %swap3A_227 = arith.constant 112 : index
        %swap3A_228 = tpu.vector_load %arg8[%swap3A_226, %swap3A_227] {strides = array<i32>} : memref<2x128xi32, #tpu.memory_space<vmem>>, vector<16xi32>,
        tpu.vector_store %arg8[%swap3A_226, %swap3A_227], %shift_right_arithmetic3A_225 {strides = array<i32>} : memref<2x128xi32, #tpu.memory_space<vmem>>, vector<16xi32>,
        %dma_start3A_229 = arith.constant 0 : i32
        %dma_start3A_230 = arith.constant 0 : i32
        %dma_start3A_231 = tpu.memref_slice %arg9[%and3A_147, %dma_start3A_229, %dma_start3A_230] : memref<2x128x128xf32, #tpu.memory_space<vmem>> -> memref<1x128x128xf32, #tpu.memory_space<vmem>>
        %dma_start3A_232 = tpu.memref_squeeze %dma_start3A_231 : memref<1x128x128xf32, #tpu.memory_space<vmem>> -> memref<128x128xf32, #tpu.memory_space<vmem>>
        %dma_start3A_233 = arith.constant 0 : i32
        %dma_start3A_234 = tpu.memref_slice %arg8[%and3A_147, %dma_start3A_233] : memref<2x128xi32, #tpu.memory_space<vmem>> -> memref<1x128xi32, #tpu.memory_space<vmem>>
        %dma_start3A_235 = tpu.memref_squeeze %dma_start3A_234 : memref<1x128xi32, #tpu.memory_space<vmem>> -> memref<128xi32, #tpu.memory_space<vmem>>
        %dma_start3A_236 = arith.constant 0 : i32
        %dma_start3A_237 = arith.constant 0 : i32
        %dma_start3A_238 = tpu.memref_slice %arg2[%dma_start3A_236, %dma_start3A_237] : memref<320000x128xf32, #tpu.memory_space<hbm>> -> memref<320000x128xf32, #tpu.memory_space<hbm>>
        tpu.enqueue_indirect_dma source(%dma_start3A_238 : memref<320000x128xf32, #tpu.memory_space<hbm>>) target(%dma_start3A_232 : memref<128x128xf32, #tpu.memory_space<vmem>>) offsets(%dma_start3A_235 : memref<128xi32, #tpu.memory_space<vmem>>) semaphore(%arg10 : memref<!tpu.dma_semaphore, #tpu.memory_space<semaphore_mem>>)
      } else {
      }
      %while3A = arith.constant 0 : i32
      %while3A_136 = arith.constant 0 : i32
      %while3A_137 = arith.subi %select_n3A_131, %while3A_136 : i32
      %while3A_138 = arith.addi %while3A_136, %while3A_137 : i32
      %while3A_139 = arith.constant 1 : i32
      %while3A_140 = arith.divsi %while3A_137, %while3A_139 : i32
      %while3A_141 = arith.muli %while3A_140, %while3A_139 : i32
      %while3A_142 = arith.addi %while3A_136, %while3A_141 : i32
      %while3A_143 = arith.constant 1 : i32
      scf.for %while3A_145 = %while3A_136 to %while3A_142 step %while3A_143  : i32 {
        %and3A_146 = arith.constant 1 : i32
        %and3A_147 = arith.andi %while3A_145, %and3A_146 : i32
        %mul3A_148 = arith.constant 128 : i32
        %mul3A_149 = arith.muli %while3A_145, %mul3A_148 : i32
        %dma_wait3A_150 = arith.constant 0 : i32
        %dma_wait3A_151 = arith.constant 0 : i32
        %dma_wait3A_152 = arith.constant 0 : i32
        %dma_wait3A_153 = arith.constant 0 : i32
        %dma_wait3A_154 = tpu.memref_slice %arg9[%dma_wait3A_151, %dma_wait3A_152, %dma_wait3A_153] : memref<2x128x128xf32, #tpu.memory_space<vmem>> -> memref<1x128x128xf32, #tpu.memory_space<vmem>>
        %dma_wait3A_155 = tpu.memref_squeeze %dma_wait3A_154 : memref<1x128x128xf32, #tpu.memory_space<vmem>> -> memref<128x128xf32, #tpu.memory_space<vmem>>
        %dma_wait3A_156 = arith.constant 0 : i32
        %dma_wait3A_157 = tpu.memref_slice %arg8[%dma_wait3A_150, %dma_wait3A_156] : memref<2x128xi32, #tpu.memory_space<vmem>> -> memref<1x128xi32, #tpu.memory_space<vmem>>
        %dma_wait3A_158 = tpu.memref_squeeze %dma_wait3A_157 : memref<1x128xi32, #tpu.memory_space<vmem>> -> memref<128xi32, #tpu.memory_space<vmem>>
        %dma_wait3A_159 = arith.constant 0 : i32
        %dma_wait3A_160 = arith.constant 0 : i32
        %dma_wait3A_161 = tpu.memref_slice %arg2[%dma_wait3A_159, %dma_wait3A_160] : memref<320000x128xf32, #tpu.memory_space<hbm>> -> memref<320000x128xf32, #tpu.memory_space<hbm>>
        tpu.wait_indirect_dma semaphore(%arg10 : memref<!tpu.dma_semaphore, #tpu.memory_space<semaphore_mem>>) src(%dma_wait3A_161 : memref<320000x128xf32, #tpu.memory_space<hbm>>) dst(%dma_wait3A_155 : memref<128x128xf32, #tpu.memory_space<vmem>>)
        %add3A_162 = arith.constant 1 : i32
        %add3A_163 = arith.addi %while3A_145, %add3A_162 : i32
        %lt3A_164 = arith.cmpi slt, %add3A_163, %select_n3A_131 : i32
        %convert_element_type3A_165 = arith.extui %lt3A_164 : i1 to i32
        %cond3A_166 = arith.constant 0 : i32
        %cond3A_167 = arith.cmpi ne, %convert_element_type3A_165, %cond3A_166 : i32
        scf.if %cond3A_167 {
          %add3A_174 = arith.constant 1 : i32
          %add3A_175 = arith.addi %while3A_145, %add3A_174 : i32
          %and3A_176 = arith.constant 1 : i32
          %and3A_177 = arith.andi %add3A_175, %and3A_176 : i32
          %mul3A_178 = arith.constant 128 : i32
          %mul3A_179 = arith.muli %add3A_175, %mul3A_178 : i32
          %add3A_180 = arith.constant 0 : i32
          %add3A_181 = arith.addi %mul3A_179, %add3A_180 : i32
          %get3A = arith.index_cast %add3A_181 : i32 to index
          %get3A_182 = tpu.vector_load %arg7[%get3A] {strides = array<i32>} : memref<16128xi32, #tpu.memory_space<vmem>>, vector<16xi32>,
          %shift_right_arithmetic3A = arith.constant 9 : i32
          %shift_right_arithmetic3A_183 = vector.broadcast %shift_right_arithmetic3A : i32 to vector<16xi32>
          %shift_right_arithmetic3A_184 = arith.shrsi %get3A_182, %shift_right_arithmetic3A_183 : vector<16xi32>
          %swap3A_185 = arith.index_cast %and3A_177 : i32 to index
          %swap3A_186 = arith.constant 0 : index
          %swap3A_187 = tpu.vector_load %arg8[%swap3A_185, %swap3A_186] {strides = array<i32>} : memref<2x128xi32, #tpu.memory_space<vmem>>, vector<16xi32>,
          tpu.vector_store %arg8[%swap3A_185, %swap3A_186], %shift_right_arithmetic3A_184 {strides = array<i32>} : memref<2x128xi32, #tpu.memory_space<vmem>>, vector<16xi32>,
          %add3A_188 = arith.constant 16 : i32
          %add3A_189 = arith.addi %mul3A_179, %add3A_188 : i32
          %get3A_190 = arith.index_cast %add3A_189 : i32 to index
          %get3A_191 = tpu.vector_load %arg7[%get3A_190] {strides = array<i32>} : memref<16128xi32, #tpu.memory_space<vmem>>, vector<16xi32>,
          %shift_right_arithmetic3A_192 = arith.constant 9 : i32
          %shift_right_arithmetic3A_193 = vector.broadcast %shift_right_arithmetic3A_192 : i32 to vector<16xi32>
          %shift_right_arithmetic3A_194 = arith.shrsi %get3A_191, %shift_right_arithmetic3A_193 : vector<16xi32>
          %swap3A_195 = arith.index_cast %and3A_177 : i32 to index
          %swap3A_196 = arith.constant 16 : index
          %swap3A_197 = tpu.vector_load %arg8[%swap3A_195, %swap3A_196] {strides = array<i32>} : memref<2x128xi32, #tpu.memory_space<vmem>>, vector<16xi32>,
          tpu.vector_store %arg8[%swap3A_195, %swap3A_196], %shift_right_arithmetic3A_194 {strides = array<i32>} : memref<2x128xi32, #tpu.memory_space<vmem>>, vector<16xi32>,
          %add3A_198 = arith.constant 32 : i32
          %add3A_199 = arith.addi %mul3A_179, %add3A_198 : i32
          %get3A_200 = arith.index_cast %add3A_199 : i32 to index
          %get3A_201 = tpu.vector_load %arg7[%get3A_200] {strides = array<i32>} : memref<16128xi32, #tpu.memory_space<vmem>>, vector<16xi32>,
          %shift_right_arithmetic3A_202 = arith.constant 9 : i32
          %shift_right_arithmetic3A_203 = vector.broadcast %shift_right_arithmetic3A_202 : i32 to vector<16xi32>
          %shift_right_arithmetic3A_204 = arith.shrsi %get3A_201, %shift_right_arithmetic3A_203 : vector<16xi32>
          %swap3A_205 = arith.index_cast %and3A_177 : i32 to index
          %swap3A_206 = arith.constant 32 : index
          %swap3A_207 = tpu.vector_load %arg8[%swap3A_205, %swap3A_206] {strides = array<i32>} : memref<2x128xi32, #tpu.memory_space<vmem>>, vector<16xi32>,
          tpu.vector_store %arg8[%swap3A_205, %swap3A_206], %shift_right_arithmetic3A_204 {strides = array<i32>} : memref<2x128xi32, #tpu.memory_space<vmem>>, vector<16xi32>,
          %add3A_208 = arith.constant 48 : i32
          %add3A_209 = arith.addi %mul3A_179, %add3A_208 : i32
          %get3A_210 = arith.index_cast %add3A_209 : i32 to index
          %get3A_211 = tpu.vector_load %arg7[%get3A_210] {strides = array<i32>} : memref<16128xi32, #tpu.memory_space<vmem>>, vector<16xi32>,
          %shift_right_arithmetic3A_212 = arith.constant 9 : i32
          %shift_right_arithmetic3A_213 = vector.broadcast %shift_right_arithmetic3A_212 : i32 to vector<16xi32>
          %shift_right_arithmetic3A_214 = arith.shrsi %get3A_211, %shift_right_arithmetic3A_213 : vector<16xi32>
          %swap3A_215 = arith.index_cast %and3A_177 : i32 to index
          %swap3A_216 = arith.constant 48 : index
          %swap3A_217 = tpu.vector_load %arg8[%swap3A_215, %swap3A_216] {strides = array<i32>} : memref<2x128xi32, #tpu.memory_space<vmem>>, vector<16xi32>,
          tpu.vector_store %arg8[%swap3A_215, %swap3A_216], %shift_right_arithmetic3A_214 {strides = array<i32>} : memref<2x128xi32, #tpu.memory_space<vmem>>, vector<16xi32>,
          %add3A_218 = arith.constant 64 : i32
          %add3A_219 = arith.addi %mul3A_179, %add3A_218 : i32
          %get3A_220 = arith.index_cast %add3A_219 : i32 to index
          %get3A_221 = tpu.vector_load %arg7[%get3A_220] {strides = array<i32>} : memref<16128xi32, #tpu.memory_space<vmem>>, vector<16xi32>,
          %shift_right_arithmetic3A_222 = arith.constant 9 : i32
          %shift_right_arithmetic3A_223 = vector.broadcast %shift_right_arithmetic3A_222 : i32 to vector<16xi32>
          %shift_right_arithmetic3A_224 = arith.shrsi %get3A_221, %shift_right_arithmetic3A_223 : vector<16xi32>
          %swap3A_225 = arith.index_cast %and3A_177 : i32 to index
          %swap3A_226 = arith.constant 64 : index
          %swap3A_227 = tpu.vector_load %arg8[%swap3A_225, %swap3A_226] {strides = array<i32>} : memref<2x128xi32, #tpu.memory_space<vmem>>, vector<16xi32>,
          tpu.vector_store %arg8[%swap3A_225, %swap3A_226], %shift_right_arithmetic3A_224 {strides = array<i32>} : memref<2x128xi32, #tpu.memory_space<vmem>>, vector<16xi32>,
          %add3A_228 = arith.constant 80 : i32
          %add3A_229 = arith.addi %mul3A_179, %add3A_228 : i32
          %get3A_230 = arith.index_cast %add3A_229 : i32 to index
          %get3A_231 = tpu.vector_load %arg7[%get3A_230] {strides = array<i32>} : memref<16128xi32, #tpu.memory_space<vmem>>, vector<16xi32>,
          %shift_right_arithmetic3A_232 = arith.constant 9 : i32
          %shift_right_arithmetic3A_233 = vector.broadcast %shift_right_arithmetic3A_232 : i32 to vector<16xi32>
          %shift_right_arithmetic3A_234 = arith.shrsi %get3A_231, %shift_right_arithmetic3A_233 : vector<16xi32>
          %swap3A_235 = arith.index_cast %and3A_177 : i32 to index
          %swap3A_236 = arith.constant 80 : index
          %swap3A_237 = tpu.vector_load %arg8[%swap3A_235, %swap3A_236] {strides = array<i32>} : memref<2x128xi32, #tpu.memory_space<vmem>>, vector<16xi32>,
          tpu.vector_store %arg8[%swap3A_235, %swap3A_236], %shift_right_arithmetic3A_234 {strides = array<i32>} : memref<2x128xi32, #tpu.memory_space<vmem>>, vector<16xi32>,
          %add3A_238 = arith.constant 96 : i32
          %add3A_239 = arith.addi %mul3A_179, %add3A_238 : i32
          %get3A_240 = arith.index_cast %add3A_239 : i32 to index
          %get3A_241 = tpu.vector_load %arg7[%get3A_240] {strides = array<i32>} : memref<16128xi32, #tpu.memory_space<vmem>>, vector<16xi32>,
          %shift_right_arithmetic3A_242 = arith.constant 9 : i32
          %shift_right_arithmetic3A_243 = vector.broadcast %shift_right_arithmetic3A_242 : i32 to vector<16xi32>
          %shift_right_arithmetic3A_244 = arith.shrsi %get3A_241, %shift_right_arithmetic3A_243 : vector<16xi32>
          %swap3A_245 = arith.index_cast %and3A_177 : i32 to index
          %swap3A_246 = arith.constant 96 : index
          %swap3A_247 = tpu.vector_load %arg8[%swap3A_245, %swap3A_246] {strides = array<i32>} : memref<2x128xi32, #tpu.memory_space<vmem>>, vector<16xi32>,
          tpu.vector_store %arg8[%swap3A_245, %swap3A_246], %shift_right_arithmetic3A_244 {strides = array<i32>} : memref<2x128xi32, #tpu.memory_space<vmem>>, vector<16xi32>,
          %add3A_248 = arith.constant 112 : i32
          %add3A_249 = arith.addi %mul3A_179, %add3A_248 : i32
          %get3A_250 = arith.index_cast %add3A_249 : i32 to index
          %get3A_251 = tpu.vector_load %arg7[%get3A_250] {strides = array<i32>} : memref<16128xi32, #tpu.memory_space<vmem>>, vector<16xi32>,
          %shift_right_arithmetic3A_252 = arith.constant 9 : i32
          %shift_right_arithmetic3A_253 = vector.broadcast %shift_right_arithmetic3A_252 : i32 to vector<16xi32>
          %shift_right_arithmetic3A_254 = arith.shrsi %get3A_251, %shift_right_arithmetic3A_253 : vector<16xi32>
          %swap3A_255 = arith.index_cast %and3A_177 : i32 to index
          %swap3A_256 = arith.constant 112 : index
          %swap3A_257 = tpu.vector_load %arg8[%swap3A_255, %swap3A_256] {strides = array<i32>} : memref<2x128xi32, #tpu.memory_space<vmem>>, vector<16xi32>,
          tpu.vector_store %arg8[%swap3A_255, %swap3A_256], %shift_right_arithmetic3A_254 {strides = array<i32>} : memref<2x128xi32, #tpu.memory_space<vmem>>, vector<16xi32>,
          %dma_start3A_258 = arith.constant 0 : i32
          %dma_start3A_259 = arith.constant 0 : i32
          %dma_start3A_260 = tpu.memref_slice %arg9[%and3A_177, %dma_start3A_258, %dma_start3A_259] : memref<2x128x128xf32, #tpu.memory_space<vmem>> -> memref<1x128x128xf32, #tpu.memory_space<vmem>>
          %dma_start3A_261 = tpu.memref_squeeze %dma_start3A_260 : memref<1x128x128xf32, #tpu.memory_space<vmem>> -> memref<128x128xf32, #tpu.memory_space<vmem>>
          %dma_start3A_262 = arith.constant 0 : i32
          %dma_start3A_263 = tpu.memref_slice %arg8[%and3A_177, %dma_start3A_262] : memref<2x128xi32, #tpu.memory_space<vmem>> -> memref<1x128xi32, #tpu.memory_space<vmem>>
          %dma_start3A_264 = tpu.memref_squeeze %dma_start3A_263 : memref<1x128xi32, #tpu.memory_space<vmem>> -> memref<128xi32, #tpu.memory_space<vmem>>
          %dma_start3A_265 = arith.constant 0 : i32
          %dma_start3A_266 = arith.constant 0 : i32
          %dma_start3A_267 = tpu.memref_slice %arg2[%dma_start3A_265, %dma_start3A_266] : memref<320000x128xf32, #tpu.memory_space<hbm>> -> memref<320000x128xf32, #tpu.memory_space<hbm>>
          tpu.enqueue_indirect_dma source(%dma_start3A_267 : memref<320000x128xf32, #tpu.memory_space<hbm>>) target(%dma_start3A_261 : memref<128x128xf32, #tpu.memory_space<vmem>>) offsets(%dma_start3A_264 : memref<128xi32, #tpu.memory_space<vmem>>) semaphore(%arg10 : memref<!tpu.dma_semaphore, #tpu.memory_space<semaphore_mem>>)
        } else {
        }
        %scan3A_168 = arith.constant 0 : i32
        %scan3A_169 = arith.constant 0 : i32
        %scan3A_170 = arith.constant 8 : i32
        %scan3A_171 = arith.addi %scan3A_169, %scan3A_170 : i32
        %scan3A_172 = arith.constant 1 : i32
        scf.for %scan3A_174 = %scan3A_169 to %scan3A_171 step %scan3A_172  : i32 {
          %mul3A_175 = arith.constant 16 : i32
          %mul3A_176 = arith.muli %scan3A_174, %mul3A_175 : i32
          %add3A_177 = arith.addi %mul3A_149, %mul3A_176 : i32
          %get3A = arith.index_cast %add3A_177 : i32 to index
          %get3A_178 = tpu.vector_load %arg7[%get3A] {strides = array<i32>} : memref<16128xi32, #tpu.memory_space<vmem>>, vector<16xi32>,
          %and3A_179 = arith.constant 511 : i32
          %and3A_180 = vector.broadcast %and3A_179 : i32 to vector<16xi32>
          %and3A_181 = arith.andi %get3A_178, %and3A_180 : vector<16xi32>
          %mul3A_182 = arith.constant 16 : i32
          %mul3A_183 = arith.muli %scan3A_174, %mul3A_182 : i32
          %slice3A = vector.extract_strided_slice %and3A_181 {offsets = [0], sizes = [1], strides = [1]} : vector<16xi32> to vector<1xi32>
          %squeeze3A = vector.extract %slice3A[0] : i32 from vector<1xi32>
          %get3A_184 = arith.index_cast %squeeze3A : i32 to index
          %get3A_185 = arith.constant 0 : index
          %get3A_186 = tpu.vector_load %arg5[%get3A_184, %get3A_185] {strides = array<i32>} : memref<321x128xf32, #tpu.memory_space<vmem>>, vector<16xf32>,
          %get3A_187 = arith.index_cast %squeeze3A : i32 to index
          %get3A_188 = arith.constant 16 : index
          %get3A_189 = tpu.vector_load %arg5[%get3A_187, %get3A_188] {strides = array<i32>} : memref<321x128xf32, #tpu.memory_space<vmem>>, vector<16xf32>,
          %get3A_190 = arith.index_cast %squeeze3A : i32 to index
          %get3A_191 = arith.constant 32 : index
          %get3A_192 = tpu.vector_load %arg5[%get3A_190, %get3A_191] {strides = array<i32>} : memref<321x128xf32, #tpu.memory_space<vmem>>, vector<16xf32>,
          %get3A_193 = arith.index_cast %squeeze3A : i32 to index
          %get3A_194 = arith.constant 48 : index
          %get3A_195 = tpu.vector_load %arg5[%get3A_193, %get3A_194] {strides = array<i32>} : memref<321x128xf32, #tpu.memory_space<vmem>>, vector<16xf32>,
          %get3A_196 = arith.index_cast %squeeze3A : i32 to index
          %get3A_197 = arith.constant 64 : index
          %get3A_198 = tpu.vector_load %arg5[%get3A_196, %get3A_197] {strides = array<i32>} : memref<321x128xf32, #tpu.memory_space<vmem>>, vector<16xf32>,
          %get3A_199 = arith.index_cast %squeeze3A : i32 to index
          %get3A_200 = arith.constant 80 : index
          %get3A_201 = tpu.vector_load %arg5[%get3A_199, %get3A_200] {strides = array<i32>} : memref<321x128xf32, #tpu.memory_space<vmem>>, vector<16xf32>,
          %get3A_202 = arith.index_cast %squeeze3A : i32 to index
          %get3A_203 = arith.constant 96 : index
          %get3A_204 = tpu.vector_load %arg5[%get3A_202, %get3A_203] {strides = array<i32>} : memref<321x128xf32, #tpu.memory_space<vmem>>, vector<16xf32>,
          %get3A_205 = arith.index_cast %squeeze3A : i32 to index
          %get3A_206 = arith.constant 112 : index
          %get3A_207 = tpu.vector_load %arg5[%get3A_205, %get3A_206] {strides = array<i32>} : memref<321x128xf32, #tpu.memory_space<vmem>>, vector<16xf32>,
          %add3A_208 = arith.constant 0 : i32
          %add3A_209 = arith.addi %mul3A_183, %add3A_208 : i32
          %get3A_210 = arith.index_cast %and3A_147 : i32 to index
          %get3A_211 = arith.index_cast %add3A_209 : i32 to index
          %get3A_212 = arith.constant 0 : index
          %get3A_213 = tpu.vector_load %arg9[%get3A_210, %get3A_211, %get3A_212] {strides = array<i32>} : memref<2x128x128xf32, #tpu.memory_space<vmem>>, vector<16xf32>,
          %add3A_214 = arith.constant 0 : i32
          %add3A_215 = arith.addi %mul3A_183, %add3A_214 : i32
          %get3A_216 = arith.index_cast %and3A_147 : i32 to index
          %get3A_217 = arith.index_cast %add3A_215 : i32 to index
          %get3A_218 = arith.constant 16 : index
          %get3A_219 = tpu.vector_load %arg9[%get3A_216, %get3A_217, %get3A_218] {strides = array<i32>} : memref<2x128x128xf32, #tpu.memory_space<vmem>>, vector<16xf32>,
          %add3A_220 = arith.constant 0 : i32
          %add3A_221 = arith.addi %mul3A_183, %add3A_220 : i32
          %get3A_222 = arith.index_cast %and3A_147 : i32 to index
          %get3A_223 = arith.index_cast %add3A_221 : i32 to index
          %get3A_224 = arith.constant 32 : index
          %get3A_225 = tpu.vector_load %arg9[%get3A_222, %get3A_223, %get3A_224] {strides = array<i32>} : memref<2x128x128xf32, #tpu.memory_space<vmem>>, vector<16xf32>,
          %add3A_226 = arith.constant 0 : i32
          %add3A_227 = arith.addi %mul3A_183, %add3A_226 : i32
          %get3A_228 = arith.index_cast %and3A_147 : i32 to index
          %get3A_229 = arith.index_cast %add3A_227 : i32 to index
          %get3A_230 = arith.constant 48 : index
          %get3A_231 = tpu.vector_load %arg9[%get3A_228, %get3A_229, %get3A_230] {strides = array<i32>} : memref<2x128x128xf32, #tpu.memory_space<vmem>>, vector<16xf32>,
          %add3A_232 = arith.constant 0 : i32
          %add3A_233 = arith.addi %mul3A_183, %add3A_232 : i32
          %get3A_234 = arith.index_cast %and3A_147 : i32 to index
          %get3A_235 = arith.index_cast %add3A_233 : i32 to index
          %get3A_236 = arith.constant 64 : index
          %get3A_237 = tpu.vector_load %arg9[%get3A_234, %get3A_235, %get3A_236] {strides = array<i32>} : memref<2x128x128xf32, #tpu.memory_space<vmem>>, vector<16xf32>,
          %add3A_238 = arith.constant 0 : i32
          %add3A_239 = arith.addi %mul3A_183, %add3A_238 : i32
          %get3A_240 = arith.index_cast %and3A_147 : i32 to index
          %get3A_241 = arith.index_cast %add3A_239 : i32 to index
          %get3A_242 = arith.constant 80 : index
          %get3A_243 = tpu.vector_load %arg9[%get3A_240, %get3A_241, %get3A_242] {strides = array<i32>} : memref<2x128x128xf32, #tpu.memory_space<vmem>>, vector<16xf32>,
          %add3A_244 = arith.constant 0 : i32
          %add3A_245 = arith.addi %mul3A_183, %add3A_244 : i32
          %get3A_246 = arith.index_cast %and3A_147 : i32 to index
          %get3A_247 = arith.index_cast %add3A_245 : i32 to index
          %get3A_248 = arith.constant 96 : index
          %get3A_249 = tpu.vector_load %arg9[%get3A_246, %get3A_247, %get3A_248] {strides = array<i32>} : memref<2x128x128xf32, #tpu.memory_space<vmem>>, vector<16xf32>,
          %add3A_250 = arith.constant 0 : i32
          %add3A_251 = arith.addi %mul3A_183, %add3A_250 : i32
          %get3A_252 = arith.index_cast %and3A_147 : i32 to index
          %get3A_253 = arith.index_cast %add3A_251 : i32 to index
          %get3A_254 = arith.constant 112 : index
          %get3A_255 = tpu.vector_load %arg9[%get3A_252, %get3A_253, %get3A_254] {strides = array<i32>} : memref<2x128x128xf32, #tpu.memory_space<vmem>>, vector<16xf32>,
          %max3A = arith.maximumf %get3A_186, %get3A_213 : vector<16xf32>
          %swap3A_256 = arith.index_cast %squeeze3A : i32 to index
          %swap3A_257 = arith.constant 0 : index
          %swap3A_258 = tpu.vector_load %arg5[%swap3A_256, %swap3A_257] {strides = array<i32>} : memref<321x128xf32, #tpu.memory_space<vmem>>, vector<16xf32>,
          tpu.vector_store %arg5[%swap3A_256, %swap3A_257], %max3A {strides = array<i32>} : memref<321x128xf32, #tpu.memory_space<vmem>>, vector<16xf32>,
          %max3A_259 = arith.maximumf %get3A_189, %get3A_219 : vector<16xf32>
          %swap3A_260 = arith.index_cast %squeeze3A : i32 to index
          %swap3A_261 = arith.constant 16 : index
          %swap3A_262 = tpu.vector_load %arg5[%swap3A_260, %swap3A_261] {strides = array<i32>} : memref<321x128xf32, #tpu.memory_space<vmem>>, vector<16xf32>,
          tpu.vector_store %arg5[%swap3A_260, %swap3A_261], %max3A_259 {strides = array<i32>} : memref<321x128xf32, #tpu.memory_space<vmem>>, vector<16xf32>,
          %max3A_263 = arith.maximumf %get3A_192, %get3A_225 : vector<16xf32>
          %swap3A_264 = arith.index_cast %squeeze3A : i32 to index
          %swap3A_265 = arith.constant 32 : index
          %swap3A_266 = tpu.vector_load %arg5[%swap3A_264, %swap3A_265] {strides = array<i32>} : memref<321x128xf32, #tpu.memory_space<vmem>>, vector<16xf32>,
          tpu.vector_store %arg5[%swap3A_264, %swap3A_265], %max3A_263 {strides = array<i32>} : memref<321x128xf32, #tpu.memory_space<vmem>>, vector<16xf32>,
          %max3A_267 = arith.maximumf %get3A_195, %get3A_231 : vector<16xf32>
          %swap3A_268 = arith.index_cast %squeeze3A : i32 to index
          %swap3A_269 = arith.constant 48 : index
          %swap3A_270 = tpu.vector_load %arg5[%swap3A_268, %swap3A_269] {strides = array<i32>} : memref<321x128xf32, #tpu.memory_space<vmem>>, vector<16xf32>,
          tpu.vector_store %arg5[%swap3A_268, %swap3A_269], %max3A_267 {strides = array<i32>} : memref<321x128xf32, #tpu.memory_space<vmem>>, vector<16xf32>,
          %max3A_271 = arith.maximumf %get3A_198, %get3A_237 : vector<16xf32>
          %swap3A_272 = arith.index_cast %squeeze3A : i32 to index
          %swap3A_273 = arith.constant 64 : index
          %swap3A_274 = tpu.vector_load %arg5[%swap3A_272, %swap3A_273] {strides = array<i32>} : memref<321x128xf32, #tpu.memory_space<vmem>>, vector<16xf32>,
          tpu.vector_store %arg5[%swap3A_272, %swap3A_273], %max3A_271 {strides = array<i32>} : memref<321x128xf32, #tpu.memory_space<vmem>>, vector<16xf32>,
          %max3A_275 = arith.maximumf %get3A_201, %get3A_243 : vector<16xf32>
          %swap3A_276 = arith.index_cast %squeeze3A : i32 to index
          %swap3A_277 = arith.constant 80 : index
          %swap3A_278 = tpu.vector_load %arg5[%swap3A_276, %swap3A_277] {strides = array<i32>} : memref<321x128xf32, #tpu.memory_space<vmem>>, vector<16xf32>,
          tpu.vector_store %arg5[%swap3A_276, %swap3A_277], %max3A_275 {strides = array<i32>} : memref<321x128xf32, #tpu.memory_space<vmem>>, vector<16xf32>,
          %max3A_279 = arith.maximumf %get3A_204, %get3A_249 : vector<16xf32>
          %swap3A_280 = arith.index_cast %squeeze3A : i32 to index
          %swap3A_281 = arith.constant 96 : index
          %swap3A_282 = tpu.vector_load %arg5[%swap3A_280, %swap3A_281] {strides = array<i32>} : memref<321x128xf32, #tpu.memory_space<vmem>>, vector<16xf32>,
          tpu.vector_store %arg5[%swap3A_280, %swap3A_281], %max3A_279 {strides = array<i32>} : memref<321x128xf32, #tpu.memory_space<vmem>>, vector<16xf32>,
          %max3A_283 = arith.maximumf %get3A_207, %get3A_255 : vector<16xf32>
          %swap3A_284 = arith.index_cast %squeeze3A : i32 to index
          %swap3A_285 = arith.constant 112 : index
          %swap3A_286 = tpu.vector_load %arg5[%swap3A_284, %swap3A_285] {strides = array<i32>} : memref<321x128xf32, #tpu.memory_space<vmem>>, vector<16xf32>,
          tpu.vector_store %arg5[%swap3A_284, %swap3A_285], %max3A_283 {strides = array<i32>} : memref<321x128xf32, #tpu.memory_space<vmem>>, vector<16xf32>,
          %slice3A_287 = vector.extract_strided_slice %and3A_181 {offsets = [1], sizes = [1], strides = [1]} : vector<16xi32> to vector<1xi32>
          %squeeze3A_288 = vector.extract %slice3A_287[0] : i32 from vector<1xi32>
          %get3A_289 = arith.index_cast %squeeze3A_288 : i32 to index
          %get3A_290 = arith.constant 0 : index
          %get3A_291 = tpu.vector_load %arg5[%get3A_289, %get3A_290] {strides = array<i32>} : memref<321x128xf32, #tpu.memory_space<vmem>>, vector<16xf32>,
          %get3A_292 = arith.index_cast %squeeze3A_288 : i32 to index
          %get3A_293 = arith.constant 16 : index
          %get3A_294 = tpu.vector_load %arg5[%get3A_292, %get3A_293] {strides = array<i32>} : memref<321x128xf32, #tpu.memory_space<vmem>>, vector<16xf32>,
          %get3A_295 = arith.index_cast %squeeze3A_288 : i32 to index
          %get3A_296 = arith.constant 32 : index
          %get3A_297 = tpu.vector_load %arg5[%get3A_295, %get3A_296] {strides = array<i32>} : memref<321x128xf32, #tpu.memory_space<vmem>>, vector<16xf32>,
          %get3A_298 = arith.index_cast %squeeze3A_288 : i32 to index
          %get3A_299 = arith.constant 48 : index
          %get3A_300 = tpu.vector_load %arg5[%get3A_298, %get3A_299] {strides = array<i32>} : memref<321x128xf32, #tpu.memory_space<vmem>>, vector<16xf32>,
          %get3A_301 = arith.index_cast %squeeze3A_288 : i32 to index
          %get3A_302 = arith.constant 64 : index
          %get3A_303 = tpu.vector_load %arg5[%get3A_301, %get3A_302] {strides = array<i32>} : memref<321x128xf32, #tpu.memory_space<vmem>>, vector<16xf32>,
          %get3A_304 = arith.index_cast %squeeze3A_288 : i32 to index
          %get3A_305 = arith.constant 80 : index
          %get3A_306 = tpu.vector_load %arg5[%get3A_304, %get3A_305] {strides = array<i32>} : memref<321x128xf32, #tpu.memory_space<vmem>>, vector<16xf32>,
          %get3A_307 = arith.index_cast %squeeze3A_288 : i32 to index
          %get3A_308 = arith.constant 96 : index
          %get3A_309 = tpu.vector_load %arg5[%get3A_307, %get3A_308] {strides = array<i32>} : memref<321x128xf32, #tpu.memory_space<vmem>>, vector<16xf32>,
          %get3A_310 = arith.index_cast %squeeze3A_288 : i32 to index
          %get3A_311 = arith.constant 112 : index
          %get3A_312 = tpu.vector_load %arg5[%get3A_310, %get3A_311] {strides = array<i32>} : memref<321x128xf32, #tpu.memory_space<vmem>>, vector<16xf32>,
          %add3A_313 = arith.constant 1 : i32
          %add3A_314 = arith.addi %mul3A_183, %add3A_313 : i32
          %get3A_315 = arith.index_cast %and3A_147 : i32 to index
          %get3A_316 = arith.index_cast %add3A_314 : i32 to index
          %get3A_317 = arith.constant 0 : index
          %get3A_318 = tpu.vector_load %arg9[%get3A_315, %get3A_316, %get3A_317] {strides = array<i32>} : memref<2x128x128xf32, #tpu.memory_space<vmem>>, vector<16xf32>,
          %add3A_319 = arith.constant 1 : i32
          %add3A_320 = arith.addi %mul3A_183, %add3A_319 : i32
          %get3A_321 = arith.index_cast %and3A_147 : i32 to index
          %get3A_322 = arith.index_cast %add3A_320 : i32 to index
          %get3A_323 = arith.constant 16 : index
          %get3A_324 = tpu.vector_load %arg9[%get3A_321, %get3A_322, %get3A_323] {strides = array<i32>} : memref<2x128x128xf32, #tpu.memory_space<vmem>>, vector<16xf32>,
          %add3A_325 = arith.constant 1 : i32
          %add3A_326 = arith.addi %mul3A_183, %add3A_325 : i32
          %get3A_327 = arith.index_cast %and3A_147 : i32 to index
          %get3A_328 = arith.index_cast %add3A_326 : i32 to index
          %get3A_329 = arith.constant 32 : index
          %get3A_330 = tpu.vector_load %arg9[%get3A_327, %get3A_328, %get3A_329] {strides = array<i32>} : memref<2x128x128xf32, #tpu.memory_space<vmem>>, vector<16xf32>,
          %add3A_331 = arith.constant 1 : i32
          %add3A_332 = arith.addi %mul3A_183, %add3A_331 : i32
          %get3A_333 = arith.index_cast %and3A_147 : i32 to index
          %get3A_334 = arith.index_cast %add3A_332 : i32 to index
          %get3A_335 = arith.constant 48 : index
          %get3A_336 = tpu.vector_load %arg9[%get3A_333, %get3A_334, %get3A_335] {strides = array<i32>} : memref<2x128x128xf32, #tpu.memory_space<vmem>>, vector<16xf32>,
          %add3A_337 = arith.constant 1 : i32
          %add3A_338 = arith.addi %mul3A_183, %add3A_337 : i32
          %get3A_339 = arith.index_cast %and3A_147 : i32 to index
          %get3A_340 = arith.index_cast %add3A_338 : i32 to index
          %get3A_341 = arith.constant 64 : index
          %get3A_342 = tpu.vector_load %arg9[%get3A_339, %get3A_340, %get3A_341] {strides = array<i32>} : memref<2x128x128xf32, #tpu.memory_space<vmem>>, vector<16xf32>,
          %add3A_343 = arith.constant 1 : i32
          %add3A_344 = arith.addi %mul3A_183, %add3A_343 : i32
          %get3A_345 = arith.index_cast %and3A_147 : i32 to index
          %get3A_346 = arith.index_cast %add3A_344 : i32 to index
          %get3A_347 = arith.constant 80 : index
          %get3A_348 = tpu.vector_load %arg9[%get3A_345, %get3A_346, %get3A_347] {strides = array<i32>} : memref<2x128x128xf32, #tpu.memory_space<vmem>>, vector<16xf32>,
          %add3A_349 = arith.constant 1 : i32
          %add3A_350 = arith.addi %mul3A_183, %add3A_349 : i32
          %get3A_351 = arith.index_cast %and3A_147 : i32 to index
          %get3A_352 = arith.index_cast %add3A_350 : i32 to index
          %get3A_353 = arith.constant 96 : index
          %get3A_354 = tpu.vector_load %arg9[%get3A_351, %get3A_352, %get3A_353] {strides = array<i32>} : memref<2x128x128xf32, #tpu.memory_space<vmem>>, vector<16xf32>,
          %add3A_355 = arith.constant 1 : i32
          %add3A_356 = arith.addi %mul3A_183, %add3A_355 : i32
          %get3A_357 = arith.index_cast %and3A_147 : i32 to index
          %get3A_358 = arith.index_cast %add3A_356 : i32 to index
          %get3A_359 = arith.constant 112 : index
          %get3A_360 = tpu.vector_load %arg9[%get3A_357, %get3A_358, %get3A_359] {strides = array<i32>} : memref<2x128x128xf32, #tpu.memory_space<vmem>>, vector<16xf32>,
          %max3A_361 = arith.maximumf %get3A_291, %get3A_318 : vector<16xf32>
          %swap3A_362 = arith.index_cast %squeeze3A_288 : i32 to index
          %swap3A_363 = arith.constant 0 : index
          %swap3A_364 = tpu.vector_load %arg5[%swap3A_362, %swap3A_363] {strides = array<i32>} : memref<321x128xf32, #tpu.memory_space<vmem>>, vector<16xf32>,
          tpu.vector_store %arg5[%swap3A_362, %swap3A_363], %max3A_361 {strides = array<i32>} : memref<321x128xf32, #tpu.memory_space<vmem>>, vector<16xf32>,
          %max3A_365 = arith.maximumf %get3A_294, %get3A_324 : vector<16xf32>
          %swap3A_366 = arith.index_cast %squeeze3A_288 : i32 to index
          %swap3A_367 = arith.constant 16 : index
          %swap3A_368 = tpu.vector_load %arg5[%swap3A_366, %swap3A_367] {strides = array<i32>} : memref<321x128xf32, #tpu.memory_space<vmem>>, vector<16xf32>,
          tpu.vector_store %arg5[%swap3A_366, %swap3A_367], %max3A_365 {strides = array<i32>} : memref<321x128xf32, #tpu.memory_space<vmem>>, vector<16xf32>,
          %max3A_369 = arith.maximumf %get3A_297, %get3A_330 : vector<16xf32>
          %swap3A_370 = arith.index_cast %squeeze3A_288 : i32 to index
          %swap3A_371 = arith.constant 32 : index
          %swap3A_372 = tpu.vector_load %arg5[%swap3A_370, %swap3A_371] {strides = array<i32>} : memref<321x128xf32, #tpu.memory_space<vmem>>, vector<16xf32>,
          tpu.vector_store %arg5[%swap3A_370, %swap3A_371], %max3A_369 {strides = array<i32>} : memref<321x128xf32, #tpu.memory_space<vmem>>, vector<16xf32>,
          %max3A_373 = arith.maximumf %get3A_300, %get3A_336 : vector<16xf32>
          %swap3A_374 = arith.index_cast %squeeze3A_288 : i32 to index
          %swap3A_375 = arith.constant 48 : index
          %swap3A_376 = tpu.vector_load %arg5[%swap3A_374, %swap3A_375] {strides = array<i32>} : memref<321x128xf32, #tpu.memory_space<vmem>>, vector<16xf32>,
          tpu.vector_store %arg5[%swap3A_374, %swap3A_375], %max3A_373 {strides = array<i32>} : memref<321x128xf32, #tpu.memory_space<vmem>>, vector<16xf32>,
          %max3A_377 = arith.maximumf %get3A_303, %get3A_342 : vector<16xf32>
          %swap3A_378 = arith.index_cast %squeeze3A_288 : i32 to index
          %swap3A_379 = arith.constant 64 : index
          %swap3A_380 = tpu.vector_load %arg5[%swap3A_378, %swap3A_379] {strides = array<i32>} : memref<321x128xf32, #tpu.memory_space<vmem>>, vector<16xf32>,
          tpu.vector_store %arg5[%swap3A_378, %swap3A_379], %max3A_377 {strides = array<i32>} : memref<321x128xf32, #tpu.memory_space<vmem>>, vector<16xf32>,
          %max3A_381 = arith.maximumf %get3A_306, %get3A_348 : vector<16xf32>
          %swap3A_382 = arith.index_cast %squeeze3A_288 : i32 to index
          %swap3A_383 = arith.constant 80 : index
          %swap3A_384 = tpu.vector_load %arg5[%swap3A_382, %swap3A_383] {strides = array<i32>} : memref<321x128xf32, #tpu.memory_space<vmem>>, vector<16xf32>,
          tpu.vector_store %arg5[%swap3A_382, %swap3A_383], %max3A_381 {strides = array<i32>} : memref<321x128xf32, #tpu.memory_space<vmem>>, vector<16xf32>,
          %max3A_385 = arith.maximumf %get3A_309, %get3A_354 : vector<16xf32>
          %swap3A_386 = arith.index_cast %squeeze3A_288 : i32 to index
          %swap3A_387 = arith.constant 96 : index
          %swap3A_388 = tpu.vector_load %arg5[%swap3A_386, %swap3A_387] {strides = array<i32>} : memref<321x128xf32, #tpu.memory_space<vmem>>, vector<16xf32>,
          tpu.vector_store %arg5[%swap3A_386, %swap3A_387], %max3A_385 {strides = array<i32>} : memref<321x128xf32, #tpu.memory_space<vmem>>, vector<16xf32>,
          %max3A_389 = arith.maximumf %get3A_312, %get3A_360 : vector<16xf32>
          %swap3A_390 = arith.index_cast %squeeze3A_288 : i32 to index
          %swap3A_391 = arith.constant 112 : index
          %swap3A_392 = tpu.vector_load %arg5[%swap3A_390, %swap3A_391] {strides = array<i32>} : memref<321x128xf32, #tpu.memory_space<vmem>>, vector<16xf32>,
          tpu.vector_store %arg5[%swap3A_390, %swap3A_391], %max3A_389 {strides = array<i32>} : memref<321x128xf32, #tpu.memory_space<vmem>>, vector<16xf32>,
          %slice3A_393 = vector.extract_strided_slice %and3A_181 {offsets = [2], sizes = [1], strides = [1]} : vector<16xi32> to vector<1xi32>
          %squeeze3A_394 = vector.extract %slice3A_393[0] : i32 from vector<1xi32>
          %get3A_395 = arith.index_cast %squeeze3A_394 : i32 to index
          %get3A_396 = arith.constant 0 : index
          %get3A_397 = tpu.vector_load %arg5[%get3A_395, %get3A_396] {strides = array<i32>} : memref<321x128xf32, #tpu.memory_space<vmem>>, vector<16xf32>,
          %get3A_398 = arith.index_cast %squeeze3A_394 : i32 to index
          %get3A_399 = arith.constant 16 : index
          %get3A_400 = tpu.vector_load %arg5[%get3A_398, %get3A_399] {strides = array<i32>} : memref<321x128xf32, #tpu.memory_space<vmem>>, vector<16xf32>,
          %get3A_401 = arith.index_cast %squeeze3A_394 : i32 to index
          %get3A_402 = arith.constant 32 : index
          %get3A_403 = tpu.vector_load %arg5[%get3A_401, %get3A_402] {strides = array<i32>} : memref<321x128xf32, #tpu.memory_space<vmem>>, vector<16xf32>,
          %get3A_404 = arith.index_cast %squeeze3A_394 : i32 to index
          %get3A_405 = arith.constant 48 : index
          %get3A_406 = tpu.vector_load %arg5[%get3A_404, %get3A_405] {strides = array<i32>} : memref<321x128xf32, #tpu.memory_space<vmem>>, vector<16xf32>,
          %get3A_407 = arith.index_cast %squeeze3A_394 : i32 to index
          %get3A_408 = arith.constant 64 : index
          %get3A_409 = tpu.vector_load %arg5[%get3A_407, %get3A_408] {strides = array<i32>} : memref<321x128xf32, #tpu.memory_space<vmem>>, vector<16xf32>,
          %get3A_410 = arith.index_cast %squeeze3A_394 : i32 to index
          %get3A_411 = arith.constant 80 : index
          %get3A_412 = tpu.vector_load %arg5[%get3A_410, %get3A_411] {strides = array<i32>} : memref<321x128xf32, #tpu.memory_space<vmem>>, vector<16xf32>,
          %get3A_413 = arith.index_cast %squeeze3A_394 : i32 to index
          %get3A_414 = arith.constant 96 : index
          %get3A_415 = tpu.vector_load %arg5[%get3A_413, %get3A_414] {strides = array<i32>} : memref<321x128xf32, #tpu.memory_space<vmem>>, vector<16xf32>,
          %get3A_416 = arith.index_cast %squeeze3A_394 : i32 to index
          %get3A_417 = arith.constant 112 : index
          %get3A_418 = tpu.vector_load %arg5[%get3A_416, %get3A_417] {strides = array<i32>} : memref<321x128xf32, #tpu.memory_space<vmem>>, vector<16xf32>,
          %add3A_419 = arith.constant 2 : i32
          %add3A_420 = arith.addi %mul3A_183, %add3A_419 : i32
          %get3A_421 = arith.index_cast %and3A_147 : i32 to index
          %get3A_422 = arith.index_cast %add3A_420 : i32 to index
          %get3A_423 = arith.constant 0 : index
          %get3A_424 = tpu.vector_load %arg9[%get3A_421, %get3A_422, %get3A_423] {strides = array<i32>} : memref<2x128x128xf32, #tpu.memory_space<vmem>>, vector<16xf32>,
          %add3A_425 = arith.constant 2 : i32
          %add3A_426 = arith.addi %mul3A_183, %add3A_425 : i32
          %get3A_427 = arith.index_cast %and3A_147 : i32 to index
          %get3A_428 = arith.index_cast %add3A_426 : i32 to index
          %get3A_429 = arith.constant 16 : index
          %get3A_430 = tpu.vector_load %arg9[%get3A_427, %get3A_428, %get3A_429] {strides = array<i32>} : memref<2x128x128xf32, #tpu.memory_space<vmem>>, vector<16xf32>,
          %add3A_431 = arith.constant 2 : i32
          %add3A_432 = arith.addi %mul3A_183, %add3A_431 : i32
          %get3A_433 = arith.index_cast %and3A_147 : i32 to index
          %get3A_434 = arith.index_cast %add3A_432 : i32 to index
          %get3A_435 = arith.constant 32 : index
          %get3A_436 = tpu.vector_load %arg9[%get3A_433, %get3A_434, %get3A_435] {strides = array<i32>} : memref<2x128x128xf32, #tpu.memory_space<vmem>>, vector<16xf32>,
          %add3A_437 = arith.constant 2 : i32
          %add3A_438 = arith.addi %mul3A_183, %add3A_437 : i32
          %get3A_439 = arith.index_cast %and3A_147 : i32 to index
          %get3A_440 = arith.index_cast %add3A_438 : i32 to index
          %get3A_441 = arith.constant 48 : index
          %get3A_442 = tpu.vector_load %arg9[%get3A_439, %get3A_440, %get3A_441] {strides = array<i32>} : memref<2x128x128xf32, #tpu.memory_space<vmem>>, vector<16xf32>,
          %add3A_443 = arith.constant 2 : i32
          %add3A_444 = arith.addi %mul3A_183, %add3A_443 : i32
          %get3A_445 = arith.index_cast %and3A_147 : i32 to index
          %get3A_446 = arith.index_cast %add3A_444 : i32 to index
          %get3A_447 = arith.constant 64 : index
          %get3A_448 = tpu.vector_load %arg9[%get3A_445, %get3A_446, %get3A_447] {strides = array<i32>} : memref<2x128x128xf32, #tpu.memory_space<vmem>>, vector<16xf32>,
          %add3A_449 = arith.constant 2 : i32
          %add3A_450 = arith.addi %mul3A_183, %add3A_449 : i32
          %get3A_451 = arith.index_cast %and3A_147 : i32 to index
          %get3A_452 = arith.index_cast %add3A_450 : i32 to index
          %get3A_453 = arith.constant 80 : index
          %get3A_454 = tpu.vector_load %arg9[%get3A_451, %get3A_452, %get3A_453] {strides = array<i32>} : memref<2x128x128xf32, #tpu.memory_space<vmem>>, vector<16xf32>,
          %add3A_455 = arith.constant 2 : i32
          %add3A_456 = arith.addi %mul3A_183, %add3A_455 : i32
          %get3A_457 = arith.index_cast %and3A_147 : i32 to index
          %get3A_458 = arith.index_cast %add3A_456 : i32 to index
          %get3A_459 = arith.constant 96 : index
          %get3A_460 = tpu.vector_load %arg9[%get3A_457, %get3A_458, %get3A_459] {strides = array<i32>} : memref<2x128x128xf32, #tpu.memory_space<vmem>>, vector<16xf32>,
          %add3A_461 = arith.constant 2 : i32
          %add3A_462 = arith.addi %mul3A_183, %add3A_461 : i32
          %get3A_463 = arith.index_cast %and3A_147 : i32 to index
          %get3A_464 = arith.index_cast %add3A_462 : i32 to index
          %get3A_465 = arith.constant 112 : index
          %get3A_466 = tpu.vector_load %arg9[%get3A_463, %get3A_464, %get3A_465] {strides = array<i32>} : memref<2x128x128xf32, #tpu.memory_space<vmem>>, vector<16xf32>,
          %max3A_467 = arith.maximumf %get3A_397, %get3A_424 : vector<16xf32>
          %swap3A_468 = arith.index_cast %squeeze3A_394 : i32 to index
          %swap3A_469 = arith.constant 0 : index
          %swap3A_470 = tpu.vector_load %arg5[%swap3A_468, %swap3A_469] {strides = array<i32>} : memref<321x128xf32, #tpu.memory_space<vmem>>, vector<16xf32>,
          tpu.vector_store %arg5[%swap3A_468, %swap3A_469], %max3A_467 {strides = array<i32>} : memref<321x128xf32, #tpu.memory_space<vmem>>, vector<16xf32>,
          %max3A_471 = arith.maximumf %get3A_400, %get3A_430 : vector<16xf32>
          %swap3A_472 = arith.index_cast %squeeze3A_394 : i32 to index
          %swap3A_473 = arith.constant 16 : index
          %swap3A_474 = tpu.vector_load %arg5[%swap3A_472, %swap3A_473] {strides = array<i32>} : memref<321x128xf32, #tpu.memory_space<vmem>>, vector<16xf32>,
          tpu.vector_store %arg5[%swap3A_472, %swap3A_473], %max3A_471 {strides = array<i32>} : memref<321x128xf32, #tpu.memory_space<vmem>>, vector<16xf32>,
          %max3A_475 = arith.maximumf %get3A_403, %get3A_436 : vector<16xf32>
          %swap3A_476 = arith.index_cast %squeeze3A_394 : i32 to index
          %swap3A_477 = arith.constant 32 : index
          %swap3A_478 = tpu.vector_load %arg5[%swap3A_476, %swap3A_477] {strides = array<i32>} : memref<321x128xf32, #tpu.memory_space<vmem>>, vector<16xf32>,
          tpu.vector_store %arg5[%swap3A_476, %swap3A_477], %max3A_475 {strides = array<i32>} : memref<321x128xf32, #tpu.memory_space<vmem>>, vector<16xf32>,
          %max3A_479 = arith.maximumf %get3A_406, %get3A_442 : vector<16xf32>
          %swap3A_480 = arith.index_cast %squeeze3A_394 : i32 to index
          %swap3A_481 = arith.constant 48 : index
          %swap3A_482 = tpu.vector_load %arg5[%swap3A_480, %swap3A_481] {strides = array<i32>} : memref<321x128xf32, #tpu.memory_space<vmem>>, vector<16xf32>,
          tpu.vector_store %arg5[%swap3A_480, %swap3A_481], %max3A_479 {strides = array<i32>} : memref<321x128xf32, #tpu.memory_space<vmem>>, vector<16xf32>,
          %max3A_483 = arith.maximumf %get3A_409, %get3A_448 : vector<16xf32>
          %swap3A_484 = arith.index_cast %squeeze3A_394 : i32 to index
          %swap3A_485 = arith.constant 64 : index
          %swap3A_486 = tpu.vector_load %arg5[%swap3A_484, %swap3A_485] {strides = array<i32>} : memref<321x128xf32, #tpu.memory_space<vmem>>, vector<16xf32>,
          tpu.vector_store %arg5[%swap3A_484, %swap3A_485], %max3A_483 {strides = array<i32>} : memref<321x128xf32, #tpu.memory_space<vmem>>, vector<16xf32>,
          %max3A_487 = arith.maximumf %get3A_412, %get3A_454 : vector<16xf32>
          %swap3A_488 = arith.index_cast %squeeze3A_394 : i32 to index
          %swap3A_489 = arith.constant 80 : index
          %swap3A_490 = tpu.vector_load %arg5[%swap3A_488, %swap3A_489] {strides = array<i32>} : memref<321x128xf32, #tpu.memory_space<vmem>>, vector<16xf32>,
          tpu.vector_store %arg5[%swap3A_488, %swap3A_489], %max3A_487 {strides = array<i32>} : memref<321x128xf32, #tpu.memory_space<vmem>>, vector<16xf32>,
          %max3A_491 = arith.maximumf %get3A_415, %get3A_460 : vector<16xf32>
          %swap3A_492 = arith.index_cast %squeeze3A_394 : i32 to index
          %swap3A_493 = arith.constant 96 : index
          %swap3A_494 = tpu.vector_load %arg5[%swap3A_492, %swap3A_493] {strides = array<i32>} : memref<321x128xf32, #tpu.memory_space<vmem>>, vector<16xf32>,
          tpu.vector_store %arg5[%swap3A_492, %swap3A_493], %max3A_491 {strides = array<i32>} : memref<321x128xf32, #tpu.memory_space<vmem>>, vector<16xf32>,
          %max3A_495 = arith.maximumf %get3A_418, %get3A_466 : vector<16xf32>
          %swap3A_496 = arith.index_cast %squeeze3A_394 : i32 to index
          %swap3A_497 = arith.constant 112 : index
          %swap3A_498 = tpu.vector_load %arg5[%swap3A_496, %swap3A_497] {strides = array<i32>} : memref<321x128xf32, #tpu.memory_space<vmem>>, vector<16xf32>,
          tpu.vector_store %arg5[%swap3A_496, %swap3A_497], %max3A_495 {strides = array<i32>} : memref<321x128xf32, #tpu.memory_space<vmem>>, vector<16xf32>,
          %slice3A_499 = vector.extract_strided_slice %and3A_181 {offsets = [3], sizes = [1], strides = [1]} : vector<16xi32> to vector<1xi32>
          %squeeze3A_500 = vector.extract %slice3A_499[0] : i32 from vector<1xi32>
          %get3A_501 = arith.index_cast %squeeze3A_500 : i32 to index
          %get3A_502 = arith.constant 0 : index
          %get3A_503 = tpu.vector_load %arg5[%get3A_501, %get3A_502] {strides = array<i32>} : memref<321x128xf32, #tpu.memory_space<vmem>>, vector<16xf32>,
          %get3A_504 = arith.index_cast %squeeze3A_500 : i32 to index
          %get3A_505 = arith.constant 16 : index
          %get3A_506 = tpu.vector_load %arg5[%get3A_504, %get3A_505] {strides = array<i32>} : memref<321x128xf32, #tpu.memory_space<vmem>>, vector<16xf32>,
          %get3A_507 = arith.index_cast %squeeze3A_500 : i32 to index
          %get3A_508 = arith.constant 32 : index
          %get3A_509 = tpu.vector_load %arg5[%get3A_507, %get3A_508] {strides = array<i32>} : memref<321x128xf32, #tpu.memory_space<vmem>>, vector<16xf32>,
          %get3A_510 = arith.index_cast %squeeze3A_500 : i32 to index
          %get3A_511 = arith.constant 48 : index
          %get3A_512 = tpu.vector_load %arg5[%get3A_510, %get3A_511] {strides = array<i32>} : memref<321x128xf32, #tpu.memory_space<vmem>>, vector<16xf32>,
          %get3A_513 = arith.index_cast %squeeze3A_500 : i32 to index
          %get3A_514 = arith.constant 64 : index
          %get3A_515 = tpu.vector_load %arg5[%get3A_513, %get3A_514] {strides = array<i32>} : memref<321x128xf32, #tpu.memory_space<vmem>>, vector<16xf32>,
          %get3A_516 = arith.index_cast %squeeze3A_500 : i32 to index
          %get3A_517 = arith.constant 80 : index
          %get3A_518 = tpu.vector_load %arg5[%get3A_516, %get3A_517] {strides = array<i32>} : memref<321x128xf32, #tpu.memory_space<vmem>>, vector<16xf32>,
          %get3A_519 = arith.index_cast %squeeze3A_500 : i32 to index
          %get3A_520 = arith.constant 96 : index
          %get3A_521 = tpu.vector_load %arg5[%get3A_519, %get3A_520] {strides = array<i32>} : memref<321x128xf32, #tpu.memory_space<vmem>>, vector<16xf32>,
          %get3A_522 = arith.index_cast %squeeze3A_500 : i32 to index
          %get3A_523 = arith.constant 112 : index
          %get3A_524 = tpu.vector_load %arg5[%get3A_522, %get3A_523] {strides = array<i32>} : memref<321x128xf32, #tpu.memory_space<vmem>>, vector<16xf32>,
          %add3A_525 = arith.constant 3 : i32
          %add3A_526 = arith.addi %mul3A_183, %add3A_525 : i32
          %get3A_527 = arith.index_cast %and3A_147 : i32 to index
          %get3A_528 = arith.index_cast %add3A_526 : i32 to index
          %get3A_529 = arith.constant 0 : index
          %get3A_530 = tpu.vector_load %arg9[%get3A_527, %get3A_528, %get3A_529] {strides = array<i32>} : memref<2x128x128xf32, #tpu.memory_space<vmem>>, vector<16xf32>,
          %add3A_531 = arith.constant 3 : i32
          %add3A_532 = arith.addi %mul3A_183, %add3A_531 : i32
          %get3A_533 = arith.index_cast %and3A_147 : i32 to index
          %get3A_534 = arith.index_cast %add3A_532 : i32 to index
          %get3A_535 = arith.constant 16 : index
          %get3A_536 = tpu.vector_load %arg9[%get3A_533, %get3A_534, %get3A_535] {strides = array<i32>} : memref<2x128x128xf32, #tpu.memory_space<vmem>>, vector<16xf32>,
          %add3A_537 = arith.constant 3 : i32
          %add3A_538 = arith.addi %mul3A_183, %add3A_537 : i32
          %get3A_539 = arith.index_cast %and3A_147 : i32 to index
          %get3A_540 = arith.index_cast %add3A_538 : i32 to index
          %get3A_541 = arith.constant 32 : index
          %get3A_542 = tpu.vector_load %arg9[%get3A_539, %get3A_540, %get3A_541] {strides = array<i32>} : memref<2x128x128xf32, #tpu.memory_space<vmem>>, vector<16xf32>,
          %add3A_543 = arith.constant 3 : i32
          %add3A_544 = arith.addi %mul3A_183, %add3A_543 : i32
          %get3A_545 = arith.index_cast %and3A_147 : i32 to index
          %get3A_546 = arith.index_cast %add3A_544 : i32 to index
          %get3A_547 = arith.constant 48 : index
          %get3A_548 = tpu.vector_load %arg9[%get3A_545, %get3A_546, %get3A_547] {strides = array<i32>} : memref<2x128x128xf32, #tpu.memory_space<vmem>>, vector<16xf32>,
          %add3A_549 = arith.constant 3 : i32
          %add3A_550 = arith.addi %mul3A_183, %add3A_549 : i32
          %get3A_551 = arith.index_cast %and3A_147 : i32 to index
          %get3A_552 = arith.index_cast %add3A_550 : i32 to index
          %get3A_553 = arith.constant 64 : index
          %get3A_554 = tpu.vector_load %arg9[%get3A_551, %get3A_552, %get3A_553] {strides = array<i32>} : memref<2x128x128xf32, #tpu.memory_space<vmem>>, vector<16xf32>,
          %add3A_555 = arith.constant 3 : i32
          %add3A_556 = arith.addi %mul3A_183, %add3A_555 : i32
          %get3A_557 = arith.index_cast %and3A_147 : i32 to index
          %get3A_558 = arith.index_cast %add3A_556 : i32 to index
          %get3A_559 = arith.constant 80 : index
          %get3A_560 = tpu.vector_load %arg9[%get3A_557, %get3A_558, %get3A_559] {strides = array<i32>} : memref<2x128x128xf32, #tpu.memory_space<vmem>>, vector<16xf32>,
          %add3A_561 = arith.constant 3 : i32
          %add3A_562 = arith.addi %mul3A_183, %add3A_561 : i32
          %get3A_563 = arith.index_cast %and3A_147 : i32 to index
          %get3A_564 = arith.index_cast %add3A_562 : i32 to index
          %get3A_565 = arith.constant 96 : index
          %get3A_566 = tpu.vector_load %arg9[%get3A_563, %get3A_564, %get3A_565] {strides = array<i32>} : memref<2x128x128xf32, #tpu.memory_space<vmem>>, vector<16xf32>,
          %add3A_567 = arith.constant 3 : i32
          %add3A_568 = arith.addi %mul3A_183, %add3A_567 : i32
          %get3A_569 = arith.index_cast %and3A_147 : i32 to index
          %get3A_570 = arith.index_cast %add3A_568 : i32 to index
          %get3A_571 = arith.constant 112 : index
          %get3A_572 = tpu.vector_load %arg9[%get3A_569, %get3A_570, %get3A_571] {strides = array<i32>} : memref<2x128x128xf32, #tpu.memory_space<vmem>>, vector<16xf32>,
          %max3A_573 = arith.maximumf %get3A_503, %get3A_530 : vector<16xf32>
          %swap3A_574 = arith.index_cast %squeeze3A_500 : i32 to index
          %swap3A_575 = arith.constant 0 : index
          %swap3A_576 = tpu.vector_load %arg5[%swap3A_574, %swap3A_575] {strides = array<i32>} : memref<321x128xf32, #tpu.memory_space<vmem>>, vector<16xf32>,
          tpu.vector_store %arg5[%swap3A_574, %swap3A_575], %max3A_573 {strides = array<i32>} : memref<321x128xf32, #tpu.memory_space<vmem>>, vector<16xf32>,
          %max3A_577 = arith.maximumf %get3A_506, %get3A_536 : vector<16xf32>
          %swap3A_578 = arith.index_cast %squeeze3A_500 : i32 to index
          %swap3A_579 = arith.constant 16 : index
          %swap3A_580 = tpu.vector_load %arg5[%swap3A_578, %swap3A_579] {strides = array<i32>} : memref<321x128xf32, #tpu.memory_space<vmem>>, vector<16xf32>,
          tpu.vector_store %arg5[%swap3A_578, %swap3A_579], %max3A_577 {strides = array<i32>} : memref<321x128xf32, #tpu.memory_space<vmem>>, vector<16xf32>,
          %max3A_581 = arith.maximumf %get3A_509, %get3A_542 : vector<16xf32>
          %swap3A_582 = arith.index_cast %squeeze3A_500 : i32 to index
          %swap3A_583 = arith.constant 32 : index
          %swap3A_584 = tpu.vector_load %arg5[%swap3A_582, %swap3A_583] {strides = array<i32>} : memref<321x128xf32, #tpu.memory_space<vmem>>, vector<16xf32>,
          tpu.vector_store %arg5[%swap3A_582, %swap3A_583], %max3A_581 {strides = array<i32>} : memref<321x128xf32, #tpu.memory_space<vmem>>, vector<16xf32>,
          %max3A_585 = arith.maximumf %get3A_512, %get3A_548 : vector<16xf32>
          %swap3A_586 = arith.index_cast %squeeze3A_500 : i32 to index
          %swap3A_587 = arith.constant 48 : index
          %swap3A_588 = tpu.vector_load %arg5[%swap3A_586, %swap3A_587] {strides = array<i32>} : memref<321x128xf32, #tpu.memory_space<vmem>>, vector<16xf32>,
          tpu.vector_store %arg5[%swap3A_586, %swap3A_587], %max3A_585 {strides = array<i32>} : memref<321x128xf32, #tpu.memory_space<vmem>>, vector<16xf32>,
          %max3A_589 = arith.maximumf %get3A_515, %get3A_554 : vector<16xf32>
          %swap3A_590 = arith.index_cast %squeeze3A_500 : i32 to index
          %swap3A_591 = arith.constant 64 : index
          %swap3A_592 = tpu.vector_load %arg5[%swap3A_590, %swap3A_591] {strides = array<i32>} : memref<321x128xf32, #tpu.memory_space<vmem>>, vector<16xf32>,
          tpu.vector_store %arg5[%swap3A_590, %swap3A_591], %max3A_589 {strides = array<i32>} : memref<321x128xf32, #tpu.memory_space<vmem>>, vector<16xf32>,
          %max3A_593 = arith.maximumf %get3A_518, %get3A_560 : vector<16xf32>
          %swap3A_594 = arith.index_cast %squeeze3A_500 : i32 to index
          %swap3A_595 = arith.constant 80 : index
          %swap3A_596 = tpu.vector_load %arg5[%swap3A_594, %swap3A_595] {strides = array<i32>} : memref<321x128xf32, #tpu.memory_space<vmem>>, vector<16xf32>,
          tpu.vector_store %arg5[%swap3A_594, %swap3A_595], %max3A_593 {strides = array<i32>} : memref<321x128xf32, #tpu.memory_space<vmem>>, vector<16xf32>,
          %max3A_597 = arith.maximumf %get3A_521, %get3A_566 : vector<16xf32>
          %swap3A_598 = arith.index_cast %squeeze3A_500 : i32 to index
          %swap3A_599 = arith.constant 96 : index
          %swap3A_600 = tpu.vector_load %arg5[%swap3A_598, %swap3A_599] {strides = array<i32>} : memref<321x128xf32, #tpu.memory_space<vmem>>, vector<16xf32>,
          tpu.vector_store %arg5[%swap3A_598, %swap3A_599], %max3A_597 {strides = array<i32>} : memref<321x128xf32, #tpu.memory_space<vmem>>, vector<16xf32>,
          %max3A_601 = arith.maximumf %get3A_524, %get3A_572 : vector<16xf32>
          %swap3A_602 = arith.index_cast %squeeze3A_500 : i32 to index
          %swap3A_603 = arith.constant 112 : index
          %swap3A_604 = tpu.vector_load %arg5[%swap3A_602, %swap3A_603] {strides = array<i32>} : memref<321x128xf32, #tpu.memory_space<vmem>>, vector<16xf32>,
          tpu.vector_store %arg5[%swap3A_602, %swap3A_603], %max3A_601 {strides = array<i32>} : memref<321x128xf32, #tpu.memory_space<vmem>>, vector<16xf32>,
          %slice3A_605 = vector.extract_strided_slice %and3A_181 {offsets = [4], sizes = [1], strides = [1]} : vector<16xi32> to vector<1xi32>
          %squeeze3A_606 = vector.extract %slice3A_605[0] : i32 from vector<1xi32>
          %get3A_607 = arith.index_cast %squeeze3A_606 : i32 to index
          %get3A_608 = arith.constant 0 : index
          %get3A_609 = tpu.vector_load %arg5[%get3A_607, %get3A_608] {strides = array<i32>} : memref<321x128xf32, #tpu.memory_space<vmem>>, vector<16xf32>,
          %get3A_610 = arith.index_cast %squeeze3A_606 : i32 to index
          %get3A_611 = arith.constant 16 : index
          %get3A_612 = tpu.vector_load %arg5[%get3A_610, %get3A_611] {strides = array<i32>} : memref<321x128xf32, #tpu.memory_space<vmem>>, vector<16xf32>,
          %get3A_613 = arith.index_cast %squeeze3A_606 : i32 to index
          %get3A_614 = arith.constant 32 : index
          %get3A_615 = tpu.vector_load %arg5[%get3A_613, %get3A_614] {strides = array<i32>} : memref<321x128xf32, #tpu.memory_space<vmem>>, vector<16xf32>,
          %get3A_616 = arith.index_cast %squeeze3A_606 : i32 to index
          %get3A_617 = arith.constant 48 : index
          %get3A_618 = tpu.vector_load %arg5[%get3A_616, %get3A_617] {strides = array<i32>} : memref<321x128xf32, #tpu.memory_space<vmem>>, vector<16xf32>,
          %get3A_619 = arith.index_cast %squeeze3A_606 : i32 to index
          %get3A_620 = arith.constant 64 : index
          %get3A_621 = tpu.vector_load %arg5[%get3A_619, %get3A_620] {strides = array<i32>} : memref<321x128xf32, #tpu.memory_space<vmem>>, vector<16xf32>,
          %get3A_622 = arith.index_cast %squeeze3A_606 : i32 to index
          %get3A_623 = arith.constant 80 : index
          %get3A_624 = tpu.vector_load %arg5[%get3A_622, %get3A_623] {strides = array<i32>} : memref<321x128xf32, #tpu.memory_space<vmem>>, vector<16xf32>,
          %get3A_625 = arith.index_cast %squeeze3A_606 : i32 to index
          %get3A_626 = arith.constant 96 : index
          %get3A_627 = tpu.vector_load %arg5[%get3A_625, %get3A_626] {strides = array<i32>} : memref<321x128xf32, #tpu.memory_space<vmem>>, vector<16xf32>,
          %get3A_628 = arith.index_cast %squeeze3A_606 : i32 to index
          %get3A_629 = arith.constant 112 : index
          %get3A_630 = tpu.vector_load %arg5[%get3A_628, %get3A_629] {strides = array<i32>} : memref<321x128xf32, #tpu.memory_space<vmem>>, vector<16xf32>,
          %add3A_631 = arith.constant 4 : i32
          %add3A_632 = arith.addi %mul3A_183, %add3A_631 : i32
          %get3A_633 = arith.index_cast %and3A_147 : i32 to index
          %get3A_634 = arith.index_cast %add3A_632 : i32 to index
          %get3A_635 = arith.constant 0 : index
          %get3A_636 = tpu.vector_load %arg9[%get3A_633, %get3A_634, %get3A_635] {strides = array<i32>} : memref<2x128x128xf32, #tpu.memory_space<vmem>>, vector<16xf32>,
          %add3A_637 = arith.constant 4 : i32
          %add3A_638 = arith.addi %mul3A_183, %add3A_637 : i32
          %get3A_639 = arith.index_cast %and3A_147 : i32 to index
          %get3A_640 = arith.index_cast %add3A_638 : i32 to index
          %get3A_641 = arith.constant 16 : index
          %get3A_642 = tpu.vector_load %arg9[%get3A_639, %get3A_640, %get3A_641] {strides = array<i32>} : memref<2x128x128xf32, #tpu.memory_space<vmem>>, vector<16xf32>,
          %add3A_643 = arith.constant 4 : i32
          %add3A_644 = arith.addi %mul3A_183, %add3A_643 : i32
          %get3A_645 = arith.index_cast %and3A_147 : i32 to index
          %get3A_646 = arith.index_cast %add3A_644 : i32 to index
          %get3A_647 = arith.constant 32 : index
          %get3A_648 = tpu.vector_load %arg9[%get3A_645, %get3A_646, %get3A_647] {strides = array<i32>} : memref<2x128x128xf32, #tpu.memory_space<vmem>>, vector<16xf32>,
          %add3A_649 = arith.constant 4 : i32
          %add3A_650 = arith.addi %mul3A_183, %add3A_649 : i32
          %get3A_651 = arith.index_cast %and3A_147 : i32 to index
          %get3A_652 = arith.index_cast %add3A_650 : i32 to index
          %get3A_653 = arith.constant 48 : index
          %get3A_654 = tpu.vector_load %arg9[%get3A_651, %get3A_652, %get3A_653] {strides = array<i32>} : memref<2x128x128xf32, #tpu.memory_space<vmem>>, vector<16xf32>,
          %add3A_655 = arith.constant 4 : i32
          %add3A_656 = arith.addi %mul3A_183, %add3A_655 : i32
          %get3A_657 = arith.index_cast %and3A_147 : i32 to index
          %get3A_658 = arith.index_cast %add3A_656 : i32 to index
          %get3A_659 = arith.constant 64 : index
          %get3A_660 = tpu.vector_load %arg9[%get3A_657, %get3A_658, %get3A_659] {strides = array<i32>} : memref<2x128x128xf32, #tpu.memory_space<vmem>>, vector<16xf32>,
          %add3A_661 = arith.constant 4 : i32
          %add3A_662 = arith.addi %mul3A_183, %add3A_661 : i32
          %get3A_663 = arith.index_cast %and3A_147 : i32 to index
          %get3A_664 = arith.index_cast %add3A_662 : i32 to index
          %get3A_665 = arith.constant 80 : index
          %get3A_666 = tpu.vector_load %arg9[%get3A_663, %get3A_664, %get3A_665] {strides = array<i32>} : memref<2x128x128xf32, #tpu.memory_space<vmem>>, vector<16xf32>,
          %add3A_667 = arith.constant 4 : i32
          %add3A_668 = arith.addi %mul3A_183, %add3A_667 : i32
          %get3A_669 = arith.index_cast %and3A_147 : i32 to index
          %get3A_670 = arith.index_cast %add3A_668 : i32 to index
          %get3A_671 = arith.constant 96 : index
          %get3A_672 = tpu.vector_load %arg9[%get3A_669, %get3A_670, %get3A_671] {strides = array<i32>} : memref<2x128x128xf32, #tpu.memory_space<vmem>>, vector<16xf32>,
          %add3A_673 = arith.constant 4 : i32
          %add3A_674 = arith.addi %mul3A_183, %add3A_673 : i32
          %get3A_675 = arith.index_cast %and3A_147 : i32 to index
          %get3A_676 = arith.index_cast %add3A_674 : i32 to index
          %get3A_677 = arith.constant 112 : index
          %get3A_678 = tpu.vector_load %arg9[%get3A_675, %get3A_676, %get3A_677] {strides = array<i32>} : memref<2x128x128xf32, #tpu.memory_space<vmem>>, vector<16xf32>,
          %max3A_679 = arith.maximumf %get3A_609, %get3A_636 : vector<16xf32>
          %swap3A_680 = arith.index_cast %squeeze3A_606 : i32 to index
          %swap3A_681 = arith.constant 0 : index
          %swap3A_682 = tpu.vector_load %arg5[%swap3A_680, %swap3A_681] {strides = array<i32>} : memref<321x128xf32, #tpu.memory_space<vmem>>, vector<16xf32>,
          tpu.vector_store %arg5[%swap3A_680, %swap3A_681], %max3A_679 {strides = array<i32>} : memref<321x128xf32, #tpu.memory_space<vmem>>, vector<16xf32>,
          %max3A_683 = arith.maximumf %get3A_612, %get3A_642 : vector<16xf32>
          %swap3A_684 = arith.index_cast %squeeze3A_606 : i32 to index
          %swap3A_685 = arith.constant 16 : index
          %swap3A_686 = tpu.vector_load %arg5[%swap3A_684, %swap3A_685] {strides = array<i32>} : memref<321x128xf32, #tpu.memory_space<vmem>>, vector<16xf32>,
          tpu.vector_store %arg5[%swap3A_684, %swap3A_685], %max3A_683 {strides = array<i32>} : memref<321x128xf32, #tpu.memory_space<vmem>>, vector<16xf32>,
          %max3A_687 = arith.maximumf %get3A_615, %get3A_648 : vector<16xf32>
          %swap3A_688 = arith.index_cast %squeeze3A_606 : i32 to index
          %swap3A_689 = arith.constant 32 : index
          %swap3A_690 = tpu.vector_load %arg5[%swap3A_688, %swap3A_689] {strides = array<i32>} : memref<321x128xf32, #tpu.memory_space<vmem>>, vector<16xf32>,
          tpu.vector_store %arg5[%swap3A_688, %swap3A_689], %max3A_687 {strides = array<i32>} : memref<321x128xf32, #tpu.memory_space<vmem>>, vector<16xf32>,
          %max3A_691 = arith.maximumf %get3A_618, %get3A_654 : vector<16xf32>
          %swap3A_692 = arith.index_cast %squeeze3A_606 : i32 to index
          %swap3A_693 = arith.constant 48 : index
          %swap3A_694 = tpu.vector_load %arg5[%swap3A_692, %swap3A_693] {strides = array<i32>} : memref<321x128xf32, #tpu.memory_space<vmem>>, vector<16xf32>,
          tpu.vector_store %arg5[%swap3A_692, %swap3A_693], %max3A_691 {strides = array<i32>} : memref<321x128xf32, #tpu.memory_space<vmem>>, vector<16xf32>,
          %max3A_695 = arith.maximumf %get3A_621, %get3A_660 : vector<16xf32>
          %swap3A_696 = arith.index_cast %squeeze3A_606 : i32 to index
          %swap3A_697 = arith.constant 64 : index
          %swap3A_698 = tpu.vector_load %arg5[%swap3A_696, %swap3A_697] {strides = array<i32>} : memref<321x128xf32, #tpu.memory_space<vmem>>, vector<16xf32>,
          tpu.vector_store %arg5[%swap3A_696, %swap3A_697], %max3A_695 {strides = array<i32>} : memref<321x128xf32, #tpu.memory_space<vmem>>, vector<16xf32>,
          %max3A_699 = arith.maximumf %get3A_624, %get3A_666 : vector<16xf32>
          %swap3A_700 = arith.index_cast %squeeze3A_606 : i32 to index
          %swap3A_701 = arith.constant 80 : index
          %swap3A_702 = tpu.vector_load %arg5[%swap3A_700, %swap3A_701] {strides = array<i32>} : memref<321x128xf32, #tpu.memory_space<vmem>>, vector<16xf32>,
          tpu.vector_store %arg5[%swap3A_700, %swap3A_701], %max3A_699 {strides = array<i32>} : memref<321x128xf32, #tpu.memory_space<vmem>>, vector<16xf32>,
          %max3A_703 = arith.maximumf %get3A_627, %get3A_672 : vector<16xf32>
          %swap3A_704 = arith.index_cast %squeeze3A_606 : i32 to index
          %swap3A_705 = arith.constant 96 : index
          %swap3A_706 = tpu.vector_load %arg5[%swap3A_704, %swap3A_705] {strides = array<i32>} : memref<321x128xf32, #tpu.memory_space<vmem>>, vector<16xf32>,
          tpu.vector_store %arg5[%swap3A_704, %swap3A_705], %max3A_703 {strides = array<i32>} : memref<321x128xf32, #tpu.memory_space<vmem>>, vector<16xf32>,
          %max3A_707 = arith.maximumf %get3A_630, %get3A_678 : vector<16xf32>
          %swap3A_708 = arith.index_cast %squeeze3A_606 : i32 to index
          %swap3A_709 = arith.constant 112 : index
          %swap3A_710 = tpu.vector_load %arg5[%swap3A_708, %swap3A_709] {strides = array<i32>} : memref<321x128xf32, #tpu.memory_space<vmem>>, vector<16xf32>,
          tpu.vector_store %arg5[%swap3A_708, %swap3A_709], %max3A_707 {strides = array<i32>} : memref<321x128xf32, #tpu.memory_space<vmem>>, vector<16xf32>,
          %slice3A_711 = vector.extract_strided_slice %and3A_181 {offsets = [5], sizes = [1], strides = [1]} : vector<16xi32> to vector<1xi32>
          %squeeze3A_712 = vector.extract %slice3A_711[0] : i32 from vector<1xi32>
          %get3A_713 = arith.index_cast %squeeze3A_712 : i32 to index
          %get3A_714 = arith.constant 0 : index
          %get3A_715 = tpu.vector_load %arg5[%get3A_713, %get3A_714] {strides = array<i32>} : memref<321x128xf32, #tpu.memory_space<vmem>>, vector<16xf32>,
          %get3A_716 = arith.index_cast %squeeze3A_712 : i32 to index
          %get3A_717 = arith.constant 16 : index
          %get3A_718 = tpu.vector_load %arg5[%get3A_716, %get3A_717] {strides = array<i32>} : memref<321x128xf32, #tpu.memory_space<vmem>>, vector<16xf32>,
          %get3A_719 = arith.index_cast %squeeze3A_712 : i32 to index
          %get3A_720 = arith.constant 32 : index
          %get3A_721 = tpu.vector_load %arg5[%get3A_719, %get3A_720] {strides = array<i32>} : memref<321x128xf32, #tpu.memory_space<vmem>>, vector<16xf32>,
          %get3A_722 = arith.index_cast %squeeze3A_712 : i32 to index
          %get3A_723 = arith.constant 48 : index
          %get3A_724 = tpu.vector_load %arg5[%get3A_722, %get3A_723] {strides = array<i32>} : memref<321x128xf32, #tpu.memory_space<vmem>>, vector<16xf32>,
          %get3A_725 = arith.index_cast %squeeze3A_712 : i32 to index
          %get3A_726 = arith.constant 64 : index
          %get3A_727 = tpu.vector_load %arg5[%get3A_725, %get3A_726] {strides = array<i32>} : memref<321x128xf32, #tpu.memory_space<vmem>>, vector<16xf32>,
          %get3A_728 = arith.index_cast %squeeze3A_712 : i32 to index
          %get3A_729 = arith.constant 80 : index
          %get3A_730 = tpu.vector_load %arg5[%get3A_728, %get3A_729] {strides = array<i32>} : memref<321x128xf32, #tpu.memory_space<vmem>>, vector<16xf32>,
          %get3A_731 = arith.index_cast %squeeze3A_712 : i32 to index
          %get3A_732 = arith.constant 96 : index
          %get3A_733 = tpu.vector_load %arg5[%get3A_731, %get3A_732] {strides = array<i32>} : memref<321x128xf32, #tpu.memory_space<vmem>>, vector<16xf32>,
          %get3A_734 = arith.index_cast %squeeze3A_712 : i32 to index
          %get3A_735 = arith.constant 112 : index
          %get3A_736 = tpu.vector_load %arg5[%get3A_734, %get3A_735] {strides = array<i32>} : memref<321x128xf32, #tpu.memory_space<vmem>>, vector<16xf32>,
          %add3A_737 = arith.constant 5 : i32
          %add3A_738 = arith.addi %mul3A_183, %add3A_737 : i32
          %get3A_739 = arith.index_cast %and3A_147 : i32 to index
          %get3A_740 = arith.index_cast %add3A_738 : i32 to index
          %get3A_741 = arith.constant 0 : index
          %get3A_742 = tpu.vector_load %arg9[%get3A_739, %get3A_740, %get3A_741] {strides = array<i32>} : memref<2x128x128xf32, #tpu.memory_space<vmem>>, vector<16xf32>,
          %add3A_743 = arith.constant 5 : i32
          %add3A_744 = arith.addi %mul3A_183, %add3A_743 : i32
          %get3A_745 = arith.index_cast %and3A_147 : i32 to index
          %get3A_746 = arith.index_cast %add3A_744 : i32 to index
          %get3A_747 = arith.constant 16 : index
          %get3A_748 = tpu.vector_load %arg9[%get3A_745, %get3A_746, %get3A_747] {strides = array<i32>} : memref<2x128x128xf32, #tpu.memory_space<vmem>>, vector<16xf32>,
          %add3A_749 = arith.constant 5 : i32
          %add3A_750 = arith.addi %mul3A_183, %add3A_749 : i32
          %get3A_751 = arith.index_cast %and3A_147 : i32 to index
          %get3A_752 = arith.index_cast %add3A_750 : i32 to index
          %get3A_753 = arith.constant 32 : index
          %get3A_754 = tpu.vector_load %arg9[%get3A_751, %get3A_752, %get3A_753] {strides = array<i32>} : memref<2x128x128xf32, #tpu.memory_space<vmem>>, vector<16xf32>,
          %add3A_755 = arith.constant 5 : i32
          %add3A_756 = arith.addi %mul3A_183, %add3A_755 : i32
          %get3A_757 = arith.index_cast %and3A_147 : i32 to index
          %get3A_758 = arith.index_cast %add3A_756 : i32 to index
          %get3A_759 = arith.constant 48 : index
          %get3A_760 = tpu.vector_load %arg9[%get3A_757, %get3A_758, %get3A_759] {strides = array<i32>} : memref<2x128x128xf32, #tpu.memory_space<vmem>>, vector<16xf32>,
          %add3A_761 = arith.constant 5 : i32
          %add3A_762 = arith.addi %mul3A_183, %add3A_761 : i32
          %get3A_763 = arith.index_cast %and3A_147 : i32 to index
          %get3A_764 = arith.index_cast %add3A_762 : i32 to index
          %get3A_765 = arith.constant 64 : index
          %get3A_766 = tpu.vector_load %arg9[%get3A_763, %get3A_764, %get3A_765] {strides = array<i32>} : memref<2x128x128xf32, #tpu.memory_space<vmem>>, vector<16xf32>,
          %add3A_767 = arith.constant 5 : i32
          %add3A_768 = arith.addi %mul3A_183, %add3A_767 : i32
          %get3A_769 = arith.index_cast %and3A_147 : i32 to index
          %get3A_770 = arith.index_cast %add3A_768 : i32 to index
          %get3A_771 = arith.constant 80 : index
          %get3A_772 = tpu.vector_load %arg9[%get3A_769, %get3A_770, %get3A_771] {strides = array<i32>} : memref<2x128x128xf32, #tpu.memory_space<vmem>>, vector<16xf32>,
          %add3A_773 = arith.constant 5 : i32
          %add3A_774 = arith.addi %mul3A_183, %add3A_773 : i32
          %get3A_775 = arith.index_cast %and3A_147 : i32 to index
          %get3A_776 = arith.index_cast %add3A_774 : i32 to index
          %get3A_777 = arith.constant 96 : index
          %get3A_778 = tpu.vector_load %arg9[%get3A_775, %get3A_776, %get3A_777] {strides = array<i32>} : memref<2x128x128xf32, #tpu.memory_space<vmem>>, vector<16xf32>,
          %add3A_779 = arith.constant 5 : i32
          %add3A_780 = arith.addi %mul3A_183, %add3A_779 : i32
          %get3A_781 = arith.index_cast %and3A_147 : i32 to index
          %get3A_782 = arith.index_cast %add3A_780 : i32 to index
          %get3A_783 = arith.constant 112 : index
          %get3A_784 = tpu.vector_load %arg9[%get3A_781, %get3A_782, %get3A_783] {strides = array<i32>} : memref<2x128x128xf32, #tpu.memory_space<vmem>>, vector<16xf32>,
          %max3A_785 = arith.maximumf %get3A_715, %get3A_742 : vector<16xf32>
          %swap3A_786 = arith.index_cast %squeeze3A_712 : i32 to index
          %swap3A_787 = arith.constant 0 : index
          %swap3A_788 = tpu.vector_load %arg5[%swap3A_786, %swap3A_787] {strides = array<i32>} : memref<321x128xf32, #tpu.memory_space<vmem>>, vector<16xf32>,
          tpu.vector_store %arg5[%swap3A_786, %swap3A_787], %max3A_785 {strides = array<i32>} : memref<321x128xf32, #tpu.memory_space<vmem>>, vector<16xf32>,
          %max3A_789 = arith.maximumf %get3A_718, %get3A_748 : vector<16xf32>
          %swap3A_790 = arith.index_cast %squeeze3A_712 : i32 to index
          %swap3A_791 = arith.constant 16 : index
          %swap3A_792 = tpu.vector_load %arg5[%swap3A_790, %swap3A_791] {strides = array<i32>} : memref<321x128xf32, #tpu.memory_space<vmem>>, vector<16xf32>,
          tpu.vector_store %arg5[%swap3A_790, %swap3A_791], %max3A_789 {strides = array<i32>} : memref<321x128xf32, #tpu.memory_space<vmem>>, vector<16xf32>,
          %max3A_793 = arith.maximumf %get3A_721, %get3A_754 : vector<16xf32>
          %swap3A_794 = arith.index_cast %squeeze3A_712 : i32 to index
          %swap3A_795 = arith.constant 32 : index
          %swap3A_796 = tpu.vector_load %arg5[%swap3A_794, %swap3A_795] {strides = array<i32>} : memref<321x128xf32, #tpu.memory_space<vmem>>, vector<16xf32>,
          tpu.vector_store %arg5[%swap3A_794, %swap3A_795], %max3A_793 {strides = array<i32>} : memref<321x128xf32, #tpu.memory_space<vmem>>, vector<16xf32>,
          %max3A_797 = arith.maximumf %get3A_724, %get3A_760 : vector<16xf32>
          %swap3A_798 = arith.index_cast %squeeze3A_712 : i32 to index
          %swap3A_799 = arith.constant 48 : index
          %swap3A_800 = tpu.vector_load %arg5[%swap3A_798, %swap3A_799] {strides = array<i32>} : memref<321x128xf32, #tpu.memory_space<vmem>>, vector<16xf32>,
          tpu.vector_store %arg5[%swap3A_798, %swap3A_799], %max3A_797 {strides = array<i32>} : memref<321x128xf32, #tpu.memory_space<vmem>>, vector<16xf32>,
          %max3A_801 = arith.maximumf %get3A_727, %get3A_766 : vector<16xf32>
          %swap3A_802 = arith.index_cast %squeeze3A_712 : i32 to index
          %swap3A_803 = arith.constant 64 : index
          %swap3A_804 = tpu.vector_load %arg5[%swap3A_802, %swap3A_803] {strides = array<i32>} : memref<321x128xf32, #tpu.memory_space<vmem>>, vector<16xf32>,
          tpu.vector_store %arg5[%swap3A_802, %swap3A_803], %max3A_801 {strides = array<i32>} : memref<321x128xf32, #tpu.memory_space<vmem>>, vector<16xf32>,
          %max3A_805 = arith.maximumf %get3A_730, %get3A_772 : vector<16xf32>
          %swap3A_806 = arith.index_cast %squeeze3A_712 : i32 to index
          %swap3A_807 = arith.constant 80 : index
          %swap3A_808 = tpu.vector_load %arg5[%swap3A_806, %swap3A_807] {strides = array<i32>} : memref<321x128xf32, #tpu.memory_space<vmem>>, vector<16xf32>,
          tpu.vector_store %arg5[%swap3A_806, %swap3A_807], %max3A_805 {strides = array<i32>} : memref<321x128xf32, #tpu.memory_space<vmem>>, vector<16xf32>,
          %max3A_809 = arith.maximumf %get3A_733, %get3A_778 : vector<16xf32>
          %swap3A_810 = arith.index_cast %squeeze3A_712 : i32 to index
          %swap3A_811 = arith.constant 96 : index
          %swap3A_812 = tpu.vector_load %arg5[%swap3A_810, %swap3A_811] {strides = array<i32>} : memref<321x128xf32, #tpu.memory_space<vmem>>, vector<16xf32>,
          tpu.vector_store %arg5[%swap3A_810, %swap3A_811], %max3A_809 {strides = array<i32>} : memref<321x128xf32, #tpu.memory_space<vmem>>, vector<16xf32>,
          %max3A_813 = arith.maximumf %get3A_736, %get3A_784 : vector<16xf32>
          %swap3A_814 = arith.index_cast %squeeze3A_712 : i32 to index
          %swap3A_815 = arith.constant 112 : index
          %swap3A_816 = tpu.vector_load %arg5[%swap3A_814, %swap3A_815] {strides = array<i32>} : memref<321x128xf32, #tpu.memory_space<vmem>>, vector<16xf32>,
          tpu.vector_store %arg5[%swap3A_814, %swap3A_815], %max3A_813 {strides = array<i32>} : memref<321x128xf32, #tpu.memory_space<vmem>>, vector<16xf32>,
          %slice3A_817 = vector.extract_strided_slice %and3A_181 {offsets = [6], sizes = [1], strides = [1]} : vector<16xi32> to vector<1xi32>
          %squeeze3A_818 = vector.extract %slice3A_817[0] : i32 from vector<1xi32>
          %get3A_819 = arith.index_cast %squeeze3A_818 : i32 to index
          %get3A_820 = arith.constant 0 : index
          %get3A_821 = tpu.vector_load %arg5[%get3A_819, %get3A_820] {strides = array<i32>} : memref<321x128xf32, #tpu.memory_space<vmem>>, vector<16xf32>,
          %get3A_822 = arith.index_cast %squeeze3A_818 : i32 to index
          %get3A_823 = arith.constant 16 : index
          %get3A_824 = tpu.vector_load %arg5[%get3A_822, %get3A_823] {strides = array<i32>} : memref<321x128xf32, #tpu.memory_space<vmem>>, vector<16xf32>,
          %get3A_825 = arith.index_cast %squeeze3A_818 : i32 to index
          %get3A_826 = arith.constant 32 : index
          %get3A_827 = tpu.vector_load %arg5[%get3A_825, %get3A_826] {strides = array<i32>} : memref<321x128xf32, #tpu.memory_space<vmem>>, vector<16xf32>,
          %get3A_828 = arith.index_cast %squeeze3A_818 : i32 to index
          %get3A_829 = arith.constant 48 : index
          %get3A_830 = tpu.vector_load %arg5[%get3A_828, %get3A_829] {strides = array<i32>} : memref<321x128xf32, #tpu.memory_space<vmem>>, vector<16xf32>,
          %get3A_831 = arith.index_cast %squeeze3A_818 : i32 to index
          %get3A_832 = arith.constant 64 : index
          %get3A_833 = tpu.vector_load %arg5[%get3A_831, %get3A_832] {strides = array<i32>} : memref<321x128xf32, #tpu.memory_space<vmem>>, vector<16xf32>,
          %get3A_834 = arith.index_cast %squeeze3A_818 : i32 to index
          %get3A_835 = arith.constant 80 : index
          %get3A_836 = tpu.vector_load %arg5[%get3A_834, %get3A_835] {strides = array<i32>} : memref<321x128xf32, #tpu.memory_space<vmem>>, vector<16xf32>,
          %get3A_837 = arith.index_cast %squeeze3A_818 : i32 to index
          %get3A_838 = arith.constant 96 : index
          %get3A_839 = tpu.vector_load %arg5[%get3A_837, %get3A_838] {strides = array<i32>} : memref<321x128xf32, #tpu.memory_space<vmem>>, vector<16xf32>,
          %get3A_840 = arith.index_cast %squeeze3A_818 : i32 to index
          %get3A_841 = arith.constant 112 : index
          %get3A_842 = tpu.vector_load %arg5[%get3A_840, %get3A_841] {strides = array<i32>} : memref<321x128xf32, #tpu.memory_space<vmem>>, vector<16xf32>,
          %add3A_843 = arith.constant 6 : i32
          %add3A_844 = arith.addi %mul3A_183, %add3A_843 : i32
          %get3A_845 = arith.index_cast %and3A_147 : i32 to index
          %get3A_846 = arith.index_cast %add3A_844 : i32 to index
          %get3A_847 = arith.constant 0 : index
          %get3A_848 = tpu.vector_load %arg9[%get3A_845, %get3A_846, %get3A_847] {strides = array<i32>} : memref<2x128x128xf32, #tpu.memory_space<vmem>>, vector<16xf32>,
          %add3A_849 = arith.constant 6 : i32
          %add3A_850 = arith.addi %mul3A_183, %add3A_849 : i32
          %get3A_851 = arith.index_cast %and3A_147 : i32 to index
          %get3A_852 = arith.index_cast %add3A_850 : i32 to index
          %get3A_853 = arith.constant 16 : index
          %get3A_854 = tpu.vector_load %arg9[%get3A_851, %get3A_852, %get3A_853] {strides = array<i32>} : memref<2x128x128xf32, #tpu.memory_space<vmem>>, vector<16xf32>,
          %add3A_855 = arith.constant 6 : i32
          %add3A_856 = arith.addi %mul3A_183, %add3A_855 : i32
          %get3A_857 = arith.index_cast %and3A_147 : i32 to index
          %get3A_858 = arith.index_cast %add3A_856 : i32 to index
          %get3A_859 = arith.constant 32 : index
          %get3A_860 = tpu.vector_load %arg9[%get3A_857, %get3A_858, %get3A_859] {strides = array<i32>} : memref<2x128x128xf32, #tpu.memory_space<vmem>>, vector<16xf32>,
          %add3A_861 = arith.constant 6 : i32
          %add3A_862 = arith.addi %mul3A_183, %add3A_861 : i32
          %get3A_863 = arith.index_cast %and3A_147 : i32 to index
          %get3A_864 = arith.index_cast %add3A_862 : i32 to index
          %get3A_865 = arith.constant 48 : index
          %get3A_866 = tpu.vector_load %arg9[%get3A_863, %get3A_864, %get3A_865] {strides = array<i32>} : memref<2x128x128xf32, #tpu.memory_space<vmem>>, vector<16xf32>,
          %add3A_867 = arith.constant 6 : i32
          %add3A_868 = arith.addi %mul3A_183, %add3A_867 : i32
          %get3A_869 = arith.index_cast %and3A_147 : i32 to index
          %get3A_870 = arith.index_cast %add3A_868 : i32 to index
          %get3A_871 = arith.constant 64 : index
          %get3A_872 = tpu.vector_load %arg9[%get3A_869, %get3A_870, %get3A_871] {strides = array<i32>} : memref<2x128x128xf32, #tpu.memory_space<vmem>>, vector<16xf32>,
          %add3A_873 = arith.constant 6 : i32
          %add3A_874 = arith.addi %mul3A_183, %add3A_873 : i32
          %get3A_875 = arith.index_cast %and3A_147 : i32 to index
          %get3A_876 = arith.index_cast %add3A_874 : i32 to index
          %get3A_877 = arith.constant 80 : index
          %get3A_878 = tpu.vector_load %arg9[%get3A_875, %get3A_876, %get3A_877] {strides = array<i32>} : memref<2x128x128xf32, #tpu.memory_space<vmem>>, vector<16xf32>,
          %add3A_879 = arith.constant 6 : i32
          %add3A_880 = arith.addi %mul3A_183, %add3A_879 : i32
          %get3A_881 = arith.index_cast %and3A_147 : i32 to index
          %get3A_882 = arith.index_cast %add3A_880 : i32 to index
          %get3A_883 = arith.constant 96 : index
          %get3A_884 = tpu.vector_load %arg9[%get3A_881, %get3A_882, %get3A_883] {strides = array<i32>} : memref<2x128x128xf32, #tpu.memory_space<vmem>>, vector<16xf32>,
          %add3A_885 = arith.constant 6 : i32
          %add3A_886 = arith.addi %mul3A_183, %add3A_885 : i32
          %get3A_887 = arith.index_cast %and3A_147 : i32 to index
          %get3A_888 = arith.index_cast %add3A_886 : i32 to index
          %get3A_889 = arith.constant 112 : index
          %get3A_890 = tpu.vector_load %arg9[%get3A_887, %get3A_888, %get3A_889] {strides = array<i32>} : memref<2x128x128xf32, #tpu.memory_space<vmem>>, vector<16xf32>,
          %max3A_891 = arith.maximumf %get3A_821, %get3A_848 : vector<16xf32>
          %swap3A_892 = arith.index_cast %squeeze3A_818 : i32 to index
          %swap3A_893 = arith.constant 0 : index
          %swap3A_894 = tpu.vector_load %arg5[%swap3A_892, %swap3A_893] {strides = array<i32>} : memref<321x128xf32, #tpu.memory_space<vmem>>, vector<16xf32>,
          tpu.vector_store %arg5[%swap3A_892, %swap3A_893], %max3A_891 {strides = array<i32>} : memref<321x128xf32, #tpu.memory_space<vmem>>, vector<16xf32>,
          %max3A_895 = arith.maximumf %get3A_824, %get3A_854 : vector<16xf32>
          %swap3A_896 = arith.index_cast %squeeze3A_818 : i32 to index
          %swap3A_897 = arith.constant 16 : index
          %swap3A_898 = tpu.vector_load %arg5[%swap3A_896, %swap3A_897] {strides = array<i32>} : memref<321x128xf32, #tpu.memory_space<vmem>>, vector<16xf32>,
          tpu.vector_store %arg5[%swap3A_896, %swap3A_897], %max3A_895 {strides = array<i32>} : memref<321x128xf32, #tpu.memory_space<vmem>>, vector<16xf32>,
          %max3A_899 = arith.maximumf %get3A_827, %get3A_860 : vector<16xf32>
          %swap3A_900 = arith.index_cast %squeeze3A_818 : i32 to index
          %swap3A_901 = arith.constant 32 : index
          %swap3A_902 = tpu.vector_load %arg5[%swap3A_900, %swap3A_901] {strides = array<i32>} : memref<321x128xf32, #tpu.memory_space<vmem>>, vector<16xf32>,
          tpu.vector_store %arg5[%swap3A_900, %swap3A_901], %max3A_899 {strides = array<i32>} : memref<321x128xf32, #tpu.memory_space<vmem>>, vector<16xf32>,
          %max3A_903 = arith.maximumf %get3A_830, %get3A_866 : vector<16xf32>
          %swap3A_904 = arith.index_cast %squeeze3A_818 : i32 to index
          %swap3A_905 = arith.constant 48 : index
          %swap3A_906 = tpu.vector_load %arg5[%swap3A_904, %swap3A_905] {strides = array<i32>} : memref<321x128xf32, #tpu.memory_space<vmem>>, vector<16xf32>,
          tpu.vector_store %arg5[%swap3A_904, %swap3A_905], %max3A_903 {strides = array<i32>} : memref<321x128xf32, #tpu.memory_space<vmem>>, vector<16xf32>,
          %max3A_907 = arith.maximumf %get3A_833, %get3A_872 : vector<16xf32>
          %swap3A_908 = arith.index_cast %squeeze3A_818 : i32 to index
          %swap3A_909 = arith.constant 64 : index
          %swap3A_910 = tpu.vector_load %arg5[%swap3A_908, %swap3A_909] {strides = array<i32>} : memref<321x128xf32, #tpu.memory_space<vmem>>, vector<16xf32>,
          tpu.vector_store %arg5[%swap3A_908, %swap3A_909], %max3A_907 {strides = array<i32>} : memref<321x128xf32, #tpu.memory_space<vmem>>, vector<16xf32>,
          %max3A_911 = arith.maximumf %get3A_836, %get3A_878 : vector<16xf32>
          %swap3A_912 = arith.index_cast %squeeze3A_818 : i32 to index
          %swap3A_913 = arith.constant 80 : index
          %swap3A_914 = tpu.vector_load %arg5[%swap3A_912, %swap3A_913] {strides = array<i32>} : memref<321x128xf32, #tpu.memory_space<vmem>>, vector<16xf32>,
          tpu.vector_store %arg5[%swap3A_912, %swap3A_913], %max3A_911 {strides = array<i32>} : memref<321x128xf32, #tpu.memory_space<vmem>>, vector<16xf32>,
          %max3A_915 = arith.maximumf %get3A_839, %get3A_884 : vector<16xf32>
          %swap3A_916 = arith.index_cast %squeeze3A_818 : i32 to index
          %swap3A_917 = arith.constant 96 : index
          %swap3A_918 = tpu.vector_load %arg5[%swap3A_916, %swap3A_917] {strides = array<i32>} : memref<321x128xf32, #tpu.memory_space<vmem>>, vector<16xf32>,
          tpu.vector_store %arg5[%swap3A_916, %swap3A_917], %max3A_915 {strides = array<i32>} : memref<321x128xf32, #tpu.memory_space<vmem>>, vector<16xf32>,
          %max3A_919 = arith.maximumf %get3A_842, %get3A_890 : vector<16xf32>
          %swap3A_920 = arith.index_cast %squeeze3A_818 : i32 to index
          %swap3A_921 = arith.constant 112 : index
          %swap3A_922 = tpu.vector_load %arg5[%swap3A_920, %swap3A_921] {strides = array<i32>} : memref<321x128xf32, #tpu.memory_space<vmem>>, vector<16xf32>,
          tpu.vector_store %arg5[%swap3A_920, %swap3A_921], %max3A_919 {strides = array<i32>} : memref<321x128xf32, #tpu.memory_space<vmem>>, vector<16xf32>,
          %slice3A_923 = vector.extract_strided_slice %and3A_181 {offsets = [7], sizes = [1], strides = [1]} : vector<16xi32> to vector<1xi32>
          %squeeze3A_924 = vector.extract %slice3A_923[0] : i32 from vector<1xi32>
          %get3A_925 = arith.index_cast %squeeze3A_924 : i32 to index
          %get3A_926 = arith.constant 0 : index
          %get3A_927 = tpu.vector_load %arg5[%get3A_925, %get3A_926] {strides = array<i32>} : memref<321x128xf32, #tpu.memory_space<vmem>>, vector<16xf32>,
          %get3A_928 = arith.index_cast %squeeze3A_924 : i32 to index
          %get3A_929 = arith.constant 16 : index
          %get3A_930 = tpu.vector_load %arg5[%get3A_928, %get3A_929] {strides = array<i32>} : memref<321x128xf32, #tpu.memory_space<vmem>>, vector<16xf32>,
          %get3A_931 = arith.index_cast %squeeze3A_924 : i32 to index
          %get3A_932 = arith.constant 32 : index
          %get3A_933 = tpu.vector_load %arg5[%get3A_931, %get3A_932] {strides = array<i32>} : memref<321x128xf32, #tpu.memory_space<vmem>>, vector<16xf32>,
          %get3A_934 = arith.index_cast %squeeze3A_924 : i32 to index
          %get3A_935 = arith.constant 48 : index
          %get3A_936 = tpu.vector_load %arg5[%get3A_934, %get3A_935] {strides = array<i32>} : memref<321x128xf32, #tpu.memory_space<vmem>>, vector<16xf32>,
          %get3A_937 = arith.index_cast %squeeze3A_924 : i32 to index
          %get3A_938 = arith.constant 64 : index
          %get3A_939 = tpu.vector_load %arg5[%get3A_937, %get3A_938] {strides = array<i32>} : memref<321x128xf32, #tpu.memory_space<vmem>>, vector<16xf32>,
          %get3A_940 = arith.index_cast %squeeze3A_924 : i32 to index
          %get3A_941 = arith.constant 80 : index
          %get3A_942 = tpu.vector_load %arg5[%get3A_940, %get3A_941] {strides = array<i32>} : memref<321x128xf32, #tpu.memory_space<vmem>>, vector<16xf32>,
          %get3A_943 = arith.index_cast %squeeze3A_924 : i32 to index
          %get3A_944 = arith.constant 96 : index
          %get3A_945 = tpu.vector_load %arg5[%get3A_943, %get3A_944] {strides = array<i32>} : memref<321x128xf32, #tpu.memory_space<vmem>>, vector<16xf32>,
          %get3A_946 = arith.index_cast %squeeze3A_924 : i32 to index
          %get3A_947 = arith.constant 112 : index
          %get3A_948 = tpu.vector_load %arg5[%get3A_946, %get3A_947] {strides = array<i32>} : memref<321x128xf32, #tpu.memory_space<vmem>>, vector<16xf32>,
          %add3A_949 = arith.constant 7 : i32
          %add3A_950 = arith.addi %mul3A_183, %add3A_949 : i32
          %get3A_951 = arith.index_cast %and3A_147 : i32 to index
          %get3A_952 = arith.index_cast %add3A_950 : i32 to index
          %get3A_953 = arith.constant 0 : index
          %get3A_954 = tpu.vector_load %arg9[%get3A_951, %get3A_952, %get3A_953] {strides = array<i32>} : memref<2x128x128xf32, #tpu.memory_space<vmem>>, vector<16xf32>,
          %add3A_955 = arith.constant 7 : i32
          %add3A_956 = arith.addi %mul3A_183, %add3A_955 : i32
          %get3A_957 = arith.index_cast %and3A_147 : i32 to index
          %get3A_958 = arith.index_cast %add3A_956 : i32 to index
          %get3A_959 = arith.constant 16 : index
          %get3A_960 = tpu.vector_load %arg9[%get3A_957, %get3A_958, %get3A_959] {strides = array<i32>} : memref<2x128x128xf32, #tpu.memory_space<vmem>>, vector<16xf32>,
          %add3A_961 = arith.constant 7 : i32
          %add3A_962 = arith.addi %mul3A_183, %add3A_961 : i32
          %get3A_963 = arith.index_cast %and3A_147 : i32 to index
          %get3A_964 = arith.index_cast %add3A_962 : i32 to index
          %get3A_965 = arith.constant 32 : index
          %get3A_966 = tpu.vector_load %arg9[%get3A_963, %get3A_964, %get3A_965] {strides = array<i32>} : memref<2x128x128xf32, #tpu.memory_space<vmem>>, vector<16xf32>,
          %add3A_967 = arith.constant 7 : i32
          %add3A_968 = arith.addi %mul3A_183, %add3A_967 : i32
          %get3A_969 = arith.index_cast %and3A_147 : i32 to index
          %get3A_970 = arith.index_cast %add3A_968 : i32 to index
          %get3A_971 = arith.constant 48 : index
          %get3A_972 = tpu.vector_load %arg9[%get3A_969, %get3A_970, %get3A_971] {strides = array<i32>} : memref<2x128x128xf32, #tpu.memory_space<vmem>>, vector<16xf32>,
          %add3A_973 = arith.constant 7 : i32
          %add3A_974 = arith.addi %mul3A_183, %add3A_973 : i32
          %get3A_975 = arith.index_cast %and3A_147 : i32 to index
          %get3A_976 = arith.index_cast %add3A_974 : i32 to index
          %get3A_977 = arith.constant 64 : index
          %get3A_978 = tpu.vector_load %arg9[%get3A_975, %get3A_976, %get3A_977] {strides = array<i32>} : memref<2x128x128xf32, #tpu.memory_space<vmem>>, vector<16xf32>,
          %add3A_979 = arith.constant 7 : i32
          %add3A_980 = arith.addi %mul3A_183, %add3A_979 : i32
          %get3A_981 = arith.index_cast %and3A_147 : i32 to index
          %get3A_982 = arith.index_cast %add3A_980 : i32 to index
          %get3A_983 = arith.constant 80 : index
          %get3A_984 = tpu.vector_load %arg9[%get3A_981, %get3A_982, %get3A_983] {strides = array<i32>} : memref<2x128x128xf32, #tpu.memory_space<vmem>>, vector<16xf32>,
          %add3A_985 = arith.constant 7 : i32
          %add3A_986 = arith.addi %mul3A_183, %add3A_985 : i32
          %get3A_987 = arith.index_cast %and3A_147 : i32 to index
          %get3A_988 = arith.index_cast %add3A_986 : i32 to index
          %get3A_989 = arith.constant 96 : index
          %get3A_990 = tpu.vector_load %arg9[%get3A_987, %get3A_988, %get3A_989] {strides = array<i32>} : memref<2x128x128xf32, #tpu.memory_space<vmem>>, vector<16xf32>,
          %add3A_991 = arith.constant 7 : i32
          %add3A_992 = arith.addi %mul3A_183, %add3A_991 : i32
          %get3A_993 = arith.index_cast %and3A_147 : i32 to index
          %get3A_994 = arith.index_cast %add3A_992 : i32 to index
          %get3A_995 = arith.constant 112 : index
          %get3A_996 = tpu.vector_load %arg9[%get3A_993, %get3A_994, %get3A_995] {strides = array<i32>} : memref<2x128x128xf32, #tpu.memory_space<vmem>>, vector<16xf32>,
          %max3A_997 = arith.maximumf %get3A_927, %get3A_954 : vector<16xf32>
          %swap3A_998 = arith.index_cast %squeeze3A_924 : i32 to index
          %swap3A_999 = arith.constant 0 : index
          %swap3A_1000 = tpu.vector_load %arg5[%swap3A_998, %swap3A_999] {strides = array<i32>} : memref<321x128xf32, #tpu.memory_space<vmem>>, vector<16xf32>,
          tpu.vector_store %arg5[%swap3A_998, %swap3A_999], %max3A_997 {strides = array<i32>} : memref<321x128xf32, #tpu.memory_space<vmem>>, vector<16xf32>,
          %max3A_1001 = arith.maximumf %get3A_930, %get3A_960 : vector<16xf32>
          %swap3A_1002 = arith.index_cast %squeeze3A_924 : i32 to index
          %swap3A_1003 = arith.constant 16 : index
          %swap3A_1004 = tpu.vector_load %arg5[%swap3A_1002, %swap3A_1003] {strides = array<i32>} : memref<321x128xf32, #tpu.memory_space<vmem>>, vector<16xf32>,
          tpu.vector_store %arg5[%swap3A_1002, %swap3A_1003], %max3A_1001 {strides = array<i32>} : memref<321x128xf32, #tpu.memory_space<vmem>>, vector<16xf32>,
          %max3A_1005 = arith.maximumf %get3A_933, %get3A_966 : vector<16xf32>
          %swap3A_1006 = arith.index_cast %squeeze3A_924 : i32 to index
          %swap3A_1007 = arith.constant 32 : index
          %swap3A_1008 = tpu.vector_load %arg5[%swap3A_1006, %swap3A_1007] {strides = array<i32>} : memref<321x128xf32, #tpu.memory_space<vmem>>, vector<16xf32>,
          tpu.vector_store %arg5[%swap3A_1006, %swap3A_1007], %max3A_1005 {strides = array<i32>} : memref<321x128xf32, #tpu.memory_space<vmem>>, vector<16xf32>,
          %max3A_1009 = arith.maximumf %get3A_936, %get3A_972 : vector<16xf32>
          %swap3A_1010 = arith.index_cast %squeeze3A_924 : i32 to index
          %swap3A_1011 = arith.constant 48 : index
          %swap3A_1012 = tpu.vector_load %arg5[%swap3A_1010, %swap3A_1011] {strides = array<i32>} : memref<321x128xf32, #tpu.memory_space<vmem>>, vector<16xf32>,
          tpu.vector_store %arg5[%swap3A_1010, %swap3A_1011], %max3A_1009 {strides = array<i32>} : memref<321x128xf32, #tpu.memory_space<vmem>>, vector<16xf32>,
          %max3A_1013 = arith.maximumf %get3A_939, %get3A_978 : vector<16xf32>
          %swap3A_1014 = arith.index_cast %squeeze3A_924 : i32 to index
          %swap3A_1015 = arith.constant 64 : index
          %swap3A_1016 = tpu.vector_load %arg5[%swap3A_1014, %swap3A_1015] {strides = array<i32>} : memref<321x128xf32, #tpu.memory_space<vmem>>, vector<16xf32>,
          tpu.vector_store %arg5[%swap3A_1014, %swap3A_1015], %max3A_1013 {strides = array<i32>} : memref<321x128xf32, #tpu.memory_space<vmem>>, vector<16xf32>,
          %max3A_1017 = arith.maximumf %get3A_942, %get3A_984 : vector<16xf32>
          %swap3A_1018 = arith.index_cast %squeeze3A_924 : i32 to index
          %swap3A_1019 = arith.constant 80 : index
          %swap3A_1020 = tpu.vector_load %arg5[%swap3A_1018, %swap3A_1019] {strides = array<i32>} : memref<321x128xf32, #tpu.memory_space<vmem>>, vector<16xf32>,
          tpu.vector_store %arg5[%swap3A_1018, %swap3A_1019], %max3A_1017 {strides = array<i32>} : memref<321x128xf32, #tpu.memory_space<vmem>>, vector<16xf32>,
          %max3A_1021 = arith.maximumf %get3A_945, %get3A_990 : vector<16xf32>
          %swap3A_1022 = arith.index_cast %squeeze3A_924 : i32 to index
          %swap3A_1023 = arith.constant 96 : index
          %swap3A_1024 = tpu.vector_load %arg5[%swap3A_1022, %swap3A_1023] {strides = array<i32>} : memref<321x128xf32, #tpu.memory_space<vmem>>, vector<16xf32>,
          tpu.vector_store %arg5[%swap3A_1022, %swap3A_1023], %max3A_1021 {strides = array<i32>} : memref<321x128xf32, #tpu.memory_space<vmem>>, vector<16xf32>,
          %max3A_1025 = arith.maximumf %get3A_948, %get3A_996 : vector<16xf32>
          %swap3A_1026 = arith.index_cast %squeeze3A_924 : i32 to index
          %swap3A_1027 = arith.constant 112 : index
          %swap3A_1028 = tpu.vector_load %arg5[%swap3A_1026, %swap3A_1027] {strides = array<i32>} : memref<321x128xf32, #tpu.memory_space<vmem>>, vector<16xf32>,
          tpu.vector_store %arg5[%swap3A_1026, %swap3A_1027], %max3A_1025 {strides = array<i32>} : memref<321x128xf32, #tpu.memory_space<vmem>>, vector<16xf32>,
          %slice3A_1029 = vector.extract_strided_slice %and3A_181 {offsets = [8], sizes = [1], strides = [1]} : vector<16xi32> to vector<1xi32>
          %squeeze3A_1030 = vector.extract %slice3A_1029[0] : i32 from vector<1xi32>
          %get3A_1031 = arith.index_cast %squeeze3A_1030 : i32 to index
          %get3A_1032 = arith.constant 0 : index
          %get3A_1033 = tpu.vector_load %arg5[%get3A_1031, %get3A_1032] {strides = array<i32>} : memref<321x128xf32, #tpu.memory_space<vmem>>, vector<16xf32>,
          %get3A_1034 = arith.index_cast %squeeze3A_1030 : i32 to index
          %get3A_1035 = arith.constant 16 : index
          %get3A_1036 = tpu.vector_load %arg5[%get3A_1034, %get3A_1035] {strides = array<i32>} : memref<321x128xf32, #tpu.memory_space<vmem>>, vector<16xf32>,
          %get3A_1037 = arith.index_cast %squeeze3A_1030 : i32 to index
          %get3A_1038 = arith.constant 32 : index
          %get3A_1039 = tpu.vector_load %arg5[%get3A_1037, %get3A_1038] {strides = array<i32>} : memref<321x128xf32, #tpu.memory_space<vmem>>, vector<16xf32>,
          %get3A_1040 = arith.index_cast %squeeze3A_1030 : i32 to index
          %get3A_1041 = arith.constant 48 : index
          %get3A_1042 = tpu.vector_load %arg5[%get3A_1040, %get3A_1041] {strides = array<i32>} : memref<321x128xf32, #tpu.memory_space<vmem>>, vector<16xf32>,
          %get3A_1043 = arith.index_cast %squeeze3A_1030 : i32 to index
          %get3A_1044 = arith.constant 64 : index
          %get3A_1045 = tpu.vector_load %arg5[%get3A_1043, %get3A_1044] {strides = array<i32>} : memref<321x128xf32, #tpu.memory_space<vmem>>, vector<16xf32>,
          %get3A_1046 = arith.index_cast %squeeze3A_1030 : i32 to index
          %get3A_1047 = arith.constant 80 : index
          %get3A_1048 = tpu.vector_load %arg5[%get3A_1046, %get3A_1047] {strides = array<i32>} : memref<321x128xf32, #tpu.memory_space<vmem>>, vector<16xf32>,
          %get3A_1049 = arith.index_cast %squeeze3A_1030 : i32 to index
          %get3A_1050 = arith.constant 96 : index
          %get3A_1051 = tpu.vector_load %arg5[%get3A_1049, %get3A_1050] {strides = array<i32>} : memref<321x128xf32, #tpu.memory_space<vmem>>, vector<16xf32>,
          %get3A_1052 = arith.index_cast %squeeze3A_1030 : i32 to index
          %get3A_1053 = arith.constant 112 : index
          %get3A_1054 = tpu.vector_load %arg5[%get3A_1052, %get3A_1053] {strides = array<i32>} : memref<321x128xf32, #tpu.memory_space<vmem>>, vector<16xf32>,
          %add3A_1055 = arith.constant 8 : i32
          %add3A_1056 = arith.addi %mul3A_183, %add3A_1055 : i32
          %get3A_1057 = arith.index_cast %and3A_147 : i32 to index
          %get3A_1058 = arith.index_cast %add3A_1056 : i32 to index
          %get3A_1059 = arith.constant 0 : index
          %get3A_1060 = tpu.vector_load %arg9[%get3A_1057, %get3A_1058, %get3A_1059] {strides = array<i32>} : memref<2x128x128xf32, #tpu.memory_space<vmem>>, vector<16xf32>,
          %add3A_1061 = arith.constant 8 : i32
          %add3A_1062 = arith.addi %mul3A_183, %add3A_1061 : i32
          %get3A_1063 = arith.index_cast %and3A_147 : i32 to index
          %get3A_1064 = arith.index_cast %add3A_1062 : i32 to index
          %get3A_1065 = arith.constant 16 : index
          %get3A_1066 = tpu.vector_load %arg9[%get3A_1063, %get3A_1064, %get3A_1065] {strides = array<i32>} : memref<2x128x128xf32, #tpu.memory_space<vmem>>, vector<16xf32>,
          %add3A_1067 = arith.constant 8 : i32
          %add3A_1068 = arith.addi %mul3A_183, %add3A_1067 : i32
          %get3A_1069 = arith.index_cast %and3A_147 : i32 to index
          %get3A_1070 = arith.index_cast %add3A_1068 : i32 to index
          %get3A_1071 = arith.constant 32 : index
          %get3A_1072 = tpu.vector_load %arg9[%get3A_1069, %get3A_1070, %get3A_1071] {strides = array<i32>} : memref<2x128x128xf32, #tpu.memory_space<vmem>>, vector<16xf32>,
          %add3A_1073 = arith.constant 8 : i32
          %add3A_1074 = arith.addi %mul3A_183, %add3A_1073 : i32
          %get3A_1075 = arith.index_cast %and3A_147 : i32 to index
          %get3A_1076 = arith.index_cast %add3A_1074 : i32 to index
          %get3A_1077 = arith.constant 48 : index
          %get3A_1078 = tpu.vector_load %arg9[%get3A_1075, %get3A_1076, %get3A_1077] {strides = array<i32>} : memref<2x128x128xf32, #tpu.memory_space<vmem>>, vector<16xf32>,
          %add3A_1079 = arith.constant 8 : i32
          %add3A_1080 = arith.addi %mul3A_183, %add3A_1079 : i32
          %get3A_1081 = arith.index_cast %and3A_147 : i32 to index
          %get3A_1082 = arith.index_cast %add3A_1080 : i32 to index
          %get3A_1083 = arith.constant 64 : index
          %get3A_1084 = tpu.vector_load %arg9[%get3A_1081, %get3A_1082, %get3A_1083] {strides = array<i32>} : memref<2x128x128xf32, #tpu.memory_space<vmem>>, vector<16xf32>,
          %add3A_1085 = arith.constant 8 : i32
          %add3A_1086 = arith.addi %mul3A_183, %add3A_1085 : i32
          %get3A_1087 = arith.index_cast %and3A_147 : i32 to index
          %get3A_1088 = arith.index_cast %add3A_1086 : i32 to index
          %get3A_1089 = arith.constant 80 : index
          %get3A_1090 = tpu.vector_load %arg9[%get3A_1087, %get3A_1088, %get3A_1089] {strides = array<i32>} : memref<2x128x128xf32, #tpu.memory_space<vmem>>, vector<16xf32>,
          %add3A_1091 = arith.constant 8 : i32
          %add3A_1092 = arith.addi %mul3A_183, %add3A_1091 : i32
          %get3A_1093 = arith.index_cast %and3A_147 : i32 to index
          %get3A_1094 = arith.index_cast %add3A_1092 : i32 to index
          %get3A_1095 = arith.constant 96 : index
          %get3A_1096 = tpu.vector_load %arg9[%get3A_1093, %get3A_1094, %get3A_1095] {strides = array<i32>} : memref<2x128x128xf32, #tpu.memory_space<vmem>>, vector<16xf32>,
          %add3A_1097 = arith.constant 8 : i32
          %add3A_1098 = arith.addi %mul3A_183, %add3A_1097 : i32
          %get3A_1099 = arith.index_cast %and3A_147 : i32 to index
          %get3A_1100 = arith.index_cast %add3A_1098 : i32 to index
          %get3A_1101 = arith.constant 112 : index
          %get3A_1102 = tpu.vector_load %arg9[%get3A_1099, %get3A_1100, %get3A_1101] {strides = array<i32>} : memref<2x128x128xf32, #tpu.memory_space<vmem>>, vector<16xf32>,
          %max3A_1103 = arith.maximumf %get3A_1033, %get3A_1060 : vector<16xf32>
          %swap3A_1104 = arith.index_cast %squeeze3A_1030 : i32 to index
          %swap3A_1105 = arith.constant 0 : index
          %swap3A_1106 = tpu.vector_load %arg5[%swap3A_1104, %swap3A_1105] {strides = array<i32>} : memref<321x128xf32, #tpu.memory_space<vmem>>, vector<16xf32>,
          tpu.vector_store %arg5[%swap3A_1104, %swap3A_1105], %max3A_1103 {strides = array<i32>} : memref<321x128xf32, #tpu.memory_space<vmem>>, vector<16xf32>,
          %max3A_1107 = arith.maximumf %get3A_1036, %get3A_1066 : vector<16xf32>
          %swap3A_1108 = arith.index_cast %squeeze3A_1030 : i32 to index
          %swap3A_1109 = arith.constant 16 : index
          %swap3A_1110 = tpu.vector_load %arg5[%swap3A_1108, %swap3A_1109] {strides = array<i32>} : memref<321x128xf32, #tpu.memory_space<vmem>>, vector<16xf32>,
          tpu.vector_store %arg5[%swap3A_1108, %swap3A_1109], %max3A_1107 {strides = array<i32>} : memref<321x128xf32, #tpu.memory_space<vmem>>, vector<16xf32>,
          %max3A_1111 = arith.maximumf %get3A_1039, %get3A_1072 : vector<16xf32>
          %swap3A_1112 = arith.index_cast %squeeze3A_1030 : i32 to index
          %swap3A_1113 = arith.constant 32 : index
          %swap3A_1114 = tpu.vector_load %arg5[%swap3A_1112, %swap3A_1113] {strides = array<i32>} : memref<321x128xf32, #tpu.memory_space<vmem>>, vector<16xf32>,
          tpu.vector_store %arg5[%swap3A_1112, %swap3A_1113], %max3A_1111 {strides = array<i32>} : memref<321x128xf32, #tpu.memory_space<vmem>>, vector<16xf32>,
          %max3A_1115 = arith.maximumf %get3A_1042, %get3A_1078 : vector<16xf32>
          %swap3A_1116 = arith.index_cast %squeeze3A_1030 : i32 to index
          %swap3A_1117 = arith.constant 48 : index
          %swap3A_1118 = tpu.vector_load %arg5[%swap3A_1116, %swap3A_1117] {strides = array<i32>} : memref<321x128xf32, #tpu.memory_space<vmem>>, vector<16xf32>,
          tpu.vector_store %arg5[%swap3A_1116, %swap3A_1117], %max3A_1115 {strides = array<i32>} : memref<321x128xf32, #tpu.memory_space<vmem>>, vector<16xf32>,
          %max3A_1119 = arith.maximumf %get3A_1045, %get3A_1084 : vector<16xf32>
          %swap3A_1120 = arith.index_cast %squeeze3A_1030 : i32 to index
          %swap3A_1121 = arith.constant 64 : index
          %swap3A_1122 = tpu.vector_load %arg5[%swap3A_1120, %swap3A_1121] {strides = array<i32>} : memref<321x128xf32, #tpu.memory_space<vmem>>, vector<16xf32>,
          tpu.vector_store %arg5[%swap3A_1120, %swap3A_1121], %max3A_1119 {strides = array<i32>} : memref<321x128xf32, #tpu.memory_space<vmem>>, vector<16xf32>,
          %max3A_1123 = arith.maximumf %get3A_1048, %get3A_1090 : vector<16xf32>
          %swap3A_1124 = arith.index_cast %squeeze3A_1030 : i32 to index
          %swap3A_1125 = arith.constant 80 : index
          %swap3A_1126 = tpu.vector_load %arg5[%swap3A_1124, %swap3A_1125] {strides = array<i32>} : memref<321x128xf32, #tpu.memory_space<vmem>>, vector<16xf32>,
          tpu.vector_store %arg5[%swap3A_1124, %swap3A_1125], %max3A_1123 {strides = array<i32>} : memref<321x128xf32, #tpu.memory_space<vmem>>, vector<16xf32>,
          %max3A_1127 = arith.maximumf %get3A_1051, %get3A_1096 : vector<16xf32>
          %swap3A_1128 = arith.index_cast %squeeze3A_1030 : i32 to index
          %swap3A_1129 = arith.constant 96 : index
          %swap3A_1130 = tpu.vector_load %arg5[%swap3A_1128, %swap3A_1129] {strides = array<i32>} : memref<321x128xf32, #tpu.memory_space<vmem>>, vector<16xf32>,
          tpu.vector_store %arg5[%swap3A_1128, %swap3A_1129], %max3A_1127 {strides = array<i32>} : memref<321x128xf32, #tpu.memory_space<vmem>>, vector<16xf32>,
          %max3A_1131 = arith.maximumf %get3A_1054, %get3A_1102 : vector<16xf32>
          %swap3A_1132 = arith.index_cast %squeeze3A_1030 : i32 to index
          %swap3A_1133 = arith.constant 112 : index
          %swap3A_1134 = tpu.vector_load %arg5[%swap3A_1132, %swap3A_1133] {strides = array<i32>} : memref<321x128xf32, #tpu.memory_space<vmem>>, vector<16xf32>,
          tpu.vector_store %arg5[%swap3A_1132, %swap3A_1133], %max3A_1131 {strides = array<i32>} : memref<321x128xf32, #tpu.memory_space<vmem>>, vector<16xf32>,
          %slice3A_1135 = vector.extract_strided_slice %and3A_181 {offsets = [9], sizes = [1], strides = [1]} : vector<16xi32> to vector<1xi32>
          %squeeze3A_1136 = vector.extract %slice3A_1135[0] : i32 from vector<1xi32>
          %get3A_1137 = arith.index_cast %squeeze3A_1136 : i32 to index
          %get3A_1138 = arith.constant 0 : index
          %get3A_1139 = tpu.vector_load %arg5[%get3A_1137, %get3A_1138] {strides = array<i32>} : memref<321x128xf32, #tpu.memory_space<vmem>>, vector<16xf32>,
          %get3A_1140 = arith.index_cast %squeeze3A_1136 : i32 to index
          %get3A_1141 = arith.constant 16 : index
          %get3A_1142 = tpu.vector_load %arg5[%get3A_1140, %get3A_1141] {strides = array<i32>} : memref<321x128xf32, #tpu.memory_space<vmem>>, vector<16xf32>,
          %get3A_1143 = arith.index_cast %squeeze3A_1136 : i32 to index
          %get3A_1144 = arith.constant 32 : index
          %get3A_1145 = tpu.vector_load %arg5[%get3A_1143, %get3A_1144] {strides = array<i32>} : memref<321x128xf32, #tpu.memory_space<vmem>>, vector<16xf32>,
          %get3A_1146 = arith.index_cast %squeeze3A_1136 : i32 to index
          %get3A_1147 = arith.constant 48 : index
          %get3A_1148 = tpu.vector_load %arg5[%get3A_1146, %get3A_1147] {strides = array<i32>} : memref<321x128xf32, #tpu.memory_space<vmem>>, vector<16xf32>,
          %get3A_1149 = arith.index_cast %squeeze3A_1136 : i32 to index
          %get3A_1150 = arith.constant 64 : index
          %get3A_1151 = tpu.vector_load %arg5[%get3A_1149, %get3A_1150] {strides = array<i32>} : memref<321x128xf32, #tpu.memory_space<vmem>>, vector<16xf32>,
          %get3A_1152 = arith.index_cast %squeeze3A_1136 : i32 to index
          %get3A_1153 = arith.constant 80 : index
          %get3A_1154 = tpu.vector_load %arg5[%get3A_1152, %get3A_1153] {strides = array<i32>} : memref<321x128xf32, #tpu.memory_space<vmem>>, vector<16xf32>,
          %get3A_1155 = arith.index_cast %squeeze3A_1136 : i32 to index
          %get3A_1156 = arith.constant 96 : index
          %get3A_1157 = tpu.vector_load %arg5[%get3A_1155, %get3A_1156] {strides = array<i32>} : memref<321x128xf32, #tpu.memory_space<vmem>>, vector<16xf32>,
          %get3A_1158 = arith.index_cast %squeeze3A_1136 : i32 to index
          %get3A_1159 = arith.constant 112 : index
          %get3A_1160 = tpu.vector_load %arg5[%get3A_1158, %get3A_1159] {strides = array<i32>} : memref<321x128xf32, #tpu.memory_space<vmem>>, vector<16xf32>,
          %add3A_1161 = arith.constant 9 : i32
          %add3A_1162 = arith.addi %mul3A_183, %add3A_1161 : i32
          %get3A_1163 = arith.index_cast %and3A_147 : i32 to index
          %get3A_1164 = arith.index_cast %add3A_1162 : i32 to index
          %get3A_1165 = arith.constant 0 : index
          %get3A_1166 = tpu.vector_load %arg9[%get3A_1163, %get3A_1164, %get3A_1165] {strides = array<i32>} : memref<2x128x128xf32, #tpu.memory_space<vmem>>, vector<16xf32>,
          %add3A_1167 = arith.constant 9 : i32
          %add3A_1168 = arith.addi %mul3A_183, %add3A_1167 : i32
          %get3A_1169 = arith.index_cast %and3A_147 : i32 to index
          %get3A_1170 = arith.index_cast %add3A_1168 : i32 to index
          %get3A_1171 = arith.constant 16 : index
          %get3A_1172 = tpu.vector_load %arg9[%get3A_1169, %get3A_1170, %get3A_1171] {strides = array<i32>} : memref<2x128x128xf32, #tpu.memory_space<vmem>>, vector<16xf32>,
          %add3A_1173 = arith.constant 9 : i32
          %add3A_1174 = arith.addi %mul3A_183, %add3A_1173 : i32
          %get3A_1175 = arith.index_cast %and3A_147 : i32 to index
          %get3A_1176 = arith.index_cast %add3A_1174 : i32 to index
          %get3A_1177 = arith.constant 32 : index
          %get3A_1178 = tpu.vector_load %arg9[%get3A_1175, %get3A_1176, %get3A_1177] {strides = array<i32>} : memref<2x128x128xf32, #tpu.memory_space<vmem>>, vector<16xf32>,
          %add3A_1179 = arith.constant 9 : i32
          %add3A_1180 = arith.addi %mul3A_183, %add3A_1179 : i32
          %get3A_1181 = arith.index_cast %and3A_147 : i32 to index
          %get3A_1182 = arith.index_cast %add3A_1180 : i32 to index
          %get3A_1183 = arith.constant 48 : index
          %get3A_1184 = tpu.vector_load %arg9[%get3A_1181, %get3A_1182, %get3A_1183] {strides = array<i32>} : memref<2x128x128xf32, #tpu.memory_space<vmem>>, vector<16xf32>,
          %add3A_1185 = arith.constant 9 : i32
          %add3A_1186 = arith.addi %mul3A_183, %add3A_1185 : i32
          %get3A_1187 = arith.index_cast %and3A_147 : i32 to index
          %get3A_1188 = arith.index_cast %add3A_1186 : i32 to index
          %get3A_1189 = arith.constant 64 : index
          %get3A_1190 = tpu.vector_load %arg9[%get3A_1187, %get3A_1188, %get3A_1189] {strides = array<i32>} : memref<2x128x128xf32, #tpu.memory_space<vmem>>, vector<16xf32>,
          %add3A_1191 = arith.constant 9 : i32
          %add3A_1192 = arith.addi %mul3A_183, %add3A_1191 : i32
          %get3A_1193 = arith.index_cast %and3A_147 : i32 to index
          %get3A_1194 = arith.index_cast %add3A_1192 : i32 to index
          %get3A_1195 = arith.constant 80 : index
          %get3A_1196 = tpu.vector_load %arg9[%get3A_1193, %get3A_1194, %get3A_1195] {strides = array<i32>} : memref<2x128x128xf32, #tpu.memory_space<vmem>>, vector<16xf32>,
          %add3A_1197 = arith.constant 9 : i32
          %add3A_1198 = arith.addi %mul3A_183, %add3A_1197 : i32
          %get3A_1199 = arith.index_cast %and3A_147 : i32 to index
          %get3A_1200 = arith.index_cast %add3A_1198 : i32 to index
          %get3A_1201 = arith.constant 96 : index
          %get3A_1202 = tpu.vector_load %arg9[%get3A_1199, %get3A_1200, %get3A_1201] {strides = array<i32>} : memref<2x128x128xf32, #tpu.memory_space<vmem>>, vector<16xf32>,
          %add3A_1203 = arith.constant 9 : i32
          %add3A_1204 = arith.addi %mul3A_183, %add3A_1203 : i32
          %get3A_1205 = arith.index_cast %and3A_147 : i32 to index
          %get3A_1206 = arith.index_cast %add3A_1204 : i32 to index
          %get3A_1207 = arith.constant 112 : index
          %get3A_1208 = tpu.vector_load %arg9[%get3A_1205, %get3A_1206, %get3A_1207] {strides = array<i32>} : memref<2x128x128xf32, #tpu.memory_space<vmem>>, vector<16xf32>,
          %max3A_1209 = arith.maximumf %get3A_1139, %get3A_1166 : vector<16xf32>
          %swap3A_1210 = arith.index_cast %squeeze3A_1136 : i32 to index
          %swap3A_1211 = arith.constant 0 : index
          %swap3A_1212 = tpu.vector_load %arg5[%swap3A_1210, %swap3A_1211] {strides = array<i32>} : memref<321x128xf32, #tpu.memory_space<vmem>>, vector<16xf32>,
          tpu.vector_store %arg5[%swap3A_1210, %swap3A_1211], %max3A_1209 {strides = array<i32>} : memref<321x128xf32, #tpu.memory_space<vmem>>, vector<16xf32>,
          %max3A_1213 = arith.maximumf %get3A_1142, %get3A_1172 : vector<16xf32>
          %swap3A_1214 = arith.index_cast %squeeze3A_1136 : i32 to index
          %swap3A_1215 = arith.constant 16 : index
          %swap3A_1216 = tpu.vector_load %arg5[%swap3A_1214, %swap3A_1215] {strides = array<i32>} : memref<321x128xf32, #tpu.memory_space<vmem>>, vector<16xf32>,
          tpu.vector_store %arg5[%swap3A_1214, %swap3A_1215], %max3A_1213 {strides = array<i32>} : memref<321x128xf32, #tpu.memory_space<vmem>>, vector<16xf32>,
          %max3A_1217 = arith.maximumf %get3A_1145, %get3A_1178 : vector<16xf32>
          %swap3A_1218 = arith.index_cast %squeeze3A_1136 : i32 to index
          %swap3A_1219 = arith.constant 32 : index
          %swap3A_1220 = tpu.vector_load %arg5[%swap3A_1218, %swap3A_1219] {strides = array<i32>} : memref<321x128xf32, #tpu.memory_space<vmem>>, vector<16xf32>,
          tpu.vector_store %arg5[%swap3A_1218, %swap3A_1219], %max3A_1217 {strides = array<i32>} : memref<321x128xf32, #tpu.memory_space<vmem>>, vector<16xf32>,
          %max3A_1221 = arith.maximumf %get3A_1148, %get3A_1184 : vector<16xf32>
          %swap3A_1222 = arith.index_cast %squeeze3A_1136 : i32 to index
          %swap3A_1223 = arith.constant 48 : index
          %swap3A_1224 = tpu.vector_load %arg5[%swap3A_1222, %swap3A_1223] {strides = array<i32>} : memref<321x128xf32, #tpu.memory_space<vmem>>, vector<16xf32>,
          tpu.vector_store %arg5[%swap3A_1222, %swap3A_1223], %max3A_1221 {strides = array<i32>} : memref<321x128xf32, #tpu.memory_space<vmem>>, vector<16xf32>,
          %max3A_1225 = arith.maximumf %get3A_1151, %get3A_1190 : vector<16xf32>
          %swap3A_1226 = arith.index_cast %squeeze3A_1136 : i32 to index
          %swap3A_1227 = arith.constant 64 : index
          %swap3A_1228 = tpu.vector_load %arg5[%swap3A_1226, %swap3A_1227] {strides = array<i32>} : memref<321x128xf32, #tpu.memory_space<vmem>>, vector<16xf32>,
          tpu.vector_store %arg5[%swap3A_1226, %swap3A_1227], %max3A_1225 {strides = array<i32>} : memref<321x128xf32, #tpu.memory_space<vmem>>, vector<16xf32>,
          %max3A_1229 = arith.maximumf %get3A_1154, %get3A_1196 : vector<16xf32>
          %swap3A_1230 = arith.index_cast %squeeze3A_1136 : i32 to index
          %swap3A_1231 = arith.constant 80 : index
          %swap3A_1232 = tpu.vector_load %arg5[%swap3A_1230, %swap3A_1231] {strides = array<i32>} : memref<321x128xf32, #tpu.memory_space<vmem>>, vector<16xf32>,
          tpu.vector_store %arg5[%swap3A_1230, %swap3A_1231], %max3A_1229 {strides = array<i32>} : memref<321x128xf32, #tpu.memory_space<vmem>>, vector<16xf32>,
          %max3A_1233 = arith.maximumf %get3A_1157, %get3A_1202 : vector<16xf32>
          %swap3A_1234 = arith.index_cast %squeeze3A_1136 : i32 to index
          %swap3A_1235 = arith.constant 96 : index
          %swap3A_1236 = tpu.vector_load %arg5[%swap3A_1234, %swap3A_1235] {strides = array<i32>} : memref<321x128xf32, #tpu.memory_space<vmem>>, vector<16xf32>,
          tpu.vector_store %arg5[%swap3A_1234, %swap3A_1235], %max3A_1233 {strides = array<i32>} : memref<321x128xf32, #tpu.memory_space<vmem>>, vector<16xf32>,
          %max3A_1237 = arith.maximumf %get3A_1160, %get3A_1208 : vector<16xf32>
          %swap3A_1238 = arith.index_cast %squeeze3A_1136 : i32 to index
          %swap3A_1239 = arith.constant 112 : index
          %swap3A_1240 = tpu.vector_load %arg5[%swap3A_1238, %swap3A_1239] {strides = array<i32>} : memref<321x128xf32, #tpu.memory_space<vmem>>, vector<16xf32>,
          tpu.vector_store %arg5[%swap3A_1238, %swap3A_1239], %max3A_1237 {strides = array<i32>} : memref<321x128xf32, #tpu.memory_space<vmem>>, vector<16xf32>,
          %slice3A_1241 = vector.extract_strided_slice %and3A_181 {offsets = [10], sizes = [1], strides = [1]} : vector<16xi32> to vector<1xi32>
          %squeeze3A_1242 = vector.extract %slice3A_1241[0] : i32 from vector<1xi32>
          %get3A_1243 = arith.index_cast %squeeze3A_1242 : i32 to index
          %get3A_1244 = arith.constant 0 : index
          %get3A_1245 = tpu.vector_load %arg5[%get3A_1243, %get3A_1244] {strides = array<i32>} : memref<321x128xf32, #tpu.memory_space<vmem>>, vector<16xf32>,
          %get3A_1246 = arith.index_cast %squeeze3A_1242 : i32 to index
          %get3A_1247 = arith.constant 16 : index
          %get3A_1248 = tpu.vector_load %arg5[%get3A_1246, %get3A_1247] {strides = array<i32>} : memref<321x128xf32, #tpu.memory_space<vmem>>, vector<16xf32>,
          %get3A_1249 = arith.index_cast %squeeze3A_1242 : i32 to index
          %get3A_1250 = arith.constant 32 : index
          %get3A_1251 = tpu.vector_load %arg5[%get3A_1249, %get3A_1250] {strides = array<i32>} : memref<321x128xf32, #tpu.memory_space<vmem>>, vector<16xf32>,
          %get3A_1252 = arith.index_cast %squeeze3A_1242 : i32 to index
          %get3A_1253 = arith.constant 48 : index
          %get3A_1254 = tpu.vector_load %arg5[%get3A_1252, %get3A_1253] {strides = array<i32>} : memref<321x128xf32, #tpu.memory_space<vmem>>, vector<16xf32>,
          %get3A_1255 = arith.index_cast %squeeze3A_1242 : i32 to index
          %get3A_1256 = arith.constant 64 : index
          %get3A_1257 = tpu.vector_load %arg5[%get3A_1255, %get3A_1256] {strides = array<i32>} : memref<321x128xf32, #tpu.memory_space<vmem>>, vector<16xf32>,
          %get3A_1258 = arith.index_cast %squeeze3A_1242 : i32 to index
          %get3A_1259 = arith.constant 80 : index
          %get3A_1260 = tpu.vector_load %arg5[%get3A_1258, %get3A_1259] {strides = array<i32>} : memref<321x128xf32, #tpu.memory_space<vmem>>, vector<16xf32>,
          %get3A_1261 = arith.index_cast %squeeze3A_1242 : i32 to index
          %get3A_1262 = arith.constant 96 : index
          %get3A_1263 = tpu.vector_load %arg5[%get3A_1261, %get3A_1262] {strides = array<i32>} : memref<321x128xf32, #tpu.memory_space<vmem>>, vector<16xf32>,
          %get3A_1264 = arith.index_cast %squeeze3A_1242 : i32 to index
          %get3A_1265 = arith.constant 112 : index
          %get3A_1266 = tpu.vector_load %arg5[%get3A_1264, %get3A_1265] {strides = array<i32>} : memref<321x128xf32, #tpu.memory_space<vmem>>, vector<16xf32>,
          %add3A_1267 = arith.constant 10 : i32
          %add3A_1268 = arith.addi %mul3A_183, %add3A_1267 : i32
          %get3A_1269 = arith.index_cast %and3A_147 : i32 to index
          %get3A_1270 = arith.index_cast %add3A_1268 : i32 to index
          %get3A_1271 = arith.constant 0 : index
          %get3A_1272 = tpu.vector_load %arg9[%get3A_1269, %get3A_1270, %get3A_1271] {strides = array<i32>} : memref<2x128x128xf32, #tpu.memory_space<vmem>>, vector<16xf32>,
          %add3A_1273 = arith.constant 10 : i32
          %add3A_1274 = arith.addi %mul3A_183, %add3A_1273 : i32
          %get3A_1275 = arith.index_cast %and3A_147 : i32 to index
          %get3A_1276 = arith.index_cast %add3A_1274 : i32 to index
          %get3A_1277 = arith.constant 16 : index
          %get3A_1278 = tpu.vector_load %arg9[%get3A_1275, %get3A_1276, %get3A_1277] {strides = array<i32>} : memref<2x128x128xf32, #tpu.memory_space<vmem>>, vector<16xf32>,
          %add3A_1279 = arith.constant 10 : i32
          %add3A_1280 = arith.addi %mul3A_183, %add3A_1279 : i32
          %get3A_1281 = arith.index_cast %and3A_147 : i32 to index
          %get3A_1282 = arith.index_cast %add3A_1280 : i32 to index
          %get3A_1283 = arith.constant 32 : index
          %get3A_1284 = tpu.vector_load %arg9[%get3A_1281, %get3A_1282, %get3A_1283] {strides = array<i32>} : memref<2x128x128xf32, #tpu.memory_space<vmem>>, vector<16xf32>,
          %add3A_1285 = arith.constant 10 : i32
          %add3A_1286 = arith.addi %mul3A_183, %add3A_1285 : i32
          %get3A_1287 = arith.index_cast %and3A_147 : i32 to index
          %get3A_1288 = arith.index_cast %add3A_1286 : i32 to index
          %get3A_1289 = arith.constant 48 : index
          %get3A_1290 = tpu.vector_load %arg9[%get3A_1287, %get3A_1288, %get3A_1289] {strides = array<i32>} : memref<2x128x128xf32, #tpu.memory_space<vmem>>, vector<16xf32>,
          %add3A_1291 = arith.constant 10 : i32
          %add3A_1292 = arith.addi %mul3A_183, %add3A_1291 : i32
          %get3A_1293 = arith.index_cast %and3A_147 : i32 to index
          %get3A_1294 = arith.index_cast %add3A_1292 : i32 to index
          %get3A_1295 = arith.constant 64 : index
          %get3A_1296 = tpu.vector_load %arg9[%get3A_1293, %get3A_1294, %get3A_1295] {strides = array<i32>} : memref<2x128x128xf32, #tpu.memory_space<vmem>>, vector<16xf32>,
          %add3A_1297 = arith.constant 10 : i32
          %add3A_1298 = arith.addi %mul3A_183, %add3A_1297 : i32
          %get3A_1299 = arith.index_cast %and3A_147 : i32 to index
          %get3A_1300 = arith.index_cast %add3A_1298 : i32 to index
          %get3A_1301 = arith.constant 80 : index
          %get3A_1302 = tpu.vector_load %arg9[%get3A_1299, %get3A_1300, %get3A_1301] {strides = array<i32>} : memref<2x128x128xf32, #tpu.memory_space<vmem>>, vector<16xf32>,
          %add3A_1303 = arith.constant 10 : i32
          %add3A_1304 = arith.addi %mul3A_183, %add3A_1303 : i32
          %get3A_1305 = arith.index_cast %and3A_147 : i32 to index
          %get3A_1306 = arith.index_cast %add3A_1304 : i32 to index
          %get3A_1307 = arith.constant 96 : index
          %get3A_1308 = tpu.vector_load %arg9[%get3A_1305, %get3A_1306, %get3A_1307] {strides = array<i32>} : memref<2x128x128xf32, #tpu.memory_space<vmem>>, vector<16xf32>,
          %add3A_1309 = arith.constant 10 : i32
          %add3A_1310 = arith.addi %mul3A_183, %add3A_1309 : i32
          %get3A_1311 = arith.index_cast %and3A_147 : i32 to index
          %get3A_1312 = arith.index_cast %add3A_1310 : i32 to index
          %get3A_1313 = arith.constant 112 : index
          %get3A_1314 = tpu.vector_load %arg9[%get3A_1311, %get3A_1312, %get3A_1313] {strides = array<i32>} : memref<2x128x128xf32, #tpu.memory_space<vmem>>, vector<16xf32>,
          %max3A_1315 = arith.maximumf %get3A_1245, %get3A_1272 : vector<16xf32>
          %swap3A_1316 = arith.index_cast %squeeze3A_1242 : i32 to index
          %swap3A_1317 = arith.constant 0 : index
          %swap3A_1318 = tpu.vector_load %arg5[%swap3A_1316, %swap3A_1317] {strides = array<i32>} : memref<321x128xf32, #tpu.memory_space<vmem>>, vector<16xf32>,
          tpu.vector_store %arg5[%swap3A_1316, %swap3A_1317], %max3A_1315 {strides = array<i32>} : memref<321x128xf32, #tpu.memory_space<vmem>>, vector<16xf32>,
          %max3A_1319 = arith.maximumf %get3A_1248, %get3A_1278 : vector<16xf32>
          %swap3A_1320 = arith.index_cast %squeeze3A_1242 : i32 to index
          %swap3A_1321 = arith.constant 16 : index
          %swap3A_1322 = tpu.vector_load %arg5[%swap3A_1320, %swap3A_1321] {strides = array<i32>} : memref<321x128xf32, #tpu.memory_space<vmem>>, vector<16xf32>,
          tpu.vector_store %arg5[%swap3A_1320, %swap3A_1321], %max3A_1319 {strides = array<i32>} : memref<321x128xf32, #tpu.memory_space<vmem>>, vector<16xf32>,
          %max3A_1323 = arith.maximumf %get3A_1251, %get3A_1284 : vector<16xf32>
          %swap3A_1324 = arith.index_cast %squeeze3A_1242 : i32 to index
          %swap3A_1325 = arith.constant 32 : index
          %swap3A_1326 = tpu.vector_load %arg5[%swap3A_1324, %swap3A_1325] {strides = array<i32>} : memref<321x128xf32, #tpu.memory_space<vmem>>, vector<16xf32>,
          tpu.vector_store %arg5[%swap3A_1324, %swap3A_1325], %max3A_1323 {strides = array<i32>} : memref<321x128xf32, #tpu.memory_space<vmem>>, vector<16xf32>,
          %max3A_1327 = arith.maximumf %get3A_1254, %get3A_1290 : vector<16xf32>
          %swap3A_1328 = arith.index_cast %squeeze3A_1242 : i32 to index
          %swap3A_1329 = arith.constant 48 : index
          %swap3A_1330 = tpu.vector_load %arg5[%swap3A_1328, %swap3A_1329] {strides = array<i32>} : memref<321x128xf32, #tpu.memory_space<vmem>>, vector<16xf32>,
          tpu.vector_store %arg5[%swap3A_1328, %swap3A_1329], %max3A_1327 {strides = array<i32>} : memref<321x128xf32, #tpu.memory_space<vmem>>, vector<16xf32>,
          %max3A_1331 = arith.maximumf %get3A_1257, %get3A_1296 : vector<16xf32>
          %swap3A_1332 = arith.index_cast %squeeze3A_1242 : i32 to index
          %swap3A_1333 = arith.constant 64 : index
          %swap3A_1334 = tpu.vector_load %arg5[%swap3A_1332, %swap3A_1333] {strides = array<i32>} : memref<321x128xf32, #tpu.memory_space<vmem>>, vector<16xf32>,
          tpu.vector_store %arg5[%swap3A_1332, %swap3A_1333], %max3A_1331 {strides = array<i32>} : memref<321x128xf32, #tpu.memory_space<vmem>>, vector<16xf32>,
          %max3A_1335 = arith.maximumf %get3A_1260, %get3A_1302 : vector<16xf32>
          %swap3A_1336 = arith.index_cast %squeeze3A_1242 : i32 to index
          %swap3A_1337 = arith.constant 80 : index
          %swap3A_1338 = tpu.vector_load %arg5[%swap3A_1336, %swap3A_1337] {strides = array<i32>} : memref<321x128xf32, #tpu.memory_space<vmem>>, vector<16xf32>,
          tpu.vector_store %arg5[%swap3A_1336, %swap3A_1337], %max3A_1335 {strides = array<i32>} : memref<321x128xf32, #tpu.memory_space<vmem>>, vector<16xf32>,
          %max3A_1339 = arith.maximumf %get3A_1263, %get3A_1308 : vector<16xf32>
          %swap3A_1340 = arith.index_cast %squeeze3A_1242 : i32 to index
          %swap3A_1341 = arith.constant 96 : index
          %swap3A_1342 = tpu.vector_load %arg5[%swap3A_1340, %swap3A_1341] {strides = array<i32>} : memref<321x128xf32, #tpu.memory_space<vmem>>, vector<16xf32>,
          tpu.vector_store %arg5[%swap3A_1340, %swap3A_1341], %max3A_1339 {strides = array<i32>} : memref<321x128xf32, #tpu.memory_space<vmem>>, vector<16xf32>,
          %max3A_1343 = arith.maximumf %get3A_1266, %get3A_1314 : vector<16xf32>
          %swap3A_1344 = arith.index_cast %squeeze3A_1242 : i32 to index
          %swap3A_1345 = arith.constant 112 : index
          %swap3A_1346 = tpu.vector_load %arg5[%swap3A_1344, %swap3A_1345] {strides = array<i32>} : memref<321x128xf32, #tpu.memory_space<vmem>>, vector<16xf32>,
          tpu.vector_store %arg5[%swap3A_1344, %swap3A_1345], %max3A_1343 {strides = array<i32>} : memref<321x128xf32, #tpu.memory_space<vmem>>, vector<16xf32>,
          %slice3A_1347 = vector.extract_strided_slice %and3A_181 {offsets = [11], sizes = [1], strides = [1]} : vector<16xi32> to vector<1xi32>
          %squeeze3A_1348 = vector.extract %slice3A_1347[0] : i32 from vector<1xi32>
          %get3A_1349 = arith.index_cast %squeeze3A_1348 : i32 to index
          %get3A_1350 = arith.constant 0 : index
          %get3A_1351 = tpu.vector_load %arg5[%get3A_1349, %get3A_1350] {strides = array<i32>} : memref<321x128xf32, #tpu.memory_space<vmem>>, vector<16xf32>,
          %get3A_1352 = arith.index_cast %squeeze3A_1348 : i32 to index
          %get3A_1353 = arith.constant 16 : index
          %get3A_1354 = tpu.vector_load %arg5[%get3A_1352, %get3A_1353] {strides = array<i32>} : memref<321x128xf32, #tpu.memory_space<vmem>>, vector<16xf32>,
          %get3A_1355 = arith.index_cast %squeeze3A_1348 : i32 to index
          %get3A_1356 = arith.constant 32 : index
          %get3A_1357 = tpu.vector_load %arg5[%get3A_1355, %get3A_1356] {strides = array<i32>} : memref<321x128xf32, #tpu.memory_space<vmem>>, vector<16xf32>,
          %get3A_1358 = arith.index_cast %squeeze3A_1348 : i32 to index
          %get3A_1359 = arith.constant 48 : index
          %get3A_1360 = tpu.vector_load %arg5[%get3A_1358, %get3A_1359] {strides = array<i32>} : memref<321x128xf32, #tpu.memory_space<vmem>>, vector<16xf32>,
          %get3A_1361 = arith.index_cast %squeeze3A_1348 : i32 to index
          %get3A_1362 = arith.constant 64 : index
          %get3A_1363 = tpu.vector_load %arg5[%get3A_1361, %get3A_1362] {strides = array<i32>} : memref<321x128xf32, #tpu.memory_space<vmem>>, vector<16xf32>,
          %get3A_1364 = arith.index_cast %squeeze3A_1348 : i32 to index
          %get3A_1365 = arith.constant 80 : index
          %get3A_1366 = tpu.vector_load %arg5[%get3A_1364, %get3A_1365] {strides = array<i32>} : memref<321x128xf32, #tpu.memory_space<vmem>>, vector<16xf32>,
          %get3A_1367 = arith.index_cast %squeeze3A_1348 : i32 to index
          %get3A_1368 = arith.constant 96 : index
          %get3A_1369 = tpu.vector_load %arg5[%get3A_1367, %get3A_1368] {strides = array<i32>} : memref<321x128xf32, #tpu.memory_space<vmem>>, vector<16xf32>,
          %get3A_1370 = arith.index_cast %squeeze3A_1348 : i32 to index
          %get3A_1371 = arith.constant 112 : index
          %get3A_1372 = tpu.vector_load %arg5[%get3A_1370, %get3A_1371] {strides = array<i32>} : memref<321x128xf32, #tpu.memory_space<vmem>>, vector<16xf32>,
          %add3A_1373 = arith.constant 11 : i32
          %add3A_1374 = arith.addi %mul3A_183, %add3A_1373 : i32
          %get3A_1375 = arith.index_cast %and3A_147 : i32 to index
          %get3A_1376 = arith.index_cast %add3A_1374 : i32 to index
          %get3A_1377 = arith.constant 0 : index
          %get3A_1378 = tpu.vector_load %arg9[%get3A_1375, %get3A_1376, %get3A_1377] {strides = array<i32>} : memref<2x128x128xf32, #tpu.memory_space<vmem>>, vector<16xf32>,
          %add3A_1379 = arith.constant 11 : i32
          %add3A_1380 = arith.addi %mul3A_183, %add3A_1379 : i32
          %get3A_1381 = arith.index_cast %and3A_147 : i32 to index
          %get3A_1382 = arith.index_cast %add3A_1380 : i32 to index
          %get3A_1383 = arith.constant 16 : index
          %get3A_1384 = tpu.vector_load %arg9[%get3A_1381, %get3A_1382, %get3A_1383] {strides = array<i32>} : memref<2x128x128xf32, #tpu.memory_space<vmem>>, vector<16xf32>,
          %add3A_1385 = arith.constant 11 : i32
          %add3A_1386 = arith.addi %mul3A_183, %add3A_1385 : i32
          %get3A_1387 = arith.index_cast %and3A_147 : i32 to index
          %get3A_1388 = arith.index_cast %add3A_1386 : i32 to index
          %get3A_1389 = arith.constant 32 : index
          %get3A_1390 = tpu.vector_load %arg9[%get3A_1387, %get3A_1388, %get3A_1389] {strides = array<i32>} : memref<2x128x128xf32, #tpu.memory_space<vmem>>, vector<16xf32>,
          %add3A_1391 = arith.constant 11 : i32
          %add3A_1392 = arith.addi %mul3A_183, %add3A_1391 : i32
          %get3A_1393 = arith.index_cast %and3A_147 : i32 to index
          %get3A_1394 = arith.index_cast %add3A_1392 : i32 to index
          %get3A_1395 = arith.constant 48 : index
          %get3A_1396 = tpu.vector_load %arg9[%get3A_1393, %get3A_1394, %get3A_1395] {strides = array<i32>} : memref<2x128x128xf32, #tpu.memory_space<vmem>>, vector<16xf32>,
          %add3A_1397 = arith.constant 11 : i32
          %add3A_1398 = arith.addi %mul3A_183, %add3A_1397 : i32
          %get3A_1399 = arith.index_cast %and3A_147 : i32 to index
          %get3A_1400 = arith.index_cast %add3A_1398 : i32 to index
          %get3A_1401 = arith.constant 64 : index
          %get3A_1402 = tpu.vector_load %arg9[%get3A_1399, %get3A_1400, %get3A_1401] {strides = array<i32>} : memref<2x128x128xf32, #tpu.memory_space<vmem>>, vector<16xf32>,
          %add3A_1403 = arith.constant 11 : i32
          %add3A_1404 = arith.addi %mul3A_183, %add3A_1403 : i32
          %get3A_1405 = arith.index_cast %and3A_147 : i32 to index
          %get3A_1406 = arith.index_cast %add3A_1404 : i32 to index
          %get3A_1407 = arith.constant 80 : index
          %get3A_1408 = tpu.vector_load %arg9[%get3A_1405, %get3A_1406, %get3A_1407] {strides = array<i32>} : memref<2x128x128xf32, #tpu.memory_space<vmem>>, vector<16xf32>,
          %add3A_1409 = arith.constant 11 : i32
          %add3A_1410 = arith.addi %mul3A_183, %add3A_1409 : i32
          %get3A_1411 = arith.index_cast %and3A_147 : i32 to index
          %get3A_1412 = arith.index_cast %add3A_1410 : i32 to index
          %get3A_1413 = arith.constant 96 : index
          %get3A_1414 = tpu.vector_load %arg9[%get3A_1411, %get3A_1412, %get3A_1413] {strides = array<i32>} : memref<2x128x128xf32, #tpu.memory_space<vmem>>, vector<16xf32>,
          %add3A_1415 = arith.constant 11 : i32
          %add3A_1416 = arith.addi %mul3A_183, %add3A_1415 : i32
          %get3A_1417 = arith.index_cast %and3A_147 : i32 to index
          %get3A_1418 = arith.index_cast %add3A_1416 : i32 to index
          %get3A_1419 = arith.constant 112 : index
          %get3A_1420 = tpu.vector_load %arg9[%get3A_1417, %get3A_1418, %get3A_1419] {strides = array<i32>} : memref<2x128x128xf32, #tpu.memory_space<vmem>>, vector<16xf32>,
          %max3A_1421 = arith.maximumf %get3A_1351, %get3A_1378 : vector<16xf32>
          %swap3A_1422 = arith.index_cast %squeeze3A_1348 : i32 to index
          %swap3A_1423 = arith.constant 0 : index
          %swap3A_1424 = tpu.vector_load %arg5[%swap3A_1422, %swap3A_1423] {strides = array<i32>} : memref<321x128xf32, #tpu.memory_space<vmem>>, vector<16xf32>,
          tpu.vector_store %arg5[%swap3A_1422, %swap3A_1423], %max3A_1421 {strides = array<i32>} : memref<321x128xf32, #tpu.memory_space<vmem>>, vector<16xf32>,
          %max3A_1425 = arith.maximumf %get3A_1354, %get3A_1384 : vector<16xf32>
          %swap3A_1426 = arith.index_cast %squeeze3A_1348 : i32 to index
          %swap3A_1427 = arith.constant 16 : index
          %swap3A_1428 = tpu.vector_load %arg5[%swap3A_1426, %swap3A_1427] {strides = array<i32>} : memref<321x128xf32, #tpu.memory_space<vmem>>, vector<16xf32>,
          tpu.vector_store %arg5[%swap3A_1426, %swap3A_1427], %max3A_1425 {strides = array<i32>} : memref<321x128xf32, #tpu.memory_space<vmem>>, vector<16xf32>,
          %max3A_1429 = arith.maximumf %get3A_1357, %get3A_1390 : vector<16xf32>
          %swap3A_1430 = arith.index_cast %squeeze3A_1348 : i32 to index
          %swap3A_1431 = arith.constant 32 : index
          %swap3A_1432 = tpu.vector_load %arg5[%swap3A_1430, %swap3A_1431] {strides = array<i32>} : memref<321x128xf32, #tpu.memory_space<vmem>>, vector<16xf32>,
          tpu.vector_store %arg5[%swap3A_1430, %swap3A_1431], %max3A_1429 {strides = array<i32>} : memref<321x128xf32, #tpu.memory_space<vmem>>, vector<16xf32>,
          %max3A_1433 = arith.maximumf %get3A_1360, %get3A_1396 : vector<16xf32>
          %swap3A_1434 = arith.index_cast %squeeze3A_1348 : i32 to index
          %swap3A_1435 = arith.constant 48 : index
          %swap3A_1436 = tpu.vector_load %arg5[%swap3A_1434, %swap3A_1435] {strides = array<i32>} : memref<321x128xf32, #tpu.memory_space<vmem>>, vector<16xf32>,
          tpu.vector_store %arg5[%swap3A_1434, %swap3A_1435], %max3A_1433 {strides = array<i32>} : memref<321x128xf32, #tpu.memory_space<vmem>>, vector<16xf32>,
          %max3A_1437 = arith.maximumf %get3A_1363, %get3A_1402 : vector<16xf32>
          %swap3A_1438 = arith.index_cast %squeeze3A_1348 : i32 to index
          %swap3A_1439 = arith.constant 64 : index
          %swap3A_1440 = tpu.vector_load %arg5[%swap3A_1438, %swap3A_1439] {strides = array<i32>} : memref<321x128xf32, #tpu.memory_space<vmem>>, vector<16xf32>,
          tpu.vector_store %arg5[%swap3A_1438, %swap3A_1439], %max3A_1437 {strides = array<i32>} : memref<321x128xf32, #tpu.memory_space<vmem>>, vector<16xf32>,
          %max3A_1441 = arith.maximumf %get3A_1366, %get3A_1408 : vector<16xf32>
          %swap3A_1442 = arith.index_cast %squeeze3A_1348 : i32 to index
          %swap3A_1443 = arith.constant 80 : index
          %swap3A_1444 = tpu.vector_load %arg5[%swap3A_1442, %swap3A_1443] {strides = array<i32>} : memref<321x128xf32, #tpu.memory_space<vmem>>, vector<16xf32>,
          tpu.vector_store %arg5[%swap3A_1442, %swap3A_1443], %max3A_1441 {strides = array<i32>} : memref<321x128xf32, #tpu.memory_space<vmem>>, vector<16xf32>,
          %max3A_1445 = arith.maximumf %get3A_1369, %get3A_1414 : vector<16xf32>
          %swap3A_1446 = arith.index_cast %squeeze3A_1348 : i32 to index
          %swap3A_1447 = arith.constant 96 : index
          %swap3A_1448 = tpu.vector_load %arg5[%swap3A_1446, %swap3A_1447] {strides = array<i32>} : memref<321x128xf32, #tpu.memory_space<vmem>>, vector<16xf32>,
          tpu.vector_store %arg5[%swap3A_1446, %swap3A_1447], %max3A_1445 {strides = array<i32>} : memref<321x128xf32, #tpu.memory_space<vmem>>, vector<16xf32>,
          %max3A_1449 = arith.maximumf %get3A_1372, %get3A_1420 : vector<16xf32>
          %swap3A_1450 = arith.index_cast %squeeze3A_1348 : i32 to index
          %swap3A_1451 = arith.constant 112 : index
          %swap3A_1452 = tpu.vector_load %arg5[%swap3A_1450, %swap3A_1451] {strides = array<i32>} : memref<321x128xf32, #tpu.memory_space<vmem>>, vector<16xf32>,
          tpu.vector_store %arg5[%swap3A_1450, %swap3A_1451], %max3A_1449 {strides = array<i32>} : memref<321x128xf32, #tpu.memory_space<vmem>>, vector<16xf32>,
          %slice3A_1453 = vector.extract_strided_slice %and3A_181 {offsets = [12], sizes = [1], strides = [1]} : vector<16xi32> to vector<1xi32>
          %squeeze3A_1454 = vector.extract %slice3A_1453[0] : i32 from vector<1xi32>
          %get3A_1455 = arith.index_cast %squeeze3A_1454 : i32 to index
          %get3A_1456 = arith.constant 0 : index
          %get3A_1457 = tpu.vector_load %arg5[%get3A_1455, %get3A_1456] {strides = array<i32>} : memref<321x128xf32, #tpu.memory_space<vmem>>, vector<16xf32>,
          %get3A_1458 = arith.index_cast %squeeze3A_1454 : i32 to index
          %get3A_1459 = arith.constant 16 : index
          %get3A_1460 = tpu.vector_load %arg5[%get3A_1458, %get3A_1459] {strides = array<i32>} : memref<321x128xf32, #tpu.memory_space<vmem>>, vector<16xf32>,
          %get3A_1461 = arith.index_cast %squeeze3A_1454 : i32 to index
          %get3A_1462 = arith.constant 32 : index
          %get3A_1463 = tpu.vector_load %arg5[%get3A_1461, %get3A_1462] {strides = array<i32>} : memref<321x128xf32, #tpu.memory_space<vmem>>, vector<16xf32>,
          %get3A_1464 = arith.index_cast %squeeze3A_1454 : i32 to index
          %get3A_1465 = arith.constant 48 : index
          %get3A_1466 = tpu.vector_load %arg5[%get3A_1464, %get3A_1465] {strides = array<i32>} : memref<321x128xf32, #tpu.memory_space<vmem>>, vector<16xf32>,
          %get3A_1467 = arith.index_cast %squeeze3A_1454 : i32 to index
          %get3A_1468 = arith.constant 64 : index
          %get3A_1469 = tpu.vector_load %arg5[%get3A_1467, %get3A_1468] {strides = array<i32>} : memref<321x128xf32, #tpu.memory_space<vmem>>, vector<16xf32>,
          %get3A_1470 = arith.index_cast %squeeze3A_1454 : i32 to index
          %get3A_1471 = arith.constant 80 : index
          %get3A_1472 = tpu.vector_load %arg5[%get3A_1470, %get3A_1471] {strides = array<i32>} : memref<321x128xf32, #tpu.memory_space<vmem>>, vector<16xf32>,
          %get3A_1473 = arith.index_cast %squeeze3A_1454 : i32 to index
          %get3A_1474 = arith.constant 96 : index
          %get3A_1475 = tpu.vector_load %arg5[%get3A_1473, %get3A_1474] {strides = array<i32>} : memref<321x128xf32, #tpu.memory_space<vmem>>, vector<16xf32>,
          %get3A_1476 = arith.index_cast %squeeze3A_1454 : i32 to index
          %get3A_1477 = arith.constant 112 : index
          %get3A_1478 = tpu.vector_load %arg5[%get3A_1476, %get3A_1477] {strides = array<i32>} : memref<321x128xf32, #tpu.memory_space<vmem>>, vector<16xf32>,
          %add3A_1479 = arith.constant 12 : i32
          %add3A_1480 = arith.addi %mul3A_183, %add3A_1479 : i32
          %get3A_1481 = arith.index_cast %and3A_147 : i32 to index
          %get3A_1482 = arith.index_cast %add3A_1480 : i32 to index
          %get3A_1483 = arith.constant 0 : index
          %get3A_1484 = tpu.vector_load %arg9[%get3A_1481, %get3A_1482, %get3A_1483] {strides = array<i32>} : memref<2x128x128xf32, #tpu.memory_space<vmem>>, vector<16xf32>,
          %add3A_1485 = arith.constant 12 : i32
          %add3A_1486 = arith.addi %mul3A_183, %add3A_1485 : i32
          %get3A_1487 = arith.index_cast %and3A_147 : i32 to index
          %get3A_1488 = arith.index_cast %add3A_1486 : i32 to index
          %get3A_1489 = arith.constant 16 : index
          %get3A_1490 = tpu.vector_load %arg9[%get3A_1487, %get3A_1488, %get3A_1489] {strides = array<i32>} : memref<2x128x128xf32, #tpu.memory_space<vmem>>, vector<16xf32>,
          %add3A_1491 = arith.constant 12 : i32
          %add3A_1492 = arith.addi %mul3A_183, %add3A_1491 : i32
          %get3A_1493 = arith.index_cast %and3A_147 : i32 to index
          %get3A_1494 = arith.index_cast %add3A_1492 : i32 to index
          %get3A_1495 = arith.constant 32 : index
          %get3A_1496 = tpu.vector_load %arg9[%get3A_1493, %get3A_1494, %get3A_1495] {strides = array<i32>} : memref<2x128x128xf32, #tpu.memory_space<vmem>>, vector<16xf32>,
          %add3A_1497 = arith.constant 12 : i32
          %add3A_1498 = arith.addi %mul3A_183, %add3A_1497 : i32
          %get3A_1499 = arith.index_cast %and3A_147 : i32 to index
          %get3A_1500 = arith.index_cast %add3A_1498 : i32 to index
          %get3A_1501 = arith.constant 48 : index
          %get3A_1502 = tpu.vector_load %arg9[%get3A_1499, %get3A_1500, %get3A_1501] {strides = array<i32>} : memref<2x128x128xf32, #tpu.memory_space<vmem>>, vector<16xf32>,
          %add3A_1503 = arith.constant 12 : i32
          %add3A_1504 = arith.addi %mul3A_183, %add3A_1503 : i32
          %get3A_1505 = arith.index_cast %and3A_147 : i32 to index
          %get3A_1506 = arith.index_cast %add3A_1504 : i32 to index
          %get3A_1507 = arith.constant 64 : index
          %get3A_1508 = tpu.vector_load %arg9[%get3A_1505, %get3A_1506, %get3A_1507] {strides = array<i32>} : memref<2x128x128xf32, #tpu.memory_space<vmem>>, vector<16xf32>,
          %add3A_1509 = arith.constant 12 : i32
          %add3A_1510 = arith.addi %mul3A_183, %add3A_1509 : i32
          %get3A_1511 = arith.index_cast %and3A_147 : i32 to index
          %get3A_1512 = arith.index_cast %add3A_1510 : i32 to index
          %get3A_1513 = arith.constant 80 : index
          %get3A_1514 = tpu.vector_load %arg9[%get3A_1511, %get3A_1512, %get3A_1513] {strides = array<i32>} : memref<2x128x128xf32, #tpu.memory_space<vmem>>, vector<16xf32>,
          %add3A_1515 = arith.constant 12 : i32
          %add3A_1516 = arith.addi %mul3A_183, %add3A_1515 : i32
          %get3A_1517 = arith.index_cast %and3A_147 : i32 to index
          %get3A_1518 = arith.index_cast %add3A_1516 : i32 to index
          %get3A_1519 = arith.constant 96 : index
          %get3A_1520 = tpu.vector_load %arg9[%get3A_1517, %get3A_1518, %get3A_1519] {strides = array<i32>} : memref<2x128x128xf32, #tpu.memory_space<vmem>>, vector<16xf32>,
          %add3A_1521 = arith.constant 12 : i32
          %add3A_1522 = arith.addi %mul3A_183, %add3A_1521 : i32
          %get3A_1523 = arith.index_cast %and3A_147 : i32 to index
          %get3A_1524 = arith.index_cast %add3A_1522 : i32 to index
          %get3A_1525 = arith.constant 112 : index
          %get3A_1526 = tpu.vector_load %arg9[%get3A_1523, %get3A_1524, %get3A_1525] {strides = array<i32>} : memref<2x128x128xf32, #tpu.memory_space<vmem>>, vector<16xf32>,
          %max3A_1527 = arith.maximumf %get3A_1457, %get3A_1484 : vector<16xf32>
          %swap3A_1528 = arith.index_cast %squeeze3A_1454 : i32 to index
          %swap3A_1529 = arith.constant 0 : index
          %swap3A_1530 = tpu.vector_load %arg5[%swap3A_1528, %swap3A_1529] {strides = array<i32>} : memref<321x128xf32, #tpu.memory_space<vmem>>, vector<16xf32>,
          tpu.vector_store %arg5[%swap3A_1528, %swap3A_1529], %max3A_1527 {strides = array<i32>} : memref<321x128xf32, #tpu.memory_space<vmem>>, vector<16xf32>,
          %max3A_1531 = arith.maximumf %get3A_1460, %get3A_1490 : vector<16xf32>
          %swap3A_1532 = arith.index_cast %squeeze3A_1454 : i32 to index
          %swap3A_1533 = arith.constant 16 : index
          %swap3A_1534 = tpu.vector_load %arg5[%swap3A_1532, %swap3A_1533] {strides = array<i32>} : memref<321x128xf32, #tpu.memory_space<vmem>>, vector<16xf32>,
          tpu.vector_store %arg5[%swap3A_1532, %swap3A_1533], %max3A_1531 {strides = array<i32>} : memref<321x128xf32, #tpu.memory_space<vmem>>, vector<16xf32>,
          %max3A_1535 = arith.maximumf %get3A_1463, %get3A_1496 : vector<16xf32>
          %swap3A_1536 = arith.index_cast %squeeze3A_1454 : i32 to index
          %swap3A_1537 = arith.constant 32 : index
          %swap3A_1538 = tpu.vector_load %arg5[%swap3A_1536, %swap3A_1537] {strides = array<i32>} : memref<321x128xf32, #tpu.memory_space<vmem>>, vector<16xf32>,
          tpu.vector_store %arg5[%swap3A_1536, %swap3A_1537], %max3A_1535 {strides = array<i32>} : memref<321x128xf32, #tpu.memory_space<vmem>>, vector<16xf32>,
          %max3A_1539 = arith.maximumf %get3A_1466, %get3A_1502 : vector<16xf32>
          %swap3A_1540 = arith.index_cast %squeeze3A_1454 : i32 to index
          %swap3A_1541 = arith.constant 48 : index
          %swap3A_1542 = tpu.vector_load %arg5[%swap3A_1540, %swap3A_1541] {strides = array<i32>} : memref<321x128xf32, #tpu.memory_space<vmem>>, vector<16xf32>,
          tpu.vector_store %arg5[%swap3A_1540, %swap3A_1541], %max3A_1539 {strides = array<i32>} : memref<321x128xf32, #tpu.memory_space<vmem>>, vector<16xf32>,
          %max3A_1543 = arith.maximumf %get3A_1469, %get3A_1508 : vector<16xf32>
          %swap3A_1544 = arith.index_cast %squeeze3A_1454 : i32 to index
          %swap3A_1545 = arith.constant 64 : index
          %swap3A_1546 = tpu.vector_load %arg5[%swap3A_1544, %swap3A_1545] {strides = array<i32>} : memref<321x128xf32, #tpu.memory_space<vmem>>, vector<16xf32>,
          tpu.vector_store %arg5[%swap3A_1544, %swap3A_1545], %max3A_1543 {strides = array<i32>} : memref<321x128xf32, #tpu.memory_space<vmem>>, vector<16xf32>,
          %max3A_1547 = arith.maximumf %get3A_1472, %get3A_1514 : vector<16xf32>
          %swap3A_1548 = arith.index_cast %squeeze3A_1454 : i32 to index
          %swap3A_1549 = arith.constant 80 : index
          %swap3A_1550 = tpu.vector_load %arg5[%swap3A_1548, %swap3A_1549] {strides = array<i32>} : memref<321x128xf32, #tpu.memory_space<vmem>>, vector<16xf32>,
          tpu.vector_store %arg5[%swap3A_1548, %swap3A_1549], %max3A_1547 {strides = array<i32>} : memref<321x128xf32, #tpu.memory_space<vmem>>, vector<16xf32>,
          %max3A_1551 = arith.maximumf %get3A_1475, %get3A_1520 : vector<16xf32>
          %swap3A_1552 = arith.index_cast %squeeze3A_1454 : i32 to index
          %swap3A_1553 = arith.constant 96 : index
          %swap3A_1554 = tpu.vector_load %arg5[%swap3A_1552, %swap3A_1553] {strides = array<i32>} : memref<321x128xf32, #tpu.memory_space<vmem>>, vector<16xf32>,
          tpu.vector_store %arg5[%swap3A_1552, %swap3A_1553], %max3A_1551 {strides = array<i32>} : memref<321x128xf32, #tpu.memory_space<vmem>>, vector<16xf32>,
          %max3A_1555 = arith.maximumf %get3A_1478, %get3A_1526 : vector<16xf32>
          %swap3A_1556 = arith.index_cast %squeeze3A_1454 : i32 to index
          %swap3A_1557 = arith.constant 112 : index
          %swap3A_1558 = tpu.vector_load %arg5[%swap3A_1556, %swap3A_1557] {strides = array<i32>} : memref<321x128xf32, #tpu.memory_space<vmem>>, vector<16xf32>,
          tpu.vector_store %arg5[%swap3A_1556, %swap3A_1557], %max3A_1555 {strides = array<i32>} : memref<321x128xf32, #tpu.memory_space<vmem>>, vector<16xf32>,
          %slice3A_1559 = vector.extract_strided_slice %and3A_181 {offsets = [13], sizes = [1], strides = [1]} : vector<16xi32> to vector<1xi32>
          %squeeze3A_1560 = vector.extract %slice3A_1559[0] : i32 from vector<1xi32>
          %get3A_1561 = arith.index_cast %squeeze3A_1560 : i32 to index
          %get3A_1562 = arith.constant 0 : index
          %get3A_1563 = tpu.vector_load %arg5[%get3A_1561, %get3A_1562] {strides = array<i32>} : memref<321x128xf32, #tpu.memory_space<vmem>>, vector<16xf32>,
          %get3A_1564 = arith.index_cast %squeeze3A_1560 : i32 to index
          %get3A_1565 = arith.constant 16 : index
          %get3A_1566 = tpu.vector_load %arg5[%get3A_1564, %get3A_1565] {strides = array<i32>} : memref<321x128xf32, #tpu.memory_space<vmem>>, vector<16xf32>,
          %get3A_1567 = arith.index_cast %squeeze3A_1560 : i32 to index
          %get3A_1568 = arith.constant 32 : index
          %get3A_1569 = tpu.vector_load %arg5[%get3A_1567, %get3A_1568] {strides = array<i32>} : memref<321x128xf32, #tpu.memory_space<vmem>>, vector<16xf32>,
          %get3A_1570 = arith.index_cast %squeeze3A_1560 : i32 to index
          %get3A_1571 = arith.constant 48 : index
          %get3A_1572 = tpu.vector_load %arg5[%get3A_1570, %get3A_1571] {strides = array<i32>} : memref<321x128xf32, #tpu.memory_space<vmem>>, vector<16xf32>,
          %get3A_1573 = arith.index_cast %squeeze3A_1560 : i32 to index
          %get3A_1574 = arith.constant 64 : index
          %get3A_1575 = tpu.vector_load %arg5[%get3A_1573, %get3A_1574] {strides = array<i32>} : memref<321x128xf32, #tpu.memory_space<vmem>>, vector<16xf32>,
          %get3A_1576 = arith.index_cast %squeeze3A_1560 : i32 to index
          %get3A_1577 = arith.constant 80 : index
          %get3A_1578 = tpu.vector_load %arg5[%get3A_1576, %get3A_1577] {strides = array<i32>} : memref<321x128xf32, #tpu.memory_space<vmem>>, vector<16xf32>,
          %get3A_1579 = arith.index_cast %squeeze3A_1560 : i32 to index
          %get3A_1580 = arith.constant 96 : index
          %get3A_1581 = tpu.vector_load %arg5[%get3A_1579, %get3A_1580] {strides = array<i32>} : memref<321x128xf32, #tpu.memory_space<vmem>>, vector<16xf32>,
          %get3A_1582 = arith.index_cast %squeeze3A_1560 : i32 to index
          %get3A_1583 = arith.constant 112 : index
          %get3A_1584 = tpu.vector_load %arg5[%get3A_1582, %get3A_1583] {strides = array<i32>} : memref<321x128xf32, #tpu.memory_space<vmem>>, vector<16xf32>,
          %add3A_1585 = arith.constant 13 : i32
          %add3A_1586 = arith.addi %mul3A_183, %add3A_1585 : i32
          %get3A_1587 = arith.index_cast %and3A_147 : i32 to index
          %get3A_1588 = arith.index_cast %add3A_1586 : i32 to index
          %get3A_1589 = arith.constant 0 : index
          %get3A_1590 = tpu.vector_load %arg9[%get3A_1587, %get3A_1588, %get3A_1589] {strides = array<i32>} : memref<2x128x128xf32, #tpu.memory_space<vmem>>, vector<16xf32>,
          %add3A_1591 = arith.constant 13 : i32
          %add3A_1592 = arith.addi %mul3A_183, %add3A_1591 : i32
          %get3A_1593 = arith.index_cast %and3A_147 : i32 to index
          %get3A_1594 = arith.index_cast %add3A_1592 : i32 to index
          %get3A_1595 = arith.constant 16 : index
          %get3A_1596 = tpu.vector_load %arg9[%get3A_1593, %get3A_1594, %get3A_1595] {strides = array<i32>} : memref<2x128x128xf32, #tpu.memory_space<vmem>>, vector<16xf32>,
          %add3A_1597 = arith.constant 13 : i32
          %add3A_1598 = arith.addi %mul3A_183, %add3A_1597 : i32
          %get3A_1599 = arith.index_cast %and3A_147 : i32 to index
          %get3A_1600 = arith.index_cast %add3A_1598 : i32 to index
          %get3A_1601 = arith.constant 32 : index
          %get3A_1602 = tpu.vector_load %arg9[%get3A_1599, %get3A_1600, %get3A_1601] {strides = array<i32>} : memref<2x128x128xf32, #tpu.memory_space<vmem>>, vector<16xf32>,
          %add3A_1603 = arith.constant 13 : i32
          %add3A_1604 = arith.addi %mul3A_183, %add3A_1603 : i32
          %get3A_1605 = arith.index_cast %and3A_147 : i32 to index
          %get3A_1606 = arith.index_cast %add3A_1604 : i32 to index
          %get3A_1607 = arith.constant 48 : index
          %get3A_1608 = tpu.vector_load %arg9[%get3A_1605, %get3A_1606, %get3A_1607] {strides = array<i32>} : memref<2x128x128xf32, #tpu.memory_space<vmem>>, vector<16xf32>,
          %add3A_1609 = arith.constant 13 : i32
          %add3A_1610 = arith.addi %mul3A_183, %add3A_1609 : i32
          %get3A_1611 = arith.index_cast %and3A_147 : i32 to index
          %get3A_1612 = arith.index_cast %add3A_1610 : i32 to index
          %get3A_1613 = arith.constant 64 : index
          %get3A_1614 = tpu.vector_load %arg9[%get3A_1611, %get3A_1612, %get3A_1613] {strides = array<i32>} : memref<2x128x128xf32, #tpu.memory_space<vmem>>, vector<16xf32>,
          %add3A_1615 = arith.constant 13 : i32
          %add3A_1616 = arith.addi %mul3A_183, %add3A_1615 : i32
          %get3A_1617 = arith.index_cast %and3A_147 : i32 to index
          %get3A_1618 = arith.index_cast %add3A_1616 : i32 to index
          %get3A_1619 = arith.constant 80 : index
          %get3A_1620 = tpu.vector_load %arg9[%get3A_1617, %get3A_1618, %get3A_1619] {strides = array<i32>} : memref<2x128x128xf32, #tpu.memory_space<vmem>>, vector<16xf32>,
          %add3A_1621 = arith.constant 13 : i32
          %add3A_1622 = arith.addi %mul3A_183, %add3A_1621 : i32
          %get3A_1623 = arith.index_cast %and3A_147 : i32 to index
          %get3A_1624 = arith.index_cast %add3A_1622 : i32 to index
          %get3A_1625 = arith.constant 96 : index
          %get3A_1626 = tpu.vector_load %arg9[%get3A_1623, %get3A_1624, %get3A_1625] {strides = array<i32>} : memref<2x128x128xf32, #tpu.memory_space<vmem>>, vector<16xf32>,
          %add3A_1627 = arith.constant 13 : i32
          %add3A_1628 = arith.addi %mul3A_183, %add3A_1627 : i32
          %get3A_1629 = arith.index_cast %and3A_147 : i32 to index
          %get3A_1630 = arith.index_cast %add3A_1628 : i32 to index
          %get3A_1631 = arith.constant 112 : index
          %get3A_1632 = tpu.vector_load %arg9[%get3A_1629, %get3A_1630, %get3A_1631] {strides = array<i32>} : memref<2x128x128xf32, #tpu.memory_space<vmem>>, vector<16xf32>,
          %max3A_1633 = arith.maximumf %get3A_1563, %get3A_1590 : vector<16xf32>
          %swap3A_1634 = arith.index_cast %squeeze3A_1560 : i32 to index
          %swap3A_1635 = arith.constant 0 : index
          %swap3A_1636 = tpu.vector_load %arg5[%swap3A_1634, %swap3A_1635] {strides = array<i32>} : memref<321x128xf32, #tpu.memory_space<vmem>>, vector<16xf32>,
          tpu.vector_store %arg5[%swap3A_1634, %swap3A_1635], %max3A_1633 {strides = array<i32>} : memref<321x128xf32, #tpu.memory_space<vmem>>, vector<16xf32>,
          %max3A_1637 = arith.maximumf %get3A_1566, %get3A_1596 : vector<16xf32>
          %swap3A_1638 = arith.index_cast %squeeze3A_1560 : i32 to index
          %swap3A_1639 = arith.constant 16 : index
          %swap3A_1640 = tpu.vector_load %arg5[%swap3A_1638, %swap3A_1639] {strides = array<i32>} : memref<321x128xf32, #tpu.memory_space<vmem>>, vector<16xf32>,
          tpu.vector_store %arg5[%swap3A_1638, %swap3A_1639], %max3A_1637 {strides = array<i32>} : memref<321x128xf32, #tpu.memory_space<vmem>>, vector<16xf32>,
          %max3A_1641 = arith.maximumf %get3A_1569, %get3A_1602 : vector<16xf32>
          %swap3A_1642 = arith.index_cast %squeeze3A_1560 : i32 to index
          %swap3A_1643 = arith.constant 32 : index
          %swap3A_1644 = tpu.vector_load %arg5[%swap3A_1642, %swap3A_1643] {strides = array<i32>} : memref<321x128xf32, #tpu.memory_space<vmem>>, vector<16xf32>,
          tpu.vector_store %arg5[%swap3A_1642, %swap3A_1643], %max3A_1641 {strides = array<i32>} : memref<321x128xf32, #tpu.memory_space<vmem>>, vector<16xf32>,
          %max3A_1645 = arith.maximumf %get3A_1572, %get3A_1608 : vector<16xf32>
          %swap3A_1646 = arith.index_cast %squeeze3A_1560 : i32 to index
          %swap3A_1647 = arith.constant 48 : index
          %swap3A_1648 = tpu.vector_load %arg5[%swap3A_1646, %swap3A_1647] {strides = array<i32>} : memref<321x128xf32, #tpu.memory_space<vmem>>, vector<16xf32>,
          tpu.vector_store %arg5[%swap3A_1646, %swap3A_1647], %max3A_1645 {strides = array<i32>} : memref<321x128xf32, #tpu.memory_space<vmem>>, vector<16xf32>,
          %max3A_1649 = arith.maximumf %get3A_1575, %get3A_1614 : vector<16xf32>
          %swap3A_1650 = arith.index_cast %squeeze3A_1560 : i32 to index
          %swap3A_1651 = arith.constant 64 : index
          %swap3A_1652 = tpu.vector_load %arg5[%swap3A_1650, %swap3A_1651] {strides = array<i32>} : memref<321x128xf32, #tpu.memory_space<vmem>>, vector<16xf32>,
          tpu.vector_store %arg5[%swap3A_1650, %swap3A_1651], %max3A_1649 {strides = array<i32>} : memref<321x128xf32, #tpu.memory_space<vmem>>, vector<16xf32>,
          %max3A_1653 = arith.maximumf %get3A_1578, %get3A_1620 : vector<16xf32>
          %swap3A_1654 = arith.index_cast %squeeze3A_1560 : i32 to index
          %swap3A_1655 = arith.constant 80 : index
          %swap3A_1656 = tpu.vector_load %arg5[%swap3A_1654, %swap3A_1655] {strides = array<i32>} : memref<321x128xf32, #tpu.memory_space<vmem>>, vector<16xf32>,
          tpu.vector_store %arg5[%swap3A_1654, %swap3A_1655], %max3A_1653 {strides = array<i32>} : memref<321x128xf32, #tpu.memory_space<vmem>>, vector<16xf32>,
          %max3A_1657 = arith.maximumf %get3A_1581, %get3A_1626 : vector<16xf32>
          %swap3A_1658 = arith.index_cast %squeeze3A_1560 : i32 to index
          %swap3A_1659 = arith.constant 96 : index
          %swap3A_1660 = tpu.vector_load %arg5[%swap3A_1658, %swap3A_1659] {strides = array<i32>} : memref<321x128xf32, #tpu.memory_space<vmem>>, vector<16xf32>,
          tpu.vector_store %arg5[%swap3A_1658, %swap3A_1659], %max3A_1657 {strides = array<i32>} : memref<321x128xf32, #tpu.memory_space<vmem>>, vector<16xf32>,
          %max3A_1661 = arith.maximumf %get3A_1584, %get3A_1632 : vector<16xf32>
          %swap3A_1662 = arith.index_cast %squeeze3A_1560 : i32 to index
          %swap3A_1663 = arith.constant 112 : index
          %swap3A_1664 = tpu.vector_load %arg5[%swap3A_1662, %swap3A_1663] {strides = array<i32>} : memref<321x128xf32, #tpu.memory_space<vmem>>, vector<16xf32>,
          tpu.vector_store %arg5[%swap3A_1662, %swap3A_1663], %max3A_1661 {strides = array<i32>} : memref<321x128xf32, #tpu.memory_space<vmem>>, vector<16xf32>,
          %slice3A_1665 = vector.extract_strided_slice %and3A_181 {offsets = [14], sizes = [1], strides = [1]} : vector<16xi32> to vector<1xi32>
          %squeeze3A_1666 = vector.extract %slice3A_1665[0] : i32 from vector<1xi32>
          %get3A_1667 = arith.index_cast %squeeze3A_1666 : i32 to index
          %get3A_1668 = arith.constant 0 : index
          %get3A_1669 = tpu.vector_load %arg5[%get3A_1667, %get3A_1668] {strides = array<i32>} : memref<321x128xf32, #tpu.memory_space<vmem>>, vector<16xf32>,
          %get3A_1670 = arith.index_cast %squeeze3A_1666 : i32 to index
          %get3A_1671 = arith.constant 16 : index
          %get3A_1672 = tpu.vector_load %arg5[%get3A_1670, %get3A_1671] {strides = array<i32>} : memref<321x128xf32, #tpu.memory_space<vmem>>, vector<16xf32>,
          %get3A_1673 = arith.index_cast %squeeze3A_1666 : i32 to index
          %get3A_1674 = arith.constant 32 : index
          %get3A_1675 = tpu.vector_load %arg5[%get3A_1673, %get3A_1674] {strides = array<i32>} : memref<321x128xf32, #tpu.memory_space<vmem>>, vector<16xf32>,
          %get3A_1676 = arith.index_cast %squeeze3A_1666 : i32 to index
          %get3A_1677 = arith.constant 48 : index
          %get3A_1678 = tpu.vector_load %arg5[%get3A_1676, %get3A_1677] {strides = array<i32>} : memref<321x128xf32, #tpu.memory_space<vmem>>, vector<16xf32>,
          %get3A_1679 = arith.index_cast %squeeze3A_1666 : i32 to index
          %get3A_1680 = arith.constant 64 : index
          %get3A_1681 = tpu.vector_load %arg5[%get3A_1679, %get3A_1680] {strides = array<i32>} : memref<321x128xf32, #tpu.memory_space<vmem>>, vector<16xf32>,
          %get3A_1682 = arith.index_cast %squeeze3A_1666 : i32 to index
          %get3A_1683 = arith.constant 80 : index
          %get3A_1684 = tpu.vector_load %arg5[%get3A_1682, %get3A_1683] {strides = array<i32>} : memref<321x128xf32, #tpu.memory_space<vmem>>, vector<16xf32>,
          %get3A_1685 = arith.index_cast %squeeze3A_1666 : i32 to index
          %get3A_1686 = arith.constant 96 : index
          %get3A_1687 = tpu.vector_load %arg5[%get3A_1685, %get3A_1686] {strides = array<i32>} : memref<321x128xf32, #tpu.memory_space<vmem>>, vector<16xf32>,
          %get3A_1688 = arith.index_cast %squeeze3A_1666 : i32 to index
          %get3A_1689 = arith.constant 112 : index
          %get3A_1690 = tpu.vector_load %arg5[%get3A_1688, %get3A_1689] {strides = array<i32>} : memref<321x128xf32, #tpu.memory_space<vmem>>, vector<16xf32>,
          %add3A_1691 = arith.constant 14 : i32
          %add3A_1692 = arith.addi %mul3A_183, %add3A_1691 : i32
          %get3A_1693 = arith.index_cast %and3A_147 : i32 to index
          %get3A_1694 = arith.index_cast %add3A_1692 : i32 to index
          %get3A_1695 = arith.constant 0 : index
          %get3A_1696 = tpu.vector_load %arg9[%get3A_1693, %get3A_1694, %get3A_1695] {strides = array<i32>} : memref<2x128x128xf32, #tpu.memory_space<vmem>>, vector<16xf32>,
          %add3A_1697 = arith.constant 14 : i32
          %add3A_1698 = arith.addi %mul3A_183, %add3A_1697 : i32
          %get3A_1699 = arith.index_cast %and3A_147 : i32 to index
          %get3A_1700 = arith.index_cast %add3A_1698 : i32 to index
          %get3A_1701 = arith.constant 16 : index
          %get3A_1702 = tpu.vector_load %arg9[%get3A_1699, %get3A_1700, %get3A_1701] {strides = array<i32>} : memref<2x128x128xf32, #tpu.memory_space<vmem>>, vector<16xf32>,
          %add3A_1703 = arith.constant 14 : i32
          %add3A_1704 = arith.addi %mul3A_183, %add3A_1703 : i32
          %get3A_1705 = arith.index_cast %and3A_147 : i32 to index
          %get3A_1706 = arith.index_cast %add3A_1704 : i32 to index
          %get3A_1707 = arith.constant 32 : index
          %get3A_1708 = tpu.vector_load %arg9[%get3A_1705, %get3A_1706, %get3A_1707] {strides = array<i32>} : memref<2x128x128xf32, #tpu.memory_space<vmem>>, vector<16xf32>,
          %add3A_1709 = arith.constant 14 : i32
          %add3A_1710 = arith.addi %mul3A_183, %add3A_1709 : i32
          %get3A_1711 = arith.index_cast %and3A_147 : i32 to index
          %get3A_1712 = arith.index_cast %add3A_1710 : i32 to index
          %get3A_1713 = arith.constant 48 : index
          %get3A_1714 = tpu.vector_load %arg9[%get3A_1711, %get3A_1712, %get3A_1713] {strides = array<i32>} : memref<2x128x128xf32, #tpu.memory_space<vmem>>, vector<16xf32>,
          %add3A_1715 = arith.constant 14 : i32
          %add3A_1716 = arith.addi %mul3A_183, %add3A_1715 : i32
          %get3A_1717 = arith.index_cast %and3A_147 : i32 to index
          %get3A_1718 = arith.index_cast %add3A_1716 : i32 to index
          %get3A_1719 = arith.constant 64 : index
          %get3A_1720 = tpu.vector_load %arg9[%get3A_1717, %get3A_1718, %get3A_1719] {strides = array<i32>} : memref<2x128x128xf32, #tpu.memory_space<vmem>>, vector<16xf32>,
          %add3A_1721 = arith.constant 14 : i32
          %add3A_1722 = arith.addi %mul3A_183, %add3A_1721 : i32
          %get3A_1723 = arith.index_cast %and3A_147 : i32 to index
          %get3A_1724 = arith.index_cast %add3A_1722 : i32 to index
          %get3A_1725 = arith.constant 80 : index
          %get3A_1726 = tpu.vector_load %arg9[%get3A_1723, %get3A_1724, %get3A_1725] {strides = array<i32>} : memref<2x128x128xf32, #tpu.memory_space<vmem>>, vector<16xf32>,
          %add3A_1727 = arith.constant 14 : i32
          %add3A_1728 = arith.addi %mul3A_183, %add3A_1727 : i32
          %get3A_1729 = arith.index_cast %and3A_147 : i32 to index
          %get3A_1730 = arith.index_cast %add3A_1728 : i32 to index
          %get3A_1731 = arith.constant 96 : index
          %get3A_1732 = tpu.vector_load %arg9[%get3A_1729, %get3A_1730, %get3A_1731] {strides = array<i32>} : memref<2x128x128xf32, #tpu.memory_space<vmem>>, vector<16xf32>,
          %add3A_1733 = arith.constant 14 : i32
          %add3A_1734 = arith.addi %mul3A_183, %add3A_1733 : i32
          %get3A_1735 = arith.index_cast %and3A_147 : i32 to index
          %get3A_1736 = arith.index_cast %add3A_1734 : i32 to index
          %get3A_1737 = arith.constant 112 : index
          %get3A_1738 = tpu.vector_load %arg9[%get3A_1735, %get3A_1736, %get3A_1737] {strides = array<i32>} : memref<2x128x128xf32, #tpu.memory_space<vmem>>, vector<16xf32>,
          %max3A_1739 = arith.maximumf %get3A_1669, %get3A_1696 : vector<16xf32>
          %swap3A_1740 = arith.index_cast %squeeze3A_1666 : i32 to index
          %swap3A_1741 = arith.constant 0 : index
          %swap3A_1742 = tpu.vector_load %arg5[%swap3A_1740, %swap3A_1741] {strides = array<i32>} : memref<321x128xf32, #tpu.memory_space<vmem>>, vector<16xf32>,
          tpu.vector_store %arg5[%swap3A_1740, %swap3A_1741], %max3A_1739 {strides = array<i32>} : memref<321x128xf32, #tpu.memory_space<vmem>>, vector<16xf32>,
          %max3A_1743 = arith.maximumf %get3A_1672, %get3A_1702 : vector<16xf32>
          %swap3A_1744 = arith.index_cast %squeeze3A_1666 : i32 to index
          %swap3A_1745 = arith.constant 16 : index
          %swap3A_1746 = tpu.vector_load %arg5[%swap3A_1744, %swap3A_1745] {strides = array<i32>} : memref<321x128xf32, #tpu.memory_space<vmem>>, vector<16xf32>,
          tpu.vector_store %arg5[%swap3A_1744, %swap3A_1745], %max3A_1743 {strides = array<i32>} : memref<321x128xf32, #tpu.memory_space<vmem>>, vector<16xf32>,
          %max3A_1747 = arith.maximumf %get3A_1675, %get3A_1708 : vector<16xf32>
          %swap3A_1748 = arith.index_cast %squeeze3A_1666 : i32 to index
          %swap3A_1749 = arith.constant 32 : index
          %swap3A_1750 = tpu.vector_load %arg5[%swap3A_1748, %swap3A_1749] {strides = array<i32>} : memref<321x128xf32, #tpu.memory_space<vmem>>, vector<16xf32>,
          tpu.vector_store %arg5[%swap3A_1748, %swap3A_1749], %max3A_1747 {strides = array<i32>} : memref<321x128xf32, #tpu.memory_space<vmem>>, vector<16xf32>,
          %max3A_1751 = arith.maximumf %get3A_1678, %get3A_1714 : vector<16xf32>
          %swap3A_1752 = arith.index_cast %squeeze3A_1666 : i32 to index
          %swap3A_1753 = arith.constant 48 : index
          %swap3A_1754 = tpu.vector_load %arg5[%swap3A_1752, %swap3A_1753] {strides = array<i32>} : memref<321x128xf32, #tpu.memory_space<vmem>>, vector<16xf32>,
          tpu.vector_store %arg5[%swap3A_1752, %swap3A_1753], %max3A_1751 {strides = array<i32>} : memref<321x128xf32, #tpu.memory_space<vmem>>, vector<16xf32>,
          %max3A_1755 = arith.maximumf %get3A_1681, %get3A_1720 : vector<16xf32>
          %swap3A_1756 = arith.index_cast %squeeze3A_1666 : i32 to index
          %swap3A_1757 = arith.constant 64 : index
          %swap3A_1758 = tpu.vector_load %arg5[%swap3A_1756, %swap3A_1757] {strides = array<i32>} : memref<321x128xf32, #tpu.memory_space<vmem>>, vector<16xf32>,
          tpu.vector_store %arg5[%swap3A_1756, %swap3A_1757], %max3A_1755 {strides = array<i32>} : memref<321x128xf32, #tpu.memory_space<vmem>>, vector<16xf32>,
          %max3A_1759 = arith.maximumf %get3A_1684, %get3A_1726 : vector<16xf32>
          %swap3A_1760 = arith.index_cast %squeeze3A_1666 : i32 to index
          %swap3A_1761 = arith.constant 80 : index
          %swap3A_1762 = tpu.vector_load %arg5[%swap3A_1760, %swap3A_1761] {strides = array<i32>} : memref<321x128xf32, #tpu.memory_space<vmem>>, vector<16xf32>,
          tpu.vector_store %arg5[%swap3A_1760, %swap3A_1761], %max3A_1759 {strides = array<i32>} : memref<321x128xf32, #tpu.memory_space<vmem>>, vector<16xf32>,
          %max3A_1763 = arith.maximumf %get3A_1687, %get3A_1732 : vector<16xf32>
          %swap3A_1764 = arith.index_cast %squeeze3A_1666 : i32 to index
          %swap3A_1765 = arith.constant 96 : index
          %swap3A_1766 = tpu.vector_load %arg5[%swap3A_1764, %swap3A_1765] {strides = array<i32>} : memref<321x128xf32, #tpu.memory_space<vmem>>, vector<16xf32>,
          tpu.vector_store %arg5[%swap3A_1764, %swap3A_1765], %max3A_1763 {strides = array<i32>} : memref<321x128xf32, #tpu.memory_space<vmem>>, vector<16xf32>,
          %max3A_1767 = arith.maximumf %get3A_1690, %get3A_1738 : vector<16xf32>
          %swap3A_1768 = arith.index_cast %squeeze3A_1666 : i32 to index
          %swap3A_1769 = arith.constant 112 : index
          %swap3A_1770 = tpu.vector_load %arg5[%swap3A_1768, %swap3A_1769] {strides = array<i32>} : memref<321x128xf32, #tpu.memory_space<vmem>>, vector<16xf32>,
          tpu.vector_store %arg5[%swap3A_1768, %swap3A_1769], %max3A_1767 {strides = array<i32>} : memref<321x128xf32, #tpu.memory_space<vmem>>, vector<16xf32>,
          %slice3A_1771 = vector.extract_strided_slice %and3A_181 {offsets = [15], sizes = [1], strides = [1]} : vector<16xi32> to vector<1xi32>
          %squeeze3A_1772 = vector.extract %slice3A_1771[0] : i32 from vector<1xi32>
          %get3A_1773 = arith.index_cast %squeeze3A_1772 : i32 to index
          %get3A_1774 = arith.constant 0 : index
          %get3A_1775 = tpu.vector_load %arg5[%get3A_1773, %get3A_1774] {strides = array<i32>} : memref<321x128xf32, #tpu.memory_space<vmem>>, vector<16xf32>,
          %get3A_1776 = arith.index_cast %squeeze3A_1772 : i32 to index
          %get3A_1777 = arith.constant 16 : index
          %get3A_1778 = tpu.vector_load %arg5[%get3A_1776, %get3A_1777] {strides = array<i32>} : memref<321x128xf32, #tpu.memory_space<vmem>>, vector<16xf32>,
          %get3A_1779 = arith.index_cast %squeeze3A_1772 : i32 to index
          %get3A_1780 = arith.constant 32 : index
          %get3A_1781 = tpu.vector_load %arg5[%get3A_1779, %get3A_1780] {strides = array<i32>} : memref<321x128xf32, #tpu.memory_space<vmem>>, vector<16xf32>,
          %get3A_1782 = arith.index_cast %squeeze3A_1772 : i32 to index
          %get3A_1783 = arith.constant 48 : index
          %get3A_1784 = tpu.vector_load %arg5[%get3A_1782, %get3A_1783] {strides = array<i32>} : memref<321x128xf32, #tpu.memory_space<vmem>>, vector<16xf32>,
          %get3A_1785 = arith.index_cast %squeeze3A_1772 : i32 to index
          %get3A_1786 = arith.constant 64 : index
          %get3A_1787 = tpu.vector_load %arg5[%get3A_1785, %get3A_1786] {strides = array<i32>} : memref<321x128xf32, #tpu.memory_space<vmem>>, vector<16xf32>,
          %get3A_1788 = arith.index_cast %squeeze3A_1772 : i32 to index
          %get3A_1789 = arith.constant 80 : index
          %get3A_1790 = tpu.vector_load %arg5[%get3A_1788, %get3A_1789] {strides = array<i32>} : memref<321x128xf32, #tpu.memory_space<vmem>>, vector<16xf32>,
          %get3A_1791 = arith.index_cast %squeeze3A_1772 : i32 to index
          %get3A_1792 = arith.constant 96 : index
          %get3A_1793 = tpu.vector_load %arg5[%get3A_1791, %get3A_1792] {strides = array<i32>} : memref<321x128xf32, #tpu.memory_space<vmem>>, vector<16xf32>,
          %get3A_1794 = arith.index_cast %squeeze3A_1772 : i32 to index
          %get3A_1795 = arith.constant 112 : index
          %get3A_1796 = tpu.vector_load %arg5[%get3A_1794, %get3A_1795] {strides = array<i32>} : memref<321x128xf32, #tpu.memory_space<vmem>>, vector<16xf32>,
          %add3A_1797 = arith.constant 15 : i32
          %add3A_1798 = arith.addi %mul3A_183, %add3A_1797 : i32
          %get3A_1799 = arith.index_cast %and3A_147 : i32 to index
          %get3A_1800 = arith.index_cast %add3A_1798 : i32 to index
          %get3A_1801 = arith.constant 0 : index
          %get3A_1802 = tpu.vector_load %arg9[%get3A_1799, %get3A_1800, %get3A_1801] {strides = array<i32>} : memref<2x128x128xf32, #tpu.memory_space<vmem>>, vector<16xf32>,
          %add3A_1803 = arith.constant 15 : i32
          %add3A_1804 = arith.addi %mul3A_183, %add3A_1803 : i32
          %get3A_1805 = arith.index_cast %and3A_147 : i32 to index
          %get3A_1806 = arith.index_cast %add3A_1804 : i32 to index
          %get3A_1807 = arith.constant 16 : index
          %get3A_1808 = tpu.vector_load %arg9[%get3A_1805, %get3A_1806, %get3A_1807] {strides = array<i32>} : memref<2x128x128xf32, #tpu.memory_space<vmem>>, vector<16xf32>,
          %add3A_1809 = arith.constant 15 : i32
          %add3A_1810 = arith.addi %mul3A_183, %add3A_1809 : i32
          %get3A_1811 = arith.index_cast %and3A_147 : i32 to index
          %get3A_1812 = arith.index_cast %add3A_1810 : i32 to index
          %get3A_1813 = arith.constant 32 : index
          %get3A_1814 = tpu.vector_load %arg9[%get3A_1811, %get3A_1812, %get3A_1813] {strides = array<i32>} : memref<2x128x128xf32, #tpu.memory_space<vmem>>, vector<16xf32>,
          %add3A_1815 = arith.constant 15 : i32
          %add3A_1816 = arith.addi %mul3A_183, %add3A_1815 : i32
          %get3A_1817 = arith.index_cast %and3A_147 : i32 to index
          %get3A_1818 = arith.index_cast %add3A_1816 : i32 to index
          %get3A_1819 = arith.constant 48 : index
          %get3A_1820 = tpu.vector_load %arg9[%get3A_1817, %get3A_1818, %get3A_1819] {strides = array<i32>} : memref<2x128x128xf32, #tpu.memory_space<vmem>>, vector<16xf32>,
          %add3A_1821 = arith.constant 15 : i32
          %add3A_1822 = arith.addi %mul3A_183, %add3A_1821 : i32
          %get3A_1823 = arith.index_cast %and3A_147 : i32 to index
          %get3A_1824 = arith.index_cast %add3A_1822 : i32 to index
          %get3A_1825 = arith.constant 64 : index
          %get3A_1826 = tpu.vector_load %arg9[%get3A_1823, %get3A_1824, %get3A_1825] {strides = array<i32>} : memref<2x128x128xf32, #tpu.memory_space<vmem>>, vector<16xf32>,
          %add3A_1827 = arith.constant 15 : i32
          %add3A_1828 = arith.addi %mul3A_183, %add3A_1827 : i32
          %get3A_1829 = arith.index_cast %and3A_147 : i32 to index
          %get3A_1830 = arith.index_cast %add3A_1828 : i32 to index
          %get3A_1831 = arith.constant 80 : index
          %get3A_1832 = tpu.vector_load %arg9[%get3A_1829, %get3A_1830, %get3A_1831] {strides = array<i32>} : memref<2x128x128xf32, #tpu.memory_space<vmem>>, vector<16xf32>,
          %add3A_1833 = arith.constant 15 : i32
          %add3A_1834 = arith.addi %mul3A_183, %add3A_1833 : i32
          %get3A_1835 = arith.index_cast %and3A_147 : i32 to index
          %get3A_1836 = arith.index_cast %add3A_1834 : i32 to index
          %get3A_1837 = arith.constant 96 : index
          %get3A_1838 = tpu.vector_load %arg9[%get3A_1835, %get3A_1836, %get3A_1837] {strides = array<i32>} : memref<2x128x128xf32, #tpu.memory_space<vmem>>, vector<16xf32>,
          %add3A_1839 = arith.constant 15 : i32
          %add3A_1840 = arith.addi %mul3A_183, %add3A_1839 : i32
          %get3A_1841 = arith.index_cast %and3A_147 : i32 to index
          %get3A_1842 = arith.index_cast %add3A_1840 : i32 to index
          %get3A_1843 = arith.constant 112 : index
          %get3A_1844 = tpu.vector_load %arg9[%get3A_1841, %get3A_1842, %get3A_1843] {strides = array<i32>} : memref<2x128x128xf32, #tpu.memory_space<vmem>>, vector<16xf32>,
          %max3A_1845 = arith.maximumf %get3A_1775, %get3A_1802 : vector<16xf32>
          %swap3A_1846 = arith.index_cast %squeeze3A_1772 : i32 to index
          %swap3A_1847 = arith.constant 0 : index
          %swap3A_1848 = tpu.vector_load %arg5[%swap3A_1846, %swap3A_1847] {strides = array<i32>} : memref<321x128xf32, #tpu.memory_space<vmem>>, vector<16xf32>,
          tpu.vector_store %arg5[%swap3A_1846, %swap3A_1847], %max3A_1845 {strides = array<i32>} : memref<321x128xf32, #tpu.memory_space<vmem>>, vector<16xf32>,
          %max3A_1849 = arith.maximumf %get3A_1778, %get3A_1808 : vector<16xf32>
          %swap3A_1850 = arith.index_cast %squeeze3A_1772 : i32 to index
          %swap3A_1851 = arith.constant 16 : index
          %swap3A_1852 = tpu.vector_load %arg5[%swap3A_1850, %swap3A_1851] {strides = array<i32>} : memref<321x128xf32, #tpu.memory_space<vmem>>, vector<16xf32>,
          tpu.vector_store %arg5[%swap3A_1850, %swap3A_1851], %max3A_1849 {strides = array<i32>} : memref<321x128xf32, #tpu.memory_space<vmem>>, vector<16xf32>,
          %max3A_1853 = arith.maximumf %get3A_1781, %get3A_1814 : vector<16xf32>
          %swap3A_1854 = arith.index_cast %squeeze3A_1772 : i32 to index
          %swap3A_1855 = arith.constant 32 : index
          %swap3A_1856 = tpu.vector_load %arg5[%swap3A_1854, %swap3A_1855] {strides = array<i32>} : memref<321x128xf32, #tpu.memory_space<vmem>>, vector<16xf32>,
          tpu.vector_store %arg5[%swap3A_1854, %swap3A_1855], %max3A_1853 {strides = array<i32>} : memref<321x128xf32, #tpu.memory_space<vmem>>, vector<16xf32>,
          %max3A_1857 = arith.maximumf %get3A_1784, %get3A_1820 : vector<16xf32>
          %swap3A_1858 = arith.index_cast %squeeze3A_1772 : i32 to index
          %swap3A_1859 = arith.constant 48 : index
          %swap3A_1860 = tpu.vector_load %arg5[%swap3A_1858, %swap3A_1859] {strides = array<i32>} : memref<321x128xf32, #tpu.memory_space<vmem>>, vector<16xf32>,
          tpu.vector_store %arg5[%swap3A_1858, %swap3A_1859], %max3A_1857 {strides = array<i32>} : memref<321x128xf32, #tpu.memory_space<vmem>>, vector<16xf32>,
          %max3A_1861 = arith.maximumf %get3A_1787, %get3A_1826 : vector<16xf32>
          %swap3A_1862 = arith.index_cast %squeeze3A_1772 : i32 to index
          %swap3A_1863 = arith.constant 64 : index
          %swap3A_1864 = tpu.vector_load %arg5[%swap3A_1862, %swap3A_1863] {strides = array<i32>} : memref<321x128xf32, #tpu.memory_space<vmem>>, vector<16xf32>,
          tpu.vector_store %arg5[%swap3A_1862, %swap3A_1863], %max3A_1861 {strides = array<i32>} : memref<321x128xf32, #tpu.memory_space<vmem>>, vector<16xf32>,
          %max3A_1865 = arith.maximumf %get3A_1790, %get3A_1832 : vector<16xf32>
          %swap3A_1866 = arith.index_cast %squeeze3A_1772 : i32 to index
          %swap3A_1867 = arith.constant 80 : index
          %swap3A_1868 = tpu.vector_load %arg5[%swap3A_1866, %swap3A_1867] {strides = array<i32>} : memref<321x128xf32, #tpu.memory_space<vmem>>, vector<16xf32>,
          tpu.vector_store %arg5[%swap3A_1866, %swap3A_1867], %max3A_1865 {strides = array<i32>} : memref<321x128xf32, #tpu.memory_space<vmem>>, vector<16xf32>,
          %max3A_1869 = arith.maximumf %get3A_1793, %get3A_1838 : vector<16xf32>
          %swap3A_1870 = arith.index_cast %squeeze3A_1772 : i32 to index
          %swap3A_1871 = arith.constant 96 : index
          %swap3A_1872 = tpu.vector_load %arg5[%swap3A_1870, %swap3A_1871] {strides = array<i32>} : memref<321x128xf32, #tpu.memory_space<vmem>>, vector<16xf32>,
          tpu.vector_store %arg5[%swap3A_1870, %swap3A_1871], %max3A_1869 {strides = array<i32>} : memref<321x128xf32, #tpu.memory_space<vmem>>, vector<16xf32>,
          %max3A_1873 = arith.maximumf %get3A_1796, %get3A_1844 : vector<16xf32>
          %swap3A_1874 = arith.index_cast %squeeze3A_1772 : i32 to index
          %swap3A_1875 = arith.constant 112 : index
          %swap3A_1876 = tpu.vector_load %arg5[%swap3A_1874, %swap3A_1875] {strides = array<i32>} : memref<321x128xf32, #tpu.memory_space<vmem>>, vector<16xf32>,
          tpu.vector_store %arg5[%swap3A_1874, %swap3A_1875], %max3A_1873 {strides = array<i32>} : memref<321x128xf32, #tpu.memory_space<vmem>>, vector<16xf32>,
        }
        %scan3A_173 = arith.constant 8 : i32
      }
      %while3A_144 = arith.constant 1 : i32
      scf.for %while3A_145 = %while3A_142 to %while3A_138 step %while3A_144  : i32 {
        %and3A_146 = arith.constant 1 : i32
        %and3A_147 = arith.andi %while3A_145, %and3A_146 : i32
        %mul3A_148 = arith.constant 128 : i32
        %mul3A_149 = arith.muli %while3A_145, %mul3A_148 : i32
        %dma_wait3A_150 = arith.constant 0 : i32
        %dma_wait3A_151 = arith.constant 0 : i32
        %dma_wait3A_152 = arith.constant 0 : i32
        %dma_wait3A_153 = arith.constant 0 : i32
        %dma_wait3A_154 = tpu.memref_slice %arg9[%dma_wait3A_151, %dma_wait3A_152, %dma_wait3A_153] : memref<2x128x128xf32, #tpu.memory_space<vmem>> -> memref<1x128x128xf32, #tpu.memory_space<vmem>>
        %dma_wait3A_155 = tpu.memref_squeeze %dma_wait3A_154 : memref<1x128x128xf32, #tpu.memory_space<vmem>> -> memref<128x128xf32, #tpu.memory_space<vmem>>
        %dma_wait3A_156 = arith.constant 0 : i32
        %dma_wait3A_157 = tpu.memref_slice %arg8[%dma_wait3A_150, %dma_wait3A_156] : memref<2x128xi32, #tpu.memory_space<vmem>> -> memref<1x128xi32, #tpu.memory_space<vmem>>
        %dma_wait3A_158 = tpu.memref_squeeze %dma_wait3A_157 : memref<1x128xi32, #tpu.memory_space<vmem>> -> memref<128xi32, #tpu.memory_space<vmem>>
        %dma_wait3A_159 = arith.constant 0 : i32
        %dma_wait3A_160 = arith.constant 0 : i32
        %dma_wait3A_161 = tpu.memref_slice %arg2[%dma_wait3A_159, %dma_wait3A_160] : memref<320000x128xf32, #tpu.memory_space<hbm>> -> memref<320000x128xf32, #tpu.memory_space<hbm>>
        tpu.wait_indirect_dma semaphore(%arg10 : memref<!tpu.dma_semaphore, #tpu.memory_space<semaphore_mem>>) src(%dma_wait3A_161 : memref<320000x128xf32, #tpu.memory_space<hbm>>) dst(%dma_wait3A_155 : memref<128x128xf32, #tpu.memory_space<vmem>>)
        %add3A_162 = arith.constant 1 : i32
        %add3A_163 = arith.addi %while3A_145, %add3A_162 : i32
        %lt3A_164 = arith.cmpi slt, %add3A_163, %select_n3A_131 : i32
        %convert_element_type3A_165 = arith.extui %lt3A_164 : i1 to i32
        %cond3A_166 = arith.constant 0 : i32
        %cond3A_167 = arith.cmpi ne, %convert_element_type3A_165, %cond3A_166 : i32
        scf.if %cond3A_167 {
          %add3A_174 = arith.constant 1 : i32
          %add3A_175 = arith.addi %while3A_145, %add3A_174 : i32
          %and3A_176 = arith.constant 1 : i32
          %and3A_177 = arith.andi %add3A_175, %and3A_176 : i32
          %mul3A_178 = arith.constant 128 : i32
          %mul3A_179 = arith.muli %add3A_175, %mul3A_178 : i32
          %add3A_180 = arith.constant 0 : i32
          %add3A_181 = arith.addi %mul3A_179, %add3A_180 : i32
          %get3A = arith.index_cast %add3A_181 : i32 to index
          %get3A_182 = tpu.vector_load %arg7[%get3A] {strides = array<i32>} : memref<16128xi32, #tpu.memory_space<vmem>>, vector<16xi32>,
          %shift_right_arithmetic3A = arith.constant 9 : i32
          %shift_right_arithmetic3A_183 = vector.broadcast %shift_right_arithmetic3A : i32 to vector<16xi32>
          %shift_right_arithmetic3A_184 = arith.shrsi %get3A_182, %shift_right_arithmetic3A_183 : vector<16xi32>
          %swap3A_185 = arith.index_cast %and3A_177 : i32 to index
          %swap3A_186 = arith.constant 0 : index
          %swap3A_187 = tpu.vector_load %arg8[%swap3A_185, %swap3A_186] {strides = array<i32>} : memref<2x128xi32, #tpu.memory_space<vmem>>, vector<16xi32>,
          tpu.vector_store %arg8[%swap3A_185, %swap3A_186], %shift_right_arithmetic3A_184 {strides = array<i32>} : memref<2x128xi32, #tpu.memory_space<vmem>>, vector<16xi32>,
          %add3A_188 = arith.constant 16 : i32
          %add3A_189 = arith.addi %mul3A_179, %add3A_188 : i32
          %get3A_190 = arith.index_cast %add3A_189 : i32 to index
          %get3A_191 = tpu.vector_load %arg7[%get3A_190] {strides = array<i32>} : memref<16128xi32, #tpu.memory_space<vmem>>, vector<16xi32>,
          %shift_right_arithmetic3A_192 = arith.constant 9 : i32
          %shift_right_arithmetic3A_193 = vector.broadcast %shift_right_arithmetic3A_192 : i32 to vector<16xi32>
          %shift_right_arithmetic3A_194 = arith.shrsi %get3A_191, %shift_right_arithmetic3A_193 : vector<16xi32>
          %swap3A_195 = arith.index_cast %and3A_177 : i32 to index
          %swap3A_196 = arith.constant 16 : index
          %swap3A_197 = tpu.vector_load %arg8[%swap3A_195, %swap3A_196] {strides = array<i32>} : memref<2x128xi32, #tpu.memory_space<vmem>>, vector<16xi32>,
          tpu.vector_store %arg8[%swap3A_195, %swap3A_196], %shift_right_arithmetic3A_194 {strides = array<i32>} : memref<2x128xi32, #tpu.memory_space<vmem>>, vector<16xi32>,
          %add3A_198 = arith.constant 32 : i32
          %add3A_199 = arith.addi %mul3A_179, %add3A_198 : i32
          %get3A_200 = arith.index_cast %add3A_199 : i32 to index
          %get3A_201 = tpu.vector_load %arg7[%get3A_200] {strides = array<i32>} : memref<16128xi32, #tpu.memory_space<vmem>>, vector<16xi32>,
          %shift_right_arithmetic3A_202 = arith.constant 9 : i32
          %shift_right_arithmetic3A_203 = vector.broadcast %shift_right_arithmetic3A_202 : i32 to vector<16xi32>
          %shift_right_arithmetic3A_204 = arith.shrsi %get3A_201, %shift_right_arithmetic3A_203 : vector<16xi32>
          %swap3A_205 = arith.index_cast %and3A_177 : i32 to index
          %swap3A_206 = arith.constant 32 : index
          %swap3A_207 = tpu.vector_load %arg8[%swap3A_205, %swap3A_206] {strides = array<i32>} : memref<2x128xi32, #tpu.memory_space<vmem>>, vector<16xi32>,
          tpu.vector_store %arg8[%swap3A_205, %swap3A_206], %shift_right_arithmetic3A_204 {strides = array<i32>} : memref<2x128xi32, #tpu.memory_space<vmem>>, vector<16xi32>,
          %add3A_208 = arith.constant 48 : i32
          %add3A_209 = arith.addi %mul3A_179, %add3A_208 : i32
          %get3A_210 = arith.index_cast %add3A_209 : i32 to index
          %get3A_211 = tpu.vector_load %arg7[%get3A_210] {strides = array<i32>} : memref<16128xi32, #tpu.memory_space<vmem>>, vector<16xi32>,
          %shift_right_arithmetic3A_212 = arith.constant 9 : i32
          %shift_right_arithmetic3A_213 = vector.broadcast %shift_right_arithmetic3A_212 : i32 to vector<16xi32>
          %shift_right_arithmetic3A_214 = arith.shrsi %get3A_211, %shift_right_arithmetic3A_213 : vector<16xi32>
          %swap3A_215 = arith.index_cast %and3A_177 : i32 to index
          %swap3A_216 = arith.constant 48 : index
          %swap3A_217 = tpu.vector_load %arg8[%swap3A_215, %swap3A_216] {strides = array<i32>} : memref<2x128xi32, #tpu.memory_space<vmem>>, vector<16xi32>,
          tpu.vector_store %arg8[%swap3A_215, %swap3A_216], %shift_right_arithmetic3A_214 {strides = array<i32>} : memref<2x128xi32, #tpu.memory_space<vmem>>, vector<16xi32>,
          %add3A_218 = arith.constant 64 : i32
          %add3A_219 = arith.addi %mul3A_179, %add3A_218 : i32
          %get3A_220 = arith.index_cast %add3A_219 : i32 to index
          %get3A_221 = tpu.vector_load %arg7[%get3A_220] {strides = array<i32>} : memref<16128xi32, #tpu.memory_space<vmem>>, vector<16xi32>,
          %shift_right_arithmetic3A_222 = arith.constant 9 : i32
          %shift_right_arithmetic3A_223 = vector.broadcast %shift_right_arithmetic3A_222 : i32 to vector<16xi32>
          %shift_right_arithmetic3A_224 = arith.shrsi %get3A_221, %shift_right_arithmetic3A_223 : vector<16xi32>
          %swap3A_225 = arith.index_cast %and3A_177 : i32 to index
          %swap3A_226 = arith.constant 64 : index
          %swap3A_227 = tpu.vector_load %arg8[%swap3A_225, %swap3A_226] {strides = array<i32>} : memref<2x128xi32, #tpu.memory_space<vmem>>, vector<16xi32>,
          tpu.vector_store %arg8[%swap3A_225, %swap3A_226], %shift_right_arithmetic3A_224 {strides = array<i32>} : memref<2x128xi32, #tpu.memory_space<vmem>>, vector<16xi32>,
          %add3A_228 = arith.constant 80 : i32
          %add3A_229 = arith.addi %mul3A_179, %add3A_228 : i32
          %get3A_230 = arith.index_cast %add3A_229 : i32 to index
          %get3A_231 = tpu.vector_load %arg7[%get3A_230] {strides = array<i32>} : memref<16128xi32, #tpu.memory_space<vmem>>, vector<16xi32>,
          %shift_right_arithmetic3A_232 = arith.constant 9 : i32
          %shift_right_arithmetic3A_233 = vector.broadcast %shift_right_arithmetic3A_232 : i32 to vector<16xi32>
          %shift_right_arithmetic3A_234 = arith.shrsi %get3A_231, %shift_right_arithmetic3A_233 : vector<16xi32>
          %swap3A_235 = arith.index_cast %and3A_177 : i32 to index
          %swap3A_236 = arith.constant 80 : index
          %swap3A_237 = tpu.vector_load %arg8[%swap3A_235, %swap3A_236] {strides = array<i32>} : memref<2x128xi32, #tpu.memory_space<vmem>>, vector<16xi32>,
          tpu.vector_store %arg8[%swap3A_235, %swap3A_236], %shift_right_arithmetic3A_234 {strides = array<i32>} : memref<2x128xi32, #tpu.memory_space<vmem>>, vector<16xi32>,
          %add3A_238 = arith.constant 96 : i32
          %add3A_239 = arith.addi %mul3A_179, %add3A_238 : i32
          %get3A_240 = arith.index_cast %add3A_239 : i32 to index
          %get3A_241 = tpu.vector_load %arg7[%get3A_240] {strides = array<i32>} : memref<16128xi32, #tpu.memory_space<vmem>>, vector<16xi32>,
          %shift_right_arithmetic3A_242 = arith.constant 9 : i32
          %shift_right_arithmetic3A_243 = vector.broadcast %shift_right_arithmetic3A_242 : i32 to vector<16xi32>
          %shift_right_arithmetic3A_244 = arith.shrsi %get3A_241, %shift_right_arithmetic3A_243 : vector<16xi32>
          %swap3A_245 = arith.index_cast %and3A_177 : i32 to index
          %swap3A_246 = arith.constant 96 : index
          %swap3A_247 = tpu.vector_load %arg8[%swap3A_245, %swap3A_246] {strides = array<i32>} : memref<2x128xi32, #tpu.memory_space<vmem>>, vector<16xi32>,
          tpu.vector_store %arg8[%swap3A_245, %swap3A_246], %shift_right_arithmetic3A_244 {strides = array<i32>} : memref<2x128xi32, #tpu.memory_space<vmem>>, vector<16xi32>,
          %add3A_248 = arith.constant 112 : i32
          %add3A_249 = arith.addi %mul3A_179, %add3A_248 : i32
          %get3A_250 = arith.index_cast %add3A_249 : i32 to index
          %get3A_251 = tpu.vector_load %arg7[%get3A_250] {strides = array<i32>} : memref<16128xi32, #tpu.memory_space<vmem>>, vector<16xi32>,
          %shift_right_arithmetic3A_252 = arith.constant 9 : i32
          %shift_right_arithmetic3A_253 = vector.broadcast %shift_right_arithmetic3A_252 : i32 to vector<16xi32>
          %shift_right_arithmetic3A_254 = arith.shrsi %get3A_251, %shift_right_arithmetic3A_253 : vector<16xi32>
          %swap3A_255 = arith.index_cast %and3A_177 : i32 to index
          %swap3A_256 = arith.constant 112 : index
          %swap3A_257 = tpu.vector_load %arg8[%swap3A_255, %swap3A_256] {strides = array<i32>} : memref<2x128xi32, #tpu.memory_space<vmem>>, vector<16xi32>,
          tpu.vector_store %arg8[%swap3A_255, %swap3A_256], %shift_right_arithmetic3A_254 {strides = array<i32>} : memref<2x128xi32, #tpu.memory_space<vmem>>, vector<16xi32>,
          %dma_start3A_258 = arith.constant 0 : i32
          %dma_start3A_259 = arith.constant 0 : i32
          %dma_start3A_260 = tpu.memref_slice %arg9[%and3A_177, %dma_start3A_258, %dma_start3A_259] : memref<2x128x128xf32, #tpu.memory_space<vmem>> -> memref<1x128x128xf32, #tpu.memory_space<vmem>>
          %dma_start3A_261 = tpu.memref_squeeze %dma_start3A_260 : memref<1x128x128xf32, #tpu.memory_space<vmem>> -> memref<128x128xf32, #tpu.memory_space<vmem>>
          %dma_start3A_262 = arith.constant 0 : i32
          %dma_start3A_263 = tpu.memref_slice %arg8[%and3A_177, %dma_start3A_262] : memref<2x128xi32, #tpu.memory_space<vmem>> -> memref<1x128xi32, #tpu.memory_space<vmem>>
          %dma_start3A_264 = tpu.memref_squeeze %dma_start3A_263 : memref<1x128xi32, #tpu.memory_space<vmem>> -> memref<128xi32, #tpu.memory_space<vmem>>
          %dma_start3A_265 = arith.constant 0 : i32
          %dma_start3A_266 = arith.constant 0 : i32
          %dma_start3A_267 = tpu.memref_slice %arg2[%dma_start3A_265, %dma_start3A_266] : memref<320000x128xf32, #tpu.memory_space<hbm>> -> memref<320000x128xf32, #tpu.memory_space<hbm>>
          tpu.enqueue_indirect_dma source(%dma_start3A_267 : memref<320000x128xf32, #tpu.memory_space<hbm>>) target(%dma_start3A_261 : memref<128x128xf32, #tpu.memory_space<vmem>>) offsets(%dma_start3A_264 : memref<128xi32, #tpu.memory_space<vmem>>) semaphore(%arg10 : memref<!tpu.dma_semaphore, #tpu.memory_space<semaphore_mem>>)
        } else {
        }
        %scan3A_168 = arith.constant 0 : i32
        %scan3A_169 = arith.constant 0 : i32
        %scan3A_170 = arith.constant 8 : i32
        %scan3A_171 = arith.addi %scan3A_169, %scan3A_170 : i32
        %scan3A_172 = arith.constant 1 : i32
        scf.for %scan3A_174 = %scan3A_169 to %scan3A_171 step %scan3A_172  : i32 {
          %mul3A_175 = arith.constant 16 : i32
          %mul3A_176 = arith.muli %scan3A_174, %mul3A_175 : i32
          %add3A_177 = arith.addi %mul3A_149, %mul3A_176 : i32
          %get3A = arith.index_cast %add3A_177 : i32 to index
          %get3A_178 = tpu.vector_load %arg7[%get3A] {strides = array<i32>} : memref<16128xi32, #tpu.memory_space<vmem>>, vector<16xi32>,
          %and3A_179 = arith.constant 511 : i32
          %and3A_180 = vector.broadcast %and3A_179 : i32 to vector<16xi32>
          %and3A_181 = arith.andi %get3A_178, %and3A_180 : vector<16xi32>
          %mul3A_182 = arith.constant 16 : i32
          %mul3A_183 = arith.muli %scan3A_174, %mul3A_182 : i32
          %slice3A = vector.extract_strided_slice %and3A_181 {offsets = [0], sizes = [1], strides = [1]} : vector<16xi32> to vector<1xi32>
          %squeeze3A = vector.extract %slice3A[0] : i32 from vector<1xi32>
          %get3A_184 = arith.index_cast %squeeze3A : i32 to index
          %get3A_185 = arith.constant 0 : index
          %get3A_186 = tpu.vector_load %arg5[%get3A_184, %get3A_185] {strides = array<i32>} : memref<321x128xf32, #tpu.memory_space<vmem>>, vector<16xf32>,
          %get3A_187 = arith.index_cast %squeeze3A : i32 to index
          %get3A_188 = arith.constant 16 : index
          %get3A_189 = tpu.vector_load %arg5[%get3A_187, %get3A_188] {strides = array<i32>} : memref<321x128xf32, #tpu.memory_space<vmem>>, vector<16xf32>,
          %get3A_190 = arith.index_cast %squeeze3A : i32 to index
          %get3A_191 = arith.constant 32 : index
          %get3A_192 = tpu.vector_load %arg5[%get3A_190, %get3A_191] {strides = array<i32>} : memref<321x128xf32, #tpu.memory_space<vmem>>, vector<16xf32>,
          %get3A_193 = arith.index_cast %squeeze3A : i32 to index
          %get3A_194 = arith.constant 48 : index
          %get3A_195 = tpu.vector_load %arg5[%get3A_193, %get3A_194] {strides = array<i32>} : memref<321x128xf32, #tpu.memory_space<vmem>>, vector<16xf32>,
          %get3A_196 = arith.index_cast %squeeze3A : i32 to index
          %get3A_197 = arith.constant 64 : index
          %get3A_198 = tpu.vector_load %arg5[%get3A_196, %get3A_197] {strides = array<i32>} : memref<321x128xf32, #tpu.memory_space<vmem>>, vector<16xf32>,
          %get3A_199 = arith.index_cast %squeeze3A : i32 to index
          %get3A_200 = arith.constant 80 : index
          %get3A_201 = tpu.vector_load %arg5[%get3A_199, %get3A_200] {strides = array<i32>} : memref<321x128xf32, #tpu.memory_space<vmem>>, vector<16xf32>,
          %get3A_202 = arith.index_cast %squeeze3A : i32 to index
          %get3A_203 = arith.constant 96 : index
          %get3A_204 = tpu.vector_load %arg5[%get3A_202, %get3A_203] {strides = array<i32>} : memref<321x128xf32, #tpu.memory_space<vmem>>, vector<16xf32>,
          %get3A_205 = arith.index_cast %squeeze3A : i32 to index
          %get3A_206 = arith.constant 112 : index
          %get3A_207 = tpu.vector_load %arg5[%get3A_205, %get3A_206] {strides = array<i32>} : memref<321x128xf32, #tpu.memory_space<vmem>>, vector<16xf32>,
          %add3A_208 = arith.constant 0 : i32
          %add3A_209 = arith.addi %mul3A_183, %add3A_208 : i32
          %get3A_210 = arith.index_cast %and3A_147 : i32 to index
          %get3A_211 = arith.index_cast %add3A_209 : i32 to index
          %get3A_212 = arith.constant 0 : index
          %get3A_213 = tpu.vector_load %arg9[%get3A_210, %get3A_211, %get3A_212] {strides = array<i32>} : memref<2x128x128xf32, #tpu.memory_space<vmem>>, vector<16xf32>,
          %add3A_214 = arith.constant 0 : i32
          %add3A_215 = arith.addi %mul3A_183, %add3A_214 : i32
          %get3A_216 = arith.index_cast %and3A_147 : i32 to index
          %get3A_217 = arith.index_cast %add3A_215 : i32 to index
          %get3A_218 = arith.constant 16 : index
          %get3A_219 = tpu.vector_load %arg9[%get3A_216, %get3A_217, %get3A_218] {strides = array<i32>} : memref<2x128x128xf32, #tpu.memory_space<vmem>>, vector<16xf32>,
          %add3A_220 = arith.constant 0 : i32
          %add3A_221 = arith.addi %mul3A_183, %add3A_220 : i32
          %get3A_222 = arith.index_cast %and3A_147 : i32 to index
          %get3A_223 = arith.index_cast %add3A_221 : i32 to index
          %get3A_224 = arith.constant 32 : index
          %get3A_225 = tpu.vector_load %arg9[%get3A_222, %get3A_223, %get3A_224] {strides = array<i32>} : memref<2x128x128xf32, #tpu.memory_space<vmem>>, vector<16xf32>,
          %add3A_226 = arith.constant 0 : i32
          %add3A_227 = arith.addi %mul3A_183, %add3A_226 : i32
          %get3A_228 = arith.index_cast %and3A_147 : i32 to index
          %get3A_229 = arith.index_cast %add3A_227 : i32 to index
          %get3A_230 = arith.constant 48 : index
          %get3A_231 = tpu.vector_load %arg9[%get3A_228, %get3A_229, %get3A_230] {strides = array<i32>} : memref<2x128x128xf32, #tpu.memory_space<vmem>>, vector<16xf32>,
          %add3A_232 = arith.constant 0 : i32
          %add3A_233 = arith.addi %mul3A_183, %add3A_232 : i32
          %get3A_234 = arith.index_cast %and3A_147 : i32 to index
          %get3A_235 = arith.index_cast %add3A_233 : i32 to index
          %get3A_236 = arith.constant 64 : index
          %get3A_237 = tpu.vector_load %arg9[%get3A_234, %get3A_235, %get3A_236] {strides = array<i32>} : memref<2x128x128xf32, #tpu.memory_space<vmem>>, vector<16xf32>,
          %add3A_238 = arith.constant 0 : i32
          %add3A_239 = arith.addi %mul3A_183, %add3A_238 : i32
          %get3A_240 = arith.index_cast %and3A_147 : i32 to index
          %get3A_241 = arith.index_cast %add3A_239 : i32 to index
          %get3A_242 = arith.constant 80 : index
          %get3A_243 = tpu.vector_load %arg9[%get3A_240, %get3A_241, %get3A_242] {strides = array<i32>} : memref<2x128x128xf32, #tpu.memory_space<vmem>>, vector<16xf32>,
          %add3A_244 = arith.constant 0 : i32
          %add3A_245 = arith.addi %mul3A_183, %add3A_244 : i32
          %get3A_246 = arith.index_cast %and3A_147 : i32 to index
          %get3A_247 = arith.index_cast %add3A_245 : i32 to index
          %get3A_248 = arith.constant 96 : index
          %get3A_249 = tpu.vector_load %arg9[%get3A_246, %get3A_247, %get3A_248] {strides = array<i32>} : memref<2x128x128xf32, #tpu.memory_space<vmem>>, vector<16xf32>,
          %add3A_250 = arith.constant 0 : i32
          %add3A_251 = arith.addi %mul3A_183, %add3A_250 : i32
          %get3A_252 = arith.index_cast %and3A_147 : i32 to index
          %get3A_253 = arith.index_cast %add3A_251 : i32 to index
          %get3A_254 = arith.constant 112 : index
          %get3A_255 = tpu.vector_load %arg9[%get3A_252, %get3A_253, %get3A_254] {strides = array<i32>} : memref<2x128x128xf32, #tpu.memory_space<vmem>>, vector<16xf32>,
          %max3A = arith.maximumf %get3A_186, %get3A_213 : vector<16xf32>
          %swap3A_256 = arith.index_cast %squeeze3A : i32 to index
          %swap3A_257 = arith.constant 0 : index
          %swap3A_258 = tpu.vector_load %arg5[%swap3A_256, %swap3A_257] {strides = array<i32>} : memref<321x128xf32, #tpu.memory_space<vmem>>, vector<16xf32>,
          tpu.vector_store %arg5[%swap3A_256, %swap3A_257], %max3A {strides = array<i32>} : memref<321x128xf32, #tpu.memory_space<vmem>>, vector<16xf32>,
          %max3A_259 = arith.maximumf %get3A_189, %get3A_219 : vector<16xf32>
          %swap3A_260 = arith.index_cast %squeeze3A : i32 to index
          %swap3A_261 = arith.constant 16 : index
          %swap3A_262 = tpu.vector_load %arg5[%swap3A_260, %swap3A_261] {strides = array<i32>} : memref<321x128xf32, #tpu.memory_space<vmem>>, vector<16xf32>,
          tpu.vector_store %arg5[%swap3A_260, %swap3A_261], %max3A_259 {strides = array<i32>} : memref<321x128xf32, #tpu.memory_space<vmem>>, vector<16xf32>,
          %max3A_263 = arith.maximumf %get3A_192, %get3A_225 : vector<16xf32>
          %swap3A_264 = arith.index_cast %squeeze3A : i32 to index
          %swap3A_265 = arith.constant 32 : index
          %swap3A_266 = tpu.vector_load %arg5[%swap3A_264, %swap3A_265] {strides = array<i32>} : memref<321x128xf32, #tpu.memory_space<vmem>>, vector<16xf32>,
          tpu.vector_store %arg5[%swap3A_264, %swap3A_265], %max3A_263 {strides = array<i32>} : memref<321x128xf32, #tpu.memory_space<vmem>>, vector<16xf32>,
          %max3A_267 = arith.maximumf %get3A_195, %get3A_231 : vector<16xf32>
          %swap3A_268 = arith.index_cast %squeeze3A : i32 to index
          %swap3A_269 = arith.constant 48 : index
          %swap3A_270 = tpu.vector_load %arg5[%swap3A_268, %swap3A_269] {strides = array<i32>} : memref<321x128xf32, #tpu.memory_space<vmem>>, vector<16xf32>,
          tpu.vector_store %arg5[%swap3A_268, %swap3A_269], %max3A_267 {strides = array<i32>} : memref<321x128xf32, #tpu.memory_space<vmem>>, vector<16xf32>,
          %max3A_271 = arith.maximumf %get3A_198, %get3A_237 : vector<16xf32>
          %swap3A_272 = arith.index_cast %squeeze3A : i32 to index
          %swap3A_273 = arith.constant 64 : index
          %swap3A_274 = tpu.vector_load %arg5[%swap3A_272, %swap3A_273] {strides = array<i32>} : memref<321x128xf32, #tpu.memory_space<vmem>>, vector<16xf32>,
          tpu.vector_store %arg5[%swap3A_272, %swap3A_273], %max3A_271 {strides = array<i32>} : memref<321x128xf32, #tpu.memory_space<vmem>>, vector<16xf32>,
          %max3A_275 = arith.maximumf %get3A_201, %get3A_243 : vector<16xf32>
          %swap3A_276 = arith.index_cast %squeeze3A : i32 to index
          %swap3A_277 = arith.constant 80 : index
          %swap3A_278 = tpu.vector_load %arg5[%swap3A_276, %swap3A_277] {strides = array<i32>} : memref<321x128xf32, #tpu.memory_space<vmem>>, vector<16xf32>,
          tpu.vector_store %arg5[%swap3A_276, %swap3A_277], %max3A_275 {strides = array<i32>} : memref<321x128xf32, #tpu.memory_space<vmem>>, vector<16xf32>,
          %max3A_279 = arith.maximumf %get3A_204, %get3A_249 : vector<16xf32>
          %swap3A_280 = arith.index_cast %squeeze3A : i32 to index
          %swap3A_281 = arith.constant 96 : index
          %swap3A_282 = tpu.vector_load %arg5[%swap3A_280, %swap3A_281] {strides = array<i32>} : memref<321x128xf32, #tpu.memory_space<vmem>>, vector<16xf32>,
          tpu.vector_store %arg5[%swap3A_280, %swap3A_281], %max3A_279 {strides = array<i32>} : memref<321x128xf32, #tpu.memory_space<vmem>>, vector<16xf32>,
          %max3A_283 = arith.maximumf %get3A_207, %get3A_255 : vector<16xf32>
          %swap3A_284 = arith.index_cast %squeeze3A : i32 to index
          %swap3A_285 = arith.constant 112 : index
          %swap3A_286 = tpu.vector_load %arg5[%swap3A_284, %swap3A_285] {strides = array<i32>} : memref<321x128xf32, #tpu.memory_space<vmem>>, vector<16xf32>,
          tpu.vector_store %arg5[%swap3A_284, %swap3A_285], %max3A_283 {strides = array<i32>} : memref<321x128xf32, #tpu.memory_space<vmem>>, vector<16xf32>,
          %slice3A_287 = vector.extract_strided_slice %and3A_181 {offsets = [1], sizes = [1], strides = [1]} : vector<16xi32> to vector<1xi32>
          %squeeze3A_288 = vector.extract %slice3A_287[0] : i32 from vector<1xi32>
          %get3A_289 = arith.index_cast %squeeze3A_288 : i32 to index
          %get3A_290 = arith.constant 0 : index
          %get3A_291 = tpu.vector_load %arg5[%get3A_289, %get3A_290] {strides = array<i32>} : memref<321x128xf32, #tpu.memory_space<vmem>>, vector<16xf32>,
          %get3A_292 = arith.index_cast %squeeze3A_288 : i32 to index
          %get3A_293 = arith.constant 16 : index
          %get3A_294 = tpu.vector_load %arg5[%get3A_292, %get3A_293] {strides = array<i32>} : memref<321x128xf32, #tpu.memory_space<vmem>>, vector<16xf32>,
          %get3A_295 = arith.index_cast %squeeze3A_288 : i32 to index
          %get3A_296 = arith.constant 32 : index
          %get3A_297 = tpu.vector_load %arg5[%get3A_295, %get3A_296] {strides = array<i32>} : memref<321x128xf32, #tpu.memory_space<vmem>>, vector<16xf32>,
          %get3A_298 = arith.index_cast %squeeze3A_288 : i32 to index
          %get3A_299 = arith.constant 48 : index
          %get3A_300 = tpu.vector_load %arg5[%get3A_298, %get3A_299] {strides = array<i32>} : memref<321x128xf32, #tpu.memory_space<vmem>>, vector<16xf32>,
          %get3A_301 = arith.index_cast %squeeze3A_288 : i32 to index
          %get3A_302 = arith.constant 64 : index
          %get3A_303 = tpu.vector_load %arg5[%get3A_301, %get3A_302] {strides = array<i32>} : memref<321x128xf32, #tpu.memory_space<vmem>>, vector<16xf32>,
          %get3A_304 = arith.index_cast %squeeze3A_288 : i32 to index
          %get3A_305 = arith.constant 80 : index
          %get3A_306 = tpu.vector_load %arg5[%get3A_304, %get3A_305] {strides = array<i32>} : memref<321x128xf32, #tpu.memory_space<vmem>>, vector<16xf32>,
          %get3A_307 = arith.index_cast %squeeze3A_288 : i32 to index
          %get3A_308 = arith.constant 96 : index
          %get3A_309 = tpu.vector_load %arg5[%get3A_307, %get3A_308] {strides = array<i32>} : memref<321x128xf32, #tpu.memory_space<vmem>>, vector<16xf32>,
          %get3A_310 = arith.index_cast %squeeze3A_288 : i32 to index
          %get3A_311 = arith.constant 112 : index
          %get3A_312 = tpu.vector_load %arg5[%get3A_310, %get3A_311] {strides = array<i32>} : memref<321x128xf32, #tpu.memory_space<vmem>>, vector<16xf32>,
          %add3A_313 = arith.constant 1 : i32
          %add3A_314 = arith.addi %mul3A_183, %add3A_313 : i32
          %get3A_315 = arith.index_cast %and3A_147 : i32 to index
          %get3A_316 = arith.index_cast %add3A_314 : i32 to index
          %get3A_317 = arith.constant 0 : index
          %get3A_318 = tpu.vector_load %arg9[%get3A_315, %get3A_316, %get3A_317] {strides = array<i32>} : memref<2x128x128xf32, #tpu.memory_space<vmem>>, vector<16xf32>,
          %add3A_319 = arith.constant 1 : i32
          %add3A_320 = arith.addi %mul3A_183, %add3A_319 : i32
          %get3A_321 = arith.index_cast %and3A_147 : i32 to index
          %get3A_322 = arith.index_cast %add3A_320 : i32 to index
          %get3A_323 = arith.constant 16 : index
          %get3A_324 = tpu.vector_load %arg9[%get3A_321, %get3A_322, %get3A_323] {strides = array<i32>} : memref<2x128x128xf32, #tpu.memory_space<vmem>>, vector<16xf32>,
          %add3A_325 = arith.constant 1 : i32
          %add3A_326 = arith.addi %mul3A_183, %add3A_325 : i32
          %get3A_327 = arith.index_cast %and3A_147 : i32 to index
          %get3A_328 = arith.index_cast %add3A_326 : i32 to index
          %get3A_329 = arith.constant 32 : index
          %get3A_330 = tpu.vector_load %arg9[%get3A_327, %get3A_328, %get3A_329] {strides = array<i32>} : memref<2x128x128xf32, #tpu.memory_space<vmem>>, vector<16xf32>,
          %add3A_331 = arith.constant 1 : i32
          %add3A_332 = arith.addi %mul3A_183, %add3A_331 : i32
          %get3A_333 = arith.index_cast %and3A_147 : i32 to index
          %get3A_334 = arith.index_cast %add3A_332 : i32 to index
          %get3A_335 = arith.constant 48 : index
          %get3A_336 = tpu.vector_load %arg9[%get3A_333, %get3A_334, %get3A_335] {strides = array<i32>} : memref<2x128x128xf32, #tpu.memory_space<vmem>>, vector<16xf32>,
          %add3A_337 = arith.constant 1 : i32
          %add3A_338 = arith.addi %mul3A_183, %add3A_337 : i32
          %get3A_339 = arith.index_cast %and3A_147 : i32 to index
          %get3A_340 = arith.index_cast %add3A_338 : i32 to index
          %get3A_341 = arith.constant 64 : index
          %get3A_342 = tpu.vector_load %arg9[%get3A_339, %get3A_340, %get3A_341] {strides = array<i32>} : memref<2x128x128xf32, #tpu.memory_space<vmem>>, vector<16xf32>,
          %add3A_343 = arith.constant 1 : i32
          %add3A_344 = arith.addi %mul3A_183, %add3A_343 : i32
          %get3A_345 = arith.index_cast %and3A_147 : i32 to index
          %get3A_346 = arith.index_cast %add3A_344 : i32 to index
          %get3A_347 = arith.constant 80 : index
          %get3A_348 = tpu.vector_load %arg9[%get3A_345, %get3A_346, %get3A_347] {strides = array<i32>} : memref<2x128x128xf32, #tpu.memory_space<vmem>>, vector<16xf32>,
          %add3A_349 = arith.constant 1 : i32
          %add3A_350 = arith.addi %mul3A_183, %add3A_349 : i32
          %get3A_351 = arith.index_cast %and3A_147 : i32 to index
          %get3A_352 = arith.index_cast %add3A_350 : i32 to index
          %get3A_353 = arith.constant 96 : index
          %get3A_354 = tpu.vector_load %arg9[%get3A_351, %get3A_352, %get3A_353] {strides = array<i32>} : memref<2x128x128xf32, #tpu.memory_space<vmem>>, vector<16xf32>,
          %add3A_355 = arith.constant 1 : i32
          %add3A_356 = arith.addi %mul3A_183, %add3A_355 : i32
          %get3A_357 = arith.index_cast %and3A_147 : i32 to index
          %get3A_358 = arith.index_cast %add3A_356 : i32 to index
          %get3A_359 = arith.constant 112 : index
          %get3A_360 = tpu.vector_load %arg9[%get3A_357, %get3A_358, %get3A_359] {strides = array<i32>} : memref<2x128x128xf32, #tpu.memory_space<vmem>>, vector<16xf32>,
          %max3A_361 = arith.maximumf %get3A_291, %get3A_318 : vector<16xf32>
          %swap3A_362 = arith.index_cast %squeeze3A_288 : i32 to index
          %swap3A_363 = arith.constant 0 : index
          %swap3A_364 = tpu.vector_load %arg5[%swap3A_362, %swap3A_363] {strides = array<i32>} : memref<321x128xf32, #tpu.memory_space<vmem>>, vector<16xf32>,
          tpu.vector_store %arg5[%swap3A_362, %swap3A_363], %max3A_361 {strides = array<i32>} : memref<321x128xf32, #tpu.memory_space<vmem>>, vector<16xf32>,
          %max3A_365 = arith.maximumf %get3A_294, %get3A_324 : vector<16xf32>
          %swap3A_366 = arith.index_cast %squeeze3A_288 : i32 to index
          %swap3A_367 = arith.constant 16 : index
          %swap3A_368 = tpu.vector_load %arg5[%swap3A_366, %swap3A_367] {strides = array<i32>} : memref<321x128xf32, #tpu.memory_space<vmem>>, vector<16xf32>,
          tpu.vector_store %arg5[%swap3A_366, %swap3A_367], %max3A_365 {strides = array<i32>} : memref<321x128xf32, #tpu.memory_space<vmem>>, vector<16xf32>,
          %max3A_369 = arith.maximumf %get3A_297, %get3A_330 : vector<16xf32>
          %swap3A_370 = arith.index_cast %squeeze3A_288 : i32 to index
          %swap3A_371 = arith.constant 32 : index
          %swap3A_372 = tpu.vector_load %arg5[%swap3A_370, %swap3A_371] {strides = array<i32>} : memref<321x128xf32, #tpu.memory_space<vmem>>, vector<16xf32>,
          tpu.vector_store %arg5[%swap3A_370, %swap3A_371], %max3A_369 {strides = array<i32>} : memref<321x128xf32, #tpu.memory_space<vmem>>, vector<16xf32>,
          %max3A_373 = arith.maximumf %get3A_300, %get3A_336 : vector<16xf32>
          %swap3A_374 = arith.index_cast %squeeze3A_288 : i32 to index
          %swap3A_375 = arith.constant 48 : index
          %swap3A_376 = tpu.vector_load %arg5[%swap3A_374, %swap3A_375] {strides = array<i32>} : memref<321x128xf32, #tpu.memory_space<vmem>>, vector<16xf32>,
          tpu.vector_store %arg5[%swap3A_374, %swap3A_375], %max3A_373 {strides = array<i32>} : memref<321x128xf32, #tpu.memory_space<vmem>>, vector<16xf32>,
          %max3A_377 = arith.maximumf %get3A_303, %get3A_342 : vector<16xf32>
          %swap3A_378 = arith.index_cast %squeeze3A_288 : i32 to index
          %swap3A_379 = arith.constant 64 : index
          %swap3A_380 = tpu.vector_load %arg5[%swap3A_378, %swap3A_379] {strides = array<i32>} : memref<321x128xf32, #tpu.memory_space<vmem>>, vector<16xf32>,
          tpu.vector_store %arg5[%swap3A_378, %swap3A_379], %max3A_377 {strides = array<i32>} : memref<321x128xf32, #tpu.memory_space<vmem>>, vector<16xf32>,
          %max3A_381 = arith.maximumf %get3A_306, %get3A_348 : vector<16xf32>
          %swap3A_382 = arith.index_cast %squeeze3A_288 : i32 to index
          %swap3A_383 = arith.constant 80 : index
          %swap3A_384 = tpu.vector_load %arg5[%swap3A_382, %swap3A_383] {strides = array<i32>} : memref<321x128xf32, #tpu.memory_space<vmem>>, vector<16xf32>,
          tpu.vector_store %arg5[%swap3A_382, %swap3A_383], %max3A_381 {strides = array<i32>} : memref<321x128xf32, #tpu.memory_space<vmem>>, vector<16xf32>,
          %max3A_385 = arith.maximumf %get3A_309, %get3A_354 : vector<16xf32>
          %swap3A_386 = arith.index_cast %squeeze3A_288 : i32 to index
          %swap3A_387 = arith.constant 96 : index
          %swap3A_388 = tpu.vector_load %arg5[%swap3A_386, %swap3A_387] {strides = array<i32>} : memref<321x128xf32, #tpu.memory_space<vmem>>, vector<16xf32>,
          tpu.vector_store %arg5[%swap3A_386, %swap3A_387], %max3A_385 {strides = array<i32>} : memref<321x128xf32, #tpu.memory_space<vmem>>, vector<16xf32>,
          %max3A_389 = arith.maximumf %get3A_312, %get3A_360 : vector<16xf32>
          %swap3A_390 = arith.index_cast %squeeze3A_288 : i32 to index
          %swap3A_391 = arith.constant 112 : index
          %swap3A_392 = tpu.vector_load %arg5[%swap3A_390, %swap3A_391] {strides = array<i32>} : memref<321x128xf32, #tpu.memory_space<vmem>>, vector<16xf32>,
          tpu.vector_store %arg5[%swap3A_390, %swap3A_391], %max3A_389 {strides = array<i32>} : memref<321x128xf32, #tpu.memory_space<vmem>>, vector<16xf32>,
          %slice3A_393 = vector.extract_strided_slice %and3A_181 {offsets = [2], sizes = [1], strides = [1]} : vector<16xi32> to vector<1xi32>
          %squeeze3A_394 = vector.extract %slice3A_393[0] : i32 from vector<1xi32>
          %get3A_395 = arith.index_cast %squeeze3A_394 : i32 to index
          %get3A_396 = arith.constant 0 : index
          %get3A_397 = tpu.vector_load %arg5[%get3A_395, %get3A_396] {strides = array<i32>} : memref<321x128xf32, #tpu.memory_space<vmem>>, vector<16xf32>,
          %get3A_398 = arith.index_cast %squeeze3A_394 : i32 to index
          %get3A_399 = arith.constant 16 : index
          %get3A_400 = tpu.vector_load %arg5[%get3A_398, %get3A_399] {strides = array<i32>} : memref<321x128xf32, #tpu.memory_space<vmem>>, vector<16xf32>,
          %get3A_401 = arith.index_cast %squeeze3A_394 : i32 to index
          %get3A_402 = arith.constant 32 : index
          %get3A_403 = tpu.vector_load %arg5[%get3A_401, %get3A_402] {strides = array<i32>} : memref<321x128xf32, #tpu.memory_space<vmem>>, vector<16xf32>,
          %get3A_404 = arith.index_cast %squeeze3A_394 : i32 to index
          %get3A_405 = arith.constant 48 : index
          %get3A_406 = tpu.vector_load %arg5[%get3A_404, %get3A_405] {strides = array<i32>} : memref<321x128xf32, #tpu.memory_space<vmem>>, vector<16xf32>,
          %get3A_407 = arith.index_cast %squeeze3A_394 : i32 to index
          %get3A_408 = arith.constant 64 : index
          %get3A_409 = tpu.vector_load %arg5[%get3A_407, %get3A_408] {strides = array<i32>} : memref<321x128xf32, #tpu.memory_space<vmem>>, vector<16xf32>,
          %get3A_410 = arith.index_cast %squeeze3A_394 : i32 to index
          %get3A_411 = arith.constant 80 : index
          %get3A_412 = tpu.vector_load %arg5[%get3A_410, %get3A_411] {strides = array<i32>} : memref<321x128xf32, #tpu.memory_space<vmem>>, vector<16xf32>,
          %get3A_413 = arith.index_cast %squeeze3A_394 : i32 to index
          %get3A_414 = arith.constant 96 : index
          %get3A_415 = tpu.vector_load %arg5[%get3A_413, %get3A_414] {strides = array<i32>} : memref<321x128xf32, #tpu.memory_space<vmem>>, vector<16xf32>,
          %get3A_416 = arith.index_cast %squeeze3A_394 : i32 to index
          %get3A_417 = arith.constant 112 : index
          %get3A_418 = tpu.vector_load %arg5[%get3A_416, %get3A_417] {strides = array<i32>} : memref<321x128xf32, #tpu.memory_space<vmem>>, vector<16xf32>,
          %add3A_419 = arith.constant 2 : i32
          %add3A_420 = arith.addi %mul3A_183, %add3A_419 : i32
          %get3A_421 = arith.index_cast %and3A_147 : i32 to index
          %get3A_422 = arith.index_cast %add3A_420 : i32 to index
          %get3A_423 = arith.constant 0 : index
          %get3A_424 = tpu.vector_load %arg9[%get3A_421, %get3A_422, %get3A_423] {strides = array<i32>} : memref<2x128x128xf32, #tpu.memory_space<vmem>>, vector<16xf32>,
          %add3A_425 = arith.constant 2 : i32
          %add3A_426 = arith.addi %mul3A_183, %add3A_425 : i32
          %get3A_427 = arith.index_cast %and3A_147 : i32 to index
          %get3A_428 = arith.index_cast %add3A_426 : i32 to index
          %get3A_429 = arith.constant 16 : index
          %get3A_430 = tpu.vector_load %arg9[%get3A_427, %get3A_428, %get3A_429] {strides = array<i32>} : memref<2x128x128xf32, #tpu.memory_space<vmem>>, vector<16xf32>,
          %add3A_431 = arith.constant 2 : i32
          %add3A_432 = arith.addi %mul3A_183, %add3A_431 : i32
          %get3A_433 = arith.index_cast %and3A_147 : i32 to index
          %get3A_434 = arith.index_cast %add3A_432 : i32 to index
          %get3A_435 = arith.constant 32 : index
          %get3A_436 = tpu.vector_load %arg9[%get3A_433, %get3A_434, %get3A_435] {strides = array<i32>} : memref<2x128x128xf32, #tpu.memory_space<vmem>>, vector<16xf32>,
          %add3A_437 = arith.constant 2 : i32
          %add3A_438 = arith.addi %mul3A_183, %add3A_437 : i32
          %get3A_439 = arith.index_cast %and3A_147 : i32 to index
          %get3A_440 = arith.index_cast %add3A_438 : i32 to index
          %get3A_441 = arith.constant 48 : index
          %get3A_442 = tpu.vector_load %arg9[%get3A_439, %get3A_440, %get3A_441] {strides = array<i32>} : memref<2x128x128xf32, #tpu.memory_space<vmem>>, vector<16xf32>,
          %add3A_443 = arith.constant 2 : i32
          %add3A_444 = arith.addi %mul3A_183, %add3A_443 : i32
          %get3A_445 = arith.index_cast %and3A_147 : i32 to index
          %get3A_446 = arith.index_cast %add3A_444 : i32 to index
          %get3A_447 = arith.constant 64 : index
          %get3A_448 = tpu.vector_load %arg9[%get3A_445, %get3A_446, %get3A_447] {strides = array<i32>} : memref<2x128x128xf32, #tpu.memory_space<vmem>>, vector<16xf32>,
          %add3A_449 = arith.constant 2 : i32
          %add3A_450 = arith.addi %mul3A_183, %add3A_449 : i32
          %get3A_451 = arith.index_cast %and3A_147 : i32 to index
          %get3A_452 = arith.index_cast %add3A_450 : i32 to index
          %get3A_453 = arith.constant 80 : index
          %get3A_454 = tpu.vector_load %arg9[%get3A_451, %get3A_452, %get3A_453] {strides = array<i32>} : memref<2x128x128xf32, #tpu.memory_space<vmem>>, vector<16xf32>,
          %add3A_455 = arith.constant 2 : i32
          %add3A_456 = arith.addi %mul3A_183, %add3A_455 : i32
          %get3A_457 = arith.index_cast %and3A_147 : i32 to index
          %get3A_458 = arith.index_cast %add3A_456 : i32 to index
          %get3A_459 = arith.constant 96 : index
          %get3A_460 = tpu.vector_load %arg9[%get3A_457, %get3A_458, %get3A_459] {strides = array<i32>} : memref<2x128x128xf32, #tpu.memory_space<vmem>>, vector<16xf32>,
          %add3A_461 = arith.constant 2 : i32
          %add3A_462 = arith.addi %mul3A_183, %add3A_461 : i32
          %get3A_463 = arith.index_cast %and3A_147 : i32 to index
          %get3A_464 = arith.index_cast %add3A_462 : i32 to index
          %get3A_465 = arith.constant 112 : index
          %get3A_466 = tpu.vector_load %arg9[%get3A_463, %get3A_464, %get3A_465] {strides = array<i32>} : memref<2x128x128xf32, #tpu.memory_space<vmem>>, vector<16xf32>,
          %max3A_467 = arith.maximumf %get3A_397, %get3A_424 : vector<16xf32>
          %swap3A_468 = arith.index_cast %squeeze3A_394 : i32 to index
          %swap3A_469 = arith.constant 0 : index
          %swap3A_470 = tpu.vector_load %arg5[%swap3A_468, %swap3A_469] {strides = array<i32>} : memref<321x128xf32, #tpu.memory_space<vmem>>, vector<16xf32>,
          tpu.vector_store %arg5[%swap3A_468, %swap3A_469], %max3A_467 {strides = array<i32>} : memref<321x128xf32, #tpu.memory_space<vmem>>, vector<16xf32>,
          %max3A_471 = arith.maximumf %get3A_400, %get3A_430 : vector<16xf32>
          %swap3A_472 = arith.index_cast %squeeze3A_394 : i32 to index
          %swap3A_473 = arith.constant 16 : index
          %swap3A_474 = tpu.vector_load %arg5[%swap3A_472, %swap3A_473] {strides = array<i32>} : memref<321x128xf32, #tpu.memory_space<vmem>>, vector<16xf32>,
          tpu.vector_store %arg5[%swap3A_472, %swap3A_473], %max3A_471 {strides = array<i32>} : memref<321x128xf32, #tpu.memory_space<vmem>>, vector<16xf32>,
          %max3A_475 = arith.maximumf %get3A_403, %get3A_436 : vector<16xf32>
          %swap3A_476 = arith.index_cast %squeeze3A_394 : i32 to index
          %swap3A_477 = arith.constant 32 : index
          %swap3A_478 = tpu.vector_load %arg5[%swap3A_476, %swap3A_477] {strides = array<i32>} : memref<321x128xf32, #tpu.memory_space<vmem>>, vector<16xf32>,
          tpu.vector_store %arg5[%swap3A_476, %swap3A_477], %max3A_475 {strides = array<i32>} : memref<321x128xf32, #tpu.memory_space<vmem>>, vector<16xf32>,
          %max3A_479 = arith.maximumf %get3A_406, %get3A_442 : vector<16xf32>
          %swap3A_480 = arith.index_cast %squeeze3A_394 : i32 to index
          %swap3A_481 = arith.constant 48 : index
          %swap3A_482 = tpu.vector_load %arg5[%swap3A_480, %swap3A_481] {strides = array<i32>} : memref<321x128xf32, #tpu.memory_space<vmem>>, vector<16xf32>,
          tpu.vector_store %arg5[%swap3A_480, %swap3A_481], %max3A_479 {strides = array<i32>} : memref<321x128xf32, #tpu.memory_space<vmem>>, vector<16xf32>,
          %max3A_483 = arith.maximumf %get3A_409, %get3A_448 : vector<16xf32>
          %swap3A_484 = arith.index_cast %squeeze3A_394 : i32 to index
          %swap3A_485 = arith.constant 64 : index
          %swap3A_486 = tpu.vector_load %arg5[%swap3A_484, %swap3A_485] {strides = array<i32>} : memref<321x128xf32, #tpu.memory_space<vmem>>, vector<16xf32>,
          tpu.vector_store %arg5[%swap3A_484, %swap3A_485], %max3A_483 {strides = array<i32>} : memref<321x128xf32, #tpu.memory_space<vmem>>, vector<16xf32>,
          %max3A_487 = arith.maximumf %get3A_412, %get3A_454 : vector<16xf32>
          %swap3A_488 = arith.index_cast %squeeze3A_394 : i32 to index
          %swap3A_489 = arith.constant 80 : index
          %swap3A_490 = tpu.vector_load %arg5[%swap3A_488, %swap3A_489] {strides = array<i32>} : memref<321x128xf32, #tpu.memory_space<vmem>>, vector<16xf32>,
          tpu.vector_store %arg5[%swap3A_488, %swap3A_489], %max3A_487 {strides = array<i32>} : memref<321x128xf32, #tpu.memory_space<vmem>>, vector<16xf32>,
          %max3A_491 = arith.maximumf %get3A_415, %get3A_460 : vector<16xf32>
          %swap3A_492 = arith.index_cast %squeeze3A_394 : i32 to index
          %swap3A_493 = arith.constant 96 : index
          %swap3A_494 = tpu.vector_load %arg5[%swap3A_492, %swap3A_493] {strides = array<i32>} : memref<321x128xf32, #tpu.memory_space<vmem>>, vector<16xf32>,
          tpu.vector_store %arg5[%swap3A_492, %swap3A_493], %max3A_491 {strides = array<i32>} : memref<321x128xf32, #tpu.memory_space<vmem>>, vector<16xf32>,
          %max3A_495 = arith.maximumf %get3A_418, %get3A_466 : vector<16xf32>
          %swap3A_496 = arith.index_cast %squeeze3A_394 : i32 to index
          %swap3A_497 = arith.constant 112 : index
          %swap3A_498 = tpu.vector_load %arg5[%swap3A_496, %swap3A_497] {strides = array<i32>} : memref<321x128xf32, #tpu.memory_space<vmem>>, vector<16xf32>,
          tpu.vector_store %arg5[%swap3A_496, %swap3A_497], %max3A_495 {strides = array<i32>} : memref<321x128xf32, #tpu.memory_space<vmem>>, vector<16xf32>,
          %slice3A_499 = vector.extract_strided_slice %and3A_181 {offsets = [3], sizes = [1], strides = [1]} : vector<16xi32> to vector<1xi32>
          %squeeze3A_500 = vector.extract %slice3A_499[0] : i32 from vector<1xi32>
          %get3A_501 = arith.index_cast %squeeze3A_500 : i32 to index
          %get3A_502 = arith.constant 0 : index
          %get3A_503 = tpu.vector_load %arg5[%get3A_501, %get3A_502] {strides = array<i32>} : memref<321x128xf32, #tpu.memory_space<vmem>>, vector<16xf32>,
          %get3A_504 = arith.index_cast %squeeze3A_500 : i32 to index
          %get3A_505 = arith.constant 16 : index
          %get3A_506 = tpu.vector_load %arg5[%get3A_504, %get3A_505] {strides = array<i32>} : memref<321x128xf32, #tpu.memory_space<vmem>>, vector<16xf32>,
          %get3A_507 = arith.index_cast %squeeze3A_500 : i32 to index
          %get3A_508 = arith.constant 32 : index
          %get3A_509 = tpu.vector_load %arg5[%get3A_507, %get3A_508] {strides = array<i32>} : memref<321x128xf32, #tpu.memory_space<vmem>>, vector<16xf32>,
          %get3A_510 = arith.index_cast %squeeze3A_500 : i32 to index
          %get3A_511 = arith.constant 48 : index
          %get3A_512 = tpu.vector_load %arg5[%get3A_510, %get3A_511] {strides = array<i32>} : memref<321x128xf32, #tpu.memory_space<vmem>>, vector<16xf32>,
          %get3A_513 = arith.index_cast %squeeze3A_500 : i32 to index
          %get3A_514 = arith.constant 64 : index
          %get3A_515 = tpu.vector_load %arg5[%get3A_513, %get3A_514] {strides = array<i32>} : memref<321x128xf32, #tpu.memory_space<vmem>>, vector<16xf32>,
          %get3A_516 = arith.index_cast %squeeze3A_500 : i32 to index
          %get3A_517 = arith.constant 80 : index
          %get3A_518 = tpu.vector_load %arg5[%get3A_516, %get3A_517] {strides = array<i32>} : memref<321x128xf32, #tpu.memory_space<vmem>>, vector<16xf32>,
          %get3A_519 = arith.index_cast %squeeze3A_500 : i32 to index
          %get3A_520 = arith.constant 96 : index
          %get3A_521 = tpu.vector_load %arg5[%get3A_519, %get3A_520] {strides = array<i32>} : memref<321x128xf32, #tpu.memory_space<vmem>>, vector<16xf32>,
          %get3A_522 = arith.index_cast %squeeze3A_500 : i32 to index
          %get3A_523 = arith.constant 112 : index
          %get3A_524 = tpu.vector_load %arg5[%get3A_522, %get3A_523] {strides = array<i32>} : memref<321x128xf32, #tpu.memory_space<vmem>>, vector<16xf32>,
          %add3A_525 = arith.constant 3 : i32
          %add3A_526 = arith.addi %mul3A_183, %add3A_525 : i32
          %get3A_527 = arith.index_cast %and3A_147 : i32 to index
          %get3A_528 = arith.index_cast %add3A_526 : i32 to index
          %get3A_529 = arith.constant 0 : index
          %get3A_530 = tpu.vector_load %arg9[%get3A_527, %get3A_528, %get3A_529] {strides = array<i32>} : memref<2x128x128xf32, #tpu.memory_space<vmem>>, vector<16xf32>,
          %add3A_531 = arith.constant 3 : i32
          %add3A_532 = arith.addi %mul3A_183, %add3A_531 : i32
          %get3A_533 = arith.index_cast %and3A_147 : i32 to index
          %get3A_534 = arith.index_cast %add3A_532 : i32 to index
          %get3A_535 = arith.constant 16 : index
          %get3A_536 = tpu.vector_load %arg9[%get3A_533, %get3A_534, %get3A_535] {strides = array<i32>} : memref<2x128x128xf32, #tpu.memory_space<vmem>>, vector<16xf32>,
          %add3A_537 = arith.constant 3 : i32
          %add3A_538 = arith.addi %mul3A_183, %add3A_537 : i32
          %get3A_539 = arith.index_cast %and3A_147 : i32 to index
          %get3A_540 = arith.index_cast %add3A_538 : i32 to index
          %get3A_541 = arith.constant 32 : index
          %get3A_542 = tpu.vector_load %arg9[%get3A_539, %get3A_540, %get3A_541] {strides = array<i32>} : memref<2x128x128xf32, #tpu.memory_space<vmem>>, vector<16xf32>,
          %add3A_543 = arith.constant 3 : i32
          %add3A_544 = arith.addi %mul3A_183, %add3A_543 : i32
          %get3A_545 = arith.index_cast %and3A_147 : i32 to index
          %get3A_546 = arith.index_cast %add3A_544 : i32 to index
          %get3A_547 = arith.constant 48 : index
          %get3A_548 = tpu.vector_load %arg9[%get3A_545, %get3A_546, %get3A_547] {strides = array<i32>} : memref<2x128x128xf32, #tpu.memory_space<vmem>>, vector<16xf32>,
          %add3A_549 = arith.constant 3 : i32
          %add3A_550 = arith.addi %mul3A_183, %add3A_549 : i32
          %get3A_551 = arith.index_cast %and3A_147 : i32 to index
          %get3A_552 = arith.index_cast %add3A_550 : i32 to index
          %get3A_553 = arith.constant 64 : index
          %get3A_554 = tpu.vector_load %arg9[%get3A_551, %get3A_552, %get3A_553] {strides = array<i32>} : memref<2x128x128xf32, #tpu.memory_space<vmem>>, vector<16xf32>,
          %add3A_555 = arith.constant 3 : i32
          %add3A_556 = arith.addi %mul3A_183, %add3A_555 : i32
          %get3A_557 = arith.index_cast %and3A_147 : i32 to index
          %get3A_558 = arith.index_cast %add3A_556 : i32 to index
          %get3A_559 = arith.constant 80 : index
          %get3A_560 = tpu.vector_load %arg9[%get3A_557, %get3A_558, %get3A_559] {strides = array<i32>} : memref<2x128x128xf32, #tpu.memory_space<vmem>>, vector<16xf32>,
          %add3A_561 = arith.constant 3 : i32
          %add3A_562 = arith.addi %mul3A_183, %add3A_561 : i32
          %get3A_563 = arith.index_cast %and3A_147 : i32 to index
          %get3A_564 = arith.index_cast %add3A_562 : i32 to index
          %get3A_565 = arith.constant 96 : index
          %get3A_566 = tpu.vector_load %arg9[%get3A_563, %get3A_564, %get3A_565] {strides = array<i32>} : memref<2x128x128xf32, #tpu.memory_space<vmem>>, vector<16xf32>,
          %add3A_567 = arith.constant 3 : i32
          %add3A_568 = arith.addi %mul3A_183, %add3A_567 : i32
          %get3A_569 = arith.index_cast %and3A_147 : i32 to index
          %get3A_570 = arith.index_cast %add3A_568 : i32 to index
          %get3A_571 = arith.constant 112 : index
          %get3A_572 = tpu.vector_load %arg9[%get3A_569, %get3A_570, %get3A_571] {strides = array<i32>} : memref<2x128x128xf32, #tpu.memory_space<vmem>>, vector<16xf32>,
          %max3A_573 = arith.maximumf %get3A_503, %get3A_530 : vector<16xf32>
          %swap3A_574 = arith.index_cast %squeeze3A_500 : i32 to index
          %swap3A_575 = arith.constant 0 : index
          %swap3A_576 = tpu.vector_load %arg5[%swap3A_574, %swap3A_575] {strides = array<i32>} : memref<321x128xf32, #tpu.memory_space<vmem>>, vector<16xf32>,
          tpu.vector_store %arg5[%swap3A_574, %swap3A_575], %max3A_573 {strides = array<i32>} : memref<321x128xf32, #tpu.memory_space<vmem>>, vector<16xf32>,
          %max3A_577 = arith.maximumf %get3A_506, %get3A_536 : vector<16xf32>
          %swap3A_578 = arith.index_cast %squeeze3A_500 : i32 to index
          %swap3A_579 = arith.constant 16 : index
          %swap3A_580 = tpu.vector_load %arg5[%swap3A_578, %swap3A_579] {strides = array<i32>} : memref<321x128xf32, #tpu.memory_space<vmem>>, vector<16xf32>,
          tpu.vector_store %arg5[%swap3A_578, %swap3A_579], %max3A_577 {strides = array<i32>} : memref<321x128xf32, #tpu.memory_space<vmem>>, vector<16xf32>,
          %max3A_581 = arith.maximumf %get3A_509, %get3A_542 : vector<16xf32>
          %swap3A_582 = arith.index_cast %squeeze3A_500 : i32 to index
          %swap3A_583 = arith.constant 32 : index
          %swap3A_584 = tpu.vector_load %arg5[%swap3A_582, %swap3A_583] {strides = array<i32>} : memref<321x128xf32, #tpu.memory_space<vmem>>, vector<16xf32>,
          tpu.vector_store %arg5[%swap3A_582, %swap3A_583], %max3A_581 {strides = array<i32>} : memref<321x128xf32, #tpu.memory_space<vmem>>, vector<16xf32>,
          %max3A_585 = arith.maximumf %get3A_512, %get3A_548 : vector<16xf32>
          %swap3A_586 = arith.index_cast %squeeze3A_500 : i32 to index
          %swap3A_587 = arith.constant 48 : index
          %swap3A_588 = tpu.vector_load %arg5[%swap3A_586, %swap3A_587] {strides = array<i32>} : memref<321x128xf32, #tpu.memory_space<vmem>>, vector<16xf32>,
          tpu.vector_store %arg5[%swap3A_586, %swap3A_587], %max3A_585 {strides = array<i32>} : memref<321x128xf32, #tpu.memory_space<vmem>>, vector<16xf32>,
          %max3A_589 = arith.maximumf %get3A_515, %get3A_554 : vector<16xf32>
          %swap3A_590 = arith.index_cast %squeeze3A_500 : i32 to index
          %swap3A_591 = arith.constant 64 : index
          %swap3A_592 = tpu.vector_load %arg5[%swap3A_590, %swap3A_591] {strides = array<i32>} : memref<321x128xf32, #tpu.memory_space<vmem>>, vector<16xf32>,
          tpu.vector_store %arg5[%swap3A_590, %swap3A_591], %max3A_589 {strides = array<i32>} : memref<321x128xf32, #tpu.memory_space<vmem>>, vector<16xf32>,
          %max3A_593 = arith.maximumf %get3A_518, %get3A_560 : vector<16xf32>
          %swap3A_594 = arith.index_cast %squeeze3A_500 : i32 to index
          %swap3A_595 = arith.constant 80 : index
          %swap3A_596 = tpu.vector_load %arg5[%swap3A_594, %swap3A_595] {strides = array<i32>} : memref<321x128xf32, #tpu.memory_space<vmem>>, vector<16xf32>,
          tpu.vector_store %arg5[%swap3A_594, %swap3A_595], %max3A_593 {strides = array<i32>} : memref<321x128xf32, #tpu.memory_space<vmem>>, vector<16xf32>,
          %max3A_597 = arith.maximumf %get3A_521, %get3A_566 : vector<16xf32>
          %swap3A_598 = arith.index_cast %squeeze3A_500 : i32 to index
          %swap3A_599 = arith.constant 96 : index
          %swap3A_600 = tpu.vector_load %arg5[%swap3A_598, %swap3A_599] {strides = array<i32>} : memref<321x128xf32, #tpu.memory_space<vmem>>, vector<16xf32>,
          tpu.vector_store %arg5[%swap3A_598, %swap3A_599], %max3A_597 {strides = array<i32>} : memref<321x128xf32, #tpu.memory_space<vmem>>, vector<16xf32>,
          %max3A_601 = arith.maximumf %get3A_524, %get3A_572 : vector<16xf32>
          %swap3A_602 = arith.index_cast %squeeze3A_500 : i32 to index
          %swap3A_603 = arith.constant 112 : index
          %swap3A_604 = tpu.vector_load %arg5[%swap3A_602, %swap3A_603] {strides = array<i32>} : memref<321x128xf32, #tpu.memory_space<vmem>>, vector<16xf32>,
          tpu.vector_store %arg5[%swap3A_602, %swap3A_603], %max3A_601 {strides = array<i32>} : memref<321x128xf32, #tpu.memory_space<vmem>>, vector<16xf32>,
          %slice3A_605 = vector.extract_strided_slice %and3A_181 {offsets = [4], sizes = [1], strides = [1]} : vector<16xi32> to vector<1xi32>
          %squeeze3A_606 = vector.extract %slice3A_605[0] : i32 from vector<1xi32>
          %get3A_607 = arith.index_cast %squeeze3A_606 : i32 to index
          %get3A_608 = arith.constant 0 : index
          %get3A_609 = tpu.vector_load %arg5[%get3A_607, %get3A_608] {strides = array<i32>} : memref<321x128xf32, #tpu.memory_space<vmem>>, vector<16xf32>,
          %get3A_610 = arith.index_cast %squeeze3A_606 : i32 to index
          %get3A_611 = arith.constant 16 : index
          %get3A_612 = tpu.vector_load %arg5[%get3A_610, %get3A_611] {strides = array<i32>} : memref<321x128xf32, #tpu.memory_space<vmem>>, vector<16xf32>,
          %get3A_613 = arith.index_cast %squeeze3A_606 : i32 to index
          %get3A_614 = arith.constant 32 : index
          %get3A_615 = tpu.vector_load %arg5[%get3A_613, %get3A_614] {strides = array<i32>} : memref<321x128xf32, #tpu.memory_space<vmem>>, vector<16xf32>,
          %get3A_616 = arith.index_cast %squeeze3A_606 : i32 to index
          %get3A_617 = arith.constant 48 : index
          %get3A_618 = tpu.vector_load %arg5[%get3A_616, %get3A_617] {strides = array<i32>} : memref<321x128xf32, #tpu.memory_space<vmem>>, vector<16xf32>,
          %get3A_619 = arith.index_cast %squeeze3A_606 : i32 to index
          %get3A_620 = arith.constant 64 : index
          %get3A_621 = tpu.vector_load %arg5[%get3A_619, %get3A_620] {strides = array<i32>} : memref<321x128xf32, #tpu.memory_space<vmem>>, vector<16xf32>,
          %get3A_622 = arith.index_cast %squeeze3A_606 : i32 to index
          %get3A_623 = arith.constant 80 : index
          %get3A_624 = tpu.vector_load %arg5[%get3A_622, %get3A_623] {strides = array<i32>} : memref<321x128xf32, #tpu.memory_space<vmem>>, vector<16xf32>,
          %get3A_625 = arith.index_cast %squeeze3A_606 : i32 to index
          %get3A_626 = arith.constant 96 : index
          %get3A_627 = tpu.vector_load %arg5[%get3A_625, %get3A_626] {strides = array<i32>} : memref<321x128xf32, #tpu.memory_space<vmem>>, vector<16xf32>,
          %get3A_628 = arith.index_cast %squeeze3A_606 : i32 to index
          %get3A_629 = arith.constant 112 : index
          %get3A_630 = tpu.vector_load %arg5[%get3A_628, %get3A_629] {strides = array<i32>} : memref<321x128xf32, #tpu.memory_space<vmem>>, vector<16xf32>,
          %add3A_631 = arith.constant 4 : i32
          %add3A_632 = arith.addi %mul3A_183, %add3A_631 : i32
          %get3A_633 = arith.index_cast %and3A_147 : i32 to index
          %get3A_634 = arith.index_cast %add3A_632 : i32 to index
          %get3A_635 = arith.constant 0 : index
          %get3A_636 = tpu.vector_load %arg9[%get3A_633, %get3A_634, %get3A_635] {strides = array<i32>} : memref<2x128x128xf32, #tpu.memory_space<vmem>>, vector<16xf32>,
          %add3A_637 = arith.constant 4 : i32
          %add3A_638 = arith.addi %mul3A_183, %add3A_637 : i32
          %get3A_639 = arith.index_cast %and3A_147 : i32 to index
          %get3A_640 = arith.index_cast %add3A_638 : i32 to index
          %get3A_641 = arith.constant 16 : index
          %get3A_642 = tpu.vector_load %arg9[%get3A_639, %get3A_640, %get3A_641] {strides = array<i32>} : memref<2x128x128xf32, #tpu.memory_space<vmem>>, vector<16xf32>,
          %add3A_643 = arith.constant 4 : i32
          %add3A_644 = arith.addi %mul3A_183, %add3A_643 : i32
          %get3A_645 = arith.index_cast %and3A_147 : i32 to index
          %get3A_646 = arith.index_cast %add3A_644 : i32 to index
          %get3A_647 = arith.constant 32 : index
          %get3A_648 = tpu.vector_load %arg9[%get3A_645, %get3A_646, %get3A_647] {strides = array<i32>} : memref<2x128x128xf32, #tpu.memory_space<vmem>>, vector<16xf32>,
          %add3A_649 = arith.constant 4 : i32
          %add3A_650 = arith.addi %mul3A_183, %add3A_649 : i32
          %get3A_651 = arith.index_cast %and3A_147 : i32 to index
          %get3A_652 = arith.index_cast %add3A_650 : i32 to index
          %get3A_653 = arith.constant 48 : index
          %get3A_654 = tpu.vector_load %arg9[%get3A_651, %get3A_652, %get3A_653] {strides = array<i32>} : memref<2x128x128xf32, #tpu.memory_space<vmem>>, vector<16xf32>,
          %add3A_655 = arith.constant 4 : i32
          %add3A_656 = arith.addi %mul3A_183, %add3A_655 : i32
          %get3A_657 = arith.index_cast %and3A_147 : i32 to index
          %get3A_658 = arith.index_cast %add3A_656 : i32 to index
          %get3A_659 = arith.constant 64 : index
          %get3A_660 = tpu.vector_load %arg9[%get3A_657, %get3A_658, %get3A_659] {strides = array<i32>} : memref<2x128x128xf32, #tpu.memory_space<vmem>>, vector<16xf32>,
          %add3A_661 = arith.constant 4 : i32
          %add3A_662 = arith.addi %mul3A_183, %add3A_661 : i32
          %get3A_663 = arith.index_cast %and3A_147 : i32 to index
          %get3A_664 = arith.index_cast %add3A_662 : i32 to index
          %get3A_665 = arith.constant 80 : index
          %get3A_666 = tpu.vector_load %arg9[%get3A_663, %get3A_664, %get3A_665] {strides = array<i32>} : memref<2x128x128xf32, #tpu.memory_space<vmem>>, vector<16xf32>,
          %add3A_667 = arith.constant 4 : i32
          %add3A_668 = arith.addi %mul3A_183, %add3A_667 : i32
          %get3A_669 = arith.index_cast %and3A_147 : i32 to index
          %get3A_670 = arith.index_cast %add3A_668 : i32 to index
          %get3A_671 = arith.constant 96 : index
          %get3A_672 = tpu.vector_load %arg9[%get3A_669, %get3A_670, %get3A_671] {strides = array<i32>} : memref<2x128x128xf32, #tpu.memory_space<vmem>>, vector<16xf32>,
          %add3A_673 = arith.constant 4 : i32
          %add3A_674 = arith.addi %mul3A_183, %add3A_673 : i32
          %get3A_675 = arith.index_cast %and3A_147 : i32 to index
          %get3A_676 = arith.index_cast %add3A_674 : i32 to index
          %get3A_677 = arith.constant 112 : index
          %get3A_678 = tpu.vector_load %arg9[%get3A_675, %get3A_676, %get3A_677] {strides = array<i32>} : memref<2x128x128xf32, #tpu.memory_space<vmem>>, vector<16xf32>,
          %max3A_679 = arith.maximumf %get3A_609, %get3A_636 : vector<16xf32>
          %swap3A_680 = arith.index_cast %squeeze3A_606 : i32 to index
          %swap3A_681 = arith.constant 0 : index
          %swap3A_682 = tpu.vector_load %arg5[%swap3A_680, %swap3A_681] {strides = array<i32>} : memref<321x128xf32, #tpu.memory_space<vmem>>, vector<16xf32>,
          tpu.vector_store %arg5[%swap3A_680, %swap3A_681], %max3A_679 {strides = array<i32>} : memref<321x128xf32, #tpu.memory_space<vmem>>, vector<16xf32>,
          %max3A_683 = arith.maximumf %get3A_612, %get3A_642 : vector<16xf32>
          %swap3A_684 = arith.index_cast %squeeze3A_606 : i32 to index
          %swap3A_685 = arith.constant 16 : index
          %swap3A_686 = tpu.vector_load %arg5[%swap3A_684, %swap3A_685] {strides = array<i32>} : memref<321x128xf32, #tpu.memory_space<vmem>>, vector<16xf32>,
          tpu.vector_store %arg5[%swap3A_684, %swap3A_685], %max3A_683 {strides = array<i32>} : memref<321x128xf32, #tpu.memory_space<vmem>>, vector<16xf32>,
          %max3A_687 = arith.maximumf %get3A_615, %get3A_648 : vector<16xf32>
          %swap3A_688 = arith.index_cast %squeeze3A_606 : i32 to index
          %swap3A_689 = arith.constant 32 : index
          %swap3A_690 = tpu.vector_load %arg5[%swap3A_688, %swap3A_689] {strides = array<i32>} : memref<321x128xf32, #tpu.memory_space<vmem>>, vector<16xf32>,
          tpu.vector_store %arg5[%swap3A_688, %swap3A_689], %max3A_687 {strides = array<i32>} : memref<321x128xf32, #tpu.memory_space<vmem>>, vector<16xf32>,
          %max3A_691 = arith.maximumf %get3A_618, %get3A_654 : vector<16xf32>
          %swap3A_692 = arith.index_cast %squeeze3A_606 : i32 to index
          %swap3A_693 = arith.constant 48 : index
          %swap3A_694 = tpu.vector_load %arg5[%swap3A_692, %swap3A_693] {strides = array<i32>} : memref<321x128xf32, #tpu.memory_space<vmem>>, vector<16xf32>,
          tpu.vector_store %arg5[%swap3A_692, %swap3A_693], %max3A_691 {strides = array<i32>} : memref<321x128xf32, #tpu.memory_space<vmem>>, vector<16xf32>,
          %max3A_695 = arith.maximumf %get3A_621, %get3A_660 : vector<16xf32>
          %swap3A_696 = arith.index_cast %squeeze3A_606 : i32 to index
          %swap3A_697 = arith.constant 64 : index
          %swap3A_698 = tpu.vector_load %arg5[%swap3A_696, %swap3A_697] {strides = array<i32>} : memref<321x128xf32, #tpu.memory_space<vmem>>, vector<16xf32>,
          tpu.vector_store %arg5[%swap3A_696, %swap3A_697], %max3A_695 {strides = array<i32>} : memref<321x128xf32, #tpu.memory_space<vmem>>, vector<16xf32>,
          %max3A_699 = arith.maximumf %get3A_624, %get3A_666 : vector<16xf32>
          %swap3A_700 = arith.index_cast %squeeze3A_606 : i32 to index
          %swap3A_701 = arith.constant 80 : index
          %swap3A_702 = tpu.vector_load %arg5[%swap3A_700, %swap3A_701] {strides = array<i32>} : memref<321x128xf32, #tpu.memory_space<vmem>>, vector<16xf32>,
          tpu.vector_store %arg5[%swap3A_700, %swap3A_701], %max3A_699 {strides = array<i32>} : memref<321x128xf32, #tpu.memory_space<vmem>>, vector<16xf32>,
          %max3A_703 = arith.maximumf %get3A_627, %get3A_672 : vector<16xf32>
          %swap3A_704 = arith.index_cast %squeeze3A_606 : i32 to index
          %swap3A_705 = arith.constant 96 : index
          %swap3A_706 = tpu.vector_load %arg5[%swap3A_704, %swap3A_705] {strides = array<i32>} : memref<321x128xf32, #tpu.memory_space<vmem>>, vector<16xf32>,
          tpu.vector_store %arg5[%swap3A_704, %swap3A_705], %max3A_703 {strides = array<i32>} : memref<321x128xf32, #tpu.memory_space<vmem>>, vector<16xf32>,
          %max3A_707 = arith.maximumf %get3A_630, %get3A_678 : vector<16xf32>
          %swap3A_708 = arith.index_cast %squeeze3A_606 : i32 to index
          %swap3A_709 = arith.constant 112 : index
          %swap3A_710 = tpu.vector_load %arg5[%swap3A_708, %swap3A_709] {strides = array<i32>} : memref<321x128xf32, #tpu.memory_space<vmem>>, vector<16xf32>,
          tpu.vector_store %arg5[%swap3A_708, %swap3A_709], %max3A_707 {strides = array<i32>} : memref<321x128xf32, #tpu.memory_space<vmem>>, vector<16xf32>,
          %slice3A_711 = vector.extract_strided_slice %and3A_181 {offsets = [5], sizes = [1], strides = [1]} : vector<16xi32> to vector<1xi32>
          %squeeze3A_712 = vector.extract %slice3A_711[0] : i32 from vector<1xi32>
          %get3A_713 = arith.index_cast %squeeze3A_712 : i32 to index
          %get3A_714 = arith.constant 0 : index
          %get3A_715 = tpu.vector_load %arg5[%get3A_713, %get3A_714] {strides = array<i32>} : memref<321x128xf32, #tpu.memory_space<vmem>>, vector<16xf32>,
          %get3A_716 = arith.index_cast %squeeze3A_712 : i32 to index
          %get3A_717 = arith.constant 16 : index
          %get3A_718 = tpu.vector_load %arg5[%get3A_716, %get3A_717] {strides = array<i32>} : memref<321x128xf32, #tpu.memory_space<vmem>>, vector<16xf32>,
          %get3A_719 = arith.index_cast %squeeze3A_712 : i32 to index
          %get3A_720 = arith.constant 32 : index
          %get3A_721 = tpu.vector_load %arg5[%get3A_719, %get3A_720] {strides = array<i32>} : memref<321x128xf32, #tpu.memory_space<vmem>>, vector<16xf32>,
          %get3A_722 = arith.index_cast %squeeze3A_712 : i32 to index
          %get3A_723 = arith.constant 48 : index
          %get3A_724 = tpu.vector_load %arg5[%get3A_722, %get3A_723] {strides = array<i32>} : memref<321x128xf32, #tpu.memory_space<vmem>>, vector<16xf32>,
          %get3A_725 = arith.index_cast %squeeze3A_712 : i32 to index
          %get3A_726 = arith.constant 64 : index
          %get3A_727 = tpu.vector_load %arg5[%get3A_725, %get3A_726] {strides = array<i32>} : memref<321x128xf32, #tpu.memory_space<vmem>>, vector<16xf32>,
          %get3A_728 = arith.index_cast %squeeze3A_712 : i32 to index
          %get3A_729 = arith.constant 80 : index
          %get3A_730 = tpu.vector_load %arg5[%get3A_728, %get3A_729] {strides = array<i32>} : memref<321x128xf32, #tpu.memory_space<vmem>>, vector<16xf32>,
          %get3A_731 = arith.index_cast %squeeze3A_712 : i32 to index
          %get3A_732 = arith.constant 96 : index
          %get3A_733 = tpu.vector_load %arg5[%get3A_731, %get3A_732] {strides = array<i32>} : memref<321x128xf32, #tpu.memory_space<vmem>>, vector<16xf32>,
          %get3A_734 = arith.index_cast %squeeze3A_712 : i32 to index
          %get3A_735 = arith.constant 112 : index
          %get3A_736 = tpu.vector_load %arg5[%get3A_734, %get3A_735] {strides = array<i32>} : memref<321x128xf32, #tpu.memory_space<vmem>>, vector<16xf32>,
          %add3A_737 = arith.constant 5 : i32
          %add3A_738 = arith.addi %mul3A_183, %add3A_737 : i32
          %get3A_739 = arith.index_cast %and3A_147 : i32 to index
          %get3A_740 = arith.index_cast %add3A_738 : i32 to index
          %get3A_741 = arith.constant 0 : index
          %get3A_742 = tpu.vector_load %arg9[%get3A_739, %get3A_740, %get3A_741] {strides = array<i32>} : memref<2x128x128xf32, #tpu.memory_space<vmem>>, vector<16xf32>,
          %add3A_743 = arith.constant 5 : i32
          %add3A_744 = arith.addi %mul3A_183, %add3A_743 : i32
          %get3A_745 = arith.index_cast %and3A_147 : i32 to index
          %get3A_746 = arith.index_cast %add3A_744 : i32 to index
          %get3A_747 = arith.constant 16 : index
          %get3A_748 = tpu.vector_load %arg9[%get3A_745, %get3A_746, %get3A_747] {strides = array<i32>} : memref<2x128x128xf32, #tpu.memory_space<vmem>>, vector<16xf32>,
          %add3A_749 = arith.constant 5 : i32
          %add3A_750 = arith.addi %mul3A_183, %add3A_749 : i32
          %get3A_751 = arith.index_cast %and3A_147 : i32 to index
          %get3A_752 = arith.index_cast %add3A_750 : i32 to index
          %get3A_753 = arith.constant 32 : index
          %get3A_754 = tpu.vector_load %arg9[%get3A_751, %get3A_752, %get3A_753] {strides = array<i32>} : memref<2x128x128xf32, #tpu.memory_space<vmem>>, vector<16xf32>,
          %add3A_755 = arith.constant 5 : i32
          %add3A_756 = arith.addi %mul3A_183, %add3A_755 : i32
          %get3A_757 = arith.index_cast %and3A_147 : i32 to index
          %get3A_758 = arith.index_cast %add3A_756 : i32 to index
          %get3A_759 = arith.constant 48 : index
          %get3A_760 = tpu.vector_load %arg9[%get3A_757, %get3A_758, %get3A_759] {strides = array<i32>} : memref<2x128x128xf32, #tpu.memory_space<vmem>>, vector<16xf32>,
          %add3A_761 = arith.constant 5 : i32
          %add3A_762 = arith.addi %mul3A_183, %add3A_761 : i32
          %get3A_763 = arith.index_cast %and3A_147 : i32 to index
          %get3A_764 = arith.index_cast %add3A_762 : i32 to index
          %get3A_765 = arith.constant 64 : index
          %get3A_766 = tpu.vector_load %arg9[%get3A_763, %get3A_764, %get3A_765] {strides = array<i32>} : memref<2x128x128xf32, #tpu.memory_space<vmem>>, vector<16xf32>,
          %add3A_767 = arith.constant 5 : i32
          %add3A_768 = arith.addi %mul3A_183, %add3A_767 : i32
          %get3A_769 = arith.index_cast %and3A_147 : i32 to index
          %get3A_770 = arith.index_cast %add3A_768 : i32 to index
          %get3A_771 = arith.constant 80 : index
          %get3A_772 = tpu.vector_load %arg9[%get3A_769, %get3A_770, %get3A_771] {strides = array<i32>} : memref<2x128x128xf32, #tpu.memory_space<vmem>>, vector<16xf32>,
          %add3A_773 = arith.constant 5 : i32
          %add3A_774 = arith.addi %mul3A_183, %add3A_773 : i32
          %get3A_775 = arith.index_cast %and3A_147 : i32 to index
          %get3A_776 = arith.index_cast %add3A_774 : i32 to index
          %get3A_777 = arith.constant 96 : index
          %get3A_778 = tpu.vector_load %arg9[%get3A_775, %get3A_776, %get3A_777] {strides = array<i32>} : memref<2x128x128xf32, #tpu.memory_space<vmem>>, vector<16xf32>,
          %add3A_779 = arith.constant 5 : i32
          %add3A_780 = arith.addi %mul3A_183, %add3A_779 : i32
          %get3A_781 = arith.index_cast %and3A_147 : i32 to index
          %get3A_782 = arith.index_cast %add3A_780 : i32 to index
          %get3A_783 = arith.constant 112 : index
          %get3A_784 = tpu.vector_load %arg9[%get3A_781, %get3A_782, %get3A_783] {strides = array<i32>} : memref<2x128x128xf32, #tpu.memory_space<vmem>>, vector<16xf32>,
          %max3A_785 = arith.maximumf %get3A_715, %get3A_742 : vector<16xf32>
          %swap3A_786 = arith.index_cast %squeeze3A_712 : i32 to index
          %swap3A_787 = arith.constant 0 : index
          %swap3A_788 = tpu.vector_load %arg5[%swap3A_786, %swap3A_787] {strides = array<i32>} : memref<321x128xf32, #tpu.memory_space<vmem>>, vector<16xf32>,
          tpu.vector_store %arg5[%swap3A_786, %swap3A_787], %max3A_785 {strides = array<i32>} : memref<321x128xf32, #tpu.memory_space<vmem>>, vector<16xf32>,
          %max3A_789 = arith.maximumf %get3A_718, %get3A_748 : vector<16xf32>
          %swap3A_790 = arith.index_cast %squeeze3A_712 : i32 to index
          %swap3A_791 = arith.constant 16 : index
          %swap3A_792 = tpu.vector_load %arg5[%swap3A_790, %swap3A_791] {strides = array<i32>} : memref<321x128xf32, #tpu.memory_space<vmem>>, vector<16xf32>,
          tpu.vector_store %arg5[%swap3A_790, %swap3A_791], %max3A_789 {strides = array<i32>} : memref<321x128xf32, #tpu.memory_space<vmem>>, vector<16xf32>,
          %max3A_793 = arith.maximumf %get3A_721, %get3A_754 : vector<16xf32>
          %swap3A_794 = arith.index_cast %squeeze3A_712 : i32 to index
          %swap3A_795 = arith.constant 32 : index
          %swap3A_796 = tpu.vector_load %arg5[%swap3A_794, %swap3A_795] {strides = array<i32>} : memref<321x128xf32, #tpu.memory_space<vmem>>, vector<16xf32>,
          tpu.vector_store %arg5[%swap3A_794, %swap3A_795], %max3A_793 {strides = array<i32>} : memref<321x128xf32, #tpu.memory_space<vmem>>, vector<16xf32>,
          %max3A_797 = arith.maximumf %get3A_724, %get3A_760 : vector<16xf32>
          %swap3A_798 = arith.index_cast %squeeze3A_712 : i32 to index
          %swap3A_799 = arith.constant 48 : index
          %swap3A_800 = tpu.vector_load %arg5[%swap3A_798, %swap3A_799] {strides = array<i32>} : memref<321x128xf32, #tpu.memory_space<vmem>>, vector<16xf32>,
          tpu.vector_store %arg5[%swap3A_798, %swap3A_799], %max3A_797 {strides = array<i32>} : memref<321x128xf32, #tpu.memory_space<vmem>>, vector<16xf32>,
          %max3A_801 = arith.maximumf %get3A_727, %get3A_766 : vector<16xf32>
          %swap3A_802 = arith.index_cast %squeeze3A_712 : i32 to index
          %swap3A_803 = arith.constant 64 : index
          %swap3A_804 = tpu.vector_load %arg5[%swap3A_802, %swap3A_803] {strides = array<i32>} : memref<321x128xf32, #tpu.memory_space<vmem>>, vector<16xf32>,
          tpu.vector_store %arg5[%swap3A_802, %swap3A_803], %max3A_801 {strides = array<i32>} : memref<321x128xf32, #tpu.memory_space<vmem>>, vector<16xf32>,
          %max3A_805 = arith.maximumf %get3A_730, %get3A_772 : vector<16xf32>
          %swap3A_806 = arith.index_cast %squeeze3A_712 : i32 to index
          %swap3A_807 = arith.constant 80 : index
          %swap3A_808 = tpu.vector_load %arg5[%swap3A_806, %swap3A_807] {strides = array<i32>} : memref<321x128xf32, #tpu.memory_space<vmem>>, vector<16xf32>,
          tpu.vector_store %arg5[%swap3A_806, %swap3A_807], %max3A_805 {strides = array<i32>} : memref<321x128xf32, #tpu.memory_space<vmem>>, vector<16xf32>,
          %max3A_809 = arith.maximumf %get3A_733, %get3A_778 : vector<16xf32>
          %swap3A_810 = arith.index_cast %squeeze3A_712 : i32 to index
          %swap3A_811 = arith.constant 96 : index
          %swap3A_812 = tpu.vector_load %arg5[%swap3A_810, %swap3A_811] {strides = array<i32>} : memref<321x128xf32, #tpu.memory_space<vmem>>, vector<16xf32>,
          tpu.vector_store %arg5[%swap3A_810, %swap3A_811], %max3A_809 {strides = array<i32>} : memref<321x128xf32, #tpu.memory_space<vmem>>, vector<16xf32>,
          %max3A_813 = arith.maximumf %get3A_736, %get3A_784 : vector<16xf32>
          %swap3A_814 = arith.index_cast %squeeze3A_712 : i32 to index
          %swap3A_815 = arith.constant 112 : index
          %swap3A_816 = tpu.vector_load %arg5[%swap3A_814, %swap3A_815] {strides = array<i32>} : memref<321x128xf32, #tpu.memory_space<vmem>>, vector<16xf32>,
          tpu.vector_store %arg5[%swap3A_814, %swap3A_815], %max3A_813 {strides = array<i32>} : memref<321x128xf32, #tpu.memory_space<vmem>>, vector<16xf32>,
          %slice3A_817 = vector.extract_strided_slice %and3A_181 {offsets = [6], sizes = [1], strides = [1]} : vector<16xi32> to vector<1xi32>
          %squeeze3A_818 = vector.extract %slice3A_817[0] : i32 from vector<1xi32>
          %get3A_819 = arith.index_cast %squeeze3A_818 : i32 to index
          %get3A_820 = arith.constant 0 : index
          %get3A_821 = tpu.vector_load %arg5[%get3A_819, %get3A_820] {strides = array<i32>} : memref<321x128xf32, #tpu.memory_space<vmem>>, vector<16xf32>,
          %get3A_822 = arith.index_cast %squeeze3A_818 : i32 to index
          %get3A_823 = arith.constant 16 : index
          %get3A_824 = tpu.vector_load %arg5[%get3A_822, %get3A_823] {strides = array<i32>} : memref<321x128xf32, #tpu.memory_space<vmem>>, vector<16xf32>,
          %get3A_825 = arith.index_cast %squeeze3A_818 : i32 to index
          %get3A_826 = arith.constant 32 : index
          %get3A_827 = tpu.vector_load %arg5[%get3A_825, %get3A_826] {strides = array<i32>} : memref<321x128xf32, #tpu.memory_space<vmem>>, vector<16xf32>,
          %get3A_828 = arith.index_cast %squeeze3A_818 : i32 to index
          %get3A_829 = arith.constant 48 : index
          %get3A_830 = tpu.vector_load %arg5[%get3A_828, %get3A_829] {strides = array<i32>} : memref<321x128xf32, #tpu.memory_space<vmem>>, vector<16xf32>,
          %get3A_831 = arith.index_cast %squeeze3A_818 : i32 to index
          %get3A_832 = arith.constant 64 : index
          %get3A_833 = tpu.vector_load %arg5[%get3A_831, %get3A_832] {strides = array<i32>} : memref<321x128xf32, #tpu.memory_space<vmem>>, vector<16xf32>,
          %get3A_834 = arith.index_cast %squeeze3A_818 : i32 to index
          %get3A_835 = arith.constant 80 : index
          %get3A_836 = tpu.vector_load %arg5[%get3A_834, %get3A_835] {strides = array<i32>} : memref<321x128xf32, #tpu.memory_space<vmem>>, vector<16xf32>,
          %get3A_837 = arith.index_cast %squeeze3A_818 : i32 to index
          %get3A_838 = arith.constant 96 : index
          %get3A_839 = tpu.vector_load %arg5[%get3A_837, %get3A_838] {strides = array<i32>} : memref<321x128xf32, #tpu.memory_space<vmem>>, vector<16xf32>,
          %get3A_840 = arith.index_cast %squeeze3A_818 : i32 to index
          %get3A_841 = arith.constant 112 : index
          %get3A_842 = tpu.vector_load %arg5[%get3A_840, %get3A_841] {strides = array<i32>} : memref<321x128xf32, #tpu.memory_space<vmem>>, vector<16xf32>,
          %add3A_843 = arith.constant 6 : i32
          %add3A_844 = arith.addi %mul3A_183, %add3A_843 : i32
          %get3A_845 = arith.index_cast %and3A_147 : i32 to index
          %get3A_846 = arith.index_cast %add3A_844 : i32 to index
          %get3A_847 = arith.constant 0 : index
          %get3A_848 = tpu.vector_load %arg9[%get3A_845, %get3A_846, %get3A_847] {strides = array<i32>} : memref<2x128x128xf32, #tpu.memory_space<vmem>>, vector<16xf32>,
          %add3A_849 = arith.constant 6 : i32
          %add3A_850 = arith.addi %mul3A_183, %add3A_849 : i32
          %get3A_851 = arith.index_cast %and3A_147 : i32 to index
          %get3A_852 = arith.index_cast %add3A_850 : i32 to index
          %get3A_853 = arith.constant 16 : index
          %get3A_854 = tpu.vector_load %arg9[%get3A_851, %get3A_852, %get3A_853] {strides = array<i32>} : memref<2x128x128xf32, #tpu.memory_space<vmem>>, vector<16xf32>,
          %add3A_855 = arith.constant 6 : i32
          %add3A_856 = arith.addi %mul3A_183, %add3A_855 : i32
          %get3A_857 = arith.index_cast %and3A_147 : i32 to index
          %get3A_858 = arith.index_cast %add3A_856 : i32 to index
          %get3A_859 = arith.constant 32 : index
          %get3A_860 = tpu.vector_load %arg9[%get3A_857, %get3A_858, %get3A_859] {strides = array<i32>} : memref<2x128x128xf32, #tpu.memory_space<vmem>>, vector<16xf32>,
          %add3A_861 = arith.constant 6 : i32
          %add3A_862 = arith.addi %mul3A_183, %add3A_861 : i32
          %get3A_863 = arith.index_cast %and3A_147 : i32 to index
          %get3A_864 = arith.index_cast %add3A_862 : i32 to index
          %get3A_865 = arith.constant 48 : index
          %get3A_866 = tpu.vector_load %arg9[%get3A_863, %get3A_864, %get3A_865] {strides = array<i32>} : memref<2x128x128xf32, #tpu.memory_space<vmem>>, vector<16xf32>,
          %add3A_867 = arith.constant 6 : i32
          %add3A_868 = arith.addi %mul3A_183, %add3A_867 : i32
          %get3A_869 = arith.index_cast %and3A_147 : i32 to index
          %get3A_870 = arith.index_cast %add3A_868 : i32 to index
          %get3A_871 = arith.constant 64 : index
          %get3A_872 = tpu.vector_load %arg9[%get3A_869, %get3A_870, %get3A_871] {strides = array<i32>} : memref<2x128x128xf32, #tpu.memory_space<vmem>>, vector<16xf32>,
          %add3A_873 = arith.constant 6 : i32
          %add3A_874 = arith.addi %mul3A_183, %add3A_873 : i32
          %get3A_875 = arith.index_cast %and3A_147 : i32 to index
          %get3A_876 = arith.index_cast %add3A_874 : i32 to index
          %get3A_877 = arith.constant 80 : index
          %get3A_878 = tpu.vector_load %arg9[%get3A_875, %get3A_876, %get3A_877] {strides = array<i32>} : memref<2x128x128xf32, #tpu.memory_space<vmem>>, vector<16xf32>,
          %add3A_879 = arith.constant 6 : i32
          %add3A_880 = arith.addi %mul3A_183, %add3A_879 : i32
          %get3A_881 = arith.index_cast %and3A_147 : i32 to index
          %get3A_882 = arith.index_cast %add3A_880 : i32 to index
          %get3A_883 = arith.constant 96 : index
          %get3A_884 = tpu.vector_load %arg9[%get3A_881, %get3A_882, %get3A_883] {strides = array<i32>} : memref<2x128x128xf32, #tpu.memory_space<vmem>>, vector<16xf32>,
          %add3A_885 = arith.constant 6 : i32
          %add3A_886 = arith.addi %mul3A_183, %add3A_885 : i32
          %get3A_887 = arith.index_cast %and3A_147 : i32 to index
          %get3A_888 = arith.index_cast %add3A_886 : i32 to index
          %get3A_889 = arith.constant 112 : index
          %get3A_890 = tpu.vector_load %arg9[%get3A_887, %get3A_888, %get3A_889] {strides = array<i32>} : memref<2x128x128xf32, #tpu.memory_space<vmem>>, vector<16xf32>,
          %max3A_891 = arith.maximumf %get3A_821, %get3A_848 : vector<16xf32>
          %swap3A_892 = arith.index_cast %squeeze3A_818 : i32 to index
          %swap3A_893 = arith.constant 0 : index
          %swap3A_894 = tpu.vector_load %arg5[%swap3A_892, %swap3A_893] {strides = array<i32>} : memref<321x128xf32, #tpu.memory_space<vmem>>, vector<16xf32>,
          tpu.vector_store %arg5[%swap3A_892, %swap3A_893], %max3A_891 {strides = array<i32>} : memref<321x128xf32, #tpu.memory_space<vmem>>, vector<16xf32>,
          %max3A_895 = arith.maximumf %get3A_824, %get3A_854 : vector<16xf32>
          %swap3A_896 = arith.index_cast %squeeze3A_818 : i32 to index
          %swap3A_897 = arith.constant 16 : index
          %swap3A_898 = tpu.vector_load %arg5[%swap3A_896, %swap3A_897] {strides = array<i32>} : memref<321x128xf32, #tpu.memory_space<vmem>>, vector<16xf32>,
          tpu.vector_store %arg5[%swap3A_896, %swap3A_897], %max3A_895 {strides = array<i32>} : memref<321x128xf32, #tpu.memory_space<vmem>>, vector<16xf32>,
          %max3A_899 = arith.maximumf %get3A_827, %get3A_860 : vector<16xf32>
          %swap3A_900 = arith.index_cast %squeeze3A_818 : i32 to index
          %swap3A_901 = arith.constant 32 : index
          %swap3A_902 = tpu.vector_load %arg5[%swap3A_900, %swap3A_901] {strides = array<i32>} : memref<321x128xf32, #tpu.memory_space<vmem>>, vector<16xf32>,
          tpu.vector_store %arg5[%swap3A_900, %swap3A_901], %max3A_899 {strides = array<i32>} : memref<321x128xf32, #tpu.memory_space<vmem>>, vector<16xf32>,
          %max3A_903 = arith.maximumf %get3A_830, %get3A_866 : vector<16xf32>
          %swap3A_904 = arith.index_cast %squeeze3A_818 : i32 to index
          %swap3A_905 = arith.constant 48 : index
          %swap3A_906 = tpu.vector_load %arg5[%swap3A_904, %swap3A_905] {strides = array<i32>} : memref<321x128xf32, #tpu.memory_space<vmem>>, vector<16xf32>,
          tpu.vector_store %arg5[%swap3A_904, %swap3A_905], %max3A_903 {strides = array<i32>} : memref<321x128xf32, #tpu.memory_space<vmem>>, vector<16xf32>,
          %max3A_907 = arith.maximumf %get3A_833, %get3A_872 : vector<16xf32>
          %swap3A_908 = arith.index_cast %squeeze3A_818 : i32 to index
          %swap3A_909 = arith.constant 64 : index
          %swap3A_910 = tpu.vector_load %arg5[%swap3A_908, %swap3A_909] {strides = array<i32>} : memref<321x128xf32, #tpu.memory_space<vmem>>, vector<16xf32>,
          tpu.vector_store %arg5[%swap3A_908, %swap3A_909], %max3A_907 {strides = array<i32>} : memref<321x128xf32, #tpu.memory_space<vmem>>, vector<16xf32>,
          %max3A_911 = arith.maximumf %get3A_836, %get3A_878 : vector<16xf32>
          %swap3A_912 = arith.index_cast %squeeze3A_818 : i32 to index
          %swap3A_913 = arith.constant 80 : index
          %swap3A_914 = tpu.vector_load %arg5[%swap3A_912, %swap3A_913] {strides = array<i32>} : memref<321x128xf32, #tpu.memory_space<vmem>>, vector<16xf32>,
          tpu.vector_store %arg5[%swap3A_912, %swap3A_913], %max3A_911 {strides = array<i32>} : memref<321x128xf32, #tpu.memory_space<vmem>>, vector<16xf32>,
          %max3A_915 = arith.maximumf %get3A_839, %get3A_884 : vector<16xf32>
          %swap3A_916 = arith.index_cast %squeeze3A_818 : i32 to index
          %swap3A_917 = arith.constant 96 : index
          %swap3A_918 = tpu.vector_load %arg5[%swap3A_916, %swap3A_917] {strides = array<i32>} : memref<321x128xf32, #tpu.memory_space<vmem>>, vector<16xf32>,
          tpu.vector_store %arg5[%swap3A_916, %swap3A_917], %max3A_915 {strides = array<i32>} : memref<321x128xf32, #tpu.memory_space<vmem>>, vector<16xf32>,
          %max3A_919 = arith.maximumf %get3A_842, %get3A_890 : vector<16xf32>
          %swap3A_920 = arith.index_cast %squeeze3A_818 : i32 to index
          %swap3A_921 = arith.constant 112 : index
          %swap3A_922 = tpu.vector_load %arg5[%swap3A_920, %swap3A_921] {strides = array<i32>} : memref<321x128xf32, #tpu.memory_space<vmem>>, vector<16xf32>,
          tpu.vector_store %arg5[%swap3A_920, %swap3A_921], %max3A_919 {strides = array<i32>} : memref<321x128xf32, #tpu.memory_space<vmem>>, vector<16xf32>,
          %slice3A_923 = vector.extract_strided_slice %and3A_181 {offsets = [7], sizes = [1], strides = [1]} : vector<16xi32> to vector<1xi32>
          %squeeze3A_924 = vector.extract %slice3A_923[0] : i32 from vector<1xi32>
          %get3A_925 = arith.index_cast %squeeze3A_924 : i32 to index
          %get3A_926 = arith.constant 0 : index
          %get3A_927 = tpu.vector_load %arg5[%get3A_925, %get3A_926] {strides = array<i32>} : memref<321x128xf32, #tpu.memory_space<vmem>>, vector<16xf32>,
          %get3A_928 = arith.index_cast %squeeze3A_924 : i32 to index
          %get3A_929 = arith.constant 16 : index
          %get3A_930 = tpu.vector_load %arg5[%get3A_928, %get3A_929] {strides = array<i32>} : memref<321x128xf32, #tpu.memory_space<vmem>>, vector<16xf32>,
          %get3A_931 = arith.index_cast %squeeze3A_924 : i32 to index
          %get3A_932 = arith.constant 32 : index
          %get3A_933 = tpu.vector_load %arg5[%get3A_931, %get3A_932] {strides = array<i32>} : memref<321x128xf32, #tpu.memory_space<vmem>>, vector<16xf32>,
          %get3A_934 = arith.index_cast %squeeze3A_924 : i32 to index
          %get3A_935 = arith.constant 48 : index
          %get3A_936 = tpu.vector_load %arg5[%get3A_934, %get3A_935] {strides = array<i32>} : memref<321x128xf32, #tpu.memory_space<vmem>>, vector<16xf32>,
          %get3A_937 = arith.index_cast %squeeze3A_924 : i32 to index
          %get3A_938 = arith.constant 64 : index
          %get3A_939 = tpu.vector_load %arg5[%get3A_937, %get3A_938] {strides = array<i32>} : memref<321x128xf32, #tpu.memory_space<vmem>>, vector<16xf32>,
          %get3A_940 = arith.index_cast %squeeze3A_924 : i32 to index
          %get3A_941 = arith.constant 80 : index
          %get3A_942 = tpu.vector_load %arg5[%get3A_940, %get3A_941] {strides = array<i32>} : memref<321x128xf32, #tpu.memory_space<vmem>>, vector<16xf32>,
          %get3A_943 = arith.index_cast %squeeze3A_924 : i32 to index
          %get3A_944 = arith.constant 96 : index
          %get3A_945 = tpu.vector_load %arg5[%get3A_943, %get3A_944] {strides = array<i32>} : memref<321x128xf32, #tpu.memory_space<vmem>>, vector<16xf32>,
          %get3A_946 = arith.index_cast %squeeze3A_924 : i32 to index
          %get3A_947 = arith.constant 112 : index
          %get3A_948 = tpu.vector_load %arg5[%get3A_946, %get3A_947] {strides = array<i32>} : memref<321x128xf32, #tpu.memory_space<vmem>>, vector<16xf32>,
          %add3A_949 = arith.constant 7 : i32
          %add3A_950 = arith.addi %mul3A_183, %add3A_949 : i32
          %get3A_951 = arith.index_cast %and3A_147 : i32 to index
          %get3A_952 = arith.index_cast %add3A_950 : i32 to index
          %get3A_953 = arith.constant 0 : index
          %get3A_954 = tpu.vector_load %arg9[%get3A_951, %get3A_952, %get3A_953] {strides = array<i32>} : memref<2x128x128xf32, #tpu.memory_space<vmem>>, vector<16xf32>,
          %add3A_955 = arith.constant 7 : i32
          %add3A_956 = arith.addi %mul3A_183, %add3A_955 : i32
          %get3A_957 = arith.index_cast %and3A_147 : i32 to index
          %get3A_958 = arith.index_cast %add3A_956 : i32 to index
          %get3A_959 = arith.constant 16 : index
          %get3A_960 = tpu.vector_load %arg9[%get3A_957, %get3A_958, %get3A_959] {strides = array<i32>} : memref<2x128x128xf32, #tpu.memory_space<vmem>>, vector<16xf32>,
          %add3A_961 = arith.constant 7 : i32
          %add3A_962 = arith.addi %mul3A_183, %add3A_961 : i32
          %get3A_963 = arith.index_cast %and3A_147 : i32 to index
          %get3A_964 = arith.index_cast %add3A_962 : i32 to index
          %get3A_965 = arith.constant 32 : index
          %get3A_966 = tpu.vector_load %arg9[%get3A_963, %get3A_964, %get3A_965] {strides = array<i32>} : memref<2x128x128xf32, #tpu.memory_space<vmem>>, vector<16xf32>,
          %add3A_967 = arith.constant 7 : i32
          %add3A_968 = arith.addi %mul3A_183, %add3A_967 : i32
          %get3A_969 = arith.index_cast %and3A_147 : i32 to index
          %get3A_970 = arith.index_cast %add3A_968 : i32 to index
          %get3A_971 = arith.constant 48 : index
          %get3A_972 = tpu.vector_load %arg9[%get3A_969, %get3A_970, %get3A_971] {strides = array<i32>} : memref<2x128x128xf32, #tpu.memory_space<vmem>>, vector<16xf32>,
          %add3A_973 = arith.constant 7 : i32
          %add3A_974 = arith.addi %mul3A_183, %add3A_973 : i32
          %get3A_975 = arith.index_cast %and3A_147 : i32 to index
          %get3A_976 = arith.index_cast %add3A_974 : i32 to index
          %get3A_977 = arith.constant 64 : index
          %get3A_978 = tpu.vector_load %arg9[%get3A_975, %get3A_976, %get3A_977] {strides = array<i32>} : memref<2x128x128xf32, #tpu.memory_space<vmem>>, vector<16xf32>,
          %add3A_979 = arith.constant 7 : i32
          %add3A_980 = arith.addi %mul3A_183, %add3A_979 : i32
          %get3A_981 = arith.index_cast %and3A_147 : i32 to index
          %get3A_982 = arith.index_cast %add3A_980 : i32 to index
          %get3A_983 = arith.constant 80 : index
          %get3A_984 = tpu.vector_load %arg9[%get3A_981, %get3A_982, %get3A_983] {strides = array<i32>} : memref<2x128x128xf32, #tpu.memory_space<vmem>>, vector<16xf32>,
          %add3A_985 = arith.constant 7 : i32
          %add3A_986 = arith.addi %mul3A_183, %add3A_985 : i32
          %get3A_987 = arith.index_cast %and3A_147 : i32 to index
          %get3A_988 = arith.index_cast %add3A_986 : i32 to index
          %get3A_989 = arith.constant 96 : index
          %get3A_990 = tpu.vector_load %arg9[%get3A_987, %get3A_988, %get3A_989] {strides = array<i32>} : memref<2x128x128xf32, #tpu.memory_space<vmem>>, vector<16xf32>,
          %add3A_991 = arith.constant 7 : i32
          %add3A_992 = arith.addi %mul3A_183, %add3A_991 : i32
          %get3A_993 = arith.index_cast %and3A_147 : i32 to index
          %get3A_994 = arith.index_cast %add3A_992 : i32 to index
          %get3A_995 = arith.constant 112 : index
          %get3A_996 = tpu.vector_load %arg9[%get3A_993, %get3A_994, %get3A_995] {strides = array<i32>} : memref<2x128x128xf32, #tpu.memory_space<vmem>>, vector<16xf32>,
          %max3A_997 = arith.maximumf %get3A_927, %get3A_954 : vector<16xf32>
          %swap3A_998 = arith.index_cast %squeeze3A_924 : i32 to index
          %swap3A_999 = arith.constant 0 : index
          %swap3A_1000 = tpu.vector_load %arg5[%swap3A_998, %swap3A_999] {strides = array<i32>} : memref<321x128xf32, #tpu.memory_space<vmem>>, vector<16xf32>,
          tpu.vector_store %arg5[%swap3A_998, %swap3A_999], %max3A_997 {strides = array<i32>} : memref<321x128xf32, #tpu.memory_space<vmem>>, vector<16xf32>,
          %max3A_1001 = arith.maximumf %get3A_930, %get3A_960 : vector<16xf32>
          %swap3A_1002 = arith.index_cast %squeeze3A_924 : i32 to index
          %swap3A_1003 = arith.constant 16 : index
          %swap3A_1004 = tpu.vector_load %arg5[%swap3A_1002, %swap3A_1003] {strides = array<i32>} : memref<321x128xf32, #tpu.memory_space<vmem>>, vector<16xf32>,
          tpu.vector_store %arg5[%swap3A_1002, %swap3A_1003], %max3A_1001 {strides = array<i32>} : memref<321x128xf32, #tpu.memory_space<vmem>>, vector<16xf32>,
          %max3A_1005 = arith.maximumf %get3A_933, %get3A_966 : vector<16xf32>
          %swap3A_1006 = arith.index_cast %squeeze3A_924 : i32 to index
          %swap3A_1007 = arith.constant 32 : index
          %swap3A_1008 = tpu.vector_load %arg5[%swap3A_1006, %swap3A_1007] {strides = array<i32>} : memref<321x128xf32, #tpu.memory_space<vmem>>, vector<16xf32>,
          tpu.vector_store %arg5[%swap3A_1006, %swap3A_1007], %max3A_1005 {strides = array<i32>} : memref<321x128xf32, #tpu.memory_space<vmem>>, vector<16xf32>,
          %max3A_1009 = arith.maximumf %get3A_936, %get3A_972 : vector<16xf32>
          %swap3A_1010 = arith.index_cast %squeeze3A_924 : i32 to index
          %swap3A_1011 = arith.constant 48 : index
          %swap3A_1012 = tpu.vector_load %arg5[%swap3A_1010, %swap3A_1011] {strides = array<i32>} : memref<321x128xf32, #tpu.memory_space<vmem>>, vector<16xf32>,
          tpu.vector_store %arg5[%swap3A_1010, %swap3A_1011], %max3A_1009 {strides = array<i32>} : memref<321x128xf32, #tpu.memory_space<vmem>>, vector<16xf32>,
          %max3A_1013 = arith.maximumf %get3A_939, %get3A_978 : vector<16xf32>
          %swap3A_1014 = arith.index_cast %squeeze3A_924 : i32 to index
          %swap3A_1015 = arith.constant 64 : index
          %swap3A_1016 = tpu.vector_load %arg5[%swap3A_1014, %swap3A_1015] {strides = array<i32>} : memref<321x128xf32, #tpu.memory_space<vmem>>, vector<16xf32>,
          tpu.vector_store %arg5[%swap3A_1014, %swap3A_1015], %max3A_1013 {strides = array<i32>} : memref<321x128xf32, #tpu.memory_space<vmem>>, vector<16xf32>,
          %max3A_1017 = arith.maximumf %get3A_942, %get3A_984 : vector<16xf32>
          %swap3A_1018 = arith.index_cast %squeeze3A_924 : i32 to index
          %swap3A_1019 = arith.constant 80 : index
          %swap3A_1020 = tpu.vector_load %arg5[%swap3A_1018, %swap3A_1019] {strides = array<i32>} : memref<321x128xf32, #tpu.memory_space<vmem>>, vector<16xf32>,
          tpu.vector_store %arg5[%swap3A_1018, %swap3A_1019], %max3A_1017 {strides = array<i32>} : memref<321x128xf32, #tpu.memory_space<vmem>>, vector<16xf32>,
          %max3A_1021 = arith.maximumf %get3A_945, %get3A_990 : vector<16xf32>
          %swap3A_1022 = arith.index_cast %squeeze3A_924 : i32 to index
          %swap3A_1023 = arith.constant 96 : index
          %swap3A_1024 = tpu.vector_load %arg5[%swap3A_1022, %swap3A_1023] {strides = array<i32>} : memref<321x128xf32, #tpu.memory_space<vmem>>, vector<16xf32>,
          tpu.vector_store %arg5[%swap3A_1022, %swap3A_1023], %max3A_1021 {strides = array<i32>} : memref<321x128xf32, #tpu.memory_space<vmem>>, vector<16xf32>,
          %max3A_1025 = arith.maximumf %get3A_948, %get3A_996 : vector<16xf32>
          %swap3A_1026 = arith.index_cast %squeeze3A_924 : i32 to index
          %swap3A_1027 = arith.constant 112 : index
          %swap3A_1028 = tpu.vector_load %arg5[%swap3A_1026, %swap3A_1027] {strides = array<i32>} : memref<321x128xf32, #tpu.memory_space<vmem>>, vector<16xf32>,
          tpu.vector_store %arg5[%swap3A_1026, %swap3A_1027], %max3A_1025 {strides = array<i32>} : memref<321x128xf32, #tpu.memory_space<vmem>>, vector<16xf32>,
          %slice3A_1029 = vector.extract_strided_slice %and3A_181 {offsets = [8], sizes = [1], strides = [1]} : vector<16xi32> to vector<1xi32>
          %squeeze3A_1030 = vector.extract %slice3A_1029[0] : i32 from vector<1xi32>
          %get3A_1031 = arith.index_cast %squeeze3A_1030 : i32 to index
          %get3A_1032 = arith.constant 0 : index
          %get3A_1033 = tpu.vector_load %arg5[%get3A_1031, %get3A_1032] {strides = array<i32>} : memref<321x128xf32, #tpu.memory_space<vmem>>, vector<16xf32>,
          %get3A_1034 = arith.index_cast %squeeze3A_1030 : i32 to index
          %get3A_1035 = arith.constant 16 : index
          %get3A_1036 = tpu.vector_load %arg5[%get3A_1034, %get3A_1035] {strides = array<i32>} : memref<321x128xf32, #tpu.memory_space<vmem>>, vector<16xf32>,
          %get3A_1037 = arith.index_cast %squeeze3A_1030 : i32 to index
          %get3A_1038 = arith.constant 32 : index
          %get3A_1039 = tpu.vector_load %arg5[%get3A_1037, %get3A_1038] {strides = array<i32>} : memref<321x128xf32, #tpu.memory_space<vmem>>, vector<16xf32>,
          %get3A_1040 = arith.index_cast %squeeze3A_1030 : i32 to index
          %get3A_1041 = arith.constant 48 : index
          %get3A_1042 = tpu.vector_load %arg5[%get3A_1040, %get3A_1041] {strides = array<i32>} : memref<321x128xf32, #tpu.memory_space<vmem>>, vector<16xf32>,
          %get3A_1043 = arith.index_cast %squeeze3A_1030 : i32 to index
          %get3A_1044 = arith.constant 64 : index
          %get3A_1045 = tpu.vector_load %arg5[%get3A_1043, %get3A_1044] {strides = array<i32>} : memref<321x128xf32, #tpu.memory_space<vmem>>, vector<16xf32>,
          %get3A_1046 = arith.index_cast %squeeze3A_1030 : i32 to index
          %get3A_1047 = arith.constant 80 : index
          %get3A_1048 = tpu.vector_load %arg5[%get3A_1046, %get3A_1047] {strides = array<i32>} : memref<321x128xf32, #tpu.memory_space<vmem>>, vector<16xf32>,
          %get3A_1049 = arith.index_cast %squeeze3A_1030 : i32 to index
          %get3A_1050 = arith.constant 96 : index
          %get3A_1051 = tpu.vector_load %arg5[%get3A_1049, %get3A_1050] {strides = array<i32>} : memref<321x128xf32, #tpu.memory_space<vmem>>, vector<16xf32>,
          %get3A_1052 = arith.index_cast %squeeze3A_1030 : i32 to index
          %get3A_1053 = arith.constant 112 : index
          %get3A_1054 = tpu.vector_load %arg5[%get3A_1052, %get3A_1053] {strides = array<i32>} : memref<321x128xf32, #tpu.memory_space<vmem>>, vector<16xf32>,
          %add3A_1055 = arith.constant 8 : i32
          %add3A_1056 = arith.addi %mul3A_183, %add3A_1055 : i32
          %get3A_1057 = arith.index_cast %and3A_147 : i32 to index
          %get3A_1058 = arith.index_cast %add3A_1056 : i32 to index
          %get3A_1059 = arith.constant 0 : index
          %get3A_1060 = tpu.vector_load %arg9[%get3A_1057, %get3A_1058, %get3A_1059] {strides = array<i32>} : memref<2x128x128xf32, #tpu.memory_space<vmem>>, vector<16xf32>,
          %add3A_1061 = arith.constant 8 : i32
          %add3A_1062 = arith.addi %mul3A_183, %add3A_1061 : i32
          %get3A_1063 = arith.index_cast %and3A_147 : i32 to index
          %get3A_1064 = arith.index_cast %add3A_1062 : i32 to index
          %get3A_1065 = arith.constant 16 : index
          %get3A_1066 = tpu.vector_load %arg9[%get3A_1063, %get3A_1064, %get3A_1065] {strides = array<i32>} : memref<2x128x128xf32, #tpu.memory_space<vmem>>, vector<16xf32>,
          %add3A_1067 = arith.constant 8 : i32
          %add3A_1068 = arith.addi %mul3A_183, %add3A_1067 : i32
          %get3A_1069 = arith.index_cast %and3A_147 : i32 to index
          %get3A_1070 = arith.index_cast %add3A_1068 : i32 to index
          %get3A_1071 = arith.constant 32 : index
          %get3A_1072 = tpu.vector_load %arg9[%get3A_1069, %get3A_1070, %get3A_1071] {strides = array<i32>} : memref<2x128x128xf32, #tpu.memory_space<vmem>>, vector<16xf32>,
          %add3A_1073 = arith.constant 8 : i32
          %add3A_1074 = arith.addi %mul3A_183, %add3A_1073 : i32
          %get3A_1075 = arith.index_cast %and3A_147 : i32 to index
          %get3A_1076 = arith.index_cast %add3A_1074 : i32 to index
          %get3A_1077 = arith.constant 48 : index
          %get3A_1078 = tpu.vector_load %arg9[%get3A_1075, %get3A_1076, %get3A_1077] {strides = array<i32>} : memref<2x128x128xf32, #tpu.memory_space<vmem>>, vector<16xf32>,
          %add3A_1079 = arith.constant 8 : i32
          %add3A_1080 = arith.addi %mul3A_183, %add3A_1079 : i32
          %get3A_1081 = arith.index_cast %and3A_147 : i32 to index
          %get3A_1082 = arith.index_cast %add3A_1080 : i32 to index
          %get3A_1083 = arith.constant 64 : index
          %get3A_1084 = tpu.vector_load %arg9[%get3A_1081, %get3A_1082, %get3A_1083] {strides = array<i32>} : memref<2x128x128xf32, #tpu.memory_space<vmem>>, vector<16xf32>,
          %add3A_1085 = arith.constant 8 : i32
          %add3A_1086 = arith.addi %mul3A_183, %add3A_1085 : i32
          %get3A_1087 = arith.index_cast %and3A_147 : i32 to index
          %get3A_1088 = arith.index_cast %add3A_1086 : i32 to index
          %get3A_1089 = arith.constant 80 : index
          %get3A_1090 = tpu.vector_load %arg9[%get3A_1087, %get3A_1088, %get3A_1089] {strides = array<i32>} : memref<2x128x128xf32, #tpu.memory_space<vmem>>, vector<16xf32>,
          %add3A_1091 = arith.constant 8 : i32
          %add3A_1092 = arith.addi %mul3A_183, %add3A_1091 : i32
          %get3A_1093 = arith.index_cast %and3A_147 : i32 to index
          %get3A_1094 = arith.index_cast %add3A_1092 : i32 to index
          %get3A_1095 = arith.constant 96 : index
          %get3A_1096 = tpu.vector_load %arg9[%get3A_1093, %get3A_1094, %get3A_1095] {strides = array<i32>} : memref<2x128x128xf32, #tpu.memory_space<vmem>>, vector<16xf32>,
          %add3A_1097 = arith.constant 8 : i32
          %add3A_1098 = arith.addi %mul3A_183, %add3A_1097 : i32
          %get3A_1099 = arith.index_cast %and3A_147 : i32 to index
          %get3A_1100 = arith.index_cast %add3A_1098 : i32 to index
          %get3A_1101 = arith.constant 112 : index
          %get3A_1102 = tpu.vector_load %arg9[%get3A_1099, %get3A_1100, %get3A_1101] {strides = array<i32>} : memref<2x128x128xf32, #tpu.memory_space<vmem>>, vector<16xf32>,
          %max3A_1103 = arith.maximumf %get3A_1033, %get3A_1060 : vector<16xf32>
          %swap3A_1104 = arith.index_cast %squeeze3A_1030 : i32 to index
          %swap3A_1105 = arith.constant 0 : index
          %swap3A_1106 = tpu.vector_load %arg5[%swap3A_1104, %swap3A_1105] {strides = array<i32>} : memref<321x128xf32, #tpu.memory_space<vmem>>, vector<16xf32>,
          tpu.vector_store %arg5[%swap3A_1104, %swap3A_1105], %max3A_1103 {strides = array<i32>} : memref<321x128xf32, #tpu.memory_space<vmem>>, vector<16xf32>,
          %max3A_1107 = arith.maximumf %get3A_1036, %get3A_1066 : vector<16xf32>
          %swap3A_1108 = arith.index_cast %squeeze3A_1030 : i32 to index
          %swap3A_1109 = arith.constant 16 : index
          %swap3A_1110 = tpu.vector_load %arg5[%swap3A_1108, %swap3A_1109] {strides = array<i32>} : memref<321x128xf32, #tpu.memory_space<vmem>>, vector<16xf32>,
          tpu.vector_store %arg5[%swap3A_1108, %swap3A_1109], %max3A_1107 {strides = array<i32>} : memref<321x128xf32, #tpu.memory_space<vmem>>, vector<16xf32>,
          %max3A_1111 = arith.maximumf %get3A_1039, %get3A_1072 : vector<16xf32>
          %swap3A_1112 = arith.index_cast %squeeze3A_1030 : i32 to index
          %swap3A_1113 = arith.constant 32 : index
          %swap3A_1114 = tpu.vector_load %arg5[%swap3A_1112, %swap3A_1113] {strides = array<i32>} : memref<321x128xf32, #tpu.memory_space<vmem>>, vector<16xf32>,
          tpu.vector_store %arg5[%swap3A_1112, %swap3A_1113], %max3A_1111 {strides = array<i32>} : memref<321x128xf32, #tpu.memory_space<vmem>>, vector<16xf32>,
          %max3A_1115 = arith.maximumf %get3A_1042, %get3A_1078 : vector<16xf32>
          %swap3A_1116 = arith.index_cast %squeeze3A_1030 : i32 to index
          %swap3A_1117 = arith.constant 48 : index
          %swap3A_1118 = tpu.vector_load %arg5[%swap3A_1116, %swap3A_1117] {strides = array<i32>} : memref<321x128xf32, #tpu.memory_space<vmem>>, vector<16xf32>,
          tpu.vector_store %arg5[%swap3A_1116, %swap3A_1117], %max3A_1115 {strides = array<i32>} : memref<321x128xf32, #tpu.memory_space<vmem>>, vector<16xf32>,
          %max3A_1119 = arith.maximumf %get3A_1045, %get3A_1084 : vector<16xf32>
          %swap3A_1120 = arith.index_cast %squeeze3A_1030 : i32 to index
          %swap3A_1121 = arith.constant 64 : index
          %swap3A_1122 = tpu.vector_load %arg5[%swap3A_1120, %swap3A_1121] {strides = array<i32>} : memref<321x128xf32, #tpu.memory_space<vmem>>, vector<16xf32>,
          tpu.vector_store %arg5[%swap3A_1120, %swap3A_1121], %max3A_1119 {strides = array<i32>} : memref<321x128xf32, #tpu.memory_space<vmem>>, vector<16xf32>,
          %max3A_1123 = arith.maximumf %get3A_1048, %get3A_1090 : vector<16xf32>
          %swap3A_1124 = arith.index_cast %squeeze3A_1030 : i32 to index
          %swap3A_1125 = arith.constant 80 : index
          %swap3A_1126 = tpu.vector_load %arg5[%swap3A_1124, %swap3A_1125] {strides = array<i32>} : memref<321x128xf32, #tpu.memory_space<vmem>>, vector<16xf32>,
          tpu.vector_store %arg5[%swap3A_1124, %swap3A_1125], %max3A_1123 {strides = array<i32>} : memref<321x128xf32, #tpu.memory_space<vmem>>, vector<16xf32>,
          %max3A_1127 = arith.maximumf %get3A_1051, %get3A_1096 : vector<16xf32>
          %swap3A_1128 = arith.index_cast %squeeze3A_1030 : i32 to index
          %swap3A_1129 = arith.constant 96 : index
          %swap3A_1130 = tpu.vector_load %arg5[%swap3A_1128, %swap3A_1129] {strides = array<i32>} : memref<321x128xf32, #tpu.memory_space<vmem>>, vector<16xf32>,
          tpu.vector_store %arg5[%swap3A_1128, %swap3A_1129], %max3A_1127 {strides = array<i32>} : memref<321x128xf32, #tpu.memory_space<vmem>>, vector<16xf32>,
          %max3A_1131 = arith.maximumf %get3A_1054, %get3A_1102 : vector<16xf32>
          %swap3A_1132 = arith.index_cast %squeeze3A_1030 : i32 to index
          %swap3A_1133 = arith.constant 112 : index
          %swap3A_1134 = tpu.vector_load %arg5[%swap3A_1132, %swap3A_1133] {strides = array<i32>} : memref<321x128xf32, #tpu.memory_space<vmem>>, vector<16xf32>,
          tpu.vector_store %arg5[%swap3A_1132, %swap3A_1133], %max3A_1131 {strides = array<i32>} : memref<321x128xf32, #tpu.memory_space<vmem>>, vector<16xf32>,
          %slice3A_1135 = vector.extract_strided_slice %and3A_181 {offsets = [9], sizes = [1], strides = [1]} : vector<16xi32> to vector<1xi32>
          %squeeze3A_1136 = vector.extract %slice3A_1135[0] : i32 from vector<1xi32>
          %get3A_1137 = arith.index_cast %squeeze3A_1136 : i32 to index
          %get3A_1138 = arith.constant 0 : index
          %get3A_1139 = tpu.vector_load %arg5[%get3A_1137, %get3A_1138] {strides = array<i32>} : memref<321x128xf32, #tpu.memory_space<vmem>>, vector<16xf32>,
          %get3A_1140 = arith.index_cast %squeeze3A_1136 : i32 to index
          %get3A_1141 = arith.constant 16 : index
          %get3A_1142 = tpu.vector_load %arg5[%get3A_1140, %get3A_1141] {strides = array<i32>} : memref<321x128xf32, #tpu.memory_space<vmem>>, vector<16xf32>,
          %get3A_1143 = arith.index_cast %squeeze3A_1136 : i32 to index
          %get3A_1144 = arith.constant 32 : index
          %get3A_1145 = tpu.vector_load %arg5[%get3A_1143, %get3A_1144] {strides = array<i32>} : memref<321x128xf32, #tpu.memory_space<vmem>>, vector<16xf32>,
          %get3A_1146 = arith.index_cast %squeeze3A_1136 : i32 to index
          %get3A_1147 = arith.constant 48 : index
          %get3A_1148 = tpu.vector_load %arg5[%get3A_1146, %get3A_1147] {strides = array<i32>} : memref<321x128xf32, #tpu.memory_space<vmem>>, vector<16xf32>,
          %get3A_1149 = arith.index_cast %squeeze3A_1136 : i32 to index
          %get3A_1150 = arith.constant 64 : index
          %get3A_1151 = tpu.vector_load %arg5[%get3A_1149, %get3A_1150] {strides = array<i32>} : memref<321x128xf32, #tpu.memory_space<vmem>>, vector<16xf32>,
          %get3A_1152 = arith.index_cast %squeeze3A_1136 : i32 to index
          %get3A_1153 = arith.constant 80 : index
          %get3A_1154 = tpu.vector_load %arg5[%get3A_1152, %get3A_1153] {strides = array<i32>} : memref<321x128xf32, #tpu.memory_space<vmem>>, vector<16xf32>,
          %get3A_1155 = arith.index_cast %squeeze3A_1136 : i32 to index
          %get3A_1156 = arith.constant 96 : index
          %get3A_1157 = tpu.vector_load %arg5[%get3A_1155, %get3A_1156] {strides = array<i32>} : memref<321x128xf32, #tpu.memory_space<vmem>>, vector<16xf32>,
          %get3A_1158 = arith.index_cast %squeeze3A_1136 : i32 to index
          %get3A_1159 = arith.constant 112 : index
          %get3A_1160 = tpu.vector_load %arg5[%get3A_1158, %get3A_1159] {strides = array<i32>} : memref<321x128xf32, #tpu.memory_space<vmem>>, vector<16xf32>,
          %add3A_1161 = arith.constant 9 : i32
          %add3A_1162 = arith.addi %mul3A_183, %add3A_1161 : i32
          %get3A_1163 = arith.index_cast %and3A_147 : i32 to index
          %get3A_1164 = arith.index_cast %add3A_1162 : i32 to index
          %get3A_1165 = arith.constant 0 : index
          %get3A_1166 = tpu.vector_load %arg9[%get3A_1163, %get3A_1164, %get3A_1165] {strides = array<i32>} : memref<2x128x128xf32, #tpu.memory_space<vmem>>, vector<16xf32>,
          %add3A_1167 = arith.constant 9 : i32
          %add3A_1168 = arith.addi %mul3A_183, %add3A_1167 : i32
          %get3A_1169 = arith.index_cast %and3A_147 : i32 to index
          %get3A_1170 = arith.index_cast %add3A_1168 : i32 to index
          %get3A_1171 = arith.constant 16 : index
          %get3A_1172 = tpu.vector_load %arg9[%get3A_1169, %get3A_1170, %get3A_1171] {strides = array<i32>} : memref<2x128x128xf32, #tpu.memory_space<vmem>>, vector<16xf32>,
          %add3A_1173 = arith.constant 9 : i32
          %add3A_1174 = arith.addi %mul3A_183, %add3A_1173 : i32
          %get3A_1175 = arith.index_cast %and3A_147 : i32 to index
          %get3A_1176 = arith.index_cast %add3A_1174 : i32 to index
          %get3A_1177 = arith.constant 32 : index
          %get3A_1178 = tpu.vector_load %arg9[%get3A_1175, %get3A_1176, %get3A_1177] {strides = array<i32>} : memref<2x128x128xf32, #tpu.memory_space<vmem>>, vector<16xf32>,
          %add3A_1179 = arith.constant 9 : i32
          %add3A_1180 = arith.addi %mul3A_183, %add3A_1179 : i32
          %get3A_1181 = arith.index_cast %and3A_147 : i32 to index
          %get3A_1182 = arith.index_cast %add3A_1180 : i32 to index
          %get3A_1183 = arith.constant 48 : index
          %get3A_1184 = tpu.vector_load %arg9[%get3A_1181, %get3A_1182, %get3A_1183] {strides = array<i32>} : memref<2x128x128xf32, #tpu.memory_space<vmem>>, vector<16xf32>,
          %add3A_1185 = arith.constant 9 : i32
          %add3A_1186 = arith.addi %mul3A_183, %add3A_1185 : i32
          %get3A_1187 = arith.index_cast %and3A_147 : i32 to index
          %get3A_1188 = arith.index_cast %add3A_1186 : i32 to index
          %get3A_1189 = arith.constant 64 : index
          %get3A_1190 = tpu.vector_load %arg9[%get3A_1187, %get3A_1188, %get3A_1189] {strides = array<i32>} : memref<2x128x128xf32, #tpu.memory_space<vmem>>, vector<16xf32>,
          %add3A_1191 = arith.constant 9 : i32
          %add3A_1192 = arith.addi %mul3A_183, %add3A_1191 : i32
          %get3A_1193 = arith.index_cast %and3A_147 : i32 to index
          %get3A_1194 = arith.index_cast %add3A_1192 : i32 to index
          %get3A_1195 = arith.constant 80 : index
          %get3A_1196 = tpu.vector_load %arg9[%get3A_1193, %get3A_1194, %get3A_1195] {strides = array<i32>} : memref<2x128x128xf32, #tpu.memory_space<vmem>>, vector<16xf32>,
          %add3A_1197 = arith.constant 9 : i32
          %add3A_1198 = arith.addi %mul3A_183, %add3A_1197 : i32
          %get3A_1199 = arith.index_cast %and3A_147 : i32 to index
          %get3A_1200 = arith.index_cast %add3A_1198 : i32 to index
          %get3A_1201 = arith.constant 96 : index
          %get3A_1202 = tpu.vector_load %arg9[%get3A_1199, %get3A_1200, %get3A_1201] {strides = array<i32>} : memref<2x128x128xf32, #tpu.memory_space<vmem>>, vector<16xf32>,
          %add3A_1203 = arith.constant 9 : i32
          %add3A_1204 = arith.addi %mul3A_183, %add3A_1203 : i32
          %get3A_1205 = arith.index_cast %and3A_147 : i32 to index
          %get3A_1206 = arith.index_cast %add3A_1204 : i32 to index
          %get3A_1207 = arith.constant 112 : index
          %get3A_1208 = tpu.vector_load %arg9[%get3A_1205, %get3A_1206, %get3A_1207] {strides = array<i32>} : memref<2x128x128xf32, #tpu.memory_space<vmem>>, vector<16xf32>,
          %max3A_1209 = arith.maximumf %get3A_1139, %get3A_1166 : vector<16xf32>
          %swap3A_1210 = arith.index_cast %squeeze3A_1136 : i32 to index
          %swap3A_1211 = arith.constant 0 : index
          %swap3A_1212 = tpu.vector_load %arg5[%swap3A_1210, %swap3A_1211] {strides = array<i32>} : memref<321x128xf32, #tpu.memory_space<vmem>>, vector<16xf32>,
          tpu.vector_store %arg5[%swap3A_1210, %swap3A_1211], %max3A_1209 {strides = array<i32>} : memref<321x128xf32, #tpu.memory_space<vmem>>, vector<16xf32>,
          %max3A_1213 = arith.maximumf %get3A_1142, %get3A_1172 : vector<16xf32>
          %swap3A_1214 = arith.index_cast %squeeze3A_1136 : i32 to index
          %swap3A_1215 = arith.constant 16 : index
          %swap3A_1216 = tpu.vector_load %arg5[%swap3A_1214, %swap3A_1215] {strides = array<i32>} : memref<321x128xf32, #tpu.memory_space<vmem>>, vector<16xf32>,
          tpu.vector_store %arg5[%swap3A_1214, %swap3A_1215], %max3A_1213 {strides = array<i32>} : memref<321x128xf32, #tpu.memory_space<vmem>>, vector<16xf32>,
          %max3A_1217 = arith.maximumf %get3A_1145, %get3A_1178 : vector<16xf32>
          %swap3A_1218 = arith.index_cast %squeeze3A_1136 : i32 to index
          %swap3A_1219 = arith.constant 32 : index
          %swap3A_1220 = tpu.vector_load %arg5[%swap3A_1218, %swap3A_1219] {strides = array<i32>} : memref<321x128xf32, #tpu.memory_space<vmem>>, vector<16xf32>,
          tpu.vector_store %arg5[%swap3A_1218, %swap3A_1219], %max3A_1217 {strides = array<i32>} : memref<321x128xf32, #tpu.memory_space<vmem>>, vector<16xf32>,
          %max3A_1221 = arith.maximumf %get3A_1148, %get3A_1184 : vector<16xf32>
          %swap3A_1222 = arith.index_cast %squeeze3A_1136 : i32 to index
          %swap3A_1223 = arith.constant 48 : index
          %swap3A_1224 = tpu.vector_load %arg5[%swap3A_1222, %swap3A_1223] {strides = array<i32>} : memref<321x128xf32, #tpu.memory_space<vmem>>, vector<16xf32>,
          tpu.vector_store %arg5[%swap3A_1222, %swap3A_1223], %max3A_1221 {strides = array<i32>} : memref<321x128xf32, #tpu.memory_space<vmem>>, vector<16xf32>,
          %max3A_1225 = arith.maximumf %get3A_1151, %get3A_1190 : vector<16xf32>
          %swap3A_1226 = arith.index_cast %squeeze3A_1136 : i32 to index
          %swap3A_1227 = arith.constant 64 : index
          %swap3A_1228 = tpu.vector_load %arg5[%swap3A_1226, %swap3A_1227] {strides = array<i32>} : memref<321x128xf32, #tpu.memory_space<vmem>>, vector<16xf32>,
          tpu.vector_store %arg5[%swap3A_1226, %swap3A_1227], %max3A_1225 {strides = array<i32>} : memref<321x128xf32, #tpu.memory_space<vmem>>, vector<16xf32>,
          %max3A_1229 = arith.maximumf %get3A_1154, %get3A_1196 : vector<16xf32>
          %swap3A_1230 = arith.index_cast %squeeze3A_1136 : i32 to index
          %swap3A_1231 = arith.constant 80 : index
          %swap3A_1232 = tpu.vector_load %arg5[%swap3A_1230, %swap3A_1231] {strides = array<i32>} : memref<321x128xf32, #tpu.memory_space<vmem>>, vector<16xf32>,
          tpu.vector_store %arg5[%swap3A_1230, %swap3A_1231], %max3A_1229 {strides = array<i32>} : memref<321x128xf32, #tpu.memory_space<vmem>>, vector<16xf32>,
          %max3A_1233 = arith.maximumf %get3A_1157, %get3A_1202 : vector<16xf32>
          %swap3A_1234 = arith.index_cast %squeeze3A_1136 : i32 to index
          %swap3A_1235 = arith.constant 96 : index
          %swap3A_1236 = tpu.vector_load %arg5[%swap3A_1234, %swap3A_1235] {strides = array<i32>} : memref<321x128xf32, #tpu.memory_space<vmem>>, vector<16xf32>,
          tpu.vector_store %arg5[%swap3A_1234, %swap3A_1235], %max3A_1233 {strides = array<i32>} : memref<321x128xf32, #tpu.memory_space<vmem>>, vector<16xf32>,
          %max3A_1237 = arith.maximumf %get3A_1160, %get3A_1208 : vector<16xf32>
          %swap3A_1238 = arith.index_cast %squeeze3A_1136 : i32 to index
          %swap3A_1239 = arith.constant 112 : index
          %swap3A_1240 = tpu.vector_load %arg5[%swap3A_1238, %swap3A_1239] {strides = array<i32>} : memref<321x128xf32, #tpu.memory_space<vmem>>, vector<16xf32>,
          tpu.vector_store %arg5[%swap3A_1238, %swap3A_1239], %max3A_1237 {strides = array<i32>} : memref<321x128xf32, #tpu.memory_space<vmem>>, vector<16xf32>,
          %slice3A_1241 = vector.extract_strided_slice %and3A_181 {offsets = [10], sizes = [1], strides = [1]} : vector<16xi32> to vector<1xi32>
          %squeeze3A_1242 = vector.extract %slice3A_1241[0] : i32 from vector<1xi32>
          %get3A_1243 = arith.index_cast %squeeze3A_1242 : i32 to index
          %get3A_1244 = arith.constant 0 : index
          %get3A_1245 = tpu.vector_load %arg5[%get3A_1243, %get3A_1244] {strides = array<i32>} : memref<321x128xf32, #tpu.memory_space<vmem>>, vector<16xf32>,
          %get3A_1246 = arith.index_cast %squeeze3A_1242 : i32 to index
          %get3A_1247 = arith.constant 16 : index
          %get3A_1248 = tpu.vector_load %arg5[%get3A_1246, %get3A_1247] {strides = array<i32>} : memref<321x128xf32, #tpu.memory_space<vmem>>, vector<16xf32>,
          %get3A_1249 = arith.index_cast %squeeze3A_1242 : i32 to index
          %get3A_1250 = arith.constant 32 : index
          %get3A_1251 = tpu.vector_load %arg5[%get3A_1249, %get3A_1250] {strides = array<i32>} : memref<321x128xf32, #tpu.memory_space<vmem>>, vector<16xf32>,
          %get3A_1252 = arith.index_cast %squeeze3A_1242 : i32 to index
          %get3A_1253 = arith.constant 48 : index
          %get3A_1254 = tpu.vector_load %arg5[%get3A_1252, %get3A_1253] {strides = array<i32>} : memref<321x128xf32, #tpu.memory_space<vmem>>, vector<16xf32>,
          %get3A_1255 = arith.index_cast %squeeze3A_1242 : i32 to index
          %get3A_1256 = arith.constant 64 : index
          %get3A_1257 = tpu.vector_load %arg5[%get3A_1255, %get3A_1256] {strides = array<i32>} : memref<321x128xf32, #tpu.memory_space<vmem>>, vector<16xf32>,
          %get3A_1258 = arith.index_cast %squeeze3A_1242 : i32 to index
          %get3A_1259 = arith.constant 80 : index
          %get3A_1260 = tpu.vector_load %arg5[%get3A_1258, %get3A_1259] {strides = array<i32>} : memref<321x128xf32, #tpu.memory_space<vmem>>, vector<16xf32>,
          %get3A_1261 = arith.index_cast %squeeze3A_1242 : i32 to index
          %get3A_1262 = arith.constant 96 : index
          %get3A_1263 = tpu.vector_load %arg5[%get3A_1261, %get3A_1262] {strides = array<i32>} : memref<321x128xf32, #tpu.memory_space<vmem>>, vector<16xf32>,
          %get3A_1264 = arith.index_cast %squeeze3A_1242 : i32 to index
          %get3A_1265 = arith.constant 112 : index
          %get3A_1266 = tpu.vector_load %arg5[%get3A_1264, %get3A_1265] {strides = array<i32>} : memref<321x128xf32, #tpu.memory_space<vmem>>, vector<16xf32>,
          %add3A_1267 = arith.constant 10 : i32
          %add3A_1268 = arith.addi %mul3A_183, %add3A_1267 : i32
          %get3A_1269 = arith.index_cast %and3A_147 : i32 to index
          %get3A_1270 = arith.index_cast %add3A_1268 : i32 to index
          %get3A_1271 = arith.constant 0 : index
          %get3A_1272 = tpu.vector_load %arg9[%get3A_1269, %get3A_1270, %get3A_1271] {strides = array<i32>} : memref<2x128x128xf32, #tpu.memory_space<vmem>>, vector<16xf32>,
          %add3A_1273 = arith.constant 10 : i32
          %add3A_1274 = arith.addi %mul3A_183, %add3A_1273 : i32
          %get3A_1275 = arith.index_cast %and3A_147 : i32 to index
          %get3A_1276 = arith.index_cast %add3A_1274 : i32 to index
          %get3A_1277 = arith.constant 16 : index
          %get3A_1278 = tpu.vector_load %arg9[%get3A_1275, %get3A_1276, %get3A_1277] {strides = array<i32>} : memref<2x128x128xf32, #tpu.memory_space<vmem>>, vector<16xf32>,
          %add3A_1279 = arith.constant 10 : i32
          %add3A_1280 = arith.addi %mul3A_183, %add3A_1279 : i32
          %get3A_1281 = arith.index_cast %and3A_147 : i32 to index
          %get3A_1282 = arith.index_cast %add3A_1280 : i32 to index
          %get3A_1283 = arith.constant 32 : index
          %get3A_1284 = tpu.vector_load %arg9[%get3A_1281, %get3A_1282, %get3A_1283] {strides = array<i32>} : memref<2x128x128xf32, #tpu.memory_space<vmem>>, vector<16xf32>,
          %add3A_1285 = arith.constant 10 : i32
          %add3A_1286 = arith.addi %mul3A_183, %add3A_1285 : i32
          %get3A_1287 = arith.index_cast %and3A_147 : i32 to index
          %get3A_1288 = arith.index_cast %add3A_1286 : i32 to index
          %get3A_1289 = arith.constant 48 : index
          %get3A_1290 = tpu.vector_load %arg9[%get3A_1287, %get3A_1288, %get3A_1289] {strides = array<i32>} : memref<2x128x128xf32, #tpu.memory_space<vmem>>, vector<16xf32>,
          %add3A_1291 = arith.constant 10 : i32
          %add3A_1292 = arith.addi %mul3A_183, %add3A_1291 : i32
          %get3A_1293 = arith.index_cast %and3A_147 : i32 to index
          %get3A_1294 = arith.index_cast %add3A_1292 : i32 to index
          %get3A_1295 = arith.constant 64 : index
          %get3A_1296 = tpu.vector_load %arg9[%get3A_1293, %get3A_1294, %get3A_1295] {strides = array<i32>} : memref<2x128x128xf32, #tpu.memory_space<vmem>>, vector<16xf32>,
          %add3A_1297 = arith.constant 10 : i32
          %add3A_1298 = arith.addi %mul3A_183, %add3A_1297 : i32
          %get3A_1299 = arith.index_cast %and3A_147 : i32 to index
          %get3A_1300 = arith.index_cast %add3A_1298 : i32 to index
          %get3A_1301 = arith.constant 80 : index
          %get3A_1302 = tpu.vector_load %arg9[%get3A_1299, %get3A_1300, %get3A_1301] {strides = array<i32>} : memref<2x128x128xf32, #tpu.memory_space<vmem>>, vector<16xf32>,
          %add3A_1303 = arith.constant 10 : i32
          %add3A_1304 = arith.addi %mul3A_183, %add3A_1303 : i32
          %get3A_1305 = arith.index_cast %and3A_147 : i32 to index
          %get3A_1306 = arith.index_cast %add3A_1304 : i32 to index
          %get3A_1307 = arith.constant 96 : index
          %get3A_1308 = tpu.vector_load %arg9[%get3A_1305, %get3A_1306, %get3A_1307] {strides = array<i32>} : memref<2x128x128xf32, #tpu.memory_space<vmem>>, vector<16xf32>,
          %add3A_1309 = arith.constant 10 : i32
          %add3A_1310 = arith.addi %mul3A_183, %add3A_1309 : i32
          %get3A_1311 = arith.index_cast %and3A_147 : i32 to index
          %get3A_1312 = arith.index_cast %add3A_1310 : i32 to index
          %get3A_1313 = arith.constant 112 : index
          %get3A_1314 = tpu.vector_load %arg9[%get3A_1311, %get3A_1312, %get3A_1313] {strides = array<i32>} : memref<2x128x128xf32, #tpu.memory_space<vmem>>, vector<16xf32>,
          %max3A_1315 = arith.maximumf %get3A_1245, %get3A_1272 : vector<16xf32>
          %swap3A_1316 = arith.index_cast %squeeze3A_1242 : i32 to index
          %swap3A_1317 = arith.constant 0 : index
          %swap3A_1318 = tpu.vector_load %arg5[%swap3A_1316, %swap3A_1317] {strides = array<i32>} : memref<321x128xf32, #tpu.memory_space<vmem>>, vector<16xf32>,
          tpu.vector_store %arg5[%swap3A_1316, %swap3A_1317], %max3A_1315 {strides = array<i32>} : memref<321x128xf32, #tpu.memory_space<vmem>>, vector<16xf32>,
          %max3A_1319 = arith.maximumf %get3A_1248, %get3A_1278 : vector<16xf32>
          %swap3A_1320 = arith.index_cast %squeeze3A_1242 : i32 to index
          %swap3A_1321 = arith.constant 16 : index
          %swap3A_1322 = tpu.vector_load %arg5[%swap3A_1320, %swap3A_1321] {strides = array<i32>} : memref<321x128xf32, #tpu.memory_space<vmem>>, vector<16xf32>,
          tpu.vector_store %arg5[%swap3A_1320, %swap3A_1321], %max3A_1319 {strides = array<i32>} : memref<321x128xf32, #tpu.memory_space<vmem>>, vector<16xf32>,
          %max3A_1323 = arith.maximumf %get3A_1251, %get3A_1284 : vector<16xf32>
          %swap3A_1324 = arith.index_cast %squeeze3A_1242 : i32 to index
          %swap3A_1325 = arith.constant 32 : index
          %swap3A_1326 = tpu.vector_load %arg5[%swap3A_1324, %swap3A_1325] {strides = array<i32>} : memref<321x128xf32, #tpu.memory_space<vmem>>, vector<16xf32>,
          tpu.vector_store %arg5[%swap3A_1324, %swap3A_1325], %max3A_1323 {strides = array<i32>} : memref<321x128xf32, #tpu.memory_space<vmem>>, vector<16xf32>,
          %max3A_1327 = arith.maximumf %get3A_1254, %get3A_1290 : vector<16xf32>
          %swap3A_1328 = arith.index_cast %squeeze3A_1242 : i32 to index
          %swap3A_1329 = arith.constant 48 : index
          %swap3A_1330 = tpu.vector_load %arg5[%swap3A_1328, %swap3A_1329] {strides = array<i32>} : memref<321x128xf32, #tpu.memory_space<vmem>>, vector<16xf32>,
          tpu.vector_store %arg5[%swap3A_1328, %swap3A_1329], %max3A_1327 {strides = array<i32>} : memref<321x128xf32, #tpu.memory_space<vmem>>, vector<16xf32>,
          %max3A_1331 = arith.maximumf %get3A_1257, %get3A_1296 : vector<16xf32>
          %swap3A_1332 = arith.index_cast %squeeze3A_1242 : i32 to index
          %swap3A_1333 = arith.constant 64 : index
          %swap3A_1334 = tpu.vector_load %arg5[%swap3A_1332, %swap3A_1333] {strides = array<i32>} : memref<321x128xf32, #tpu.memory_space<vmem>>, vector<16xf32>,
          tpu.vector_store %arg5[%swap3A_1332, %swap3A_1333], %max3A_1331 {strides = array<i32>} : memref<321x128xf32, #tpu.memory_space<vmem>>, vector<16xf32>,
          %max3A_1335 = arith.maximumf %get3A_1260, %get3A_1302 : vector<16xf32>
          %swap3A_1336 = arith.index_cast %squeeze3A_1242 : i32 to index
          %swap3A_1337 = arith.constant 80 : index
          %swap3A_1338 = tpu.vector_load %arg5[%swap3A_1336, %swap3A_1337] {strides = array<i32>} : memref<321x128xf32, #tpu.memory_space<vmem>>, vector<16xf32>,
          tpu.vector_store %arg5[%swap3A_1336, %swap3A_1337], %max3A_1335 {strides = array<i32>} : memref<321x128xf32, #tpu.memory_space<vmem>>, vector<16xf32>,
          %max3A_1339 = arith.maximumf %get3A_1263, %get3A_1308 : vector<16xf32>
          %swap3A_1340 = arith.index_cast %squeeze3A_1242 : i32 to index
          %swap3A_1341 = arith.constant 96 : index
          %swap3A_1342 = tpu.vector_load %arg5[%swap3A_1340, %swap3A_1341] {strides = array<i32>} : memref<321x128xf32, #tpu.memory_space<vmem>>, vector<16xf32>,
          tpu.vector_store %arg5[%swap3A_1340, %swap3A_1341], %max3A_1339 {strides = array<i32>} : memref<321x128xf32, #tpu.memory_space<vmem>>, vector<16xf32>,
          %max3A_1343 = arith.maximumf %get3A_1266, %get3A_1314 : vector<16xf32>
          %swap3A_1344 = arith.index_cast %squeeze3A_1242 : i32 to index
          %swap3A_1345 = arith.constant 112 : index
          %swap3A_1346 = tpu.vector_load %arg5[%swap3A_1344, %swap3A_1345] {strides = array<i32>} : memref<321x128xf32, #tpu.memory_space<vmem>>, vector<16xf32>,
          tpu.vector_store %arg5[%swap3A_1344, %swap3A_1345], %max3A_1343 {strides = array<i32>} : memref<321x128xf32, #tpu.memory_space<vmem>>, vector<16xf32>,
          %slice3A_1347 = vector.extract_strided_slice %and3A_181 {offsets = [11], sizes = [1], strides = [1]} : vector<16xi32> to vector<1xi32>
          %squeeze3A_1348 = vector.extract %slice3A_1347[0] : i32 from vector<1xi32>
          %get3A_1349 = arith.index_cast %squeeze3A_1348 : i32 to index
          %get3A_1350 = arith.constant 0 : index
          %get3A_1351 = tpu.vector_load %arg5[%get3A_1349, %get3A_1350] {strides = array<i32>} : memref<321x128xf32, #tpu.memory_space<vmem>>, vector<16xf32>,
          %get3A_1352 = arith.index_cast %squeeze3A_1348 : i32 to index
          %get3A_1353 = arith.constant 16 : index
          %get3A_1354 = tpu.vector_load %arg5[%get3A_1352, %get3A_1353] {strides = array<i32>} : memref<321x128xf32, #tpu.memory_space<vmem>>, vector<16xf32>,
          %get3A_1355 = arith.index_cast %squeeze3A_1348 : i32 to index
          %get3A_1356 = arith.constant 32 : index
          %get3A_1357 = tpu.vector_load %arg5[%get3A_1355, %get3A_1356] {strides = array<i32>} : memref<321x128xf32, #tpu.memory_space<vmem>>, vector<16xf32>,
          %get3A_1358 = arith.index_cast %squeeze3A_1348 : i32 to index
          %get3A_1359 = arith.constant 48 : index
          %get3A_1360 = tpu.vector_load %arg5[%get3A_1358, %get3A_1359] {strides = array<i32>} : memref<321x128xf32, #tpu.memory_space<vmem>>, vector<16xf32>,
          %get3A_1361 = arith.index_cast %squeeze3A_1348 : i32 to index
          %get3A_1362 = arith.constant 64 : index
          %get3A_1363 = tpu.vector_load %arg5[%get3A_1361, %get3A_1362] {strides = array<i32>} : memref<321x128xf32, #tpu.memory_space<vmem>>, vector<16xf32>,
          %get3A_1364 = arith.index_cast %squeeze3A_1348 : i32 to index
          %get3A_1365 = arith.constant 80 : index
          %get3A_1366 = tpu.vector_load %arg5[%get3A_1364, %get3A_1365] {strides = array<i32>} : memref<321x128xf32, #tpu.memory_space<vmem>>, vector<16xf32>,
          %get3A_1367 = arith.index_cast %squeeze3A_1348 : i32 to index
          %get3A_1368 = arith.constant 96 : index
          %get3A_1369 = tpu.vector_load %arg5[%get3A_1367, %get3A_1368] {strides = array<i32>} : memref<321x128xf32, #tpu.memory_space<vmem>>, vector<16xf32>,
          %get3A_1370 = arith.index_cast %squeeze3A_1348 : i32 to index
          %get3A_1371 = arith.constant 112 : index
          %get3A_1372 = tpu.vector_load %arg5[%get3A_1370, %get3A_1371] {strides = array<i32>} : memref<321x128xf32, #tpu.memory_space<vmem>>, vector<16xf32>,
          %add3A_1373 = arith.constant 11 : i32
          %add3A_1374 = arith.addi %mul3A_183, %add3A_1373 : i32
          %get3A_1375 = arith.index_cast %and3A_147 : i32 to index
          %get3A_1376 = arith.index_cast %add3A_1374 : i32 to index
          %get3A_1377 = arith.constant 0 : index
          %get3A_1378 = tpu.vector_load %arg9[%get3A_1375, %get3A_1376, %get3A_1377] {strides = array<i32>} : memref<2x128x128xf32, #tpu.memory_space<vmem>>, vector<16xf32>,
          %add3A_1379 = arith.constant 11 : i32
          %add3A_1380 = arith.addi %mul3A_183, %add3A_1379 : i32
          %get3A_1381 = arith.index_cast %and3A_147 : i32 to index
          %get3A_1382 = arith.index_cast %add3A_1380 : i32 to index
          %get3A_1383 = arith.constant 16 : index
          %get3A_1384 = tpu.vector_load %arg9[%get3A_1381, %get3A_1382, %get3A_1383] {strides = array<i32>} : memref<2x128x128xf32, #tpu.memory_space<vmem>>, vector<16xf32>,
          %add3A_1385 = arith.constant 11 : i32
          %add3A_1386 = arith.addi %mul3A_183, %add3A_1385 : i32
          %get3A_1387 = arith.index_cast %and3A_147 : i32 to index
          %get3A_1388 = arith.index_cast %add3A_1386 : i32 to index
          %get3A_1389 = arith.constant 32 : index
          %get3A_1390 = tpu.vector_load %arg9[%get3A_1387, %get3A_1388, %get3A_1389] {strides = array<i32>} : memref<2x128x128xf32, #tpu.memory_space<vmem>>, vector<16xf32>,
          %add3A_1391 = arith.constant 11 : i32
          %add3A_1392 = arith.addi %mul3A_183, %add3A_1391 : i32
          %get3A_1393 = arith.index_cast %and3A_147 : i32 to index
          %get3A_1394 = arith.index_cast %add3A_1392 : i32 to index
          %get3A_1395 = arith.constant 48 : index
          %get3A_1396 = tpu.vector_load %arg9[%get3A_1393, %get3A_1394, %get3A_1395] {strides = array<i32>} : memref<2x128x128xf32, #tpu.memory_space<vmem>>, vector<16xf32>,
          %add3A_1397 = arith.constant 11 : i32
          %add3A_1398 = arith.addi %mul3A_183, %add3A_1397 : i32
          %get3A_1399 = arith.index_cast %and3A_147 : i32 to index
          %get3A_1400 = arith.index_cast %add3A_1398 : i32 to index
          %get3A_1401 = arith.constant 64 : index
          %get3A_1402 = tpu.vector_load %arg9[%get3A_1399, %get3A_1400, %get3A_1401] {strides = array<i32>} : memref<2x128x128xf32, #tpu.memory_space<vmem>>, vector<16xf32>,
          %add3A_1403 = arith.constant 11 : i32
          %add3A_1404 = arith.addi %mul3A_183, %add3A_1403 : i32
          %get3A_1405 = arith.index_cast %and3A_147 : i32 to index
          %get3A_1406 = arith.index_cast %add3A_1404 : i32 to index
          %get3A_1407 = arith.constant 80 : index
          %get3A_1408 = tpu.vector_load %arg9[%get3A_1405, %get3A_1406, %get3A_1407] {strides = array<i32>} : memref<2x128x128xf32, #tpu.memory_space<vmem>>, vector<16xf32>,
          %add3A_1409 = arith.constant 11 : i32
          %add3A_1410 = arith.addi %mul3A_183, %add3A_1409 : i32
          %get3A_1411 = arith.index_cast %and3A_147 : i32 to index
          %get3A_1412 = arith.index_cast %add3A_1410 : i32 to index
          %get3A_1413 = arith.constant 96 : index
          %get3A_1414 = tpu.vector_load %arg9[%get3A_1411, %get3A_1412, %get3A_1413] {strides = array<i32>} : memref<2x128x128xf32, #tpu.memory_space<vmem>>, vector<16xf32>,
          %add3A_1415 = arith.constant 11 : i32
          %add3A_1416 = arith.addi %mul3A_183, %add3A_1415 : i32
          %get3A_1417 = arith.index_cast %and3A_147 : i32 to index
          %get3A_1418 = arith.index_cast %add3A_1416 : i32 to index
          %get3A_1419 = arith.constant 112 : index
          %get3A_1420 = tpu.vector_load %arg9[%get3A_1417, %get3A_1418, %get3A_1419] {strides = array<i32>} : memref<2x128x128xf32, #tpu.memory_space<vmem>>, vector<16xf32>,
          %max3A_1421 = arith.maximumf %get3A_1351, %get3A_1378 : vector<16xf32>
          %swap3A_1422 = arith.index_cast %squeeze3A_1348 : i32 to index
          %swap3A_1423 = arith.constant 0 : index
          %swap3A_1424 = tpu.vector_load %arg5[%swap3A_1422, %swap3A_1423] {strides = array<i32>} : memref<321x128xf32, #tpu.memory_space<vmem>>, vector<16xf32>,
          tpu.vector_store %arg5[%swap3A_1422, %swap3A_1423], %max3A_1421 {strides = array<i32>} : memref<321x128xf32, #tpu.memory_space<vmem>>, vector<16xf32>,
          %max3A_1425 = arith.maximumf %get3A_1354, %get3A_1384 : vector<16xf32>
          %swap3A_1426 = arith.index_cast %squeeze3A_1348 : i32 to index
          %swap3A_1427 = arith.constant 16 : index
          %swap3A_1428 = tpu.vector_load %arg5[%swap3A_1426, %swap3A_1427] {strides = array<i32>} : memref<321x128xf32, #tpu.memory_space<vmem>>, vector<16xf32>,
          tpu.vector_store %arg5[%swap3A_1426, %swap3A_1427], %max3A_1425 {strides = array<i32>} : memref<321x128xf32, #tpu.memory_space<vmem>>, vector<16xf32>,
          %max3A_1429 = arith.maximumf %get3A_1357, %get3A_1390 : vector<16xf32>
          %swap3A_1430 = arith.index_cast %squeeze3A_1348 : i32 to index
          %swap3A_1431 = arith.constant 32 : index
          %swap3A_1432 = tpu.vector_load %arg5[%swap3A_1430, %swap3A_1431] {strides = array<i32>} : memref<321x128xf32, #tpu.memory_space<vmem>>, vector<16xf32>,
          tpu.vector_store %arg5[%swap3A_1430, %swap3A_1431], %max3A_1429 {strides = array<i32>} : memref<321x128xf32, #tpu.memory_space<vmem>>, vector<16xf32>,
          %max3A_1433 = arith.maximumf %get3A_1360, %get3A_1396 : vector<16xf32>
          %swap3A_1434 = arith.index_cast %squeeze3A_1348 : i32 to index
          %swap3A_1435 = arith.constant 48 : index
          %swap3A_1436 = tpu.vector_load %arg5[%swap3A_1434, %swap3A_1435] {strides = array<i32>} : memref<321x128xf32, #tpu.memory_space<vmem>>, vector<16xf32>,
          tpu.vector_store %arg5[%swap3A_1434, %swap3A_1435], %max3A_1433 {strides = array<i32>} : memref<321x128xf32, #tpu.memory_space<vmem>>, vector<16xf32>,
          %max3A_1437 = arith.maximumf %get3A_1363, %get3A_1402 : vector<16xf32>
          %swap3A_1438 = arith.index_cast %squeeze3A_1348 : i32 to index
          %swap3A_1439 = arith.constant 64 : index
          %swap3A_1440 = tpu.vector_load %arg5[%swap3A_1438, %swap3A_1439] {strides = array<i32>} : memref<321x128xf32, #tpu.memory_space<vmem>>, vector<16xf32>,
          tpu.vector_store %arg5[%swap3A_1438, %swap3A_1439], %max3A_1437 {strides = array<i32>} : memref<321x128xf32, #tpu.memory_space<vmem>>, vector<16xf32>,
          %max3A_1441 = arith.maximumf %get3A_1366, %get3A_1408 : vector<16xf32>
          %swap3A_1442 = arith.index_cast %squeeze3A_1348 : i32 to index
          %swap3A_1443 = arith.constant 80 : index
          %swap3A_1444 = tpu.vector_load %arg5[%swap3A_1442, %swap3A_1443] {strides = array<i32>} : memref<321x128xf32, #tpu.memory_space<vmem>>, vector<16xf32>,
          tpu.vector_store %arg5[%swap3A_1442, %swap3A_1443], %max3A_1441 {strides = array<i32>} : memref<321x128xf32, #tpu.memory_space<vmem>>, vector<16xf32>,
          %max3A_1445 = arith.maximumf %get3A_1369, %get3A_1414 : vector<16xf32>
          %swap3A_1446 = arith.index_cast %squeeze3A_1348 : i32 to index
          %swap3A_1447 = arith.constant 96 : index
          %swap3A_1448 = tpu.vector_load %arg5[%swap3A_1446, %swap3A_1447] {strides = array<i32>} : memref<321x128xf32, #tpu.memory_space<vmem>>, vector<16xf32>,
          tpu.vector_store %arg5[%swap3A_1446, %swap3A_1447], %max3A_1445 {strides = array<i32>} : memref<321x128xf32, #tpu.memory_space<vmem>>, vector<16xf32>,
          %max3A_1449 = arith.maximumf %get3A_1372, %get3A_1420 : vector<16xf32>
          %swap3A_1450 = arith.index_cast %squeeze3A_1348 : i32 to index
          %swap3A_1451 = arith.constant 112 : index
          %swap3A_1452 = tpu.vector_load %arg5[%swap3A_1450, %swap3A_1451] {strides = array<i32>} : memref<321x128xf32, #tpu.memory_space<vmem>>, vector<16xf32>,
          tpu.vector_store %arg5[%swap3A_1450, %swap3A_1451], %max3A_1449 {strides = array<i32>} : memref<321x128xf32, #tpu.memory_space<vmem>>, vector<16xf32>,
          %slice3A_1453 = vector.extract_strided_slice %and3A_181 {offsets = [12], sizes = [1], strides = [1]} : vector<16xi32> to vector<1xi32>
          %squeeze3A_1454 = vector.extract %slice3A_1453[0] : i32 from vector<1xi32>
          %get3A_1455 = arith.index_cast %squeeze3A_1454 : i32 to index
          %get3A_1456 = arith.constant 0 : index
          %get3A_1457 = tpu.vector_load %arg5[%get3A_1455, %get3A_1456] {strides = array<i32>} : memref<321x128xf32, #tpu.memory_space<vmem>>, vector<16xf32>,
          %get3A_1458 = arith.index_cast %squeeze3A_1454 : i32 to index
          %get3A_1459 = arith.constant 16 : index
          %get3A_1460 = tpu.vector_load %arg5[%get3A_1458, %get3A_1459] {strides = array<i32>} : memref<321x128xf32, #tpu.memory_space<vmem>>, vector<16xf32>,
          %get3A_1461 = arith.index_cast %squeeze3A_1454 : i32 to index
          %get3A_1462 = arith.constant 32 : index
          %get3A_1463 = tpu.vector_load %arg5[%get3A_1461, %get3A_1462] {strides = array<i32>} : memref<321x128xf32, #tpu.memory_space<vmem>>, vector<16xf32>,
          %get3A_1464 = arith.index_cast %squeeze3A_1454 : i32 to index
          %get3A_1465 = arith.constant 48 : index
          %get3A_1466 = tpu.vector_load %arg5[%get3A_1464, %get3A_1465] {strides = array<i32>} : memref<321x128xf32, #tpu.memory_space<vmem>>, vector<16xf32>,
          %get3A_1467 = arith.index_cast %squeeze3A_1454 : i32 to index
          %get3A_1468 = arith.constant 64 : index
          %get3A_1469 = tpu.vector_load %arg5[%get3A_1467, %get3A_1468] {strides = array<i32>} : memref<321x128xf32, #tpu.memory_space<vmem>>, vector<16xf32>,
          %get3A_1470 = arith.index_cast %squeeze3A_1454 : i32 to index
          %get3A_1471 = arith.constant 80 : index
          %get3A_1472 = tpu.vector_load %arg5[%get3A_1470, %get3A_1471] {strides = array<i32>} : memref<321x128xf32, #tpu.memory_space<vmem>>, vector<16xf32>,
          %get3A_1473 = arith.index_cast %squeeze3A_1454 : i32 to index
          %get3A_1474 = arith.constant 96 : index
          %get3A_1475 = tpu.vector_load %arg5[%get3A_1473, %get3A_1474] {strides = array<i32>} : memref<321x128xf32, #tpu.memory_space<vmem>>, vector<16xf32>,
          %get3A_1476 = arith.index_cast %squeeze3A_1454 : i32 to index
          %get3A_1477 = arith.constant 112 : index
          %get3A_1478 = tpu.vector_load %arg5[%get3A_1476, %get3A_1477] {strides = array<i32>} : memref<321x128xf32, #tpu.memory_space<vmem>>, vector<16xf32>,
          %add3A_1479 = arith.constant 12 : i32
          %add3A_1480 = arith.addi %mul3A_183, %add3A_1479 : i32
          %get3A_1481 = arith.index_cast %and3A_147 : i32 to index
          %get3A_1482 = arith.index_cast %add3A_1480 : i32 to index
          %get3A_1483 = arith.constant 0 : index
          %get3A_1484 = tpu.vector_load %arg9[%get3A_1481, %get3A_1482, %get3A_1483] {strides = array<i32>} : memref<2x128x128xf32, #tpu.memory_space<vmem>>, vector<16xf32>,
          %add3A_1485 = arith.constant 12 : i32
          %add3A_1486 = arith.addi %mul3A_183, %add3A_1485 : i32
          %get3A_1487 = arith.index_cast %and3A_147 : i32 to index
          %get3A_1488 = arith.index_cast %add3A_1486 : i32 to index
          %get3A_1489 = arith.constant 16 : index
          %get3A_1490 = tpu.vector_load %arg9[%get3A_1487, %get3A_1488, %get3A_1489] {strides = array<i32>} : memref<2x128x128xf32, #tpu.memory_space<vmem>>, vector<16xf32>,
          %add3A_1491 = arith.constant 12 : i32
          %add3A_1492 = arith.addi %mul3A_183, %add3A_1491 : i32
          %get3A_1493 = arith.index_cast %and3A_147 : i32 to index
          %get3A_1494 = arith.index_cast %add3A_1492 : i32 to index
          %get3A_1495 = arith.constant 32 : index
          %get3A_1496 = tpu.vector_load %arg9[%get3A_1493, %get3A_1494, %get3A_1495] {strides = array<i32>} : memref<2x128x128xf32, #tpu.memory_space<vmem>>, vector<16xf32>,
          %add3A_1497 = arith.constant 12 : i32
          %add3A_1498 = arith.addi %mul3A_183, %add3A_1497 : i32
          %get3A_1499 = arith.index_cast %and3A_147 : i32 to index
          %get3A_1500 = arith.index_cast %add3A_1498 : i32 to index
          %get3A_1501 = arith.constant 48 : index
          %get3A_1502 = tpu.vector_load %arg9[%get3A_1499, %get3A_1500, %get3A_1501] {strides = array<i32>} : memref<2x128x128xf32, #tpu.memory_space<vmem>>, vector<16xf32>,
          %add3A_1503 = arith.constant 12 : i32
          %add3A_1504 = arith.addi %mul3A_183, %add3A_1503 : i32
          %get3A_1505 = arith.index_cast %and3A_147 : i32 to index
          %get3A_1506 = arith.index_cast %add3A_1504 : i32 to index
          %get3A_1507 = arith.constant 64 : index
          %get3A_1508 = tpu.vector_load %arg9[%get3A_1505, %get3A_1506, %get3A_1507] {strides = array<i32>} : memref<2x128x128xf32, #tpu.memory_space<vmem>>, vector<16xf32>,
          %add3A_1509 = arith.constant 12 : i32
          %add3A_1510 = arith.addi %mul3A_183, %add3A_1509 : i32
          %get3A_1511 = arith.index_cast %and3A_147 : i32 to index
          %get3A_1512 = arith.index_cast %add3A_1510 : i32 to index
          %get3A_1513 = arith.constant 80 : index
          %get3A_1514 = tpu.vector_load %arg9[%get3A_1511, %get3A_1512, %get3A_1513] {strides = array<i32>} : memref<2x128x128xf32, #tpu.memory_space<vmem>>, vector<16xf32>,
          %add3A_1515 = arith.constant 12 : i32
          %add3A_1516 = arith.addi %mul3A_183, %add3A_1515 : i32
          %get3A_1517 = arith.index_cast %and3A_147 : i32 to index
          %get3A_1518 = arith.index_cast %add3A_1516 : i32 to index
          %get3A_1519 = arith.constant 96 : index
          %get3A_1520 = tpu.vector_load %arg9[%get3A_1517, %get3A_1518, %get3A_1519] {strides = array<i32>} : memref<2x128x128xf32, #tpu.memory_space<vmem>>, vector<16xf32>,
          %add3A_1521 = arith.constant 12 : i32
          %add3A_1522 = arith.addi %mul3A_183, %add3A_1521 : i32
          %get3A_1523 = arith.index_cast %and3A_147 : i32 to index
          %get3A_1524 = arith.index_cast %add3A_1522 : i32 to index
          %get3A_1525 = arith.constant 112 : index
          %get3A_1526 = tpu.vector_load %arg9[%get3A_1523, %get3A_1524, %get3A_1525] {strides = array<i32>} : memref<2x128x128xf32, #tpu.memory_space<vmem>>, vector<16xf32>,
          %max3A_1527 = arith.maximumf %get3A_1457, %get3A_1484 : vector<16xf32>
          %swap3A_1528 = arith.index_cast %squeeze3A_1454 : i32 to index
          %swap3A_1529 = arith.constant 0 : index
          %swap3A_1530 = tpu.vector_load %arg5[%swap3A_1528, %swap3A_1529] {strides = array<i32>} : memref<321x128xf32, #tpu.memory_space<vmem>>, vector<16xf32>,
          tpu.vector_store %arg5[%swap3A_1528, %swap3A_1529], %max3A_1527 {strides = array<i32>} : memref<321x128xf32, #tpu.memory_space<vmem>>, vector<16xf32>,
          %max3A_1531 = arith.maximumf %get3A_1460, %get3A_1490 : vector<16xf32>
          %swap3A_1532 = arith.index_cast %squeeze3A_1454 : i32 to index
          %swap3A_1533 = arith.constant 16 : index
          %swap3A_1534 = tpu.vector_load %arg5[%swap3A_1532, %swap3A_1533] {strides = array<i32>} : memref<321x128xf32, #tpu.memory_space<vmem>>, vector<16xf32>,
          tpu.vector_store %arg5[%swap3A_1532, %swap3A_1533], %max3A_1531 {strides = array<i32>} : memref<321x128xf32, #tpu.memory_space<vmem>>, vector<16xf32>,
          %max3A_1535 = arith.maximumf %get3A_1463, %get3A_1496 : vector<16xf32>
          %swap3A_1536 = arith.index_cast %squeeze3A_1454 : i32 to index
          %swap3A_1537 = arith.constant 32 : index
          %swap3A_1538 = tpu.vector_load %arg5[%swap3A_1536, %swap3A_1537] {strides = array<i32>} : memref<321x128xf32, #tpu.memory_space<vmem>>, vector<16xf32>,
          tpu.vector_store %arg5[%swap3A_1536, %swap3A_1537], %max3A_1535 {strides = array<i32>} : memref<321x128xf32, #tpu.memory_space<vmem>>, vector<16xf32>,
          %max3A_1539 = arith.maximumf %get3A_1466, %get3A_1502 : vector<16xf32>
          %swap3A_1540 = arith.index_cast %squeeze3A_1454 : i32 to index
          %swap3A_1541 = arith.constant 48 : index
          %swap3A_1542 = tpu.vector_load %arg5[%swap3A_1540, %swap3A_1541] {strides = array<i32>} : memref<321x128xf32, #tpu.memory_space<vmem>>, vector<16xf32>,
          tpu.vector_store %arg5[%swap3A_1540, %swap3A_1541], %max3A_1539 {strides = array<i32>} : memref<321x128xf32, #tpu.memory_space<vmem>>, vector<16xf32>,
          %max3A_1543 = arith.maximumf %get3A_1469, %get3A_1508 : vector<16xf32>
          %swap3A_1544 = arith.index_cast %squeeze3A_1454 : i32 to index
          %swap3A_1545 = arith.constant 64 : index
          %swap3A_1546 = tpu.vector_load %arg5[%swap3A_1544, %swap3A_1545] {strides = array<i32>} : memref<321x128xf32, #tpu.memory_space<vmem>>, vector<16xf32>,
          tpu.vector_store %arg5[%swap3A_1544, %swap3A_1545], %max3A_1543 {strides = array<i32>} : memref<321x128xf32, #tpu.memory_space<vmem>>, vector<16xf32>,
          %max3A_1547 = arith.maximumf %get3A_1472, %get3A_1514 : vector<16xf32>
          %swap3A_1548 = arith.index_cast %squeeze3A_1454 : i32 to index
          %swap3A_1549 = arith.constant 80 : index
          %swap3A_1550 = tpu.vector_load %arg5[%swap3A_1548, %swap3A_1549] {strides = array<i32>} : memref<321x128xf32, #tpu.memory_space<vmem>>, vector<16xf32>,
          tpu.vector_store %arg5[%swap3A_1548, %swap3A_1549], %max3A_1547 {strides = array<i32>} : memref<321x128xf32, #tpu.memory_space<vmem>>, vector<16xf32>,
          %max3A_1551 = arith.maximumf %get3A_1475, %get3A_1520 : vector<16xf32>
          %swap3A_1552 = arith.index_cast %squeeze3A_1454 : i32 to index
          %swap3A_1553 = arith.constant 96 : index
          %swap3A_1554 = tpu.vector_load %arg5[%swap3A_1552, %swap3A_1553] {strides = array<i32>} : memref<321x128xf32, #tpu.memory_space<vmem>>, vector<16xf32>,
          tpu.vector_store %arg5[%swap3A_1552, %swap3A_1553], %max3A_1551 {strides = array<i32>} : memref<321x128xf32, #tpu.memory_space<vmem>>, vector<16xf32>,
          %max3A_1555 = arith.maximumf %get3A_1478, %get3A_1526 : vector<16xf32>
          %swap3A_1556 = arith.index_cast %squeeze3A_1454 : i32 to index
          %swap3A_1557 = arith.constant 112 : index
          %swap3A_1558 = tpu.vector_load %arg5[%swap3A_1556, %swap3A_1557] {strides = array<i32>} : memref<321x128xf32, #tpu.memory_space<vmem>>, vector<16xf32>,
          tpu.vector_store %arg5[%swap3A_1556, %swap3A_1557], %max3A_1555 {strides = array<i32>} : memref<321x128xf32, #tpu.memory_space<vmem>>, vector<16xf32>,
          %slice3A_1559 = vector.extract_strided_slice %and3A_181 {offsets = [13], sizes = [1], strides = [1]} : vector<16xi32> to vector<1xi32>
          %squeeze3A_1560 = vector.extract %slice3A_1559[0] : i32 from vector<1xi32>
          %get3A_1561 = arith.index_cast %squeeze3A_1560 : i32 to index
          %get3A_1562 = arith.constant 0 : index
          %get3A_1563 = tpu.vector_load %arg5[%get3A_1561, %get3A_1562] {strides = array<i32>} : memref<321x128xf32, #tpu.memory_space<vmem>>, vector<16xf32>,
          %get3A_1564 = arith.index_cast %squeeze3A_1560 : i32 to index
          %get3A_1565 = arith.constant 16 : index
          %get3A_1566 = tpu.vector_load %arg5[%get3A_1564, %get3A_1565] {strides = array<i32>} : memref<321x128xf32, #tpu.memory_space<vmem>>, vector<16xf32>,
          %get3A_1567 = arith.index_cast %squeeze3A_1560 : i32 to index
          %get3A_1568 = arith.constant 32 : index
          %get3A_1569 = tpu.vector_load %arg5[%get3A_1567, %get3A_1568] {strides = array<i32>} : memref<321x128xf32, #tpu.memory_space<vmem>>, vector<16xf32>,
          %get3A_1570 = arith.index_cast %squeeze3A_1560 : i32 to index
          %get3A_1571 = arith.constant 48 : index
          %get3A_1572 = tpu.vector_load %arg5[%get3A_1570, %get3A_1571] {strides = array<i32>} : memref<321x128xf32, #tpu.memory_space<vmem>>, vector<16xf32>,
          %get3A_1573 = arith.index_cast %squeeze3A_1560 : i32 to index
          %get3A_1574 = arith.constant 64 : index
          %get3A_1575 = tpu.vector_load %arg5[%get3A_1573, %get3A_1574] {strides = array<i32>} : memref<321x128xf32, #tpu.memory_space<vmem>>, vector<16xf32>,
          %get3A_1576 = arith.index_cast %squeeze3A_1560 : i32 to index
          %get3A_1577 = arith.constant 80 : index
          %get3A_1578 = tpu.vector_load %arg5[%get3A_1576, %get3A_1577] {strides = array<i32>} : memref<321x128xf32, #tpu.memory_space<vmem>>, vector<16xf32>,
          %get3A_1579 = arith.index_cast %squeeze3A_1560 : i32 to index
          %get3A_1580 = arith.constant 96 : index
          %get3A_1581 = tpu.vector_load %arg5[%get3A_1579, %get3A_1580] {strides = array<i32>} : memref<321x128xf32, #tpu.memory_space<vmem>>, vector<16xf32>,
          %get3A_1582 = arith.index_cast %squeeze3A_1560 : i32 to index
          %get3A_1583 = arith.constant 112 : index
          %get3A_1584 = tpu.vector_load %arg5[%get3A_1582, %get3A_1583] {strides = array<i32>} : memref<321x128xf32, #tpu.memory_space<vmem>>, vector<16xf32>,
          %add3A_1585 = arith.constant 13 : i32
          %add3A_1586 = arith.addi %mul3A_183, %add3A_1585 : i32
          %get3A_1587 = arith.index_cast %and3A_147 : i32 to index
          %get3A_1588 = arith.index_cast %add3A_1586 : i32 to index
          %get3A_1589 = arith.constant 0 : index
          %get3A_1590 = tpu.vector_load %arg9[%get3A_1587, %get3A_1588, %get3A_1589] {strides = array<i32>} : memref<2x128x128xf32, #tpu.memory_space<vmem>>, vector<16xf32>,
          %add3A_1591 = arith.constant 13 : i32
          %add3A_1592 = arith.addi %mul3A_183, %add3A_1591 : i32
          %get3A_1593 = arith.index_cast %and3A_147 : i32 to index
          %get3A_1594 = arith.index_cast %add3A_1592 : i32 to index
          %get3A_1595 = arith.constant 16 : index
          %get3A_1596 = tpu.vector_load %arg9[%get3A_1593, %get3A_1594, %get3A_1595] {strides = array<i32>} : memref<2x128x128xf32, #tpu.memory_space<vmem>>, vector<16xf32>,
          %add3A_1597 = arith.constant 13 : i32
          %add3A_1598 = arith.addi %mul3A_183, %add3A_1597 : i32
          %get3A_1599 = arith.index_cast %and3A_147 : i32 to index
          %get3A_1600 = arith.index_cast %add3A_1598 : i32 to index
          %get3A_1601 = arith.constant 32 : index
          %get3A_1602 = tpu.vector_load %arg9[%get3A_1599, %get3A_1600, %get3A_1601] {strides = array<i32>} : memref<2x128x128xf32, #tpu.memory_space<vmem>>, vector<16xf32>,
          %add3A_1603 = arith.constant 13 : i32
          %add3A_1604 = arith.addi %mul3A_183, %add3A_1603 : i32
          %get3A_1605 = arith.index_cast %and3A_147 : i32 to index
          %get3A_1606 = arith.index_cast %add3A_1604 : i32 to index
          %get3A_1607 = arith.constant 48 : index
          %get3A_1608 = tpu.vector_load %arg9[%get3A_1605, %get3A_1606, %get3A_1607] {strides = array<i32>} : memref<2x128x128xf32, #tpu.memory_space<vmem>>, vector<16xf32>,
          %add3A_1609 = arith.constant 13 : i32
          %add3A_1610 = arith.addi %mul3A_183, %add3A_1609 : i32
          %get3A_1611 = arith.index_cast %and3A_147 : i32 to index
          %get3A_1612 = arith.index_cast %add3A_1610 : i32 to index
          %get3A_1613 = arith.constant 64 : index
          %get3A_1614 = tpu.vector_load %arg9[%get3A_1611, %get3A_1612, %get3A_1613] {strides = array<i32>} : memref<2x128x128xf32, #tpu.memory_space<vmem>>, vector<16xf32>,
          %add3A_1615 = arith.constant 13 : i32
          %add3A_1616 = arith.addi %mul3A_183, %add3A_1615 : i32
          %get3A_1617 = arith.index_cast %and3A_147 : i32 to index
          %get3A_1618 = arith.index_cast %add3A_1616 : i32 to index
          %get3A_1619 = arith.constant 80 : index
          %get3A_1620 = tpu.vector_load %arg9[%get3A_1617, %get3A_1618, %get3A_1619] {strides = array<i32>} : memref<2x128x128xf32, #tpu.memory_space<vmem>>, vector<16xf32>,
          %add3A_1621 = arith.constant 13 : i32
          %add3A_1622 = arith.addi %mul3A_183, %add3A_1621 : i32
          %get3A_1623 = arith.index_cast %and3A_147 : i32 to index
          %get3A_1624 = arith.index_cast %add3A_1622 : i32 to index
          %get3A_1625 = arith.constant 96 : index
          %get3A_1626 = tpu.vector_load %arg9[%get3A_1623, %get3A_1624, %get3A_1625] {strides = array<i32>} : memref<2x128x128xf32, #tpu.memory_space<vmem>>, vector<16xf32>,
          %add3A_1627 = arith.constant 13 : i32
          %add3A_1628 = arith.addi %mul3A_183, %add3A_1627 : i32
          %get3A_1629 = arith.index_cast %and3A_147 : i32 to index
          %get3A_1630 = arith.index_cast %add3A_1628 : i32 to index
          %get3A_1631 = arith.constant 112 : index
          %get3A_1632 = tpu.vector_load %arg9[%get3A_1629, %get3A_1630, %get3A_1631] {strides = array<i32>} : memref<2x128x128xf32, #tpu.memory_space<vmem>>, vector<16xf32>,
          %max3A_1633 = arith.maximumf %get3A_1563, %get3A_1590 : vector<16xf32>
          %swap3A_1634 = arith.index_cast %squeeze3A_1560 : i32 to index
          %swap3A_1635 = arith.constant 0 : index
          %swap3A_1636 = tpu.vector_load %arg5[%swap3A_1634, %swap3A_1635] {strides = array<i32>} : memref<321x128xf32, #tpu.memory_space<vmem>>, vector<16xf32>,
          tpu.vector_store %arg5[%swap3A_1634, %swap3A_1635], %max3A_1633 {strides = array<i32>} : memref<321x128xf32, #tpu.memory_space<vmem>>, vector<16xf32>,
          %max3A_1637 = arith.maximumf %get3A_1566, %get3A_1596 : vector<16xf32>
          %swap3A_1638 = arith.index_cast %squeeze3A_1560 : i32 to index
          %swap3A_1639 = arith.constant 16 : index
          %swap3A_1640 = tpu.vector_load %arg5[%swap3A_1638, %swap3A_1639] {strides = array<i32>} : memref<321x128xf32, #tpu.memory_space<vmem>>, vector<16xf32>,
          tpu.vector_store %arg5[%swap3A_1638, %swap3A_1639], %max3A_1637 {strides = array<i32>} : memref<321x128xf32, #tpu.memory_space<vmem>>, vector<16xf32>,
          %max3A_1641 = arith.maximumf %get3A_1569, %get3A_1602 : vector<16xf32>
          %swap3A_1642 = arith.index_cast %squeeze3A_1560 : i32 to index
          %swap3A_1643 = arith.constant 32 : index
          %swap3A_1644 = tpu.vector_load %arg5[%swap3A_1642, %swap3A_1643] {strides = array<i32>} : memref<321x128xf32, #tpu.memory_space<vmem>>, vector<16xf32>,
          tpu.vector_store %arg5[%swap3A_1642, %swap3A_1643], %max3A_1641 {strides = array<i32>} : memref<321x128xf32, #tpu.memory_space<vmem>>, vector<16xf32>,
          %max3A_1645 = arith.maximumf %get3A_1572, %get3A_1608 : vector<16xf32>
          %swap3A_1646 = arith.index_cast %squeeze3A_1560 : i32 to index
          %swap3A_1647 = arith.constant 48 : index
          %swap3A_1648 = tpu.vector_load %arg5[%swap3A_1646, %swap3A_1647] {strides = array<i32>} : memref<321x128xf32, #tpu.memory_space<vmem>>, vector<16xf32>,
          tpu.vector_store %arg5[%swap3A_1646, %swap3A_1647], %max3A_1645 {strides = array<i32>} : memref<321x128xf32, #tpu.memory_space<vmem>>, vector<16xf32>,
          %max3A_1649 = arith.maximumf %get3A_1575, %get3A_1614 : vector<16xf32>
          %swap3A_1650 = arith.index_cast %squeeze3A_1560 : i32 to index
          %swap3A_1651 = arith.constant 64 : index
          %swap3A_1652 = tpu.vector_load %arg5[%swap3A_1650, %swap3A_1651] {strides = array<i32>} : memref<321x128xf32, #tpu.memory_space<vmem>>, vector<16xf32>,
          tpu.vector_store %arg5[%swap3A_1650, %swap3A_1651], %max3A_1649 {strides = array<i32>} : memref<321x128xf32, #tpu.memory_space<vmem>>, vector<16xf32>,
          %max3A_1653 = arith.maximumf %get3A_1578, %get3A_1620 : vector<16xf32>
          %swap3A_1654 = arith.index_cast %squeeze3A_1560 : i32 to index
          %swap3A_1655 = arith.constant 80 : index
          %swap3A_1656 = tpu.vector_load %arg5[%swap3A_1654, %swap3A_1655] {strides = array<i32>} : memref<321x128xf32, #tpu.memory_space<vmem>>, vector<16xf32>,
          tpu.vector_store %arg5[%swap3A_1654, %swap3A_1655], %max3A_1653 {strides = array<i32>} : memref<321x128xf32, #tpu.memory_space<vmem>>, vector<16xf32>,
          %max3A_1657 = arith.maximumf %get3A_1581, %get3A_1626 : vector<16xf32>
          %swap3A_1658 = arith.index_cast %squeeze3A_1560 : i32 to index
          %swap3A_1659 = arith.constant 96 : index
          %swap3A_1660 = tpu.vector_load %arg5[%swap3A_1658, %swap3A_1659] {strides = array<i32>} : memref<321x128xf32, #tpu.memory_space<vmem>>, vector<16xf32>,
          tpu.vector_store %arg5[%swap3A_1658, %swap3A_1659], %max3A_1657 {strides = array<i32>} : memref<321x128xf32, #tpu.memory_space<vmem>>, vector<16xf32>,
          %max3A_1661 = arith.maximumf %get3A_1584, %get3A_1632 : vector<16xf32>
          %swap3A_1662 = arith.index_cast %squeeze3A_1560 : i32 to index
          %swap3A_1663 = arith.constant 112 : index
          %swap3A_1664 = tpu.vector_load %arg5[%swap3A_1662, %swap3A_1663] {strides = array<i32>} : memref<321x128xf32, #tpu.memory_space<vmem>>, vector<16xf32>,
          tpu.vector_store %arg5[%swap3A_1662, %swap3A_1663], %max3A_1661 {strides = array<i32>} : memref<321x128xf32, #tpu.memory_space<vmem>>, vector<16xf32>,
          %slice3A_1665 = vector.extract_strided_slice %and3A_181 {offsets = [14], sizes = [1], strides = [1]} : vector<16xi32> to vector<1xi32>
          %squeeze3A_1666 = vector.extract %slice3A_1665[0] : i32 from vector<1xi32>
          %get3A_1667 = arith.index_cast %squeeze3A_1666 : i32 to index
          %get3A_1668 = arith.constant 0 : index
          %get3A_1669 = tpu.vector_load %arg5[%get3A_1667, %get3A_1668] {strides = array<i32>} : memref<321x128xf32, #tpu.memory_space<vmem>>, vector<16xf32>,
          %get3A_1670 = arith.index_cast %squeeze3A_1666 : i32 to index
          %get3A_1671 = arith.constant 16 : index
          %get3A_1672 = tpu.vector_load %arg5[%get3A_1670, %get3A_1671] {strides = array<i32>} : memref<321x128xf32, #tpu.memory_space<vmem>>, vector<16xf32>,
          %get3A_1673 = arith.index_cast %squeeze3A_1666 : i32 to index
          %get3A_1674 = arith.constant 32 : index
          %get3A_1675 = tpu.vector_load %arg5[%get3A_1673, %get3A_1674] {strides = array<i32>} : memref<321x128xf32, #tpu.memory_space<vmem>>, vector<16xf32>,
          %get3A_1676 = arith.index_cast %squeeze3A_1666 : i32 to index
          %get3A_1677 = arith.constant 48 : index
          %get3A_1678 = tpu.vector_load %arg5[%get3A_1676, %get3A_1677] {strides = array<i32>} : memref<321x128xf32, #tpu.memory_space<vmem>>, vector<16xf32>,
          %get3A_1679 = arith.index_cast %squeeze3A_1666 : i32 to index
          %get3A_1680 = arith.constant 64 : index
          %get3A_1681 = tpu.vector_load %arg5[%get3A_1679, %get3A_1680] {strides = array<i32>} : memref<321x128xf32, #tpu.memory_space<vmem>>, vector<16xf32>,
          %get3A_1682 = arith.index_cast %squeeze3A_1666 : i32 to index
          %get3A_1683 = arith.constant 80 : index
          %get3A_1684 = tpu.vector_load %arg5[%get3A_1682, %get3A_1683] {strides = array<i32>} : memref<321x128xf32, #tpu.memory_space<vmem>>, vector<16xf32>,
          %get3A_1685 = arith.index_cast %squeeze3A_1666 : i32 to index
          %get3A_1686 = arith.constant 96 : index
          %get3A_1687 = tpu.vector_load %arg5[%get3A_1685, %get3A_1686] {strides = array<i32>} : memref<321x128xf32, #tpu.memory_space<vmem>>, vector<16xf32>,
          %get3A_1688 = arith.index_cast %squeeze3A_1666 : i32 to index
          %get3A_1689 = arith.constant 112 : index
          %get3A_1690 = tpu.vector_load %arg5[%get3A_1688, %get3A_1689] {strides = array<i32>} : memref<321x128xf32, #tpu.memory_space<vmem>>, vector<16xf32>,
          %add3A_1691 = arith.constant 14 : i32
          %add3A_1692 = arith.addi %mul3A_183, %add3A_1691 : i32
          %get3A_1693 = arith.index_cast %and3A_147 : i32 to index
          %get3A_1694 = arith.index_cast %add3A_1692 : i32 to index
          %get3A_1695 = arith.constant 0 : index
          %get3A_1696 = tpu.vector_load %arg9[%get3A_1693, %get3A_1694, %get3A_1695] {strides = array<i32>} : memref<2x128x128xf32, #tpu.memory_space<vmem>>, vector<16xf32>,
          %add3A_1697 = arith.constant 14 : i32
          %add3A_1698 = arith.addi %mul3A_183, %add3A_1697 : i32
          %get3A_1699 = arith.index_cast %and3A_147 : i32 to index
          %get3A_1700 = arith.index_cast %add3A_1698 : i32 to index
          %get3A_1701 = arith.constant 16 : index
          %get3A_1702 = tpu.vector_load %arg9[%get3A_1699, %get3A_1700, %get3A_1701] {strides = array<i32>} : memref<2x128x128xf32, #tpu.memory_space<vmem>>, vector<16xf32>,
          %add3A_1703 = arith.constant 14 : i32
          %add3A_1704 = arith.addi %mul3A_183, %add3A_1703 : i32
          %get3A_1705 = arith.index_cast %and3A_147 : i32 to index
          %get3A_1706 = arith.index_cast %add3A_1704 : i32 to index
          %get3A_1707 = arith.constant 32 : index
          %get3A_1708 = tpu.vector_load %arg9[%get3A_1705, %get3A_1706, %get3A_1707] {strides = array<i32>} : memref<2x128x128xf32, #tpu.memory_space<vmem>>, vector<16xf32>,
          %add3A_1709 = arith.constant 14 : i32
          %add3A_1710 = arith.addi %mul3A_183, %add3A_1709 : i32
          %get3A_1711 = arith.index_cast %and3A_147 : i32 to index
          %get3A_1712 = arith.index_cast %add3A_1710 : i32 to index
          %get3A_1713 = arith.constant 48 : index
          %get3A_1714 = tpu.vector_load %arg9[%get3A_1711, %get3A_1712, %get3A_1713] {strides = array<i32>} : memref<2x128x128xf32, #tpu.memory_space<vmem>>, vector<16xf32>,
          %add3A_1715 = arith.constant 14 : i32
          %add3A_1716 = arith.addi %mul3A_183, %add3A_1715 : i32
          %get3A_1717 = arith.index_cast %and3A_147 : i32 to index
          %get3A_1718 = arith.index_cast %add3A_1716 : i32 to index
          %get3A_1719 = arith.constant 64 : index
          %get3A_1720 = tpu.vector_load %arg9[%get3A_1717, %get3A_1718, %get3A_1719] {strides = array<i32>} : memref<2x128x128xf32, #tpu.memory_space<vmem>>, vector<16xf32>,
          %add3A_1721 = arith.constant 14 : i32
          %add3A_1722 = arith.addi %mul3A_183, %add3A_1721 : i32
          %get3A_1723 = arith.index_cast %and3A_147 : i32 to index
          %get3A_1724 = arith.index_cast %add3A_1722 : i32 to index
          %get3A_1725 = arith.constant 80 : index
          %get3A_1726 = tpu.vector_load %arg9[%get3A_1723, %get3A_1724, %get3A_1725] {strides = array<i32>} : memref<2x128x128xf32, #tpu.memory_space<vmem>>, vector<16xf32>,
          %add3A_1727 = arith.constant 14 : i32
          %add3A_1728 = arith.addi %mul3A_183, %add3A_1727 : i32
          %get3A_1729 = arith.index_cast %and3A_147 : i32 to index
          %get3A_1730 = arith.index_cast %add3A_1728 : i32 to index
          %get3A_1731 = arith.constant 96 : index
          %get3A_1732 = tpu.vector_load %arg9[%get3A_1729, %get3A_1730, %get3A_1731] {strides = array<i32>} : memref<2x128x128xf32, #tpu.memory_space<vmem>>, vector<16xf32>,
          %add3A_1733 = arith.constant 14 : i32
          %add3A_1734 = arith.addi %mul3A_183, %add3A_1733 : i32
          %get3A_1735 = arith.index_cast %and3A_147 : i32 to index
          %get3A_1736 = arith.index_cast %add3A_1734 : i32 to index
          %get3A_1737 = arith.constant 112 : index
          %get3A_1738 = tpu.vector_load %arg9[%get3A_1735, %get3A_1736, %get3A_1737] {strides = array<i32>} : memref<2x128x128xf32, #tpu.memory_space<vmem>>, vector<16xf32>,
          %max3A_1739 = arith.maximumf %get3A_1669, %get3A_1696 : vector<16xf32>
          %swap3A_1740 = arith.index_cast %squeeze3A_1666 : i32 to index
          %swap3A_1741 = arith.constant 0 : index
          %swap3A_1742 = tpu.vector_load %arg5[%swap3A_1740, %swap3A_1741] {strides = array<i32>} : memref<321x128xf32, #tpu.memory_space<vmem>>, vector<16xf32>,
          tpu.vector_store %arg5[%swap3A_1740, %swap3A_1741], %max3A_1739 {strides = array<i32>} : memref<321x128xf32, #tpu.memory_space<vmem>>, vector<16xf32>,
          %max3A_1743 = arith.maximumf %get3A_1672, %get3A_1702 : vector<16xf32>
          %swap3A_1744 = arith.index_cast %squeeze3A_1666 : i32 to index
          %swap3A_1745 = arith.constant 16 : index
          %swap3A_1746 = tpu.vector_load %arg5[%swap3A_1744, %swap3A_1745] {strides = array<i32>} : memref<321x128xf32, #tpu.memory_space<vmem>>, vector<16xf32>,
          tpu.vector_store %arg5[%swap3A_1744, %swap3A_1745], %max3A_1743 {strides = array<i32>} : memref<321x128xf32, #tpu.memory_space<vmem>>, vector<16xf32>,
          %max3A_1747 = arith.maximumf %get3A_1675, %get3A_1708 : vector<16xf32>
          %swap3A_1748 = arith.index_cast %squeeze3A_1666 : i32 to index
          %swap3A_1749 = arith.constant 32 : index
          %swap3A_1750 = tpu.vector_load %arg5[%swap3A_1748, %swap3A_1749] {strides = array<i32>} : memref<321x128xf32, #tpu.memory_space<vmem>>, vector<16xf32>,
          tpu.vector_store %arg5[%swap3A_1748, %swap3A_1749], %max3A_1747 {strides = array<i32>} : memref<321x128xf32, #tpu.memory_space<vmem>>, vector<16xf32>,
          %max3A_1751 = arith.maximumf %get3A_1678, %get3A_1714 : vector<16xf32>
          %swap3A_1752 = arith.index_cast %squeeze3A_1666 : i32 to index
          %swap3A_1753 = arith.constant 48 : index
          %swap3A_1754 = tpu.vector_load %arg5[%swap3A_1752, %swap3A_1753] {strides = array<i32>} : memref<321x128xf32, #tpu.memory_space<vmem>>, vector<16xf32>,
          tpu.vector_store %arg5[%swap3A_1752, %swap3A_1753], %max3A_1751 {strides = array<i32>} : memref<321x128xf32, #tpu.memory_space<vmem>>, vector<16xf32>,
          %max3A_1755 = arith.maximumf %get3A_1681, %get3A_1720 : vector<16xf32>
          %swap3A_1756 = arith.index_cast %squeeze3A_1666 : i32 to index
          %swap3A_1757 = arith.constant 64 : index
          %swap3A_1758 = tpu.vector_load %arg5[%swap3A_1756, %swap3A_1757] {strides = array<i32>} : memref<321x128xf32, #tpu.memory_space<vmem>>, vector<16xf32>,
          tpu.vector_store %arg5[%swap3A_1756, %swap3A_1757], %max3A_1755 {strides = array<i32>} : memref<321x128xf32, #tpu.memory_space<vmem>>, vector<16xf32>,
          %max3A_1759 = arith.maximumf %get3A_1684, %get3A_1726 : vector<16xf32>
          %swap3A_1760 = arith.index_cast %squeeze3A_1666 : i32 to index
          %swap3A_1761 = arith.constant 80 : index
          %swap3A_1762 = tpu.vector_load %arg5[%swap3A_1760, %swap3A_1761] {strides = array<i32>} : memref<321x128xf32, #tpu.memory_space<vmem>>, vector<16xf32>,
          tpu.vector_store %arg5[%swap3A_1760, %swap3A_1761], %max3A_1759 {strides = array<i32>} : memref<321x128xf32, #tpu.memory_space<vmem>>, vector<16xf32>,
          %max3A_1763 = arith.maximumf %get3A_1687, %get3A_1732 : vector<16xf32>
          %swap3A_1764 = arith.index_cast %squeeze3A_1666 : i32 to index
          %swap3A_1765 = arith.constant 96 : index
          %swap3A_1766 = tpu.vector_load %arg5[%swap3A_1764, %swap3A_1765] {strides = array<i32>} : memref<321x128xf32, #tpu.memory_space<vmem>>, vector<16xf32>,
          tpu.vector_store %arg5[%swap3A_1764, %swap3A_1765], %max3A_1763 {strides = array<i32>} : memref<321x128xf32, #tpu.memory_space<vmem>>, vector<16xf32>,
          %max3A_1767 = arith.maximumf %get3A_1690, %get3A_1738 : vector<16xf32>
          %swap3A_1768 = arith.index_cast %squeeze3A_1666 : i32 to index
          %swap3A_1769 = arith.constant 112 : index
          %swap3A_1770 = tpu.vector_load %arg5[%swap3A_1768, %swap3A_1769] {strides = array<i32>} : memref<321x128xf32, #tpu.memory_space<vmem>>, vector<16xf32>,
          tpu.vector_store %arg5[%swap3A_1768, %swap3A_1769], %max3A_1767 {strides = array<i32>} : memref<321x128xf32, #tpu.memory_space<vmem>>, vector<16xf32>,
          %slice3A_1771 = vector.extract_strided_slice %and3A_181 {offsets = [15], sizes = [1], strides = [1]} : vector<16xi32> to vector<1xi32>
          %squeeze3A_1772 = vector.extract %slice3A_1771[0] : i32 from vector<1xi32>
          %get3A_1773 = arith.index_cast %squeeze3A_1772 : i32 to index
          %get3A_1774 = arith.constant 0 : index
          %get3A_1775 = tpu.vector_load %arg5[%get3A_1773, %get3A_1774] {strides = array<i32>} : memref<321x128xf32, #tpu.memory_space<vmem>>, vector<16xf32>,
          %get3A_1776 = arith.index_cast %squeeze3A_1772 : i32 to index
          %get3A_1777 = arith.constant 16 : index
          %get3A_1778 = tpu.vector_load %arg5[%get3A_1776, %get3A_1777] {strides = array<i32>} : memref<321x128xf32, #tpu.memory_space<vmem>>, vector<16xf32>,
          %get3A_1779 = arith.index_cast %squeeze3A_1772 : i32 to index
          %get3A_1780 = arith.constant 32 : index
          %get3A_1781 = tpu.vector_load %arg5[%get3A_1779, %get3A_1780] {strides = array<i32>} : memref<321x128xf32, #tpu.memory_space<vmem>>, vector<16xf32>,
          %get3A_1782 = arith.index_cast %squeeze3A_1772 : i32 to index
          %get3A_1783 = arith.constant 48 : index
          %get3A_1784 = tpu.vector_load %arg5[%get3A_1782, %get3A_1783] {strides = array<i32>} : memref<321x128xf32, #tpu.memory_space<vmem>>, vector<16xf32>,
          %get3A_1785 = arith.index_cast %squeeze3A_1772 : i32 to index
          %get3A_1786 = arith.constant 64 : index
          %get3A_1787 = tpu.vector_load %arg5[%get3A_1785, %get3A_1786] {strides = array<i32>} : memref<321x128xf32, #tpu.memory_space<vmem>>, vector<16xf32>,
          %get3A_1788 = arith.index_cast %squeeze3A_1772 : i32 to index
          %get3A_1789 = arith.constant 80 : index
          %get3A_1790 = tpu.vector_load %arg5[%get3A_1788, %get3A_1789] {strides = array<i32>} : memref<321x128xf32, #tpu.memory_space<vmem>>, vector<16xf32>,
          %get3A_1791 = arith.index_cast %squeeze3A_1772 : i32 to index
          %get3A_1792 = arith.constant 96 : index
          %get3A_1793 = tpu.vector_load %arg5[%get3A_1791, %get3A_1792] {strides = array<i32>} : memref<321x128xf32, #tpu.memory_space<vmem>>, vector<16xf32>,
          %get3A_1794 = arith.index_cast %squeeze3A_1772 : i32 to index
          %get3A_1795 = arith.constant 112 : index
          %get3A_1796 = tpu.vector_load %arg5[%get3A_1794, %get3A_1795] {strides = array<i32>} : memref<321x128xf32, #tpu.memory_space<vmem>>, vector<16xf32>,
          %add3A_1797 = arith.constant 15 : i32
          %add3A_1798 = arith.addi %mul3A_183, %add3A_1797 : i32
          %get3A_1799 = arith.index_cast %and3A_147 : i32 to index
          %get3A_1800 = arith.index_cast %add3A_1798 : i32 to index
          %get3A_1801 = arith.constant 0 : index
          %get3A_1802 = tpu.vector_load %arg9[%get3A_1799, %get3A_1800, %get3A_1801] {strides = array<i32>} : memref<2x128x128xf32, #tpu.memory_space<vmem>>, vector<16xf32>,
          %add3A_1803 = arith.constant 15 : i32
          %add3A_1804 = arith.addi %mul3A_183, %add3A_1803 : i32
          %get3A_1805 = arith.index_cast %and3A_147 : i32 to index
          %get3A_1806 = arith.index_cast %add3A_1804 : i32 to index
          %get3A_1807 = arith.constant 16 : index
          %get3A_1808 = tpu.vector_load %arg9[%get3A_1805, %get3A_1806, %get3A_1807] {strides = array<i32>} : memref<2x128x128xf32, #tpu.memory_space<vmem>>, vector<16xf32>,
          %add3A_1809 = arith.constant 15 : i32
          %add3A_1810 = arith.addi %mul3A_183, %add3A_1809 : i32
          %get3A_1811 = arith.index_cast %and3A_147 : i32 to index
          %get3A_1812 = arith.index_cast %add3A_1810 : i32 to index
          %get3A_1813 = arith.constant 32 : index
          %get3A_1814 = tpu.vector_load %arg9[%get3A_1811, %get3A_1812, %get3A_1813] {strides = array<i32>} : memref<2x128x128xf32, #tpu.memory_space<vmem>>, vector<16xf32>,
          %add3A_1815 = arith.constant 15 : i32
          %add3A_1816 = arith.addi %mul3A_183, %add3A_1815 : i32
          %get3A_1817 = arith.index_cast %and3A_147 : i32 to index
          %get3A_1818 = arith.index_cast %add3A_1816 : i32 to index
          %get3A_1819 = arith.constant 48 : index
          %get3A_1820 = tpu.vector_load %arg9[%get3A_1817, %get3A_1818, %get3A_1819] {strides = array<i32>} : memref<2x128x128xf32, #tpu.memory_space<vmem>>, vector<16xf32>,
          %add3A_1821 = arith.constant 15 : i32
          %add3A_1822 = arith.addi %mul3A_183, %add3A_1821 : i32
          %get3A_1823 = arith.index_cast %and3A_147 : i32 to index
          %get3A_1824 = arith.index_cast %add3A_1822 : i32 to index
          %get3A_1825 = arith.constant 64 : index
          %get3A_1826 = tpu.vector_load %arg9[%get3A_1823, %get3A_1824, %get3A_1825] {strides = array<i32>} : memref<2x128x128xf32, #tpu.memory_space<vmem>>, vector<16xf32>,
          %add3A_1827 = arith.constant 15 : i32
          %add3A_1828 = arith.addi %mul3A_183, %add3A_1827 : i32
          %get3A_1829 = arith.index_cast %and3A_147 : i32 to index
          %get3A_1830 = arith.index_cast %add3A_1828 : i32 to index
          %get3A_1831 = arith.constant 80 : index
          %get3A_1832 = tpu.vector_load %arg9[%get3A_1829, %get3A_1830, %get3A_1831] {strides = array<i32>} : memref<2x128x128xf32, #tpu.memory_space<vmem>>, vector<16xf32>,
          %add3A_1833 = arith.constant 15 : i32
          %add3A_1834 = arith.addi %mul3A_183, %add3A_1833 : i32
          %get3A_1835 = arith.index_cast %and3A_147 : i32 to index
          %get3A_1836 = arith.index_cast %add3A_1834 : i32 to index
          %get3A_1837 = arith.constant 96 : index
          %get3A_1838 = tpu.vector_load %arg9[%get3A_1835, %get3A_1836, %get3A_1837] {strides = array<i32>} : memref<2x128x128xf32, #tpu.memory_space<vmem>>, vector<16xf32>,
          %add3A_1839 = arith.constant 15 : i32
          %add3A_1840 = arith.addi %mul3A_183, %add3A_1839 : i32
          %get3A_1841 = arith.index_cast %and3A_147 : i32 to index
          %get3A_1842 = arith.index_cast %add3A_1840 : i32 to index
          %get3A_1843 = arith.constant 112 : index
          %get3A_1844 = tpu.vector_load %arg9[%get3A_1841, %get3A_1842, %get3A_1843] {strides = array<i32>} : memref<2x128x128xf32, #tpu.memory_space<vmem>>, vector<16xf32>,
          %max3A_1845 = arith.maximumf %get3A_1775, %get3A_1802 : vector<16xf32>
          %swap3A_1846 = arith.index_cast %squeeze3A_1772 : i32 to index
          %swap3A_1847 = arith.constant 0 : index
          %swap3A_1848 = tpu.vector_load %arg5[%swap3A_1846, %swap3A_1847] {strides = array<i32>} : memref<321x128xf32, #tpu.memory_space<vmem>>, vector<16xf32>,
          tpu.vector_store %arg5[%swap3A_1846, %swap3A_1847], %max3A_1845 {strides = array<i32>} : memref<321x128xf32, #tpu.memory_space<vmem>>, vector<16xf32>,
          %max3A_1849 = arith.maximumf %get3A_1778, %get3A_1808 : vector<16xf32>
          %swap3A_1850 = arith.index_cast %squeeze3A_1772 : i32 to index
          %swap3A_1851 = arith.constant 16 : index
          %swap3A_1852 = tpu.vector_load %arg5[%swap3A_1850, %swap3A_1851] {strides = array<i32>} : memref<321x128xf32, #tpu.memory_space<vmem>>, vector<16xf32>,
          tpu.vector_store %arg5[%swap3A_1850, %swap3A_1851], %max3A_1849 {strides = array<i32>} : memref<321x128xf32, #tpu.memory_space<vmem>>, vector<16xf32>,
          %max3A_1853 = arith.maximumf %get3A_1781, %get3A_1814 : vector<16xf32>
          %swap3A_1854 = arith.index_cast %squeeze3A_1772 : i32 to index
          %swap3A_1855 = arith.constant 32 : index
          %swap3A_1856 = tpu.vector_load %arg5[%swap3A_1854, %swap3A_1855] {strides = array<i32>} : memref<321x128xf32, #tpu.memory_space<vmem>>, vector<16xf32>,
          tpu.vector_store %arg5[%swap3A_1854, %swap3A_1855], %max3A_1853 {strides = array<i32>} : memref<321x128xf32, #tpu.memory_space<vmem>>, vector<16xf32>,
          %max3A_1857 = arith.maximumf %get3A_1784, %get3A_1820 : vector<16xf32>
          %swap3A_1858 = arith.index_cast %squeeze3A_1772 : i32 to index
          %swap3A_1859 = arith.constant 48 : index
          %swap3A_1860 = tpu.vector_load %arg5[%swap3A_1858, %swap3A_1859] {strides = array<i32>} : memref<321x128xf32, #tpu.memory_space<vmem>>, vector<16xf32>,
          tpu.vector_store %arg5[%swap3A_1858, %swap3A_1859], %max3A_1857 {strides = array<i32>} : memref<321x128xf32, #tpu.memory_space<vmem>>, vector<16xf32>,
          %max3A_1861 = arith.maximumf %get3A_1787, %get3A_1826 : vector<16xf32>
          %swap3A_1862 = arith.index_cast %squeeze3A_1772 : i32 to index
          %swap3A_1863 = arith.constant 64 : index
          %swap3A_1864 = tpu.vector_load %arg5[%swap3A_1862, %swap3A_1863] {strides = array<i32>} : memref<321x128xf32, #tpu.memory_space<vmem>>, vector<16xf32>,
          tpu.vector_store %arg5[%swap3A_1862, %swap3A_1863], %max3A_1861 {strides = array<i32>} : memref<321x128xf32, #tpu.memory_space<vmem>>, vector<16xf32>,
          %max3A_1865 = arith.maximumf %get3A_1790, %get3A_1832 : vector<16xf32>
          %swap3A_1866 = arith.index_cast %squeeze3A_1772 : i32 to index
          %swap3A_1867 = arith.constant 80 : index
          %swap3A_1868 = tpu.vector_load %arg5[%swap3A_1866, %swap3A_1867] {strides = array<i32>} : memref<321x128xf32, #tpu.memory_space<vmem>>, vector<16xf32>,
          tpu.vector_store %arg5[%swap3A_1866, %swap3A_1867], %max3A_1865 {strides = array<i32>} : memref<321x128xf32, #tpu.memory_space<vmem>>, vector<16xf32>,
          %max3A_1869 = arith.maximumf %get3A_1793, %get3A_1838 : vector<16xf32>
          %swap3A_1870 = arith.index_cast %squeeze3A_1772 : i32 to index
          %swap3A_1871 = arith.constant 96 : index
          %swap3A_1872 = tpu.vector_load %arg5[%swap3A_1870, %swap3A_1871] {strides = array<i32>} : memref<321x128xf32, #tpu.memory_space<vmem>>, vector<16xf32>,
          tpu.vector_store %arg5[%swap3A_1870, %swap3A_1871], %max3A_1869 {strides = array<i32>} : memref<321x128xf32, #tpu.memory_space<vmem>>, vector<16xf32>,
          %max3A_1873 = arith.maximumf %get3A_1796, %get3A_1844 : vector<16xf32>
          %swap3A_1874 = arith.index_cast %squeeze3A_1772 : i32 to index
          %swap3A_1875 = arith.constant 112 : index
          %swap3A_1876 = tpu.vector_load %arg5[%swap3A_1874, %swap3A_1875] {strides = array<i32>} : memref<321x128xf32, #tpu.memory_space<vmem>>, vector<16xf32>,
          tpu.vector_store %arg5[%swap3A_1874, %swap3A_1875], %max3A_1873 {strides = array<i32>} : memref<321x128xf32, #tpu.memory_space<vmem>>, vector<16xf32>,
        }
        %scan3A_173 = arith.constant 8 : i32
      }
    }
    %scan3A_23 = arith.constant 20 : i32
    %scan3A_24 = arith.constant 0 : i32
    %scan3A_25 = arith.constant 0 : i32
    %scan3A_26 = arith.constant 320 : i32
    %scan3A_27 = arith.addi %scan3A_25, %scan3A_26 : i32
    %scan3A_28 = arith.constant 1 : i32
    scf.for %scan3A_30 = %scan3A_25 to %scan3A_27 step %scan3A_28  : i32 {
      %get3A = arith.index_cast %scan3A_30 : i32 to index
      %get3A_31 = arith.constant 0 : index
      %get3A_32 = tpu.vector_load %arg5[%get3A, %get3A_31] {strides = array<i32>} : memref<321x128xf32, #tpu.memory_space<vmem>>, vector<16xf32>,
      %eq3A = arith.constant 0xFF800000 : f32
      %eq3A_33 = vector.broadcast %eq3A : f32 to vector<16xf32>
      %eq3A_34 = arith.cmpf oeq, %get3A_32, %eq3A_33 : vector<16xf32>
      %jit3A = arith.constant 0.000000e+00 : f32
      %broadcast_in_dim3A = vector.broadcast %jit3A : f32 to vector<16xf32>
      %select_n3A = arith.select %eq3A_34, %broadcast_in_dim3A, %get3A_32 : vector<16xi1>, vector<16xf32>
      %swap3A = arith.index_cast %scan3A_30 : i32 to index
      %swap3A_35 = arith.constant 0 : index
      %swap3A_36 = tpu.vector_load %arg5[%swap3A, %swap3A_35] {strides = array<i32>} : memref<321x128xf32, #tpu.memory_space<vmem>>, vector<16xf32>,
      tpu.vector_store %arg5[%swap3A, %swap3A_35], %select_n3A {strides = array<i32>} : memref<321x128xf32, #tpu.memory_space<vmem>>, vector<16xf32>,
      %get3A_37 = arith.index_cast %scan3A_30 : i32 to index
      %get3A_38 = arith.constant 16 : index
      %get3A_39 = tpu.vector_load %arg5[%get3A_37, %get3A_38] {strides = array<i32>} : memref<321x128xf32, #tpu.memory_space<vmem>>, vector<16xf32>,
      %eq3A_40 = arith.constant 0xFF800000 : f32
      %eq3A_41 = vector.broadcast %eq3A_40 : f32 to vector<16xf32>
      %eq3A_42 = arith.cmpf oeq, %get3A_39, %eq3A_41 : vector<16xf32>
      %jit3A_43 = arith.constant 0.000000e+00 : f32
      %broadcast_in_dim3A_44 = vector.broadcast %jit3A_43 : f32 to vector<16xf32>
      %select_n3A_45 = arith.select %eq3A_42, %broadcast_in_dim3A_44, %get3A_39 : vector<16xi1>, vector<16xf32>
      %swap3A_46 = arith.index_cast %scan3A_30 : i32 to index
      %swap3A_47 = arith.constant 16 : index
      %swap3A_48 = tpu.vector_load %arg5[%swap3A_46, %swap3A_47] {strides = array<i32>} : memref<321x128xf32, #tpu.memory_space<vmem>>, vector<16xf32>,
      tpu.vector_store %arg5[%swap3A_46, %swap3A_47], %select_n3A_45 {strides = array<i32>} : memref<321x128xf32, #tpu.memory_space<vmem>>, vector<16xf32>,
      %get3A_49 = arith.index_cast %scan3A_30 : i32 to index
      %get3A_50 = arith.constant 32 : index
      %get3A_51 = tpu.vector_load %arg5[%get3A_49, %get3A_50] {strides = array<i32>} : memref<321x128xf32, #tpu.memory_space<vmem>>, vector<16xf32>,
      %eq3A_52 = arith.constant 0xFF800000 : f32
      %eq3A_53 = vector.broadcast %eq3A_52 : f32 to vector<16xf32>
      %eq3A_54 = arith.cmpf oeq, %get3A_51, %eq3A_53 : vector<16xf32>
      %jit3A_55 = arith.constant 0.000000e+00 : f32
      %broadcast_in_dim3A_56 = vector.broadcast %jit3A_55 : f32 to vector<16xf32>
      %select_n3A_57 = arith.select %eq3A_54, %broadcast_in_dim3A_56, %get3A_51 : vector<16xi1>, vector<16xf32>
      %swap3A_58 = arith.index_cast %scan3A_30 : i32 to index
      %swap3A_59 = arith.constant 32 : index
      %swap3A_60 = tpu.vector_load %arg5[%swap3A_58, %swap3A_59] {strides = array<i32>} : memref<321x128xf32, #tpu.memory_space<vmem>>, vector<16xf32>,
      tpu.vector_store %arg5[%swap3A_58, %swap3A_59], %select_n3A_57 {strides = array<i32>} : memref<321x128xf32, #tpu.memory_space<vmem>>, vector<16xf32>,
      %get3A_61 = arith.index_cast %scan3A_30 : i32 to index
      %get3A_62 = arith.constant 48 : index
      %get3A_63 = tpu.vector_load %arg5[%get3A_61, %get3A_62] {strides = array<i32>} : memref<321x128xf32, #tpu.memory_space<vmem>>, vector<16xf32>,
      %eq3A_64 = arith.constant 0xFF800000 : f32
      %eq3A_65 = vector.broadcast %eq3A_64 : f32 to vector<16xf32>
      %eq3A_66 = arith.cmpf oeq, %get3A_63, %eq3A_65 : vector<16xf32>
      %jit3A_67 = arith.constant 0.000000e+00 : f32
      %broadcast_in_dim3A_68 = vector.broadcast %jit3A_67 : f32 to vector<16xf32>
      %select_n3A_69 = arith.select %eq3A_66, %broadcast_in_dim3A_68, %get3A_63 : vector<16xi1>, vector<16xf32>
      %swap3A_70 = arith.index_cast %scan3A_30 : i32 to index
      %swap3A_71 = arith.constant 48 : index
      %swap3A_72 = tpu.vector_load %arg5[%swap3A_70, %swap3A_71] {strides = array<i32>} : memref<321x128xf32, #tpu.memory_space<vmem>>, vector<16xf32>,
      tpu.vector_store %arg5[%swap3A_70, %swap3A_71], %select_n3A_69 {strides = array<i32>} : memref<321x128xf32, #tpu.memory_space<vmem>>, vector<16xf32>,
      %get3A_73 = arith.index_cast %scan3A_30 : i32 to index
      %get3A_74 = arith.constant 64 : index
      %get3A_75 = tpu.vector_load %arg5[%get3A_73, %get3A_74] {strides = array<i32>} : memref<321x128xf32, #tpu.memory_space<vmem>>, vector<16xf32>,
      %eq3A_76 = arith.constant 0xFF800000 : f32
      %eq3A_77 = vector.broadcast %eq3A_76 : f32 to vector<16xf32>
      %eq3A_78 = arith.cmpf oeq, %get3A_75, %eq3A_77 : vector<16xf32>
      %jit3A_79 = arith.constant 0.000000e+00 : f32
      %broadcast_in_dim3A_80 = vector.broadcast %jit3A_79 : f32 to vector<16xf32>
      %select_n3A_81 = arith.select %eq3A_78, %broadcast_in_dim3A_80, %get3A_75 : vector<16xi1>, vector<16xf32>
      %swap3A_82 = arith.index_cast %scan3A_30 : i32 to index
      %swap3A_83 = arith.constant 64 : index
      %swap3A_84 = tpu.vector_load %arg5[%swap3A_82, %swap3A_83] {strides = array<i32>} : memref<321x128xf32, #tpu.memory_space<vmem>>, vector<16xf32>,
      tpu.vector_store %arg5[%swap3A_82, %swap3A_83], %select_n3A_81 {strides = array<i32>} : memref<321x128xf32, #tpu.memory_space<vmem>>, vector<16xf32>,
      %get3A_85 = arith.index_cast %scan3A_30 : i32 to index
      %get3A_86 = arith.constant 80 : index
      %get3A_87 = tpu.vector_load %arg5[%get3A_85, %get3A_86] {strides = array<i32>} : memref<321x128xf32, #tpu.memory_space<vmem>>, vector<16xf32>,
      %eq3A_88 = arith.constant 0xFF800000 : f32
      %eq3A_89 = vector.broadcast %eq3A_88 : f32 to vector<16xf32>
      %eq3A_90 = arith.cmpf oeq, %get3A_87, %eq3A_89 : vector<16xf32>
      %jit3A_91 = arith.constant 0.000000e+00 : f32
      %broadcast_in_dim3A_92 = vector.broadcast %jit3A_91 : f32 to vector<16xf32>
      %select_n3A_93 = arith.select %eq3A_90, %broadcast_in_dim3A_92, %get3A_87 : vector<16xi1>, vector<16xf32>
      %swap3A_94 = arith.index_cast %scan3A_30 : i32 to index
      %swap3A_95 = arith.constant 80 : index
      %swap3A_96 = tpu.vector_load %arg5[%swap3A_94, %swap3A_95] {strides = array<i32>} : memref<321x128xf32, #tpu.memory_space<vmem>>, vector<16xf32>,
      tpu.vector_store %arg5[%swap3A_94, %swap3A_95], %select_n3A_93 {strides = array<i32>} : memref<321x128xf32, #tpu.memory_space<vmem>>, vector<16xf32>,
      %get3A_97 = arith.index_cast %scan3A_30 : i32 to index
      %get3A_98 = arith.constant 96 : index
      %get3A_99 = tpu.vector_load %arg5[%get3A_97, %get3A_98] {strides = array<i32>} : memref<321x128xf32, #tpu.memory_space<vmem>>, vector<16xf32>,
      %eq3A_100 = arith.constant 0xFF800000 : f32
      %eq3A_101 = vector.broadcast %eq3A_100 : f32 to vector<16xf32>
      %eq3A_102 = arith.cmpf oeq, %get3A_99, %eq3A_101 : vector<16xf32>
      %jit3A_103 = arith.constant 0.000000e+00 : f32
      %broadcast_in_dim3A_104 = vector.broadcast %jit3A_103 : f32 to vector<16xf32>
      %select_n3A_105 = arith.select %eq3A_102, %broadcast_in_dim3A_104, %get3A_99 : vector<16xi1>, vector<16xf32>
      %swap3A_106 = arith.index_cast %scan3A_30 : i32 to index
      %swap3A_107 = arith.constant 96 : index
      %swap3A_108 = tpu.vector_load %arg5[%swap3A_106, %swap3A_107] {strides = array<i32>} : memref<321x128xf32, #tpu.memory_space<vmem>>, vector<16xf32>,
      tpu.vector_store %arg5[%swap3A_106, %swap3A_107], %select_n3A_105 {strides = array<i32>} : memref<321x128xf32, #tpu.memory_space<vmem>>, vector<16xf32>,
      %get3A_109 = arith.index_cast %scan3A_30 : i32 to index
      %get3A_110 = arith.constant 112 : index
      %get3A_111 = tpu.vector_load %arg5[%get3A_109, %get3A_110] {strides = array<i32>} : memref<321x128xf32, #tpu.memory_space<vmem>>, vector<16xf32>,
      %eq3A_112 = arith.constant 0xFF800000 : f32
      %eq3A_113 = vector.broadcast %eq3A_112 : f32 to vector<16xf32>
      %eq3A_114 = arith.cmpf oeq, %get3A_111, %eq3A_113 : vector<16xf32>
      %jit3A_115 = arith.constant 0.000000e+00 : f32
      %broadcast_in_dim3A_116 = vector.broadcast %jit3A_115 : f32 to vector<16xf32>
      %select_n3A_117 = arith.select %eq3A_114, %broadcast_in_dim3A_116, %get3A_111 : vector<16xi1>, vector<16xf32>
      %swap3A_118 = arith.index_cast %scan3A_30 : i32 to index
      %swap3A_119 = arith.constant 112 : index
      %swap3A_120 = tpu.vector_load %arg5[%swap3A_118, %swap3A_119] {strides = array<i32>} : memref<321x128xf32, #tpu.memory_space<vmem>>, vector<16xf32>,
      tpu.vector_store %arg5[%swap3A_118, %swap3A_119], %select_n3A_117 {strides = array<i32>} : memref<321x128xf32, #tpu.memory_space<vmem>>, vector<16xf32>,
    }
    %scan3A_29 = arith.constant 320 : i32
    "tpu.region"() ({
      %run_scoped3A = tpu.sem_alloc : memref<!tpu.dma_semaphore, #tpu.memory_space<semaphore_mem>>
      %dma_start3A_30 = arith.constant 0 : i32
      %dma_start3A_31 = arith.constant 0 : i32
      %dma_start3A_32 = tpu.memref_slice %arg5[%dma_start3A_30, %dma_start3A_31] : memref<321x128xf32, #tpu.memory_space<vmem>> -> memref<320x128xf32, #tpu.memory_space<vmem>>
      %dma_start3A_33 = arith.constant 0 : i32
      %dma_start3A_34 = tpu.memref_slice %arg4[%mul3A_2, %dma_start3A_33] : memref<10240x128xf32, #tpu.memory_space<hbm>> -> memref<320x128xf32, #tpu.memory_space<hbm>>
      %dma_start3A_35 = arith.constant 0 : i32
      %dma_start3A_36 = tpu.memref_slice %arg4[%mul3A_2, %dma_start3A_35] : memref<10240x128xf32, #tpu.memory_space<hbm>> -> memref<320x128xf32, #tpu.memory_space<hbm>>
      %dma_start3A_37 = arith.constant 0 : i32
      %dma_start3A_38 = arith.constant 0 : i32
      %dma_start3A_39 = tpu.memref_slice %arg5[%dma_start3A_37, %dma_start3A_38] : memref<321x128xf32, #tpu.memory_space<vmem>> -> memref<320x128xf32, #tpu.memory_space<vmem>>
      tpu.enqueue_dma source(%dma_start3A_39 : memref<320x128xf32, #tpu.memory_space<vmem>>) target(%dma_start3A_36 : memref<320x128xf32, #tpu.memory_space<hbm>>) target_semaphore(%run_scoped3A : memref<!tpu.dma_semaphore, #tpu.memory_space<semaphore_mem>>)
      %dma_wait3A = arith.constant 0 : i32
      %dma_wait3A_40 = arith.constant 0 : i32
      %dma_wait3A_41 = tpu.memref_slice %arg5[%dma_wait3A, %dma_wait3A_40] : memref<321x128xf32, #tpu.memory_space<vmem>> -> memref<320x128xf32, #tpu.memory_space<vmem>>
      %dma_wait3A_42 = arith.constant 0 : i32
      %dma_wait3A_43 = tpu.memref_slice %arg4[%mul3A_2, %dma_wait3A_42] : memref<10240x128xf32, #tpu.memory_space<hbm>> -> memref<320x128xf32, #tpu.memory_space<hbm>>
      %dma_wait3A_44 = arith.constant 0 : i32
      %dma_wait3A_45 = tpu.memref_slice %arg4[%mul3A_2, %dma_wait3A_44] : memref<10240x128xf32, #tpu.memory_space<hbm>> -> memref<320x128xf32, #tpu.memory_space<hbm>>
      %dma_wait3A_46 = arith.constant 0 : i32
      %dma_wait3A_47 = arith.constant 0 : i32
      %dma_wait3A_48 = tpu.memref_slice %arg5[%dma_wait3A_46, %dma_wait3A_47] : memref<321x128xf32, #tpu.memory_space<vmem>> -> memref<320x128xf32, #tpu.memory_space<vmem>>
      tpu.wait_dma2 semaphore(%run_scoped3A : memref<!tpu.dma_semaphore, #tpu.memory_space<semaphore_mem>>) src(%dma_wait3A_48 : memref<320x128xf32, #tpu.memory_space<vmem>>) dst(%dma_wait3A_45 : memref<320x128xf32, #tpu.memory_space<hbm>>)
      tpu.yield
    }) : () -> ()
    return
  }
}

</mosaic_0001>

<sc_bundles>
// kernel: kernel.3.cloned.1.call-start
scs
__scs_entry_jumppad:
0x0: {  	(pc) =	sbr.rel $0x88, $3  }
0x1: {  	(tag) =	ssettag $0x0;
	lr =	simm.s32 $0x1  }
0x2: {  	[smem:$0x3F9F] =	sst lr;
	_ =	strace $0xD0000000  }
0x3: {  	_ = 	snop  }
0x4: {  	_ = 	snop  }
0x5: {  	_ = 	snop  }
0x6: {  	_ = 	snop  }
0x7: {  	_ = 	snop  }
__scs_overlays_trampoline_lowered:
0x8: {  	[smem:$0x3FAE] =	sst s0  }
0x9: {  	[smem:$0x3FAF] =	sst s1  }
0xa: {  	[smem:$0x3FB0] =	sst s2  }
0xb: {  	[smem:$0x3FB1] =	sst s3  }
0xc: {  	[smem:$0x3FB2] =	sst s4  }
0xd: {  	[smem:$0x3FB3] =	sst s5  }
0xe: {  	[smem:$0x3FB4] =	sst s6  }
0xf: {  	[smem:$0x3FB5] =	sst s7  }
0x10: {  	[smem:$0x3FB6] =	sst s8  }
0x11: {  	[smem:$0x3FB7] =	sst s9;
	s0 =	simm.s32 @!p0 $0x0  }
0x12: {  	s1 =	sld [smem:$0x3F9D];
	s0 =	simm.s32 @p0 $0x1  }
0x13: {  	[smem:$0x3FB8] =	sst s0;
	s0 =	simm.s32 @!p1 $0x0  }
0x14: {  	s2 =	sld [smem:$0x3F9C];
	s0 =	simm.s32 @p1 $0x1  }
0x15: {  	[smem:$0x3FB9] =	sst s0;
	s0 =	simm.s32 @!p2 $0x0  }
0x16: {  	s3 =	sld [smem:$0x3FDB];
	s0 =	simm.s32 @p2 $0x1  }
0x17: {  	s4 =	simm.s32 $0x1BF5;
	[smem:$0x3FBB] =	sst s0  }
0x18: {  	s0 =	sld [smem:$0x3F9E];
	_ =	swait.ge [sflag:s4], $0x0  }
0x19: {  	s7 =	sld [smem:$0x3F9F]  }
0x1a: {  	s8 =	sadd.s32 $0xFFFFE003, lr  }
0x1b: {  	s9 =	sadd.s32 $0xFFFFFEF7, lr;
	s5 =	simm.s32 $0xFFFFFFFF;
	p2 =	slt.u32 s8, $0xFFFFF086  }
0x1c: {  	p1 =	slt.u32 s9, $0xF7A;
	s5 =	simm.s32 @!p2 $0x0  }
0x1d: {  	s5 =	simm.s32 @p1 $0x1;
	p0 =	seq.s32 s7, s2  }
0x1e: {  	s7 =	smul.u32 @!p0 $0xF7A, s2;
	p2 =	seq.s32 @!p0 s5, $0x0  }
0x1f: {  	s9 =	smul.u32 $0xF7A, s1;
	s8 =	simm.s32 @!p0 $0x1BF5;
	p2 =	por !p2, p0  }
0x20: {  	[sflag:s8] =	ssyncset.s32 @!p0 $0xFFFFF086;
	s6 =	sadd.s32 @!p0 s3, s7;
	s7 =	simm.s32 @!p0 $0x108  }
0x21: {  	s3 =	sadd.s32 s3, s9;
	s6 =	sadd.s32 @!p0 $0x88, s6;
	s7 =	simm.s32 @p2 $0x1082  }
0x22: {  	[simem:s7], [sflag:s8] =	dma.local @!p0 [hbm:s6], $0xF7A  }
0x23: {  	s9 =	sor.u32 $0xD0000000, s2;
	s6 =	simm.s32 $0x108;
	_ =	swait.ge @!p0 [sflag:s8], $0x0  }
0x24: {  	s3 =	sadd.s32 $0x88, s3;
	s6 =	simm.s32 @!p1 $0x1082;
	[sflag:s4] =	ssyncset.s32 $0xFFFFF086  }
0x25: {  	[simem:s6], [sflag:s4] =	dma.local [hbm:s3], $0xF7A  }
0x26: {  	[smem:$0x3F9F] =	sst s1;
	(tag) =	ssettag s2;
	_ =	strace s9  }
0x27: {  	s1 =	sld [smem:$0x3FAF]  }
0x28: {  	s2 =	sld [smem:$0x3FB0]  }
0x29: {  	s4 =	sld [smem:$0x3FB2]  }
0x2a: {  	p0 =	seq.s32 s5, $0x0;
	s5 =	sld [smem:$0x3FB3]  }
0x2b: {  	s6 =	sld [smem:$0x3FB4]  }
0x2c: {  	s7 =	sld [smem:$0x3FB5]  }
0x2d: {  	s3 =	simm.s32 $0x108;
	s8 =	sld [smem:$0x3FB6]  }
0x2e: {  	s3 =	simm.s32 @!p0 $0x1082;
	s9 =	sld [smem:$0x3FB7]  }
0x2f: {  	lr =	sadd.s32 s0, s3;
	s0 =	sld [smem:$0x3FAE]  }
0x30: {  	s3 =	sld [smem:$0x3FB1]  }
0x31: {  	[smem:$0x3FBA] =	sst s10  }
0x32: {  	s10 =	sld [smem:$0x3FB8];
	_ =	sdelay $0x3  }
0x33: {  	p0 =	seq.s32 s10, $0x1;
	s10 =	sld [smem:$0x3FBA];
	_ =	sdelay $0x3  }
0x34: {  	[smem:$0x3FBA] =	sst s10  }
0x35: {  	s10 =	sld [smem:$0x3FB9];
	_ =	sdelay $0x3  }
0x36: {  	p1 =	seq.s32 s10, $0x1;
	s10 =	sld [smem:$0x3FBA];
	_ =	sdelay $0x3  }
0x37: {  	[smem:$0x3FBA] =	sst s10  }
0x38: {  	s10 =	sld [smem:$0x3FBB]  }
0x39: {  	_ = 	snop;
	(pc) =	sbr.ind lr, $3  }
0x3a: {  	_ = 	snop  }
0x3b: {  	_ = 	snop  }
0x3c: {  	p2 =	seq.s32 s10, $0x1;
	s10 =	sld [smem:$0x3FBA]  }
0x3d: {  	_ =	shalt  }
0x3e: {  	_ =	shalt  }
0x3f: {  	_ =	shalt  }
0x40: {  	_ =	shalt  }
0x41: {  	_ =	shalt  }
0x42: {  	_ =	shalt  }
0x43: {  	_ =	shalt  }
0x44: {  	_ =	shalt  }
0x45: {  	_ =	shalt  }
0x46: {  	_ =	shalt  }
0x47: {  	_ =	shalt  }
0x48: {  	_ =	shalt  }
0x49: {  	_ =	shalt  }
0x4a: {  	_ =	shalt  }
0x4b: {  	_ =	shalt  }
0x4c: {  	_ =	shalt  }
0x4d: {  	_ =	shalt  }
0x4e: {  	_ =	shalt  }
0x4f: {  	_ =	shalt  }
0x50: {  	_ =	shalt  }
0x51: {  	_ =	shalt  }
0x52: {  	_ =	shalt  }
0x53: {  	_ =	shalt  }
0x54: {  	_ =	shalt  }
0x55: {  	_ =	shalt  }
0x56: {  	_ =	shalt  }
0x57: {  	_ =	shalt  }
0x58: {  	_ =	shalt  }
0x59: {  	_ =	shalt  }
0x5a: {  	_ =	shalt  }
0x5b: {  	_ =	shalt  }
0x5c: {  	_ =	shalt  }
0x5d: {  	_ =	shalt  }
0x5e: {  	_ =	shalt  }
0x5f: {  	_ =	shalt  }
0x60: {  	_ =	shalt  }
0x61: {  	_ =	shalt  }
0x62: {  	_ =	shalt  }
0x63: {  	_ =	shalt  }
0x64: {  	_ =	shalt  }
0x65: {  	_ =	shalt  }
0x66: {  	_ =	shalt  }
0x67: {  	_ =	shalt  }
0x68: {  	_ =	shalt  }
0x69: {  	_ =	shalt  }
0x6a: {  	_ =	shalt  }
0x6b: {  	_ =	shalt  }
0x6c: {  	_ =	shalt  }
0x6d: {  	_ =	shalt  }
0x6e: {  	_ =	shalt  }
0x6f: {  	_ =	shalt  }
0x70: {  	_ =	shalt  }
0x71: {  	_ =	shalt  }
0x72: {  	_ =	shalt  }
0x73: {  	_ =	shalt  }
0x74: {  	_ =	shalt  }
0x75: {  	_ =	shalt  }
0x76: {  	_ =	shalt  }
0x77: {  	_ =	shalt  }
0x78: {  	_ =	shalt  }
0x79: {  	_ =	shalt  }
0x7a: {  	_ =	shalt  }
0x7b: {  	_ =	shalt  }
0x7c: {  	_ =	shalt  }
0x7d: {  	_ =	shalt  }
0x7e: {  	_ =	shalt  }
0x7f: {  	_ =	shalt  }
0x80: {  	_ =	shalt  }
0x81: {  	_ =	shalt  }
0x82: {  	_ =	shalt  }
0x83: {  	_ =	shalt  }
0x84: {  	_ =	shalt  }
0x85: {  	_ =	shalt  }
0x86: {  	_ =	shalt  }
0x87: {  	_ =	shalt  }
.Lfunc_end0:
.L_simem_size_0:
called_computation_lowered:
.L_overlay_start_0:
0x88: {  	s2 =	sld [smem:$0x3FD9]  }
0x89: {  	s3 =	sld [smem:$0x3FFE];
	_ =	sdelay $0x1  }
0x8a: {  	s1 =	srdreg.scid  }
0x8b: {  	s0 =	sand.u32 $0x1, s1  }
0x8c: {  	s17 =	sshll.u32 s0, $0xA;
	s2 =	sadd.s32 s3, s2  }
0x8d: {  	s2 =	sadd.s32 s2, s17  }
0x8e: {  	[smem:$0x3FC6] =	sst s2  }
0x8f: {  	_ = 	snop  }
0x90: {  	s2 =	sld [smem:$0x3FC9]  }
0x91: {  	s18 =	sld [smem:$0x3FD0];
	(tm) =	ssettm $0x1  }
0x92: {  	s4 =	sld [smem:$0x3FFB];
	_ =	sdelay $0x3  }
0x93: {  	_ =	strace s4  }
0x94: {  	s4 =	sld [smem:$0x3FFC];
	_ =	sdelay $0x3  }
0x95: {  	_ =	strace s4  }
0x96: {  	s4 =	sld [smem:$0x3FFD];
	_ =	sdelay $0x3  }
0x97: {  	_ =	strace s4  }
0x98: {  	_ =	strace $0x8FFFFFFF  }
0x99: {  	s19 =	sld [smem:$0x3FDB];
	_ =	sdelay $0x1  }
0x9a: {  	s5 =	simm.s32 $_scs_section_size  }
0x9b: {  	s6 =	simm.s32 $_size__tile_overlayer_lowered;
	s7 =	simm.s32 $_tile_overlayer_lowered  }
0x9c: {  	s22 =	simm.s32 $0x1BFF;
	s21 =	sshll.u32 s7, $0x1;
	s4 =	sadd.s32 s5, s19  }
0x9d: {  	s8 =	simm.s32 $0x0;
	s20 =	sshll.u32 s6, $0x1;
	s6 =	sadd.s32 s21, s4  }
0x9e: {  	[timem:s8], [sflag:s22] =	dma.local [hbm:s6], s20  }
0x9f: {  	_ =	swait.ge [sflag:s22], s20  }
0xa0: {  	s5 =	ssub.s32 $0x0, s20;
	[sflag:s22] =	ssyncset.done $0x0  }
0xa1: {  	[sflag:s22] =	ssyncadd.s32 s5;
	_ =	sdelay $0x1  }
0xa2: {  	s23 =	simm.s32 $0x1B8B  }
0xa3: {  	_ =	swait.ge [sflag:s23], $0x1  }
0xa4: {  	[sflag:s23] =	ssyncset.done $0x0  }
0xa5: {  	s25 =	simm.s32 $0x1B8E;
	s24 =	sld [smem:$0x3FFE];
	[sflag:s23] =	ssyncadd.s32 $0xFFFFFFFF  }
0xa6: {  	s26 =	simm.s32 $execute0_lowered;
	[smem:$0x3FD2] =	sst s25  }
0xa7: {  	s6 =	sshll.u32 s26, $0x1;
	_ =	strace $0x80000046;
	[dreg:$0x1] =	wrdreg $0xFFFFFFFF  }
0xa8: {  	s28 =	simm.s32 $_size_execute0_lowered;
	s4 =	sadd.s32 s4, s6;
	[dreg:$0x0] =	wrdreg $0x0  }
0xa9: {  	s6 =	sshll.u32 s28, $0x1;
	[dreg:$0x2] =	wrdreg s4  }
0xaa: {  	[dreg:$0x3] =	wrdreg s6  }
0xab: {  	[dreg:$0x4] =	wrdreg $0xC0  }
0xac: {  	_ =	task [dreg:s8], $0x5FFFF  }
0xad: {  	[dreg:$0x1] =	wrdreg $0xFFFFFFFF  }
0xae: {  	[dreg:$0x0] =	wrdreg $0x60  }
0xaf: {  	[dreg:$0x2] =	wrdreg s2  }
0xb0: {  	[dreg:$0x3] =	wrdreg s18  }
0xb1: {  	[dreg:$0x4] =	wrdreg s24  }
0xb2: {  	[dreg:$0x5] =	wrdreg $0x9  }
0xb3: {  	_ =	task.clear_ibuf [dreg:s8], $0x6FFFF;
	_ =	strace $0x90000046  }
0xb4: {  	s29 =	simm.s32 $0x9;
	_ =	strace $0x80000048  }
0xb5: {  	_ =	swait.ge [sflag:s29], $0x1  }
0xb6: {  	[sflag:s29] =	ssyncadd.s32 $0xFFFFFFFF  }
0xb7: {  	_ =	strace $0x90000048  }
0xb8: {  	_ =	sfence  }
0xb9: {  	s30 =	sld [smem:$0x0];
	_ =	sdelay $0x2  }
0xba: {  	s31 =	sshll.u32 s1, $0xD;
	s1 =	sshrl.u32 s1, $0x2  }
0xbb: {  	s3 =	sand.u32 $0x4000, s31;
	s1 =	sadd.s32 s1, s30  }
0xbc: {  	s0 =	sor.u32 s3, s0;
	s1 =	sshll.u32 s1, $0x11  }
0xbd: {  	s0 =	sor.u32 s1, s0  }
0xbe: {  	s0 =	sadd.s32 $0x8F2B, s0  }
0xbf: {  	[sflag:s0] =	ssyncadd.remote.s32 $0x1  }
0xc0: {  	_ =	sfence.sel $0xFFFF  }
0xc1: {  	[dreg:$0x0] =	wrdreg $0xFFFFFFFF;
	(pc) =	sbr.abs _section_cstart, $3  }
0xc2: {  	[dreg:$0x1] =	wrdreg $0xFFFFFFFF  }
0xc3: {  	_ =	task.clear_ibuf [dreg:s8], $0x2FFFF;
	_ =	strace $0x9FFFFFFF  }
0xc4: {  	(tm) =	ssettm $0x7FFFFFFF  }
0xc5: {  	_ =	shalt  }
tec
execute0_lowered:
.L_overlay_start_1:
0x0: {  	(tag) =	ssettag $0x1  }
0x1: {  	s2 =	rddreg [dreg:$0x0]  }
0x2: {  	s3 =	rddreg [dreg:$0x1]  }
0x3: {  	s5 =	rddreg [dreg:$0x2]  }
0x4: {  	s4 =	srdreg.scid;
	s1 =	stileid.u32  }
0x5: {  	s0 =	rddreg [dreg:$0x3];
	s10 =	simm.s32 $0x16000;
	s11 =	simm.s32 $0x16100  }
0x6: {  	s12 =	simm.s32 $0x3;
	s6 =	sand.u32 $0x1, s4;
	s7 =	sshll.u32 s1, $0x1  }
0x7: {  	s4 =	simm.s32 $0x0;
	s8 =	ssub.s32 $0x2, s6;
	s6 =	sor.u32 s6, s7  }
0x8: {  	s13 =	simm.s32 $0x0;
	[smem:$0x7FF] =	sst s4;
	s9 =	smul.u32 $0x1400, s6  }
0x9: {  	s30 =	sshrl.u32 s8, $0x1;
	_ =	strace $0x80000047;
	s31 =	smul.u32 $0x140, s6  }
0xa: {  	v1 =	vimm.f32 $-Inf;
	v3 =	vlaneseq.u32;
	v2 =	vimm.s32 $0x0;
	s7 =	ssub.s32 s8, s30;
	s8 =	simm.s32 $0x2;
	s5 =	sadd.s32 s5, s9  }
0xb: {  	v4 =	vimm.s32 $0x140;
	v3 =	vmul.u32 $0x200, v3;
	s6 =	smax.u32 s7, $0x1;
	s7 =	simm.s32 $0x1;
	v0 =	vmov s31;
	s9 =	simm.s32 $0x80  }
.LBB2_1:
0xc: {  	s14 =	simm.s32 $0x0;
	s15 =	simm.s32 $0x200  }
.LBB2_2:
0xd: {  	p0 =	sne.s32 s15, $0x28000;
	[tilespmem:s14+$0x70] =	vst v1  }
0xe: {  	[tilespmem:s14+$0x0] =	vst v1  }
0xf: {  	[tilespmem:s14+$0x10] =	vst v1  }
.Ltmp0:
0x10: {  	[tilespmem:s14+$0x20] =	vst v1;
	(pc) =	sbr.rel @p0 .LBB2_2-.Ltmp0, $4  }
0x11: {  	[tilespmem:s14+$0x30] =	vst v1  }
0x12: {  	[tilespmem:s14+$0x40] =	vst v1  }
0x13: {  	[tilespmem:s14+$0x50] =	vst v1  }
0x14: {  	[tilespmem:s14+$0x60] =	vst v1;
	s14 =	sshra.s32 s15, $0x2;
	s15 =	sadd.s32 $0x200, s15  }
0x15: {  	[tilespmem:s14+$0x70] =	vst v1  }
0x16: {  	[tilespmem:s14+$0x0] =	vst v1  }
0x17: {  	[tilespmem:s14+$0x10] =	vst v1  }
0x18: {  	[tilespmem:s14+$0x20] =	vst v1  }
0x19: {  	[tilespmem:s14+$0x30] =	vst v1  }
0x1a: {  	[tilespmem:s14+$0x40] =	vst v1  }
0x1b: {  	[tilespmem:s14+$0x50] =	vst v1  }
0x1c: {  	[tilespmem:s14+$0x60] =	vst v1;
	s15 =	simm.s32 $0x0;
	s14 =	simm.s32 $0xA400;
	s16 =	simm.s32 $0x0  }
.LBB2_4:
0x1d: {  	p0 =	seq.s32 s16, $0x7C0  }
.Ltmp1:
0x1e: {  	_ = 	snop;
	(pc) =	sbr.rel @!p0 .LBB2_4-.Ltmp1, $4  }
0x1f: {  	_ = 	snop  }
0x20: {  	s17 =	sadd.s32 s16, s3  }
0x21: {  	[tilespmem:s14], [sflag:$0x2] =	stream.linear.gather [hbm4b:s17+s15], $0x80, $0x38;
	[tilespmem:$0x1E100] =	vst v63  }
0x22: {  	s16 =	sadd.s32 $0x10, s16;
	s14 =	sadd.s32 $0x100, s14  }
.Ltmp2:
0x23: {  	(pc) =	sbr.rel .LBB2_7-.Ltmp2, $2  }
0x24: {  	_ =	sdelay $0x2  }
0x25: {  	p0 =	por $0x1, $0x1;
	s14 =	simm.s32 $0x0  }
.LBB2_6:
0x26: {  	p1 =	seq.s32 s15, $0x14  }
.Ltmp3:
0x27: {  	_ = 	snop;
	(pc) =	sbr.rel @p1 .LBB2_18-.Ltmp3, $2  }
0x28: {  	_ =	sdelay $0x2  }
0x29: {  	p0 =	por !p0, !p0;
	s14 =	sadd.s32 $0x3E80, s14  }
.LBB2_7:
0x2a: {  	p1 =	seq.s32 s15, $0x13  }
.Ltmp4:
0x2b: {  	_ = 	snop;
	(pc) =	sbr.rel @p1 .LBB2_11-.Ltmp4, $4  }
0x2c: {  	_ = 	snop  }
0x2d: {  	_ =	swait.ge [sflag:s8], $0x3E80  }
0x2e: {  	[sflag:s8] =	ssyncset.done $0x0  }
0x2f: {  	[sflag:s8] =	ssyncadd.s32 $0xFFFFC180  }
0x30: {  	s16 =	smul.u32 $0x3E80, s15  }
0x31: {  	s17 =	simm.s32 $0x1  }
0x32: {  	s17 =	simm.s32 @!p0 $0x0;
	s16 =	sshrl.u32 s16, $0x3  }
0x33: {  	s17 =	sshll.u32 s17, $0x7;
	s18 =	sadd.s32 s3, s16  }
0x34: {  	s16 =	sor.u32 $0xA400, s17;
	s17 =	sadd.s32 $0x7D0, s18  }
0x35: {  	s18 =	simm.s32 $0x10;
	s19 =	sadd.s32 $0x100, s16;
	s20 =	sadd.s32 $0x0, s17  }
.LBB2_9:
0x36: {  	[tilespmem:s16], [sflag:$0x2] =	stream.linear.gather [hbm4b:s20+s4], $0x80, $0x38;
	[tilespmem:$0x1E100] =	vst v63  }
0x37: {  	s20 =	smov.u32 s18;
	s16 =	smov.u32 s19;
	p1 =	sne.s32 s18, $0x7C0  }
.Ltmp5:
0x38: {  	s18 =	sadd.s32 $0x10, s18;
	(pc) =	sbr.rel @p1 .LBB2_9-.Ltmp5, $2  }
0x39: {  	_ =	sdelay $0x2  }
0x3a: {  	s19 =	sadd.s32 $0x100, s19;
	s20 =	sadd.s32 s20, s17  }
0x3b: {  	[tilespmem:s16], [sflag:$0x2] =	stream.linear.gather [hbm4b:s20+s4], $0x80, $0x38;
	[tilespmem:$0x1E100] =	vst v63  }
.LBB2_11:
0x3c: {  	s16 =	sshll.u32 s15, $0x7  }
0x3d: {  	s16 =	sand.u32 $0x80, s16  }
0x3e: {  	v5 =	vmov s16;
	_ =	sdelay $0x1  }
0x3f: {  	s16 =	simm.s32 $0x0  }
0x40: {  	s17 =	sand.u32 $0x40, s16;
	s18 =	sand.u32 $0x7F00, s16  }
0x41: {  	s17 =	sor.u32 s17, s18  }
0x42: {  	v6 =	vld.idx.msk [tilespmem:v5+s17+$0xA410 ss:$0x1], $0xffff  }
0x43: {  	v7 =	vld.idx.msk [tilespmem:v5+s17+$0xA400 ss:$0x1], $0xffff  }
0x44: {  	s31 =	sadd.s32 $0x0, s14;
	v12 =	vld.idx.msk [tilespmem:v5+s17+$0xA420 ss:$0x1], $0xffff  }
0x45: {  	s19 =	sadd.s32 $0x10, s31;
	s20 =	sadd.s32 $0x20, s31;
	v8 =	vmov s31;
	v13 =	vld.idx.msk [tilespmem:v5+s17+$0xA430 ss:$0x1], $0xffff  }
0x46: {  	v9 =	vmov s19;
	v10 =	vmov s20;
	v8 =	vshll.u32 v8, $0x9;
	s18 =	sadd.s32 $0x30, s31  }
0x47: {  	v9 =	vshll.u32 v9, $0x9;
	v10 =	vshll.u32 v10, $0x9;
	v11 =	vmov s18  }
0x48: {  	v8 =	vor.u32 v3, v8;
	v9 =	vor.u32 v3, v9;
	v11 =	vshll.u32 v11, $0x9  }
0x49: {  	v10 =	vor.u32 v3, v10;
	v11 =	vor.u32 v3, v11;
	v6 =	vsub.s32 v6, v0  }
0x4a: {  	v7 =	vsub.s32 v7, v0;
	v12 =	vsub.s32 v12, v0;
	v13 =	vsub.s32 v13, v0  }
0x4b: {  	vm0 =	vlt.u32 v6, $0x140;
	v6 =	vor.u32 v9, v6;
	vm1 =	vlt.u32 v7, $0x140  }
0x4c: {  	v7 =	vor.u32 v8, v7;
	v60 =	vsel vm1, $0x1, v2;
	v14 =	vmpcnt.ones.xlane vm1  }
0x4d: {  	vm14 =	vlt.u32 v12, $0x140;
	v15 =	vmpcnt.ones.xlane vm0;
	v9 =	vxor.u32 $0x80000001, v60  }
0x4e: {  	v59 =	vsel vm0, $0x1, v2;
	v61 =	vsel vm14, $0x1, v2;
	(v2sf) =	vpush v14, $0x0;
	(xrf1) =	vsort.ascd.msk.u32 $0xffff, v9, v7  }
0x4f: {  	v16 =	vmpcnt.ones.xlane vm14;
	v8 =	vxor.u32 $0x80000001, v59;
	(v2sf) =	vpush v15, $0x1  }
0x50: {  	vm15 =	vlt.u32 v13, $0x140;
	v62 =	vxor.u32 $0x80000001, v61;
	v7 =	vor.u32 v10, v12;
	(xrf1) =	vsort.ascd.msk.u32 $0xffff, v8, v6  }
0x51: {  	v63 =	vmpcnt.ones.xlane vm15;
	v6 =	vsel vm15, $0x1, v2;
	(xrf1) =	vsort.ascd.msk.u32 $0xffff, v62, v7;
	(v2sf) =	vpush v16, $0x2  }
0x52: {  	v7 =	vor.u32 v11, v13;
	v6 =	vxor.u32 $0x80000001, v6  }
0x53: {  	s15 =	sadd.s32 $0x1, s15;
	s18 =	simm.s32 $0x0;
	s17 =	simm.s32 $0x40;
	(xrf1) =	vsort.ascd.msk.u32 $0xffff, v6, v7;
	(v2sf) =	vpush v63, $0x3  }
.LBB2_12:
0x54: {  	_ =	sdelay $0x4  }
0x55: {  	p1 =	sne.s32 s17, $0x3E40  }
0x56: {  	s16 =	sadd.s32 $0x80, s16;
	s19 =	smov.u32 s17;
	s17 =	sadd.s32 $0x40, s17  }
0x57: {  	s20 =	sand.u32 $0x40, s19;
	s21 =	sand.u32 $0x7F00, s16  }
0x58: {  	s20 =	sor.u32 s20, s21;
	_, v6, _ =	vpop (xrf1)  }
0x59: {  	[tilespmem:s18+$0x12100] =	vst v6;
	s21 =	spop (v2sf)  }
0x5a: {  	s18 =	sadd.s32 s18, s21;
	_, v6, _ =	vpop (xrf1);
	s21 =	spop (v2sf)  }
0x5b: {  	s19 =	sadd.s32 s19, s14;
	[tilespmem:s18+$0x12100] =	vst v6;
	s18 =	sadd.s32 s18, s21;
	_, v6, _ =	vpop (xrf1)  }
0x5c: {  	v7 =	vmov s19;
	s22 =	sadd.s32 $0x20, s19;
	s21 =	sadd.s32 $0x10, s19;
	[tilespmem:s18+$0x12100] =	vst v6;
	s23 =	spop (v2sf)  }
0x5d: {  	v8 =	vmov s22;
	s19 =	sadd.s32 $0x30, s19;
	v6 =	vmov s21;
	s18 =	sadd.s32 s18, s23;
	_, v9, _ =	vpop (xrf1)  }
0x5e: {  	v7 =	vshll.u32 v7, $0x9;
	v8 =	vshll.u32 v8, $0x9;
	v6 =	vshll.u32 v6, $0x9;
	[tilespmem:s18+$0x12100] =	vst v9;
	s21 =	spop (v2sf)  }
0x5f: {  	v7 =	vor.u32 v3, v7;
	v10 =	vmov s19;
	v6 =	vor.u32 v3, v6;
	v9 =	vld.idx.msk [tilespmem:v5+s20+$0xA410 ss:$0x1], $0xffff;
	s18 =	sadd.s32 s18, s21  }
0x60: {  	v10 =	vshll.u32 v10, $0x9;
	v11 =	vld.idx.msk [tilespmem:v5+s20+$0xA400 ss:$0x1], $0xffff  }
0x61: {  	v8 =	vor.u32 v3, v8  }
0x62: {  	v12 =	vld.idx.msk [tilespmem:v5+s20+$0xA420 ss:$0x1], $0xffff  }
0x63: {  	v13 =	vld.idx.msk [tilespmem:v5+s20+$0xA430 ss:$0x1], $0xffff;
	_ =	sdelay $0x1  }
0x64: {  	v10 =	vor.u32 v3, v10;
	v9 =	vsub.s32 v9, v0  }
0x65: {  	v11 =	vsub.s32 v11, v0;
	vm0 =	vlt.u32 v9, $0x140;
	v6 =	vor.u32 v6, v9  }
0x66: {  	vm1 =	vlt.u32 v11, $0x140;
	v7 =	vor.u32 v7, v11;
	v9 =	vsel vm0, $0x1, v2  }
0x67: {  	v15 =	vmpcnt.ones.xlane vm0;
	v11 =	vsel vm1, $0x1, v2;
	v14 =	vmpcnt.ones.xlane vm1  }
0x68: {  	v9 =	vxor.u32 $0x80000001, v9;
	v12 =	vsub.s32 v12, v0;
	v11 =	vxor.u32 $0x80000001, v11  }
0x69: {  	vm0 =	vlt.u32 v12, $0x140;
	v13 =	vsub.s32 v13, v0;
	(xrf1) =	vsort.ascd.msk.u32 $0xffff, v11, v7;
	(v2sf) =	vpush v14, $0x0  }
.Ltmp6:
0x6a: {  	v7 =	vsel vm0, $0x1, v2;
	v11 =	vmpcnt.ones.xlane vm0;
	(v2sf) =	vpush v15, $0x1;
	(pc) =	sbr.rel @p1 .LBB2_12-.Ltmp6, $4  }
0x6b: {  	v8 =	vor.u32 v8, v12;
	vm0 =	vlt.u32 v13, $0x140;
	v7 =	vxor.u32 $0x80000001, v7;
	(xrf1) =	vsort.ascd.msk.u32 $0xffff, v9, v6  }
0x6c: {  	v6 =	vsel vm0, $0x1, v2;
	v9 =	vmpcnt.ones.xlane vm0;
	(xrf1) =	vsort.ascd.msk.u32 $0xffff, v7, v8;
	(v2sf) =	vpush v11, $0x2  }
0x6d: {  	v7 =	vor.u32 v10, v13;
	v6 =	vxor.u32 $0x80000001, v6  }
0x6e: {  	(xrf1) =	vsort.ascd.msk.u32 $0xffff, v6, v7;
	(v2sf) =	vpush v9, $0x3  }
0x6f: {  	_ =	sdelay $0xa  }
0x70: {  	s16 =	spop (v2sf)  }
0x71: {  	s16 =	sadd.s32 s18, s16;
	s17 =	spop (v2sf)  }
0x72: {  	s17 =	sadd.s32 s16, s17;
	s19 =	spop (v2sf)  }
0x73: {  	s19 =	sadd.s32 s17, s19;
	s20 =	spop (v2sf)  }
0x74: {  	s28 =	sadd.s32 s19, s20  }
0x75: {  	_, v5, _ =	vpop (xrf1);
	s29 =	sadd.s32 $0x7F, s28  }
0x76: {  	[tilespmem:s18+$0x12100] =	vst v5;
	_, v5, _ =	vpop (xrf1);
	s30 =	sand.u32 $0x7F, s29  }
0x77: {  	[tilespmem:s16+$0x12100] =	vst v5;
	_, v5, _ =	vpop (xrf1);
	s31 =	sshra.s32 s29, $0x1F;
	p2 =	slt.s32 s29, $0x1;
	p1 =	sne.s32 s30, $0x0  }
0x78: {  	[tilespmem:s17+$0x12100] =	vst v5;
	s17 =	sshrl.u32 s31, $0x19;
	p1 =	por !p2, !p1  }
0x79: {  	s16 =	sadd.s32 s17, s29;
	s17 =	simm.s32 $0x1;
	p1 =	por !p1, !p1  }
0x7a: {  	_, v5, _ =	vpop (xrf1);
	s16 =	sshrl.u32 s16, $0x7;
	s17 =	simm.s32 @!p1 $0x0  }
0x7b: {  	[tilespmem:s19+$0x12100] =	vst v5;
	s16 =	ssub.s32 s16, s17  }
0x7c: {  	[tilespmem:s28+$0x12100] =	vst v4;
	s16 =	sshll.u32 s16, $0x7  }
0x7d: {  	[tilespmem:s28+$0x12110] =	vst v4;
	s16 =	sshra.s32 s16, $0x7  }
0x7e: {  	[tilespmem:s28+$0x12120] =	vst v4;
	p1 =	slt.s32 s16, $0x1  }
.Ltmp7:
0x7f: {  	[tilespmem:s28+$0x12130] =	vst v4;
	(pc) =	sbr.rel @p1 .LBB2_6-.Ltmp7, $4  }
0x80: {  	[tilespmem:s28+$0x12140] =	vst v4  }
0x81: {  	[tilespmem:s28+$0x12150] =	vst v4  }
0x82: {  	[tilespmem:s28+$0x12160] =	vst v4  }
0x83: {  	[tilespmem:s28+$0x12170] =	vst v4  }
0x84: {  	v5 =	vld [tilespmem:$0x12100]  }
0x85: {  	v6 =	vld [tilespmem:$0x12110]  }
0x86: {  	v7 =	vld [tilespmem:$0x12120]  }
0x87: {  	v8 =	vld [tilespmem:$0x12130]  }
0x88: {  	v9 =	vld [tilespmem:$0x12140]  }
0x89: {  	v10 =	vld [tilespmem:$0x12150];
	v5 =	vshra.s32 v5, $0x9  }
0x8a: {  	[tilespmem:$0x16000] =	vst v5;
	v5 =	vshra.s32 v6, $0x9;
	v6 =	vld [tilespmem:$0x12160]  }
0x8b: {  	[tilespmem:$0x16010] =	vst v5;
	v5 =	vshra.s32 v7, $0x9;
	v7 =	vld [tilespmem:$0x12170]  }
0x8c: {  	[tilespmem:$0x16020] =	vst v5;
	v5 =	vshra.s32 v8, $0x9  }
0x8d: {  	[tilespmem:$0x16030] =	vst v5;
	v5 =	vshra.s32 v9, $0x9  }
0x8e: {  	[tilespmem:$0x16040] =	vst v5;
	v5 =	vshra.s32 v10, $0x9  }
0x8f: {  	[tilespmem:$0x16050] =	vst v5;
	v5 =	vshra.s32 v6, $0x9  }
0x90: {  	[tilespmem:$0x16060] =	vst v5;
	v5 =	vshra.s32 v7, $0x9  }
0x91: {  	s17 =	simm.s32 $0x12100;
	s18 =	simm.s32 $0x0;
	s19 =	simm.s32 $0x0;
	[tilespmem:$0x16070] =	vst v5  }
0x92: {  	[tilespmem:s11], [sflag:$0x1] =	stream.indirect.gather [hbm4b:s2+s9], $0x80, s10, s9, $0xb8;
	[tilespmem:$0x1E100] =	vst v63  }
.LBB2_16:
0x93: {  	s19 =	sadd.s32 $0x1, s19  }
0x94: {  	_ =	swait.ge [sflag:s7], $0x4000;
	p1 =	sge.s32 s19, s16  }
0x95: {  	[sflag:s7] =	ssyncset.done $0x0;
	s20 =	sshll.u32 @!p1 s19, $0x9  }
0x96: {  	[sflag:s7] =	ssyncadd.s32 $0xFFFFC000;
	s20 =	sshra.s32 @!p1 s20, $0x2  }
0x97: {  	v5 =	vld @!p1 [tilespmem:s20+$0x12100];
	_ =	sdelay $0x3  }
0x98: {  	s21 =	sand.u32 @!p1 $0x1, s19  }
0x99: {  	s22 =	sshll.u32 @!p1 s21, $0x7;
	v5 =	vshra.s32 @!p1 v5, $0x9  }
0x9a: {  	[tilespmem:s22+$0x16000] =	vst @!p1 v5  }
0x9b: {  	v5 =	vld @!p1 [tilespmem:s20+$0x12110];
	_ =	sdelay $0x4  }
0x9c: {  	v5 =	vshra.s32 @!p1 v5, $0x9  }
0x9d: {  	[tilespmem:s22+$0x16010] =	vst @!p1 v5  }
0x9e: {  	v5 =	vld @!p1 [tilespmem:s20+$0x12120];
	_ =	sdelay $0x4  }
0x9f: {  	v5 =	vshra.s32 @!p1 v5, $0x9  }
0xa0: {  	[tilespmem:s22+$0x16020] =	vst @!p1 v5  }
0xa1: {  	v5 =	vld @!p1 [tilespmem:s20+$0x12130];
	_ =	sdelay $0x4  }
0xa2: {  	v5 =	vshra.s32 @!p1 v5, $0x9  }
0xa3: {  	[tilespmem:s22+$0x16030] =	vst @!p1 v5  }
0xa4: {  	v5 =	vld @!p1 [tilespmem:s20+$0x12140];
	_ =	sdelay $0x4  }
0xa5: {  	v5 =	vshra.s32 @!p1 v5, $0x9  }
0xa6: {  	[tilespmem:s22+$0x16040] =	vst @!p1 v5  }
0xa7: {  	v5 =	vld @!p1 [tilespmem:s20+$0x12150];
	_ =	sdelay $0x4  }
0xa8: {  	v5 =	vshra.s32 @!p1 v5, $0x9  }
0xa9: {  	[tilespmem:s22+$0x16050] =	vst @!p1 v5  }
0xaa: {  	v5 =	vld @!p1 [tilespmem:s20+$0x12160];
	_ =	sdelay $0x4  }
0xab: {  	v5 =	vshra.s32 @!p1 v5, $0x9  }
0xac: {  	[tilespmem:s22+$0x16060] =	vst @!p1 v5  }
0xad: {  	v5 =	vld @!p1 [tilespmem:s20+$0x12170];
	_ =	sdelay $0x4  }
0xae: {  	v5 =	vshra.s32 @!p1 v5, $0x9  }
0xaf: {  	s31 =	sand.u32 $0x4000, s18;
	s20 =	sshll.u32 @!p1 s21, $0xE;
	[tilespmem:s22+$0x16070] =	vst @!p1 v5;
	v5 =	vmov s17  }
0xb0: {  	s21 =	sor.u32 @!p1 $0x16000, s22;
	s20 =	sadd.s32 @!p1 $0x16100, s20;
	s22 =	simm.s32 @!p1 $0x80  }
0xb1: {  	[tilespmem:s20], [sflag:$0x1] =	stream.indirect.gather @!p1 [hbm4b:s2+s22], $0x80, s21, s22, $0xb8;
	[tilespmem:$0x1E100] =	vst v63  }
0xb2: {  	s20 =	sadd.s32 $0x16500, s31;
	s21 =	simm.s32 $0x0  }
.LBB2_17:
0xb3: {  	s22 =	sshra.s32 s21, $0x2  }
0xb4: {  	v6 =	vld.idx.msk [tilespmem:v5+s22+$0x0 ss:$0x1], $0xffff;
	_ =	sdelay $0x4  }
0xb5: {  	v6 =	vand.u32 $0x1FF, v6  }
0xb6: {  	v6 =	vshll.u32 v6, $0x7  }
0xb7: {  	(v2sf) =	vpush v6, $0x1  }
0xb8: {  	(v2sf) =	vpush v6, $0x0;
	_ =	sdelay $0x7  }
0xb9: {  	v13 =	vld [tilespmem:s20+$0xFFFFFC00]  }
0xba: {  	v14 =	vld [tilespmem:s20+$0xFFFFFC10]  }
0xbb: {  	v15 =	vld [tilespmem:s20+$0xFFFFFC20]  }
0xbc: {  	v16 =	vld [tilespmem:s20+$0xFFFFFC30]  }
0xbd: {  	v17 =	vld [tilespmem:s20+$0xFFFFFC40]  }
0xbe: {  	v18 =	vld [tilespmem:s20+$0xFFFFFC50]  }
0xbf: {  	v19 =	vld [tilespmem:s20+$0xFFFFFC60];
	s23 =	spop (v2sf)  }
0xc0: {  	v20 =	vld [tilespmem:s20+$0xFFFFFC70];
	s31 =	spop (v2sf)  }
0xc1: {  	v7 =	vld [tilespmem:s31+$0x0]  }
0xc2: {  	v8 =	vld [tilespmem:s31+$0x10]  }
0xc3: {  	v9 =	vld [tilespmem:s31+$0x20]  }
0xc4: {  	v10 =	vld [tilespmem:s31+$0x30]  }
0xc5: {  	v11 =	vld [tilespmem:s31+$0x40]  }
0xc6: {  	v12 =	vld [tilespmem:s31+$0x50];
	v7 =	vmax.f32 v7, v13  }
0xc7: {  	v44 =	vld [tilespmem:s31+$0x60];
	[tilespmem:s31+$0x0] =	vst v7;
	v7 =	vmax.f32 v8, v14  }
0xc8: {  	v45 =	vld [tilespmem:s31+$0x70];
	[tilespmem:s31+$0x10] =	vst v7;
	v7 =	vmax.f32 v9, v15  }
0xc9: {  	[tilespmem:s31+$0x20] =	vst v7;
	v7 =	vmax.f32 v10, v16  }
0xca: {  	[tilespmem:s31+$0x30] =	vst v7;
	v7 =	vmax.f32 v11, v17  }
0xcb: {  	[tilespmem:s31+$0x40] =	vst v7;
	v7 =	vmax.f32 v12, v18  }
0xcc: {  	[tilespmem:s31+$0x50] =	vst v7;
	v7 =	vmax.f32 v44, v19  }
0xcd: {  	[tilespmem:s31+$0x60] =	vst v7;
	v7 =	vmax.f32 v45, v20  }
0xce: {  	[tilespmem:s31+$0x70] =	vst v7  }
0xcf: {  	v7 =	vld [tilespmem:s23+$0x0]  }
0xd0: {  	v46 =	vld [tilespmem:s23+$0x10]  }
0xd1: {  	v47 =	vld [tilespmem:s23+$0x20]  }
0xd2: {  	v48 =	vld [tilespmem:s23+$0x30]  }
0xd3: {  	v49 =	vld [tilespmem:s23+$0x40]  }
0xd4: {  	(v2sf) =	vpush v6, $0x3;
	v50 =	vld [tilespmem:s23+$0x50]  }
0xd5: {  	(v2sf) =	vpush v6, $0x2;
	v51 =	vld [tilespmem:s20+$0xFFFFFC80]  }
0xd6: {  	v52 =	vld [tilespmem:s20+$0xFFFFFC90]  }
0xd7: {  	v53 =	vld [tilespmem:s20+$0xFFFFFCA0]  }
0xd8: {  	v54 =	vld [tilespmem:s20+$0xFFFFFCB0]  }
0xd9: {  	v55 =	vld [tilespmem:s20+$0xFFFFFCC0]  }
0xda: {  	v56 =	vld [tilespmem:s20+$0xFFFFFCD0]  }
0xdb: {  	v57 =	vld [tilespmem:s20+$0xFFFFFCE0]  }
0xdc: {  	v58 =	vld [tilespmem:s20+$0xFFFFFCF0];
	v7 =	vmax.f32 v7, v51  }
0xdd: {  	v59 =	vld [tilespmem:s23+$0x60];
	[tilespmem:s23+$0x0] =	vst v7;
	v7 =	vmax.f32 v46, v52  }
0xde: {  	v60 =	vld [tilespmem:s23+$0x70];
	[tilespmem:s23+$0x10] =	vst v7;
	v7 =	vmax.f32 v47, v53  }
0xdf: {  	[tilespmem:s23+$0x20] =	vst v7;
	v7 =	vmax.f32 v48, v54  }
0xe0: {  	[tilespmem:s23+$0x30] =	vst v7;
	v7 =	vmax.f32 v49, v55  }
0xe1: {  	[tilespmem:s23+$0x40] =	vst v7;
	v7 =	vmax.f32 v50, v56  }
0xe2: {  	[tilespmem:s23+$0x50] =	vst v7;
	v7 =	vmax.f32 v59, v57  }
0xe3: {  	s24 =	spop (v2sf);
	[tilespmem:s23+$0x60] =	vst v7;
	v7 =	vmax.f32 v60, v58  }
0xe4: {  	s25 =	spop (v2sf);
	[tilespmem:s23+$0x70] =	vst v7  }
0xe5: {  	v7 =	vld [tilespmem:s25+$0x0]  }
0xe6: {  	v61 =	vld [tilespmem:s25+$0x10]  }
0xe7: {  	v62 =	vld [tilespmem:s25+$0x20]  }
0xe8: {  	v63 =	vld [tilespmem:s25+$0x30]  }
0xe9: {  	v24 =	vld [tilespmem:s25+$0x40]  }
0xea: {  	v25 =	vld [tilespmem:s25+$0x50]  }
0xeb: {  	v26 =	vld [tilespmem:s20+$0xFFFFFD00]  }
0xec: {  	v27 =	vld [tilespmem:s20+$0xFFFFFD10]  }
0xed: {  	v28 =	vld [tilespmem:s20+$0xFFFFFD20]  }
0xee: {  	v29 =	vld [tilespmem:s20+$0xFFFFFD30]  }
0xef: {  	v30 =	vld [tilespmem:s20+$0xFFFFFD40]  }
0xf0: {  	v31 =	vld [tilespmem:s20+$0xFFFFFD50]  }
0xf1: {  	v32 =	vld [tilespmem:s20+$0xFFFFFD60]  }
0xf2: {  	v33 =	vld [tilespmem:s20+$0xFFFFFD70];
	v7 =	vmax.f32 v7, v26  }
0xf3: {  	v34 =	vld [tilespmem:s25+$0x60];
	[tilespmem:s25+$0x0] =	vst v7;
	v7 =	vmax.f32 v61, v27  }
0xf4: {  	v35 =	vld [tilespmem:s25+$0x70];
	[tilespmem:s25+$0x10] =	vst v7;
	v7 =	vmax.f32 v62, v28  }
0xf5: {  	[tilespmem:s25+$0x20] =	vst v7;
	v7 =	vmax.f32 v63, v29  }
0xf6: {  	[tilespmem:s25+$0x30] =	vst v7;
	v7 =	vmax.f32 v24, v30  }
0xf7: {  	[tilespmem:s25+$0x40] =	vst v7;
	v7 =	vmax.f32 v25, v31  }
0xf8: {  	[tilespmem:s25+$0x50] =	vst v7;
	v7 =	vmax.f32 v34, v32  }
0xf9: {  	[tilespmem:s25+$0x60] =	vst v7;
	v7 =	vmax.f32 v35, v33  }
0xfa: {  	[tilespmem:s25+$0x70] =	vst v7  }
0xfb: {  	v7 =	vld [tilespmem:s24+$0x0]  }
0xfc: {  	v36 =	vld [tilespmem:s24+$0x10]  }
0xfd: {  	v37 =	vld [tilespmem:s24+$0x20]  }
0xfe: {  	v38 =	vld [tilespmem:s24+$0x30]  }
0xff: {  	v39 =	vld [tilespmem:s24+$0x40]  }
0x100: {  	(v2sf) =	vpush v6, $0x5;
	v40 =	vld [tilespmem:s24+$0x50]  }
0x101: {  	(v2sf) =	vpush v6, $0x4;
	v41 =	vld [tilespmem:s20+$0xFFFFFD80]  }
0x102: {  	v42 =	vld [tilespmem:s20+$0xFFFFFD90]  }
0x103: {  	v43 =	vld [tilespmem:s20+$0xFFFFFDA0]  }
0x104: {  	v44 =	vld [tilespmem:s20+$0xFFFFFDB0]  }
0x105: {  	v45 =	vld [tilespmem:s20+$0xFFFFFDC0]  }
0x106: {  	v46 =	vld [tilespmem:s20+$0xFFFFFDD0]  }
0x107: {  	v47 =	vld [tilespmem:s20+$0xFFFFFDE0]  }
0x108: {  	v48 =	vld [tilespmem:s20+$0xFFFFFDF0];
	v7 =	vmax.f32 v7, v41  }
0x109: {  	v49 =	vld [tilespmem:s24+$0x60];
	[tilespmem:s24+$0x0] =	vst v7;
	v7 =	vmax.f32 v36, v42  }
0x10a: {  	v50 =	vld [tilespmem:s24+$0x70];
	[tilespmem:s24+$0x10] =	vst v7;
	v7 =	vmax.f32 v37, v43  }
0x10b: {  	[tilespmem:s24+$0x20] =	vst v7;
	v7 =	vmax.f32 v38, v44  }
0x10c: {  	[tilespmem:s24+$0x30] =	vst v7;
	v7 =	vmax.f32 v39, v45  }
0x10d: {  	[tilespmem:s24+$0x40] =	vst v7;
	v7 =	vmax.f32 v40, v46  }
0x10e: {  	[tilespmem:s24+$0x50] =	vst v7;
	v7 =	vmax.f32 v49, v47  }
0x10f: {  	s26 =	spop (v2sf);
	[tilespmem:s24+$0x60] =	vst v7;
	v7 =	vmax.f32 v50, v48  }
0x110: {  	s28 =	spop (v2sf);
	[tilespmem:s24+$0x70] =	vst v7  }
0x111: {  	v7 =	vld [tilespmem:s28+$0x0]  }
0x112: {  	v51 =	vld [tilespmem:s28+$0x10]  }
0x113: {  	v52 =	vld [tilespmem:s28+$0x20]  }
0x114: {  	v53 =	vld [tilespmem:s28+$0x30]  }
0x115: {  	v54 =	vld [tilespmem:s28+$0x40]  }
0x116: {  	v55 =	vld [tilespmem:s28+$0x50]  }
0x117: {  	v56 =	vld [tilespmem:s20+$0xFFFFFE00]  }
0x118: {  	v57 =	vld [tilespmem:s20+$0xFFFFFE10]  }
0x119: {  	v58 =	vld [tilespmem:s20+$0xFFFFFE20]  }
0x11a: {  	v59 =	vld [tilespmem:s20+$0xFFFFFE30]  }
0x11b: {  	v60 =	vld [tilespmem:s20+$0xFFFFFE40]  }
0x11c: {  	v61 =	vld [tilespmem:s20+$0xFFFFFE50]  }
0x11d: {  	v62 =	vld [tilespmem:s20+$0xFFFFFE60]  }
0x11e: {  	v63 =	vld [tilespmem:s20+$0xFFFFFE70];
	v7 =	vmax.f32 v7, v56  }
0x11f: {  	v24 =	vld [tilespmem:s28+$0x60];
	[tilespmem:s28+$0x0] =	vst v7;
	v7 =	vmax.f32 v51, v57  }
0x120: {  	v25 =	vld [tilespmem:s28+$0x70];
	[tilespmem:s28+$0x10] =	vst v7;
	v7 =	vmax.f32 v52, v58  }
0x121: {  	[tilespmem:s28+$0x20] =	vst v7;
	v7 =	vmax.f32 v53, v59  }
0x122: {  	[tilespmem:s28+$0x30] =	vst v7;
	v7 =	vmax.f32 v54, v60  }
0x123: {  	[tilespmem:s28+$0x40] =	vst v7;
	v7 =	vmax.f32 v55, v61  }
0x124: {  	[tilespmem:s28+$0x50] =	vst v7;
	v7 =	vmax.f32 v24, v62  }
0x125: {  	[tilespmem:s28+$0x60] =	vst v7;
	v7 =	vmax.f32 v25, v63  }
0x126: {  	[tilespmem:s28+$0x70] =	vst v7  }
0x127: {  	v7 =	vld [tilespmem:s26+$0x0]  }
0x128: {  	v26 =	vld [tilespmem:s26+$0x10]  }
0x129: {  	v27 =	vld [tilespmem:s26+$0x20]  }
0x12a: {  	v28 =	vld [tilespmem:s26+$0x30]  }
0x12b: {  	v29 =	vld [tilespmem:s26+$0x40]  }
0x12c: {  	(v2sf) =	vpush v6, $0x7;
	v30 =	vld [tilespmem:s26+$0x50]  }
0x12d: {  	(v2sf) =	vpush v6, $0x6;
	v31 =	vld [tilespmem:s20+$0xFFFFFE80]  }
0x12e: {  	v32 =	vld [tilespmem:s20+$0xFFFFFE90]  }
0x12f: {  	v33 =	vld [tilespmem:s20+$0xFFFFFEA0]  }
0x130: {  	v34 =	vld [tilespmem:s20+$0xFFFFFEB0]  }
0x131: {  	v35 =	vld [tilespmem:s20+$0xFFFFFEC0]  }
0x132: {  	v36 =	vld [tilespmem:s20+$0xFFFFFED0]  }
0x133: {  	v37 =	vld [tilespmem:s20+$0xFFFFFEE0]  }
0x134: {  	v38 =	vld [tilespmem:s20+$0xFFFFFEF0];
	v7 =	vmax.f32 v7, v31  }
0x135: {  	v39 =	vld [tilespmem:s26+$0x60];
	[tilespmem:s26+$0x0] =	vst v7;
	v7 =	vmax.f32 v26, v32  }
0x136: {  	v40 =	vld [tilespmem:s26+$0x70];
	[tilespmem:s26+$0x10] =	vst v7;
	v7 =	vmax.f32 v27, v33  }
0x137: {  	[tilespmem:s26+$0x20] =	vst v7;
	v7 =	vmax.f32 v28, v34  }
0x138: {  	[tilespmem:s26+$0x30] =	vst v7;
	v7 =	vmax.f32 v29, v35  }
0x139: {  	[tilespmem:s26+$0x40] =	vst v7;
	v7 =	vmax.f32 v30, v36  }
0x13a: {  	[tilespmem:s26+$0x50] =	vst v7;
	v7 =	vmax.f32 v39, v37  }
0x13b: {  	s29 =	spop (v2sf);
	[tilespmem:s26+$0x60] =	vst v7;
	v7 =	vmax.f32 v40, v38  }
0x13c: {  	s30 =	spop (v2sf);
	[tilespmem:s26+$0x70] =	vst v7  }
0x13d: {  	v7 =	vld [tilespmem:s30+$0x0]  }
0x13e: {  	v41 =	vld [tilespmem:s30+$0x10]  }
0x13f: {  	v42 =	vld [tilespmem:s30+$0x20]  }
0x140: {  	v43 =	vld [tilespmem:s30+$0x30]  }
0x141: {  	v44 =	vld [tilespmem:s30+$0x40]  }
0x142: {  	v45 =	vld [tilespmem:s30+$0x50]  }
0x143: {  	v46 =	vld [tilespmem:s20+$0xFFFFFF00]  }
0x144: {  	v47 =	vld [tilespmem:s20+$0xFFFFFF10]  }
0x145: {  	v48 =	vld [tilespmem:s20+$0xFFFFFF20]  }
0x146: {  	v49 =	vld [tilespmem:s20+$0xFFFFFF30]  }
0x147: {  	v50 =	vld [tilespmem:s20+$0xFFFFFF40]  }
0x148: {  	v51 =	vld [tilespmem:s20+$0xFFFFFF50]  }
0x149: {  	v52 =	vld [tilespmem:s20+$0xFFFFFF60]  }
0x14a: {  	v53 =	vld [tilespmem:s20+$0xFFFFFF70];
	v7 =	vmax.f32 v7, v46  }
0x14b: {  	v54 =	vld [tilespmem:s30+$0x60];
	[tilespmem:s30+$0x0] =	vst v7;
	v7 =	vmax.f32 v41, v47  }
0x14c: {  	v55 =	vld [tilespmem:s30+$0x70];
	[tilespmem:s30+$0x10] =	vst v7;
	v7 =	vmax.f32 v42, v48  }
0x14d: {  	[tilespmem:s30+$0x20] =	vst v7;
	v7 =	vmax.f32 v43, v49  }
0x14e: {  	[tilespmem:s30+$0x30] =	vst v7;
	v7 =	vmax.f32 v44, v50  }
0x14f: {  	[tilespmem:s30+$0x40] =	vst v7;
	v7 =	vmax.f32 v45, v51  }
0x150: {  	[tilespmem:s30+$0x50] =	vst v7;
	v7 =	vmax.f32 v54, v52  }
0x151: {  	[tilespmem:s30+$0x60] =	vst v7;
	v7 =	vmax.f32 v55, v53  }
0x152: {  	[tilespmem:s30+$0x70] =	vst v7  }
0x153: {  	v7 =	vld [tilespmem:s29+$0x0]  }
0x154: {  	v56 =	vld [tilespmem:s29+$0x10]  }
0x155: {  	v57 =	vld [tilespmem:s29+$0x20]  }
0x156: {  	v58 =	vld [tilespmem:s29+$0x30]  }
0x157: {  	v59 =	vld [tilespmem:s29+$0x40]  }
0x158: {  	(v2sf) =	vpush v6, $0x9;
	v60 =	vld [tilespmem:s29+$0x50]  }
0x159: {  	(v2sf) =	vpush v6, $0x8;
	v61 =	vld [tilespmem:s20+$0xFFFFFF80]  }
0x15a: {  	v62 =	vld [tilespmem:s20+$0xFFFFFF90]  }
0x15b: {  	v63 =	vld [tilespmem:s20+$0xFFFFFFA0]  }
0x15c: {  	v24 =	vld [tilespmem:s20+$0xFFFFFFB0]  }
0x15d: {  	v25 =	vld [tilespmem:s20+$0xFFFFFFC0]  }
0x15e: {  	v26 =	vld [tilespmem:s20+$0xFFFFFFD0]  }
0x15f: {  	v27 =	vld [tilespmem:s20+$0xFFFFFFE0]  }
0x160: {  	v28 =	vld [tilespmem:s20+$0xFFFFFFF0];
	v7 =	vmax.f32 v7, v61  }
0x161: {  	v29 =	vld [tilespmem:s29+$0x60];
	[tilespmem:s29+$0x0] =	vst v7;
	v7 =	vmax.f32 v56, v62  }
0x162: {  	v30 =	vld [tilespmem:s29+$0x70];
	[tilespmem:s29+$0x10] =	vst v7;
	v7 =	vmax.f32 v57, v63  }
0x163: {  	[tilespmem:s29+$0x20] =	vst v7;
	v7 =	vmax.f32 v58, v24  }
0x164: {  	[tilespmem:s29+$0x30] =	vst v7;
	v7 =	vmax.f32 v59, v25  }
0x165: {  	[tilespmem:s29+$0x40] =	vst v7;
	v7 =	vmax.f32 v60, v26  }
0x166: {  	[tilespmem:s29+$0x50] =	vst v7;
	v7 =	vmax.f32 v29, v27  }
0x167: {  	s31 =	spop (v2sf);
	[tilespmem:s29+$0x60] =	vst v7;
	v7 =	vmax.f32 v30, v28  }
0x168: {  	s24 =	spop (v2sf);
	[tilespmem:s29+$0x70] =	vst v7  }
0x169: {  	v7 =	vld [tilespmem:s24+$0x0]  }
0x16a: {  	v31 =	vld [tilespmem:s24+$0x10]  }
0x16b: {  	v32 =	vld [tilespmem:s24+$0x20]  }
0x16c: {  	v33 =	vld [tilespmem:s24+$0x30]  }
0x16d: {  	v34 =	vld [tilespmem:s24+$0x40]  }
0x16e: {  	v35 =	vld [tilespmem:s24+$0x50]  }
0x16f: {  	v36 =	vld [tilespmem:s20+$0x0]  }
0x170: {  	v37 =	vld [tilespmem:s20+$0x10]  }
0x171: {  	v38 =	vld [tilespmem:s20+$0x20]  }
0x172: {  	v39 =	vld [tilespmem:s20+$0x30]  }
0x173: {  	v40 =	vld [tilespmem:s20+$0x40]  }
0x174: {  	v41 =	vld [tilespmem:s20+$0x50]  }
0x175: {  	v42 =	vld [tilespmem:s20+$0x60]  }
0x176: {  	v43 =	vld [tilespmem:s20+$0x70];
	v7 =	vmax.f32 v7, v36  }
0x177: {  	v44 =	vld [tilespmem:s24+$0x60];
	[tilespmem:s24+$0x0] =	vst v7;
	v7 =	vmax.f32 v31, v37  }
0x178: {  	v45 =	vld [tilespmem:s24+$0x70];
	[tilespmem:s24+$0x10] =	vst v7;
	v7 =	vmax.f32 v32, v38  }
0x179: {  	[tilespmem:s24+$0x20] =	vst v7;
	v7 =	vmax.f32 v33, v39  }
0x17a: {  	[tilespmem:s24+$0x30] =	vst v7;
	v7 =	vmax.f32 v34, v40  }
0x17b: {  	[tilespmem:s24+$0x40] =	vst v7;
	v7 =	vmax.f32 v35, v41  }
0x17c: {  	[tilespmem:s24+$0x50] =	vst v7;
	v7 =	vmax.f32 v44, v42  }
0x17d: {  	[tilespmem:s24+$0x60] =	vst v7;
	v7 =	vmax.f32 v45, v43  }
0x17e: {  	[tilespmem:s24+$0x70] =	vst v7  }
0x17f: {  	v7 =	vld [tilespmem:s31+$0x0]  }
0x180: {  	v46 =	vld [tilespmem:s31+$0x10]  }
0x181: {  	v47 =	vld [tilespmem:s31+$0x20]  }
0x182: {  	v48 =	vld [tilespmem:s31+$0x30]  }
0x183: {  	v49 =	vld [tilespmem:s31+$0x40]  }
0x184: {  	(v2sf) =	vpush v6, $0xB;
	v50 =	vld [tilespmem:s31+$0x50]  }
0x185: {  	(v2sf) =	vpush v6, $0xA;
	v51 =	vld [tilespmem:s20+$0x80]  }
0x186: {  	v52 =	vld [tilespmem:s20+$0x90]  }
0x187: {  	v53 =	vld [tilespmem:s20+$0xA0]  }
0x188: {  	v54 =	vld [tilespmem:s20+$0xB0]  }
0x189: {  	v55 =	vld [tilespmem:s20+$0xC0]  }
0x18a: {  	v56 =	vld [tilespmem:s20+$0xD0]  }
0x18b: {  	v57 =	vld [tilespmem:s20+$0xE0]  }
0x18c: {  	v58 =	vld [tilespmem:s20+$0xF0];
	v7 =	vmax.f32 v7, v51  }
0x18d: {  	v59 =	vld [tilespmem:s31+$0x60];
	[tilespmem:s31+$0x0] =	vst v7;
	v7 =	vmax.f32 v46, v52  }
0x18e: {  	v60 =	vld [tilespmem:s31+$0x70];
	[tilespmem:s31+$0x10] =	vst v7;
	v7 =	vmax.f32 v47, v53  }
0x18f: {  	[tilespmem:s31+$0x20] =	vst v7;
	v7 =	vmax.f32 v48, v54  }
0x190: {  	[tilespmem:s31+$0x30] =	vst v7;
	v7 =	vmax.f32 v49, v55  }
0x191: {  	[tilespmem:s31+$0x40] =	vst v7;
	v7 =	vmax.f32 v50, v56  }
0x192: {  	[tilespmem:s31+$0x50] =	vst v7;
	v7 =	vmax.f32 v59, v57  }
0x193: {  	s25 =	spop (v2sf);
	[tilespmem:s31+$0x60] =	vst v7;
	v7 =	vmax.f32 v60, v58  }
0x194: {  	s26 =	spop (v2sf);
	[tilespmem:s31+$0x70] =	vst v7  }
0x195: {  	v7 =	vld [tilespmem:s26+$0x0]  }
0x196: {  	v61 =	vld [tilespmem:s26+$0x10]  }
0x197: {  	v62 =	vld [tilespmem:s26+$0x20]  }
0x198: {  	v63 =	vld [tilespmem:s26+$0x30]  }
0x199: {  	v24 =	vld [tilespmem:s26+$0x40]  }
0x19a: {  	v25 =	vld [tilespmem:s26+$0x50]  }
0x19b: {  	v26 =	vld [tilespmem:s20+$0x100]  }
0x19c: {  	v27 =	vld [tilespmem:s20+$0x110]  }
0x19d: {  	v28 =	vld [tilespmem:s20+$0x120]  }
0x19e: {  	v29 =	vld [tilespmem:s20+$0x130]  }
0x19f: {  	v30 =	vld [tilespmem:s20+$0x140]  }
0x1a0: {  	v31 =	vld [tilespmem:s20+$0x150]  }
0x1a1: {  	v32 =	vld [tilespmem:s20+$0x160]  }
0x1a2: {  	v33 =	vld [tilespmem:s20+$0x170];
	v7 =	vmax.f32 v7, v26  }
0x1a3: {  	v34 =	vld [tilespmem:s26+$0x60];
	[tilespmem:s26+$0x0] =	vst v7;
	v7 =	vmax.f32 v61, v27  }
0x1a4: {  	v35 =	vld [tilespmem:s26+$0x70];
	[tilespmem:s26+$0x10] =	vst v7;
	v7 =	vmax.f32 v62, v28  }
0x1a5: {  	[tilespmem:s26+$0x20] =	vst v7;
	v7 =	vmax.f32 v63, v29  }
0x1a6: {  	[tilespmem:s26+$0x30] =	vst v7;
	v7 =	vmax.f32 v24, v30  }
0x1a7: {  	[tilespmem:s26+$0x40] =	vst v7;
	v7 =	vmax.f32 v25, v31  }
0x1a8: {  	[tilespmem:s26+$0x50] =	vst v7;
	v7 =	vmax.f32 v34, v32  }
0x1a9: {  	[tilespmem:s26+$0x60] =	vst v7;
	v7 =	vmax.f32 v35, v33  }
0x1aa: {  	[tilespmem:s26+$0x70] =	vst v7  }
0x1ab: {  	v7 =	vld [tilespmem:s25+$0x0]  }
0x1ac: {  	v36 =	vld [tilespmem:s25+$0x10]  }
0x1ad: {  	v37 =	vld [tilespmem:s25+$0x20]  }
0x1ae: {  	v38 =	vld [tilespmem:s25+$0x30]  }
0x1af: {  	v39 =	vld [tilespmem:s25+$0x40]  }
0x1b0: {  	(v2sf) =	vpush v6, $0xD;
	v40 =	vld [tilespmem:s25+$0x50]  }
0x1b1: {  	(v2sf) =	vpush v6, $0xC;
	v41 =	vld [tilespmem:s20+$0x180]  }
0x1b2: {  	v42 =	vld [tilespmem:s20+$0x190]  }
0x1b3: {  	v43 =	vld [tilespmem:s20+$0x1A0]  }
0x1b4: {  	v44 =	vld [tilespmem:s20+$0x1B0]  }
0x1b5: {  	v45 =	vld [tilespmem:s20+$0x1C0]  }
0x1b6: {  	v46 =	vld [tilespmem:s20+$0x1D0]  }
0x1b7: {  	v47 =	vld [tilespmem:s20+$0x1E0]  }
0x1b8: {  	v48 =	vld [tilespmem:s20+$0x1F0];
	v7 =	vmax.f32 v7, v41  }
0x1b9: {  	v49 =	vld [tilespmem:s25+$0x60];
	[tilespmem:s25+$0x0] =	vst v7;
	v7 =	vmax.f32 v36, v42  }
0x1ba: {  	v50 =	vld [tilespmem:s25+$0x70];
	[tilespmem:s25+$0x10] =	vst v7;
	v7 =	vmax.f32 v37, v43  }
0x1bb: {  	[tilespmem:s25+$0x20] =	vst v7;
	v7 =	vmax.f32 v38, v44  }
0x1bc: {  	[tilespmem:s25+$0x30] =	vst v7;
	v7 =	vmax.f32 v39, v45  }
0x1bd: {  	[tilespmem:s25+$0x40] =	vst v7;
	v7 =	vmax.f32 v40, v46  }
0x1be: {  	[tilespmem:s25+$0x50] =	vst v7;
	v7 =	vmax.f32 v49, v47  }
0x1bf: {  	s28 =	spop (v2sf);
	[tilespmem:s25+$0x60] =	vst v7;
	v7 =	vmax.f32 v50, v48  }
0x1c0: {  	s29 =	spop (v2sf);
	[tilespmem:s25+$0x70] =	vst v7  }
0x1c1: {  	v7 =	vld [tilespmem:s29+$0x0]  }
0x1c2: {  	v51 =	vld [tilespmem:s29+$0x10]  }
0x1c3: {  	v52 =	vld [tilespmem:s29+$0x20]  }
0x1c4: {  	v53 =	vld [tilespmem:s29+$0x30]  }
0x1c5: {  	v54 =	vld [tilespmem:s29+$0x40]  }
0x1c6: {  	v55 =	vld [tilespmem:s29+$0x50]  }
0x1c7: {  	v56 =	vld [tilespmem:s20+$0x200]  }
0x1c8: {  	v57 =	vld [tilespmem:s20+$0x210]  }
0x1c9: {  	v58 =	vld [tilespmem:s20+$0x220]  }
0x1ca: {  	v59 =	vld [tilespmem:s20+$0x230]  }
0x1cb: {  	v60 =	vld [tilespmem:s20+$0x240]  }
0x1cc: {  	v61 =	vld [tilespmem:s20+$0x250]  }
0x1cd: {  	v62 =	vld [tilespmem:s20+$0x260]  }
0x1ce: {  	v63 =	vld [tilespmem:s20+$0x270];
	v7 =	vmax.f32 v7, v56  }
0x1cf: {  	v23 =	vld [tilespmem:s29+$0x60];
	[tilespmem:s29+$0x0] =	vst v7;
	v7 =	vmax.f32 v51, v57  }
0x1d0: {  	v24 =	vld [tilespmem:s29+$0x70];
	[tilespmem:s29+$0x10] =	vst v7;
	v7 =	vmax.f32 v52, v58  }
0x1d1: {  	[tilespmem:s29+$0x20] =	vst v7;
	v7 =	vmax.f32 v53, v59  }
0x1d2: {  	[tilespmem:s29+$0x30] =	vst v7;
	v7 =	vmax.f32 v54, v60  }
0x1d3: {  	[tilespmem:s29+$0x40] =	vst v7;
	v7 =	vmax.f32 v55, v61  }
0x1d4: {  	[tilespmem:s29+$0x50] =	vst v7;
	v7 =	vmax.f32 v23, v62  }
0x1d5: {  	[tilespmem:s29+$0x60] =	vst v7;
	v7 =	vmax.f32 v24, v63  }
0x1d6: {  	[tilespmem:s29+$0x70] =	vst v7  }
0x1d7: {  	v7 =	vld [tilespmem:s28+$0x0]  }
0x1d8: {  	v25 =	vld [tilespmem:s28+$0x10]  }
0x1d9: {  	v26 =	vld [tilespmem:s28+$0x20]  }
0x1da: {  	v27 =	vld [tilespmem:s28+$0x30]  }
0x1db: {  	v28 =	vld [tilespmem:s28+$0x40]  }
0x1dc: {  	(v2sf) =	vpush v6, $0xF;
	v29 =	vld [tilespmem:s28+$0x50]  }
0x1dd: {  	(v2sf) =	vpush v6, $0xE;
	v30 =	vld [tilespmem:s20+$0x280]  }
0x1de: {  	v6 =	vld [tilespmem:s20+$0x290]  }
0x1df: {  	v31 =	vld [tilespmem:s20+$0x2A0]  }
0x1e0: {  	v32 =	vld [tilespmem:s20+$0x2B0]  }
0x1e1: {  	v33 =	vld [tilespmem:s20+$0x2C0]  }
0x1e2: {  	v34 =	vld [tilespmem:s20+$0x2D0]  }
0x1e3: {  	v35 =	vld [tilespmem:s20+$0x2E0]  }
0x1e4: {  	v36 =	vld [tilespmem:s20+$0x2F0];
	v7 =	vmax.f32 v7, v30  }
0x1e5: {  	v37 =	vld [tilespmem:s28+$0x60];
	v6 =	vmax.f32 v25, v6;
	[tilespmem:s28+$0x0] =	vst v7  }
0x1e6: {  	v7 =	vld [tilespmem:s28+$0x70];
	[tilespmem:s28+$0x10] =	vst v6;
	v6 =	vmax.f32 v26, v31  }
0x1e7: {  	[tilespmem:s28+$0x20] =	vst v6;
	v6 =	vmax.f32 v27, v32  }
0x1e8: {  	[tilespmem:s28+$0x30] =	vst v6;
	v6 =	vmax.f32 v28, v33  }
0x1e9: {  	[tilespmem:s28+$0x40] =	vst v6;
	v6 =	vmax.f32 v29, v34  }
0x1ea: {  	[tilespmem:s28+$0x50] =	vst v6;
	v6 =	vmax.f32 v37, v35  }
0x1eb: {  	s30 =	spop (v2sf);
	[tilespmem:s28+$0x60] =	vst v6;
	v6 =	vmax.f32 v7, v36  }
0x1ec: {  	s31 =	spop (v2sf);
	[tilespmem:s28+$0x70] =	vst v6  }
0x1ed: {  	v6 =	vld [tilespmem:s31+$0x0]  }
0x1ee: {  	v7 =	vld [tilespmem:s31+$0x10]  }
0x1ef: {  	v38 =	vld [tilespmem:s31+$0x20]  }
0x1f0: {  	v39 =	vld [tilespmem:s31+$0x30]  }
0x1f1: {  	v40 =	vld [tilespmem:s31+$0x40]  }
0x1f2: {  	v41 =	vld [tilespmem:s31+$0x50]  }
0x1f3: {  	v42 =	vld [tilespmem:s20+$0x300]  }
0x1f4: {  	v43 =	vld [tilespmem:s20+$0x310]  }
0x1f5: {  	v44 =	vld [tilespmem:s20+$0x320]  }
0x1f6: {  	v45 =	vld [tilespmem:s20+$0x330]  }
0x1f7: {  	v46 =	vld [tilespmem:s20+$0x340]  }
0x1f8: {  	v47 =	vld [tilespmem:s20+$0x350]  }
0x1f9: {  	v48 =	vld [tilespmem:s20+$0x360]  }
0x1fa: {  	v49 =	vld [tilespmem:s20+$0x370];
	v6 =	vmax.f32 v6, v42  }
0x1fb: {  	v50 =	vld [tilespmem:s31+$0x60];
	[tilespmem:s31+$0x0] =	vst v6;
	v6 =	vmax.f32 v7, v43  }
0x1fc: {  	v7 =	vld [tilespmem:s31+$0x70];
	[tilespmem:s31+$0x10] =	vst v6;
	v6 =	vmax.f32 v38, v44  }
0x1fd: {  	[tilespmem:s31+$0x20] =	vst v6;
	v6 =	vmax.f32 v39, v45  }
0x1fe: {  	[tilespmem:s31+$0x30] =	vst v6;
	v6 =	vmax.f32 v40, v46  }
0x1ff: {  	[tilespmem:s31+$0x40] =	vst v6;
	v6 =	vmax.f32 v41, v47  }
0x200: {  	[tilespmem:s31+$0x50] =	vst v6;
	v6 =	vmax.f32 v50, v48  }
0x201: {  	[tilespmem:s31+$0x60] =	vst v6;
	v6 =	vmax.f32 v7, v49  }
0x202: {  	[tilespmem:s31+$0x70] =	vst v6  }
0x203: {  	v6 =	vld [tilespmem:s30+$0x0]  }
0x204: {  	v7 =	vld [tilespmem:s30+$0x10]  }
0x205: {  	v51 =	vld [tilespmem:s30+$0x20]  }
0x206: {  	v52 =	vld [tilespmem:s30+$0x30]  }
0x207: {  	v53 =	vld [tilespmem:s30+$0x40]  }
0x208: {  	v54 =	vld [tilespmem:s30+$0x50]  }
0x209: {  	v55 =	vld [tilespmem:s20+$0x380]  }
0x20a: {  	v56 =	vld [tilespmem:s20+$0x390]  }
0x20b: {  	v57 =	vld [tilespmem:s20+$0x3A0]  }
0x20c: {  	v58 =	vld [tilespmem:s20+$0x3B0]  }
0x20d: {  	v59 =	vld [tilespmem:s20+$0x3C0]  }
0x20e: {  	v60 =	vld [tilespmem:s20+$0x3D0]  }
0x20f: {  	v61 =	vld [tilespmem:s20+$0x3E0]  }
0x210: {  	v62 =	vld [tilespmem:s20+$0x3F0];
	v6 =	vmax.f32 v6, v55  }
0x211: {  	v63 =	vld [tilespmem:s30+$0x60];
	[tilespmem:s30+$0x0] =	vst v6;
	v6 =	vmax.f32 v7, v56  }
0x212: {  	v7 =	vld [tilespmem:s30+$0x70];
	[tilespmem:s30+$0x10] =	vst v6;
	v6 =	vmax.f32 v51, v57  }
0x213: {  	p1 =	seq.s32 s21, $0x1C0;
	[tilespmem:s30+$0x20] =	vst v6;
	v6 =	vmax.f32 v52, v58  }
.Ltmp8:
0x214: {  	[tilespmem:s30+$0x30] =	vst v6;
	v6 =	vmax.f32 v53, v59;
	(pc) =	sbr.rel @!p1 .LBB2_17-.Ltmp8, $4  }
0x215: {  	[tilespmem:s30+$0x40] =	vst v6;
	v6 =	vmax.f32 v54, v60  }
0x216: {  	[tilespmem:s30+$0x50] =	vst v6;
	v6 =	vmax.f32 v63, v61  }
0x217: {  	[tilespmem:s30+$0x60] =	vst v6;
	v6 =	vmax.f32 v7, v62  }
0x218: {  	s21 =	sadd.s32 $0x40, s21;
	s20 =	sadd.s32 $0x800, s20;
	[tilespmem:s30+$0x70] =	vst v6  }
0x219: {  	p1 =	seq.s32 s19, s16  }
.Ltmp9:
0x21a: {  	_ = 	snop;
	(pc) =	sbr.rel @!p1 .LBB2_16-.Ltmp9, $4  }
.Ltmp10:
0x21b: {  	_ = 	snop;
	(pc) =	sbr.rel @p1 .LBB2_6-.Ltmp10, $4  }
0x21c: {  	_ = 	snop  }
0x21d: {  	_ = 	snop  }
0x21e: {  	s17 =	sadd.s32 $0x80, s17;
	s18 =	sadd.s32 $0x4000, s18  }
0x21f: {  	_ = 	snop  }
.LBB2_18:
0x220: {  	s14 =	simm.s32 $0x0  }
0x221: {  	v7 =	vld [tilespmem:s14+$0x0]  }
0x222: {  	v10 =	vld [tilespmem:s14+$0x10]  }
0x223: {  	v9 =	vld [tilespmem:s14+$0x20]  }
0x224: {  	v8 =	vld [tilespmem:s14+$0x30]  }
0x225: {  	v5 =	vld [tilespmem:s14+$0x40]  }
0x226: {  	v6 =	vld [tilespmem:s14+$0x50];
	vm0 =	veq.f32 v7, $-Inf  }
0x227: {  	s15 =	simm.s32 $0x200;
	v11 =	vsel vm0, $0x0, v7;
	vm0 =	veq.f32 v10, $-Inf;
	v7 =	vld [tilespmem:s14+$0x60]  }
.LBB2_19:
0x228: {  	s16 =	sshra.s32 s15, $0x2;
	p0 =	sne.s32 s15, $0x27E00;
	[tilespmem:s14+$0x0] =	vst v11;
	v10 =	vsel vm0, $0x0, v10;
	vm0 =	veq.f32 v9, $-Inf;
	v11 =	vld [tilespmem:s14+$0x70]  }
0x229: {  	v12 =	vld [tilespmem:s16+$0x0];
	[tilespmem:s14+$0x10] =	vst v10;
	v9 =	vsel vm0, $0x0, v9;
	vm0 =	veq.f32 v8, $-Inf  }
0x22a: {  	v10 =	vld [tilespmem:s16+$0x10];
	[tilespmem:s14+$0x20] =	vst v9;
	v8 =	vsel vm0, $0x0, v8;
	vm0 =	veq.f32 v5, $-Inf  }
.Ltmp11:
0x22b: {  	v9 =	vld [tilespmem:s16+$0x20];
	[tilespmem:s14+$0x30] =	vst v8;
	v5 =	vsel vm0, $0x0, v5;
	vm0 =	veq.f32 v6, $-Inf;
	(pc) =	sbr.rel @p0 .LBB2_19-.Ltmp11, $4  }
0x22c: {  	v8 =	vld [tilespmem:s16+$0x30];
	[tilespmem:s14+$0x40] =	vst v5;
	v6 =	vsel vm0, $0x0, v6;
	vm0 =	veq.f32 v7, $-Inf  }
0x22d: {  	v5 =	vld [tilespmem:s16+$0x40];
	[tilespmem:s14+$0x50] =	vst v6;
	v7 =	vsel vm0, $0x0, v7;
	vm0 =	veq.f32 v11, $-Inf  }
0x22e: {  	vm1 =	veq.f32 v12, $-Inf;
	v6 =	vld [tilespmem:s16+$0x50];
	[tilespmem:s14+$0x60] =	vst v7;
	v13 =	vsel vm0, $0x0, v11  }
0x22f: {  	s15 =	sadd.s32 $0x200, s15;
	v11 =	vsel vm1, $0x0, v12;
	vm0 =	veq.f32 v10, $-Inf;
	v7 =	vld [tilespmem:s16+$0x60];
	[tilespmem:s14+$0x70] =	vst v13;
	s14 =	smov.u32 s16  }
0x230: {  	[tilespmem:s14+$0x0] =	vst v11;
	v10 =	vsel vm0, $0x0, v10;
	vm10 =	veq.f32 v9, $-Inf;
	v63 =	vld [tilespmem:s14+$0x70]  }
0x231: {  	[tilespmem:s14+$0x10] =	vst v10;
	v9 =	vsel vm10, $0x0, v9;
	vm11 =	veq.f32 v8, $-Inf  }
0x232: {  	[tilespmem:s14+$0x20] =	vst v9;
	v8 =	vsel vm11, $0x0, v8;
	vm12 =	veq.f32 v5, $-Inf  }
0x233: {  	[tilespmem:s14+$0x30] =	vst v8;
	v5 =	vsel vm12, $0x0, v5;
	vm13 =	veq.f32 v6, $-Inf  }
0x234: {  	[tilespmem:s14+$0x40] =	vst v5;
	v5 =	vsel vm13, $0x0, v6;
	vm14 =	veq.f32 v7, $-Inf  }
0x235: {  	s13 =	sadd.s32 $0x1, s13;
	[tilespmem:s14+$0x50] =	vst v5;
	v5 =	vsel vm14, $0x0, v7;
	vm15 =	veq.f32 v63, $-Inf  }
0x236: {  	p0 =	sne.s32 s13, s6;
	[tilespmem:s14+$0x60] =	vst v5;
	v5 =	vsel vm15, $0x0, v63  }
.Ltmp12:
0x237: {  	[tilespmem:s14+$0x70] =	vst v5;
	(pc) =	sbr.rel @p0 .LBB2_1-.Ltmp12, $4  }
0x238: {  	[hbm4b:s5+s4] =	stream.linear.scatter [tilespmem:s4], [sflag:$0x3], $0xA000, $0x38;
	[tilespmem:$0x1E100] =	vst v63  }
0x239: {  	_ =	swait.ge [sflag:s12], $0xA000  }
0x23a: {  	[sflag:s12] =	ssyncset.done $0x0  }
0x23b: {  	[sflag:s12] =	ssyncadd.s32 $0xFFFF6000  }
0x23c: {  	_ =	sfence.sel $0x180000  }
0x23d: {  	[bflag:$0x0] =	sbarrier.arrive $0xFFFF  }
0x23e: {  	p0 =	sne.s32 s1, $0x0;
	_ =	strace $0x90000047  }
0x23f: {  	s0 =	sadd.s32 @!p0 $0x100000, s0;
	[bflag:$0x2] =	sbarrier.arrive $0xFFFF  }
0x240: {  	[sflag:s0] =	ssyncadd.tile.s32 @!p0 $0x1;
	_ =	shalt  }
.Lfunc_end2:
_tile_overlayer_lowered:
.L_overlay_start_2:
0x241: {  	(tag) =	ssettag $0x2  }
0x242: {  	s0 =	rddreg [dreg:$0x0];
	s2 =	stileid.u32  }
0x243: {  	s1 =	rddreg [dreg:$0x1];
	p0 =	sne.s32 s2, $0x0  }
0x244: {  	s3 =	rddreg [dreg:$0x2];
	[bflag:$0x3] =	sbarrier.arrive $0xFFFF;
	s2 =	simm.s32 @!p0 $0x1C03  }
0x245: {  	[timem:s3], [sflag:s2] =	dma.local @!p0 [hbm:s0], s1  }
0x246: {  	s0 =	simm.s32 @!p0 $0x3  }
0x247: {  	_ =	swait.ge @!p0 [sflag:s0], s1  }
0x248: {  	s1 =	ssub.s32 @!p0 $0x0, s1;
	[sflag:s0] =	ssyncset.done @!p0 $0x0  }
0x249: {  	[sflag:s0] =	ssyncadd.s32 @!p0 s1  }
0x24a: {  	[bflag:$0x3] =	sbarrier.arrive $0xFFFF  }
0x24b: {  	_ =	shalt  }

</sc_bundles>
